<compile_context>
chip_gen: v7x
topology: tpu7x:2x2x1
jax: 0.10.2.dev20260603
libtpu: 0.0.44.dev20260713+nightly
codegen_flags: <defaults>
</compile_context>

<pallas_src>
import numpy as np
import jax
import jax.numpy as jnp
from jax import lax
from jax.experimental import pallas as pl
from jax.experimental.pallas import tpu as pltpu
from jax.experimental.pallas import tpu_sc as plsc

B, N, D, DFF = 4, 4096, 1024, 4096
K = N // 2
BN = B * N
BK = B * K
TOPBIT = np.int32(-2147483648)



def _select_body(s_ref, fidx_ref):
    S = s_ref[...]
    bits = lax.bitcast_convert_type(S, jnp.int32)
    v = jnp.where(bits < 0, bits ^ jnp.int32(0x7FFFFFFF), bits)

    r0 = lax.broadcasted_iota(jnp.int32, (128, 128), 0)
    r1 = lax.broadcasted_iota(jnp.int32, (128, 128), 1)
    GG = ((r0 // 32) == (r1 // 32)).astype(jnp.float32)
    U = (r0 <= r1).astype(jnp.float32)
    M = (((r0 // 32) == (r1 // 32)) & (r1 < r0)).astype(jnp.float32)

    def gsum(rowvals):
        return jax.lax.dot_general(
            GG, rowvals, (((1,), (0,)), ((), ())),
            preferred_element_type=jnp.float32)

    t_u = jnp.zeros((128, 1), jnp.int32)
    for b in range(31, -1, -1):
        mbit = np.int32(np.array([np.uint32(1) << np.uint32(b)],
                                 np.uint32).view(np.int32)[0])
        cand_u = t_u | mbit
        cand_s = cand_u ^ TOPBIT
        srow = jnp.sum((v >= cand_s).astype(jnp.float32), axis=1,
                       keepdims=True)
        cnt = gsum(srow)
        t_u = jnp.where(cnt >= float(K), cand_u, t_u)
    t_s = t_u ^ TOPBIT

    gt = (v > t_s).astype(jnp.float32)
    eq = (v == t_s).astype(jnp.float32)
    cnt_gt = gsum(jnp.sum(gt, axis=1, keepdims=True))
    need_eq = float(K) - cnt_gt

    def rowcum(mat):
        in_row = jax.lax.dot_general(
            mat, U, (((1,), (0,)), ((), ())),
            preferred_element_type=jnp.float32)
        prefix = jax.lax.dot_general(
            M, jnp.sum(mat, axis=1, keepdims=True),
            (((1,), (0,)), ((), ())),
            preferred_element_type=jnp.float32)
        return in_row + prefix

    rank_eq = rowcum(eq)
    sel_eq = eq * (rank_eq <= need_eq).astype(jnp.float32)
    mask = jnp.maximum(gt, sel_eq)
    c = rowcum(mask)

    jcol = lax.broadcasted_iota(jnp.int32, (128, 1), 0).astype(jnp.float32)
    for b in range(B):
        crow = c[b * 32:(b + 1) * 32, :].reshape(1, N)
        for jc in range(K // 128):
            cnt = jnp.sum(
                (crow <= (jcol + float(jc * 128))).astype(jnp.float32),
                axis=1, keepdims=True)
            fidx_ref[:, pl.ds(b * (K // 128) + jc, 1)] = (
                cnt.astype(jnp.int32) + np.int32(b * N))


def _select_indices(s128):
    return pl.pallas_call(
        _select_body,
        out_shape=jax.ShapeDtypeStruct((128, BK // 128), jnp.int32),
    )(s128)


_NC, _NS = 2, 16
_NW = _NC * _NS
_GROWS = BK // _NW
_GCH = 64


def _gather_body(x2, fidx, xsel, idx_v, rows_v, sem):
    wid = lax.axis_index("s") * _NC + lax.axis_index("c")
    base = wid * _GROWS
    for t in range(_GROWS // _GCH):
        off = pl.multiple_of(base + t * _GCH, 8)
        pltpu.sync_copy(fidx.at[pl.ds(off, _GCH)], idx_v)
        pltpu.async_copy(x2.at[idx_v], rows_v, sem).wait()
        pltpu.sync_copy(rows_v, xsel.at[pl.ds(off, _GCH)])


def _gather_rows(x2, fidx):
    mesh = plsc.VectorSubcoreMesh(core_axis_name="c", subcore_axis_name="s")
    return pl.kernel(
        _gather_body,
        out_type=jax.ShapeDtypeStruct((BK, D), jnp.float32),
        mesh=mesh,
        scratch_types=[
            pltpu.VMEM((_GCH,), jnp.int32),
            pltpu.VMEM((_GCH, D), jnp.float32),
            pltpu.SemaphoreType.DMA,
        ],
    )(x2, fidx)


_FROWS = 256


def _ffn_body(x_ref, w1_ref, b1_ref, w2_ref, b2_ref, x2_ref, o_ref,
              out0_ref):
    xb = x_ref[...]
    h = jnp.maximum(
        jax.lax.dot_general(xb, w1_ref[...], (((1,), (0,)), ((), ())),
                            preferred_element_type=jnp.float32)
        + b1_ref[...], 0.0)
    o_ref[...] = xb + jax.lax.dot_general(
        h, w2_ref[...], (((1,), (0,)), ((), ())),
        preferred_element_type=jnp.float32) + b2_ref[...]
    out0_ref[...] = x2_ref[...]


def _ffn(xsel, w1, b1r, w2, b2r, x2):
    return pl.pallas_call(
        _ffn_body,
        grid=(BK // _FROWS,),
        in_specs=[
            pl.BlockSpec((_FROWS, D), lambda i: (i, 0)),
            pl.BlockSpec((D, DFF), lambda i: (0, 0)),
            pl.BlockSpec((1, DFF), lambda i: (0, 0)),
            pl.BlockSpec((DFF, D), lambda i: (0, 0)),
            pl.BlockSpec((1, D), lambda i: (0, 0)),
            pl.BlockSpec((BN // (BK // _FROWS), D), lambda i: (i, 0)),
        ],
        out_specs=[
            pl.BlockSpec((_FROWS, D), lambda i: (i, 0)),
            pl.BlockSpec((BN // (BK // _FROWS), D), lambda i: (i, 0)),
        ],
        out_shape=[
            jax.ShapeDtypeStruct((BK, D), jnp.float32),
            jax.ShapeDtypeStruct((BN, D), jnp.float32),
        ],
        compiler_params=pltpu.CompilerParams(
            dimension_semantics=("arbitrary",)),
    )(xsel, w1, b1r, w2, b2r, x2)




def _scatter_body(fidx, xproc, out, idx_v, rows_v, sem):
    wid = lax.axis_index("s") * _NC + lax.axis_index("c")
    base = wid * _GROWS
    for t in range(_GROWS // _GCH):
        off = pl.multiple_of(base + t * _GCH, 8)
        pltpu.sync_copy(fidx.at[pl.ds(off, _GCH)], idx_v)
        pltpu.sync_copy(xproc.at[pl.ds(off, _GCH)], rows_v)
        pltpu.async_copy(rows_v, out.at[idx_v], sem).wait()


def _scatter_inplace(fidx, xproc, out_ref):
    mesh = plsc.VectorSubcoreMesh(core_axis_name="c", subcore_axis_name="s")
    pl.kernel(
        _scatter_body,
        out_type=(),
        mesh=mesh,
        scratch_types=[
            pltpu.VMEM((_GCH,), jnp.int32),
            pltpu.VMEM((_GCH, D), jnp.float32),
            pltpu.SemaphoreType.DMA,
        ],
    )(fidx, xproc, out_ref)


def kernel(x, gate_w, w1, b1, w2, b2):
    x2 = x.reshape(BN, D)
    scores = jnp.einsum('bnd,od->bno', x, gate_w)[..., 0]
    fidx_t = _select_indices(scores.reshape(128, 128))
    fidx = fidx_t.T.reshape(BK)
    xsel = _gather_rows(x2, fidx)
    xproc, out0 = _ffn(xsel, w1, b1.reshape(1, DFF), w2, b2.reshape(1, D),
                       x2)
    out_ref = jax.new_ref(out0)
    _scatter_inplace(fidx, xproc, out_ref)
    return out_ref[...].reshape(B, N, D)

# --- scband reference (transcript-rebuilt; emitter-appended) ---
"""Pipeline reference for scband-mo-drouter-48387101556956 (READ-ONLY COPY).

The authoritative reference and input builder live on the scoring server;
editing this copy changes nothing except your own understanding.
"""

import jax, jax.numpy as jnp
import numpy as np

B, N, D = 4, 4096, 1024
DFF = 4096
CAPACITY = 0.5


def setup_inputs(seed: int = 0) -> dict:
    key = jax.random.key(seed)
    k1, k2, k3, k4 = jax.random.split(key, 4)
    x = jax.random.normal(k1, (B, N, D), dtype=jnp.float32)
    # gate: nn.Linear(d_model, 1, bias=False); init zeros in torch, but use small
    # random values so the top-k selection is non-degenerate for testing.
    gate_w = jax.random.normal(k2, (1, D), dtype=jnp.float32) * 0.02
    # ffn: concrete 2-layer MLP (Linear -> ReLU -> Linear)
    w1 = jax.random.normal(k3, (D, DFF), dtype=jnp.float32) * (1.0 / np.sqrt(D))
    b1 = jnp.zeros((DFF,), dtype=jnp.float32)
    w2 = jax.random.normal(k4, (DFF, D), dtype=jnp.float32) * (1.0 / np.sqrt(DFF))
    b2 = jnp.zeros((D,), dtype=jnp.float32)
    return {"x": x, "gate_w": gate_w, "w1": w1, "b1": b1, "w2": w2, "b2": b2}


def reference(x, gate_w, w1, b1, w2, b2):
    Bb, n, d = x.shape
    k = max(1, int(n * CAPACITY))
    # scores = self.gate(x).squeeze(-1)
    scores = jnp.einsum('bnd,od->bno', x, gate_w)[..., 0]  # [B, n]
    # topk = scores.topk(k, dim=-1).indices
    _, topk_idx = jax.lax.top_k(scores, k)  # [B, k]
    # x_sel = x.gather(1, idx_exp)
    x_sel = jnp.take_along_axis(x, topk_idx[..., None], axis=1)  # [B, k, d]
    # x_proc = x_sel + ffn(x_sel)
    h = jax.nn.relu(x_sel @ w1 + b1)
    x_proc = x_sel + (h @ w2 + b2)
    # out = x.clone(); out.scatter_(1, idx_exp, x_proc)
    batch_idx = jnp.arange(Bb)[:, None]
    out = x.at[batch_idx, topk_idx].set(x_proc)
    return out

if __name__ == "__main__":
    import jax
    _d = setup_inputs()
    print(jax.jit(kernel)(*tuple(_d.values())))

</pallas_src>

<mosaic_0001>
#map = affine_map<(d0, d1) -> (0)>
#map1 = affine_map<(d0, d1) -> (0, 0)>
module attributes {stable_mosaic.version = 14 : i64} {
  func.func @new_body(%arg0: i32, %arg1: i32, %arg2: memref<8192xi32, #tpu.memory_space<hbm>>, %arg3: memref<8192x1024xf32, #tpu.memory_space<hbm>>, %arg4: memref<16384x1024xf32, #tpu.memory_space<hbm>>, %arg5: memref<16384x1024xf32, #tpu.memory_space<hbm>>, %arg6: memref<64xi32, #tpu.memory_space<vmem>>, %arg7: memref<64x1024xf32, #tpu.memory_space<vmem>>, %arg8: memref<!tpu.dma_semaphore, #tpu.memory_space<semaphore_mem>>) attributes {dimension_semantics = [#tpu.dimension_semantics<core_parallel>, #tpu.dimension_semantics<subcore_parallel>], iteration_bounds = array<i64: 2, 16>, scalar_prefetch = 0 : i64, scratch_operands = 3 : i64, tpu.core_type = #tpu.core_type<sc_vector_subcore>, window_params = [{transform_indices = #map}, {transform_indices = #map1}, {transform_indices = #map1}, {transform_indices = #map1}]} {
    %mul3A = arith.constant 2 : i32
    %mul3A_0 = arith.muli %arg1, %mul3A : i32
    %add3A = arith.addi %mul3A_0, %arg0 : i32
    %mul3A_1 = arith.constant 256 : i32
    %mul3A_2 = arith.muli %add3A, %mul3A_1 : i32
    %add3A_3 = arith.constant 0 : i32
    %add3A_4 = arith.addi %mul3A_2, %add3A_3 : i32
    %multiple_of3A = tpu.assume_multiple %add3A_4, 8 : i32
    "tpu.region"() ({
      %run_scoped3A = tpu.sem_alloc : memref<!tpu.dma_semaphore, #tpu.memory_space<semaphore_mem>>
      %dma_start3A_36 = tpu.memref_slice %arg2[%multiple_of3A] : memref<8192xi32, #tpu.memory_space<hbm>> -> memref<64xi32, #tpu.memory_space<hbm>>
      %dma_start3A_37 = tpu.memref_slice %arg2[%multiple_of3A] : memref<8192xi32, #tpu.memory_space<hbm>> -> memref<64xi32, #tpu.memory_space<hbm>>
      tpu.enqueue_dma source(%dma_start3A_37 : memref<64xi32, #tpu.memory_space<hbm>>) target(%arg6 : memref<64xi32, #tpu.memory_space<vmem>>) target_semaphore(%run_scoped3A : memref<!tpu.dma_semaphore, #tpu.memory_space<semaphore_mem>>)
      %dma_wait3A_38 = tpu.memref_slice %arg2[%multiple_of3A] : memref<8192xi32, #tpu.memory_space<hbm>> -> memref<64xi32, #tpu.memory_space<hbm>>
      %dma_wait3A_39 = tpu.memref_slice %arg2[%multiple_of3A] : memref<8192xi32, #tpu.memory_space<hbm>> -> memref<64xi32, #tpu.memory_space<hbm>>
      tpu.wait_dma2 semaphore(%run_scoped3A : memref<!tpu.dma_semaphore, #tpu.memory_space<semaphore_mem>>) src(%dma_wait3A_39 : memref<64xi32, #tpu.memory_space<hbm>>) dst(%arg6 : memref<64xi32, #tpu.memory_space<vmem>>)
      tpu.yield
    }) : () -> ()
    "tpu.region"() ({
      %run_scoped3A = tpu.sem_alloc : memref<!tpu.dma_semaphore, #tpu.memory_space<semaphore_mem>>
      %dma_start3A_36 = arith.constant 0 : i32
      %dma_start3A_37 = tpu.memref_slice %arg3[%multiple_of3A, %dma_start3A_36] : memref<8192x1024xf32, #tpu.memory_space<hbm>> -> memref<64x1024xf32, #tpu.memory_space<hbm>>
      %dma_start3A_38 = arith.constant 0 : i32
      %dma_start3A_39 = tpu.memref_slice %arg3[%multiple_of3A, %dma_start3A_38] : memref<8192x1024xf32, #tpu.memory_space<hbm>> -> memref<64x1024xf32, #tpu.memory_space<hbm>>
      tpu.enqueue_dma source(%dma_start3A_39 : memref<64x1024xf32, #tpu.memory_space<hbm>>) target(%arg7 : memref<64x1024xf32, #tpu.memory_space<vmem>>) target_semaphore(%run_scoped3A : memref<!tpu.dma_semaphore, #tpu.memory_space<semaphore_mem>>)
      %dma_wait3A_40 = arith.constant 0 : i32
      %dma_wait3A_41 = tpu.memref_slice %arg3[%multiple_of3A, %dma_wait3A_40] : memref<8192x1024xf32, #tpu.memory_space<hbm>> -> memref<64x1024xf32, #tpu.memory_space<hbm>>
      %dma_wait3A_42 = arith.constant 0 : i32
      %dma_wait3A_43 = tpu.memref_slice %arg3[%multiple_of3A, %dma_wait3A_42] : memref<8192x1024xf32, #tpu.memory_space<hbm>> -> memref<64x1024xf32, #tpu.memory_space<hbm>>
      tpu.wait_dma2 semaphore(%run_scoped3A : memref<!tpu.dma_semaphore, #tpu.memory_space<semaphore_mem>>) src(%dma_wait3A_43 : memref<64x1024xf32, #tpu.memory_space<hbm>>) dst(%arg7 : memref<64x1024xf32, #tpu.memory_space<vmem>>)
      tpu.yield
    }) : () -> ()
    %dma_start3A = arith.constant 0 : i32
    %dma_start3A_5 = arith.constant 0 : i32
    %dma_start3A_6 = tpu.memref_slice %arg4[%dma_start3A, %dma_start3A_5] : memref<16384x1024xf32, #tpu.memory_space<hbm>> -> memref<16384x1024xf32, #tpu.memory_space<hbm>>
    tpu.enqueue_indirect_dma source(%arg7 : memref<64x1024xf32, #tpu.memory_space<vmem>>) target(%dma_start3A_6 : memref<16384x1024xf32, #tpu.memory_space<hbm>>) offsets(%arg6 : memref<64xi32, #tpu.memory_space<vmem>>) semaphore(%arg8 : memref<!tpu.dma_semaphore, #tpu.memory_space<semaphore_mem>>)
    %dma_wait3A = arith.constant 0 : i32
    %dma_wait3A_7 = arith.constant 0 : i32
    %dma_wait3A_8 = tpu.memref_slice %arg4[%dma_wait3A, %dma_wait3A_7] : memref<16384x1024xf32, #tpu.memory_space<hbm>> -> memref<16384x1024xf32, #tpu.memory_space<hbm>>
    tpu.wait_indirect_dma semaphore(%arg8 : memref<!tpu.dma_semaphore, #tpu.memory_space<semaphore_mem>>) src(%arg7 : memref<64x1024xf32, #tpu.memory_space<vmem>>) dst(%dma_wait3A_8 : memref<16384x1024xf32, #tpu.memory_space<hbm>>)
    %add3A_9 = arith.constant 64 : i32
    %add3A_10 = arith.addi %mul3A_2, %add3A_9 : i32
    %multiple_of3A_11 = tpu.assume_multiple %add3A_10, 8 : i32
    "tpu.region"() ({
      %run_scoped3A = tpu.sem_alloc : memref<!tpu.dma_semaphore, #tpu.memory_space<semaphore_mem>>
      %dma_start3A_36 = tpu.memref_slice %arg2[%multiple_of3A_11] : memref<8192xi32, #tpu.memory_space<hbm>> -> memref<64xi32, #tpu.memory_space<hbm>>
      %dma_start3A_37 = tpu.memref_slice %arg2[%multiple_of3A_11] : memref<8192xi32, #tpu.memory_space<hbm>> -> memref<64xi32, #tpu.memory_space<hbm>>
      tpu.enqueue_dma source(%dma_start3A_37 : memref<64xi32, #tpu.memory_space<hbm>>) target(%arg6 : memref<64xi32, #tpu.memory_space<vmem>>) target_semaphore(%run_scoped3A : memref<!tpu.dma_semaphore, #tpu.memory_space<semaphore_mem>>)
      %dma_wait3A_38 = tpu.memref_slice %arg2[%multiple_of3A_11] : memref<8192xi32, #tpu.memory_space<hbm>> -> memref<64xi32, #tpu.memory_space<hbm>>
      %dma_wait3A_39 = tpu.memref_slice %arg2[%multiple_of3A_11] : memref<8192xi32, #tpu.memory_space<hbm>> -> memref<64xi32, #tpu.memory_space<hbm>>
      tpu.wait_dma2 semaphore(%run_scoped3A : memref<!tpu.dma_semaphore, #tpu.memory_space<semaphore_mem>>) src(%dma_wait3A_39 : memref<64xi32, #tpu.memory_space<hbm>>) dst(%arg6 : memref<64xi32, #tpu.memory_space<vmem>>)
      tpu.yield
    }) : () -> ()
    "tpu.region"() ({
      %run_scoped3A = tpu.sem_alloc : memref<!tpu.dma_semaphore, #tpu.memory_space<semaphore_mem>>
      %dma_start3A_36 = arith.constant 0 : i32
      %dma_start3A_37 = tpu.memref_slice %arg3[%multiple_of3A_11, %dma_start3A_36] : memref<8192x1024xf32, #tpu.memory_space<hbm>> -> memref<64x1024xf32, #tpu.memory_space<hbm>>
      %dma_start3A_38 = arith.constant 0 : i32
      %dma_start3A_39 = tpu.memref_slice %arg3[%multiple_of3A_11, %dma_start3A_38] : memref<8192x1024xf32, #tpu.memory_space<hbm>> -> memref<64x1024xf32, #tpu.memory_space<hbm>>
      tpu.enqueue_dma source(%dma_start3A_39 : memref<64x1024xf32, #tpu.memory_space<hbm>>) target(%arg7 : memref<64x1024xf32, #tpu.memory_space<vmem>>) target_semaphore(%run_scoped3A : memref<!tpu.dma_semaphore, #tpu.memory_space<semaphore_mem>>)
      %dma_wait3A_40 = arith.constant 0 : i32
      %dma_wait3A_41 = tpu.memref_slice %arg3[%multiple_of3A_11, %dma_wait3A_40] : memref<8192x1024xf32, #tpu.memory_space<hbm>> -> memref<64x1024xf32, #tpu.memory_space<hbm>>
      %dma_wait3A_42 = arith.constant 0 : i32
      %dma_wait3A_43 = tpu.memref_slice %arg3[%multiple_of3A_11, %dma_wait3A_42] : memref<8192x1024xf32, #tpu.memory_space<hbm>> -> memref<64x1024xf32, #tpu.memory_space<hbm>>
      tpu.wait_dma2 semaphore(%run_scoped3A : memref<!tpu.dma_semaphore, #tpu.memory_space<semaphore_mem>>) src(%dma_wait3A_43 : memref<64x1024xf32, #tpu.memory_space<hbm>>) dst(%arg7 : memref<64x1024xf32, #tpu.memory_space<vmem>>)
      tpu.yield
    }) : () -> ()
    %dma_start3A_12 = arith.constant 0 : i32
    %dma_start3A_13 = arith.constant 0 : i32
    %dma_start3A_14 = tpu.memref_slice %arg4[%dma_start3A_12, %dma_start3A_13] : memref<16384x1024xf32, #tpu.memory_space<hbm>> -> memref<16384x1024xf32, #tpu.memory_space<hbm>>
    tpu.enqueue_indirect_dma source(%arg7 : memref<64x1024xf32, #tpu.memory_space<vmem>>) target(%dma_start3A_14 : memref<16384x1024xf32, #tpu.memory_space<hbm>>) offsets(%arg6 : memref<64xi32, #tpu.memory_space<vmem>>) semaphore(%arg8 : memref<!tpu.dma_semaphore, #tpu.memory_space<semaphore_mem>>)
    %dma_wait3A_15 = arith.constant 0 : i32
    %dma_wait3A_16 = arith.constant 0 : i32
    %dma_wait3A_17 = tpu.memref_slice %arg4[%dma_wait3A_15, %dma_wait3A_16] : memref<16384x1024xf32, #tpu.memory_space<hbm>> -> memref<16384x1024xf32, #tpu.memory_space<hbm>>
    tpu.wait_indirect_dma semaphore(%arg8 : memref<!tpu.dma_semaphore, #tpu.memory_space<semaphore_mem>>) src(%arg7 : memref<64x1024xf32, #tpu.memory_space<vmem>>) dst(%dma_wait3A_17 : memref<16384x1024xf32, #tpu.memory_space<hbm>>)
    %add3A_18 = arith.constant 128 : i32
    %add3A_19 = arith.addi %mul3A_2, %add3A_18 : i32
    %multiple_of3A_20 = tpu.assume_multiple %add3A_19, 8 : i32
    "tpu.region"() ({
      %run_scoped3A = tpu.sem_alloc : memref<!tpu.dma_semaphore, #tpu.memory_space<semaphore_mem>>
      %dma_start3A_36 = tpu.memref_slice %arg2[%multiple_of3A_20] : memref<8192xi32, #tpu.memory_space<hbm>> -> memref<64xi32, #tpu.memory_space<hbm>>
      %dma_start3A_37 = tpu.memref_slice %arg2[%multiple_of3A_20] : memref<8192xi32, #tpu.memory_space<hbm>> -> memref<64xi32, #tpu.memory_space<hbm>>
      tpu.enqueue_dma source(%dma_start3A_37 : memref<64xi32, #tpu.memory_space<hbm>>) target(%arg6 : memref<64xi32, #tpu.memory_space<vmem>>) target_semaphore(%run_scoped3A : memref<!tpu.dma_semaphore, #tpu.memory_space<semaphore_mem>>)
      %dma_wait3A_38 = tpu.memref_slice %arg2[%multiple_of3A_20] : memref<8192xi32, #tpu.memory_space<hbm>> -> memref<64xi32, #tpu.memory_space<hbm>>
      %dma_wait3A_39 = tpu.memref_slice %arg2[%multiple_of3A_20] : memref<8192xi32, #tpu.memory_space<hbm>> -> memref<64xi32, #tpu.memory_space<hbm>>
      tpu.wait_dma2 semaphore(%run_scoped3A : memref<!tpu.dma_semaphore, #tpu.memory_space<semaphore_mem>>) src(%dma_wait3A_39 : memref<64xi32, #tpu.memory_space<hbm>>) dst(%arg6 : memref<64xi32, #tpu.memory_space<vmem>>)
      tpu.yield
    }) : () -> ()
    "tpu.region"() ({
      %run_scoped3A = tpu.sem_alloc : memref<!tpu.dma_semaphore, #tpu.memory_space<semaphore_mem>>
      %dma_start3A_36 = arith.constant 0 : i32
      %dma_start3A_37 = tpu.memref_slice %arg3[%multiple_of3A_20, %dma_start3A_36] : memref<8192x1024xf32, #tpu.memory_space<hbm>> -> memref<64x1024xf32, #tpu.memory_space<hbm>>
      %dma_start3A_38 = arith.constant 0 : i32
      %dma_start3A_39 = tpu.memref_slice %arg3[%multiple_of3A_20, %dma_start3A_38] : memref<8192x1024xf32, #tpu.memory_space<hbm>> -> memref<64x1024xf32, #tpu.memory_space<hbm>>
      tpu.enqueue_dma source(%dma_start3A_39 : memref<64x1024xf32, #tpu.memory_space<hbm>>) target(%arg7 : memref<64x1024xf32, #tpu.memory_space<vmem>>) target_semaphore(%run_scoped3A : memref<!tpu.dma_semaphore, #tpu.memory_space<semaphore_mem>>)
      %dma_wait3A_40 = arith.constant 0 : i32
      %dma_wait3A_41 = tpu.memref_slice %arg3[%multiple_of3A_20, %dma_wait3A_40] : memref<8192x1024xf32, #tpu.memory_space<hbm>> -> memref<64x1024xf32, #tpu.memory_space<hbm>>
      %dma_wait3A_42 = arith.constant 0 : i32
      %dma_wait3A_43 = tpu.memref_slice %arg3[%multiple_of3A_20, %dma_wait3A_42] : memref<8192x1024xf32, #tpu.memory_space<hbm>> -> memref<64x1024xf32, #tpu.memory_space<hbm>>
      tpu.wait_dma2 semaphore(%run_scoped3A : memref<!tpu.dma_semaphore, #tpu.memory_space<semaphore_mem>>) src(%dma_wait3A_43 : memref<64x1024xf32, #tpu.memory_space<hbm>>) dst(%arg7 : memref<64x1024xf32, #tpu.memory_space<vmem>>)
      tpu.yield
    }) : () -> ()
    %dma_start3A_21 = arith.constant 0 : i32
    %dma_start3A_22 = arith.constant 0 : i32
    %dma_start3A_23 = tpu.memref_slice %arg4[%dma_start3A_21, %dma_start3A_22] : memref<16384x1024xf32, #tpu.memory_space<hbm>> -> memref<16384x1024xf32, #tpu.memory_space<hbm>>
    tpu.enqueue_indirect_dma source(%arg7 : memref<64x1024xf32, #tpu.memory_space<vmem>>) target(%dma_start3A_23 : memref<16384x1024xf32, #tpu.memory_space<hbm>>) offsets(%arg6 : memref<64xi32, #tpu.memory_space<vmem>>) semaphore(%arg8 : memref<!tpu.dma_semaphore, #tpu.memory_space<semaphore_mem>>)
    %dma_wait3A_24 = arith.constant 0 : i32
    %dma_wait3A_25 = arith.constant 0 : i32
    %dma_wait3A_26 = tpu.memref_slice %arg4[%dma_wait3A_24, %dma_wait3A_25] : memref<16384x1024xf32, #tpu.memory_space<hbm>> -> memref<16384x1024xf32, #tpu.memory_space<hbm>>
    tpu.wait_indirect_dma semaphore(%arg8 : memref<!tpu.dma_semaphore, #tpu.memory_space<semaphore_mem>>) src(%arg7 : memref<64x1024xf32, #tpu.memory_space<vmem>>) dst(%dma_wait3A_26 : memref<16384x1024xf32, #tpu.memory_space<hbm>>)
    %add3A_27 = arith.constant 192 : i32
    %add3A_28 = arith.addi %mul3A_2, %add3A_27 : i32
    %multiple_of3A_29 = tpu.assume_multiple %add3A_28, 8 : i32
    "tpu.region"() ({
      %run_scoped3A = tpu.sem_alloc : memref<!tpu.dma_semaphore, #tpu.memory_space<semaphore_mem>>
      %dma_start3A_36 = tpu.memref_slice %arg2[%multiple_of3A_29] : memref<8192xi32, #tpu.memory_space<hbm>> -> memref<64xi32, #tpu.memory_space<hbm>>
      %dma_start3A_37 = tpu.memref_slice %arg2[%multiple_of3A_29] : memref<8192xi32, #tpu.memory_space<hbm>> -> memref<64xi32, #tpu.memory_space<hbm>>
      tpu.enqueue_dma source(%dma_start3A_37 : memref<64xi32, #tpu.memory_space<hbm>>) target(%arg6 : memref<64xi32, #tpu.memory_space<vmem>>) target_semaphore(%run_scoped3A : memref<!tpu.dma_semaphore, #tpu.memory_space<semaphore_mem>>)
      %dma_wait3A_38 = tpu.memref_slice %arg2[%multiple_of3A_29] : memref<8192xi32, #tpu.memory_space<hbm>> -> memref<64xi32, #tpu.memory_space<hbm>>
      %dma_wait3A_39 = tpu.memref_slice %arg2[%multiple_of3A_29] : memref<8192xi32, #tpu.memory_space<hbm>> -> memref<64xi32, #tpu.memory_space<hbm>>
      tpu.wait_dma2 semaphore(%run_scoped3A : memref<!tpu.dma_semaphore, #tpu.memory_space<semaphore_mem>>) src(%dma_wait3A_39 : memref<64xi32, #tpu.memory_space<hbm>>) dst(%arg6 : memref<64xi32, #tpu.memory_space<vmem>>)
      tpu.yield
    }) : () -> ()
    "tpu.region"() ({
      %run_scoped3A = tpu.sem_alloc : memref<!tpu.dma_semaphore, #tpu.memory_space<semaphore_mem>>
      %dma_start3A_36 = arith.constant 0 : i32
      %dma_start3A_37 = tpu.memref_slice %arg3[%multiple_of3A_29, %dma_start3A_36] : memref<8192x1024xf32, #tpu.memory_space<hbm>> -> memref<64x1024xf32, #tpu.memory_space<hbm>>
      %dma_start3A_38 = arith.constant 0 : i32
      %dma_start3A_39 = tpu.memref_slice %arg3[%multiple_of3A_29, %dma_start3A_38] : memref<8192x1024xf32, #tpu.memory_space<hbm>> -> memref<64x1024xf32, #tpu.memory_space<hbm>>
      tpu.enqueue_dma source(%dma_start3A_39 : memref<64x1024xf32, #tpu.memory_space<hbm>>) target(%arg7 : memref<64x1024xf32, #tpu.memory_space<vmem>>) target_semaphore(%run_scoped3A : memref<!tpu.dma_semaphore, #tpu.memory_space<semaphore_mem>>)
      %dma_wait3A_40 = arith.constant 0 : i32
      %dma_wait3A_41 = tpu.memref_slice %arg3[%multiple_of3A_29, %dma_wait3A_40] : memref<8192x1024xf32, #tpu.memory_space<hbm>> -> memref<64x1024xf32, #tpu.memory_space<hbm>>
      %dma_wait3A_42 = arith.constant 0 : i32
      %dma_wait3A_43 = tpu.memref_slice %arg3[%multiple_of3A_29, %dma_wait3A_42] : memref<8192x1024xf32, #tpu.memory_space<hbm>> -> memref<64x1024xf32, #tpu.memory_space<hbm>>
      tpu.wait_dma2 semaphore(%run_scoped3A : memref<!tpu.dma_semaphore, #tpu.memory_space<semaphore_mem>>) src(%dma_wait3A_43 : memref<64x1024xf32, #tpu.memory_space<hbm>>) dst(%arg7 : memref<64x1024xf32, #tpu.memory_space<vmem>>)
      tpu.yield
    }) : () -> ()
    %dma_start3A_30 = arith.constant 0 : i32
    %dma_start3A_31 = arith.constant 0 : i32
    %dma_start3A_32 = tpu.memref_slice %arg4[%dma_start3A_30, %dma_start3A_31] : memref<16384x1024xf32, #tpu.memory_space<hbm>> -> memref<16384x1024xf32, #tpu.memory_space<hbm>>
    tpu.enqueue_indirect_dma source(%arg7 : memref<64x1024xf32, #tpu.memory_space<vmem>>) target(%dma_start3A_32 : memref<16384x1024xf32, #tpu.memory_space<hbm>>) offsets(%arg6 : memref<64xi32, #tpu.memory_space<vmem>>) semaphore(%arg8 : memref<!tpu.dma_semaphore, #tpu.memory_space<semaphore_mem>>)
    %dma_wait3A_33 = arith.constant 0 : i32
    %dma_wait3A_34 = arith.constant 0 : i32
    %dma_wait3A_35 = tpu.memref_slice %arg4[%dma_wait3A_33, %dma_wait3A_34] : memref<16384x1024xf32, #tpu.memory_space<hbm>> -> memref<16384x1024xf32, #tpu.memory_space<hbm>>
    tpu.wait_indirect_dma semaphore(%arg8 : memref<!tpu.dma_semaphore, #tpu.memory_space<semaphore_mem>>) src(%arg7 : memref<64x1024xf32, #tpu.memory_space<vmem>>) dst(%dma_wait3A_35 : memref<16384x1024xf32, #tpu.memory_space<hbm>>)
    return
  }
}

#map = affine_map<(d0, d1) -> (0, 0)>
#map1 = affine_map<(d0, d1) -> (0)>
module attributes {stable_mosaic.version = 14 : i64} {
  func.func @_gather_body(%arg0: i32, %arg1: i32, %arg2: memref<16384x1024xf32, #tpu.memory_space<hbm>>, %arg3: memref<8192xi32, #tpu.memory_space<hbm>>, %arg4: memref<8192x1024xf32, #tpu.memory_space<hbm>>, %arg5: memref<64xi32, #tpu.memory_space<vmem>>, %arg6: memref<64x1024xf32, #tpu.memory_space<vmem>>, %arg7: memref<!tpu.dma_semaphore, #tpu.memory_space<semaphore_mem>>) attributes {dimension_semantics = [#tpu.dimension_semantics<core_parallel>, #tpu.dimension_semantics<subcore_parallel>], iteration_bounds = array<i64: 2, 16>, scalar_prefetch = 0 : i64, scratch_operands = 3 : i64, tpu.core_type = #tpu.core_type<sc_vector_subcore>, window_params = [{transform_indices = #map}, {transform_indices = #map1}, {transform_indices = #map}]} {
    %mul3A = arith.constant 2 : i32
    %mul3A_0 = arith.muli %arg1, %mul3A : i32
    %add3A = arith.addi %mul3A_0, %arg0 : i32
    %mul3A_1 = arith.constant 256 : i32
    %mul3A_2 = arith.muli %add3A, %mul3A_1 : i32
    %add3A_3 = arith.constant 0 : i32
    %add3A_4 = arith.addi %mul3A_2, %add3A_3 : i32
    %multiple_of3A = tpu.assume_multiple %add3A_4, 8 : i32
    "tpu.region"() ({
      %run_scoped3A = tpu.sem_alloc : memref<!tpu.dma_semaphore, #tpu.memory_space<semaphore_mem>>
      %dma_start3A_36 = tpu.memref_slice %arg3[%multiple_of3A] : memref<8192xi32, #tpu.memory_space<hbm>> -> memref<64xi32, #tpu.memory_space<hbm>>
      %dma_start3A_37 = tpu.memref_slice %arg3[%multiple_of3A] : memref<8192xi32, #tpu.memory_space<hbm>> -> memref<64xi32, #tpu.memory_space<hbm>>
      tpu.enqueue_dma source(%dma_start3A_37 : memref<64xi32, #tpu.memory_space<hbm>>) target(%arg5 : memref<64xi32, #tpu.memory_space<vmem>>) target_semaphore(%run_scoped3A : memref<!tpu.dma_semaphore, #tpu.memory_space<semaphore_mem>>)
      %dma_wait3A_38 = tpu.memref_slice %arg3[%multiple_of3A] : memref<8192xi32, #tpu.memory_space<hbm>> -> memref<64xi32, #tpu.memory_space<hbm>>
      %dma_wait3A_39 = tpu.memref_slice %arg3[%multiple_of3A] : memref<8192xi32, #tpu.memory_space<hbm>> -> memref<64xi32, #tpu.memory_space<hbm>>
      tpu.wait_dma2 semaphore(%run_scoped3A : memref<!tpu.dma_semaphore, #tpu.memory_space<semaphore_mem>>) src(%dma_wait3A_39 : memref<64xi32, #tpu.memory_space<hbm>>) dst(%arg5 : memref<64xi32, #tpu.memory_space<vmem>>)
      tpu.yield
    }) : () -> ()
    %dma_start3A = arith.constant 0 : i32
    %dma_start3A_5 = arith.constant 0 : i32
    %dma_start3A_6 = tpu.memref_slice %arg2[%dma_start3A, %dma_start3A_5] : memref<16384x1024xf32, #tpu.memory_space<hbm>> -> memref<16384x1024xf32, #tpu.memory_space<hbm>>
    tpu.enqueue_indirect_dma source(%dma_start3A_6 : memref<16384x1024xf32, #tpu.memory_space<hbm>>) target(%arg6 : memref<64x1024xf32, #tpu.memory_space<vmem>>) offsets(%arg5 : memref<64xi32, #tpu.memory_space<vmem>>) semaphore(%arg7 : memref<!tpu.dma_semaphore, #tpu.memory_space<semaphore_mem>>)
    %dma_wait3A = arith.constant 0 : i32
    %dma_wait3A_7 = arith.constant 0 : i32
    %dma_wait3A_8 = tpu.memref_slice %arg2[%dma_wait3A, %dma_wait3A_7] : memref<16384x1024xf32, #tpu.memory_space<hbm>> -> memref<16384x1024xf32, #tpu.memory_space<hbm>>
    tpu.wait_indirect_dma semaphore(%arg7 : memref<!tpu.dma_semaphore, #tpu.memory_space<semaphore_mem>>) src(%dma_wait3A_8 : memref<16384x1024xf32, #tpu.memory_space<hbm>>) dst(%arg6 : memref<64x1024xf32, #tpu.memory_space<vmem>>)
    "tpu.region"() ({
      %run_scoped3A = tpu.sem_alloc : memref<!tpu.dma_semaphore, #tpu.memory_space<semaphore_mem>>
      %dma_start3A_36 = arith.constant 0 : i32
      %dma_start3A_37 = tpu.memref_slice %arg4[%multiple_of3A, %dma_start3A_36] : memref<8192x1024xf32, #tpu.memory_space<hbm>> -> memref<64x1024xf32, #tpu.memory_space<hbm>>
      %dma_start3A_38 = arith.constant 0 : i32
      %dma_start3A_39 = tpu.memref_slice %arg4[%multiple_of3A, %dma_start3A_38] : memref<8192x1024xf32, #tpu.memory_space<hbm>> -> memref<64x1024xf32, #tpu.memory_space<hbm>>
      tpu.enqueue_dma source(%arg6 : memref<64x1024xf32, #tpu.memory_space<vmem>>) target(%dma_start3A_39 : memref<64x1024xf32, #tpu.memory_space<hbm>>) target_semaphore(%run_scoped3A : memref<!tpu.dma_semaphore, #tpu.memory_space<semaphore_mem>>)
      %dma_wait3A_40 = arith.constant 0 : i32
      %dma_wait3A_41 = tpu.memref_slice %arg4[%multiple_of3A, %dma_wait3A_40] : memref<8192x1024xf32, #tpu.memory_space<hbm>> -> memref<64x1024xf32, #tpu.memory_space<hbm>>
      %dma_wait3A_42 = arith.constant 0 : i32
      %dma_wait3A_43 = tpu.memref_slice %arg4[%multiple_of3A, %dma_wait3A_42] : memref<8192x1024xf32, #tpu.memory_space<hbm>> -> memref<64x1024xf32, #tpu.memory_space<hbm>>
      tpu.wait_dma2 semaphore(%run_scoped3A : memref<!tpu.dma_semaphore, #tpu.memory_space<semaphore_mem>>) src(%arg6 : memref<64x1024xf32, #tpu.memory_space<vmem>>) dst(%dma_wait3A_43 : memref<64x1024xf32, #tpu.memory_space<hbm>>)
      tpu.yield
    }) : () -> ()
    %add3A_9 = arith.constant 64 : i32
    %add3A_10 = arith.addi %mul3A_2, %add3A_9 : i32
    %multiple_of3A_11 = tpu.assume_multiple %add3A_10, 8 : i32
    "tpu.region"() ({
      %run_scoped3A = tpu.sem_alloc : memref<!tpu.dma_semaphore, #tpu.memory_space<semaphore_mem>>
      %dma_start3A_36 = tpu.memref_slice %arg3[%multiple_of3A_11] : memref<8192xi32, #tpu.memory_space<hbm>> -> memref<64xi32, #tpu.memory_space<hbm>>
      %dma_start3A_37 = tpu.memref_slice %arg3[%multiple_of3A_11] : memref<8192xi32, #tpu.memory_space<hbm>> -> memref<64xi32, #tpu.memory_space<hbm>>
      tpu.enqueue_dma source(%dma_start3A_37 : memref<64xi32, #tpu.memory_space<hbm>>) target(%arg5 : memref<64xi32, #tpu.memory_space<vmem>>) target_semaphore(%run_scoped3A : memref<!tpu.dma_semaphore, #tpu.memory_space<semaphore_mem>>)
      %dma_wait3A_38 = tpu.memref_slice %arg3[%multiple_of3A_11] : memref<8192xi32, #tpu.memory_space<hbm>> -> memref<64xi32, #tpu.memory_space<hbm>>
      %dma_wait3A_39 = tpu.memref_slice %arg3[%multiple_of3A_11] : memref<8192xi32, #tpu.memory_space<hbm>> -> memref<64xi32, #tpu.memory_space<hbm>>
      tpu.wait_dma2 semaphore(%run_scoped3A : memref<!tpu.dma_semaphore, #tpu.memory_space<semaphore_mem>>) src(%dma_wait3A_39 : memref<64xi32, #tpu.memory_space<hbm>>) dst(%arg5 : memref<64xi32, #tpu.memory_space<vmem>>)
      tpu.yield
    }) : () -> ()
    %dma_start3A_12 = arith.constant 0 : i32
    %dma_start3A_13 = arith.constant 0 : i32
    %dma_start3A_14 = tpu.memref_slice %arg2[%dma_start3A_12, %dma_start3A_13] : memref<16384x1024xf32, #tpu.memory_space<hbm>> -> memref<16384x1024xf32, #tpu.memory_space<hbm>>
    tpu.enqueue_indirect_dma source(%dma_start3A_14 : memref<16384x1024xf32, #tpu.memory_space<hbm>>) target(%arg6 : memref<64x1024xf32, #tpu.memory_space<vmem>>) offsets(%arg5 : memref<64xi32, #tpu.memory_space<vmem>>) semaphore(%arg7 : memref<!tpu.dma_semaphore, #tpu.memory_space<semaphore_mem>>)
    %dma_wait3A_15 = arith.constant 0 : i32
    %dma_wait3A_16 = arith.constant 0 : i32
    %dma_wait3A_17 = tpu.memref_slice %arg2[%dma_wait3A_15, %dma_wait3A_16] : memref<16384x1024xf32, #tpu.memory_space<hbm>> -> memref<16384x1024xf32, #tpu.memory_space<hbm>>
    tpu.wait_indirect_dma semaphore(%arg7 : memref<!tpu.dma_semaphore, #tpu.memory_space<semaphore_mem>>) src(%dma_wait3A_17 : memref<16384x1024xf32, #tpu.memory_space<hbm>>) dst(%arg6 : memref<64x1024xf32, #tpu.memory_space<vmem>>)
    "tpu.region"() ({
      %run_scoped3A = tpu.sem_alloc : memref<!tpu.dma_semaphore, #tpu.memory_space<semaphore_mem>>
      %dma_start3A_36 = arith.constant 0 : i32
      %dma_start3A_37 = tpu.memref_slice %arg4[%multiple_of3A_11, %dma_start3A_36] : memref<8192x1024xf32, #tpu.memory_space<hbm>> -> memref<64x1024xf32, #tpu.memory_space<hbm>>
      %dma_start3A_38 = arith.constant 0 : i32
      %dma_start3A_39 = tpu.memref_slice %arg4[%multiple_of3A_11, %dma_start3A_38] : memref<8192x1024xf32, #tpu.memory_space<hbm>> -> memref<64x1024xf32, #tpu.memory_space<hbm>>
      tpu.enqueue_dma source(%arg6 : memref<64x1024xf32, #tpu.memory_space<vmem>>) target(%dma_start3A_39 : memref<64x1024xf32, #tpu.memory_space<hbm>>) target_semaphore(%run_scoped3A : memref<!tpu.dma_semaphore, #tpu.memory_space<semaphore_mem>>)
      %dma_wait3A_40 = arith.constant 0 : i32
      %dma_wait3A_41 = tpu.memref_slice %arg4[%multiple_of3A_11, %dma_wait3A_40] : memref<8192x1024xf32, #tpu.memory_space<hbm>> -> memref<64x1024xf32, #tpu.memory_space<hbm>>
      %dma_wait3A_42 = arith.constant 0 : i32
      %dma_wait3A_43 = tpu.memref_slice %arg4[%multiple_of3A_11, %dma_wait3A_42] : memref<8192x1024xf32, #tpu.memory_space<hbm>> -> memref<64x1024xf32, #tpu.memory_space<hbm>>
      tpu.wait_dma2 semaphore(%run_scoped3A : memref<!tpu.dma_semaphore, #tpu.memory_space<semaphore_mem>>) src(%arg6 : memref<64x1024xf32, #tpu.memory_space<vmem>>) dst(%dma_wait3A_43 : memref<64x1024xf32, #tpu.memory_space<hbm>>)
      tpu.yield
    }) : () -> ()
    %add3A_18 = arith.constant 128 : i32
    %add3A_19 = arith.addi %mul3A_2, %add3A_18 : i32
    %multiple_of3A_20 = tpu.assume_multiple %add3A_19, 8 : i32
    "tpu.region"() ({
      %run_scoped3A = tpu.sem_alloc : memref<!tpu.dma_semaphore, #tpu.memory_space<semaphore_mem>>
      %dma_start3A_36 = tpu.memref_slice %arg3[%multiple_of3A_20] : memref<8192xi32, #tpu.memory_space<hbm>> -> memref<64xi32, #tpu.memory_space<hbm>>
      %dma_start3A_37 = tpu.memref_slice %arg3[%multiple_of3A_20] : memref<8192xi32, #tpu.memory_space<hbm>> -> memref<64xi32, #tpu.memory_space<hbm>>
      tpu.enqueue_dma source(%dma_start3A_37 : memref<64xi32, #tpu.memory_space<hbm>>) target(%arg5 : memref<64xi32, #tpu.memory_space<vmem>>) target_semaphore(%run_scoped3A : memref<!tpu.dma_semaphore, #tpu.memory_space<semaphore_mem>>)
      %dma_wait3A_38 = tpu.memref_slice %arg3[%multiple_of3A_20] : memref<8192xi32, #tpu.memory_space<hbm>> -> memref<64xi32, #tpu.memory_space<hbm>>
      %dma_wait3A_39 = tpu.memref_slice %arg3[%multiple_of3A_20] : memref<8192xi32, #tpu.memory_space<hbm>> -> memref<64xi32, #tpu.memory_space<hbm>>
      tpu.wait_dma2 semaphore(%run_scoped3A : memref<!tpu.dma_semaphore, #tpu.memory_space<semaphore_mem>>) src(%dma_wait3A_39 : memref<64xi32, #tpu.memory_space<hbm>>) dst(%arg5 : memref<64xi32, #tpu.memory_space<vmem>>)
      tpu.yield
    }) : () -> ()
    %dma_start3A_21 = arith.constant 0 : i32
    %dma_start3A_22 = arith.constant 0 : i32
    %dma_start3A_23 = tpu.memref_slice %arg2[%dma_start3A_21, %dma_start3A_22] : memref<16384x1024xf32, #tpu.memory_space<hbm>> -> memref<16384x1024xf32, #tpu.memory_space<hbm>>
    tpu.enqueue_indirect_dma source(%dma_start3A_23 : memref<16384x1024xf32, #tpu.memory_space<hbm>>) target(%arg6 : memref<64x1024xf32, #tpu.memory_space<vmem>>) offsets(%arg5 : memref<64xi32, #tpu.memory_space<vmem>>) semaphore(%arg7 : memref<!tpu.dma_semaphore, #tpu.memory_space<semaphore_mem>>)
    %dma_wait3A_24 = arith.constant 0 : i32
    %dma_wait3A_25 = arith.constant 0 : i32
    %dma_wait3A_26 = tpu.memref_slice %arg2[%dma_wait3A_24, %dma_wait3A_25] : memref<16384x1024xf32, #tpu.memory_space<hbm>> -> memref<16384x1024xf32, #tpu.memory_space<hbm>>
    tpu.wait_indirect_dma semaphore(%arg7 : memref<!tpu.dma_semaphore, #tpu.memory_space<semaphore_mem>>) src(%dma_wait3A_26 : memref<16384x1024xf32, #tpu.memory_space<hbm>>) dst(%arg6 : memref<64x1024xf32, #tpu.memory_space<vmem>>)
    "tpu.region"() ({
      %run_scoped3A = tpu.sem_alloc : memref<!tpu.dma_semaphore, #tpu.memory_space<semaphore_mem>>
      %dma_start3A_36 = arith.constant 0 : i32
      %dma_start3A_37 = tpu.memref_slice %arg4[%multiple_of3A_20, %dma_start3A_36] : memref<8192x1024xf32, #tpu.memory_space<hbm>> -> memref<64x1024xf32, #tpu.memory_space<hbm>>
      %dma_start3A_38 = arith.constant 0 : i32
      %dma_start3A_39 = tpu.memref_slice %arg4[%multiple_of3A_20, %dma_start3A_38] : memref<8192x1024xf32, #tpu.memory_space<hbm>> -> memref<64x1024xf32, #tpu.memory_space<hbm>>
      tpu.enqueue_dma source(%arg6 : memref<64x1024xf32, #tpu.memory_space<vmem>>) target(%dma_start3A_39 : memref<64x1024xf32, #tpu.memory_space<hbm>>) target_semaphore(%run_scoped3A : memref<!tpu.dma_semaphore, #tpu.memory_space<semaphore_mem>>)
      %dma_wait3A_40 = arith.constant 0 : i32
      %dma_wait3A_41 = tpu.memref_slice %arg4[%multiple_of3A_20, %dma_wait3A_40] : memref<8192x1024xf32, #tpu.memory_space<hbm>> -> memref<64x1024xf32, #tpu.memory_space<hbm>>
      %dma_wait3A_42 = arith.constant 0 : i32
      %dma_wait3A_43 = tpu.memref_slice %arg4[%multiple_of3A_20, %dma_wait3A_42] : memref<8192x1024xf32, #tpu.memory_space<hbm>> -> memref<64x1024xf32, #tpu.memory_space<hbm>>
      tpu.wait_dma2 semaphore(%run_scoped3A : memref<!tpu.dma_semaphore, #tpu.memory_space<semaphore_mem>>) src(%arg6 : memref<64x1024xf32, #tpu.memory_space<vmem>>) dst(%dma_wait3A_43 : memref<64x1024xf32, #tpu.memory_space<hbm>>)
      tpu.yield
    }) : () -> ()
    %add3A_27 = arith.constant 192 : i32
    %add3A_28 = arith.addi %mul3A_2, %add3A_27 : i32
    %multiple_of3A_29 = tpu.assume_multiple %add3A_28, 8 : i32
    "tpu.region"() ({
      %run_scoped3A = tpu.sem_alloc : memref<!tpu.dma_semaphore, #tpu.memory_space<semaphore_mem>>
      %dma_start3A_36 = tpu.memref_slice %arg3[%multiple_of3A_29] : memref<8192xi32, #tpu.memory_space<hbm>> -> memref<64xi32, #tpu.memory_space<hbm>>
      %dma_start3A_37 = tpu.memref_slice %arg3[%multiple_of3A_29] : memref<8192xi32, #tpu.memory_space<hbm>> -> memref<64xi32, #tpu.memory_space<hbm>>
      tpu.enqueue_dma source(%dma_start3A_37 : memref<64xi32, #tpu.memory_space<hbm>>) target(%arg5 : memref<64xi32, #tpu.memory_space<vmem>>) target_semaphore(%run_scoped3A : memref<!tpu.dma_semaphore, #tpu.memory_space<semaphore_mem>>)
      %dma_wait3A_38 = tpu.memref_slice %arg3[%multiple_of3A_29] : memref<8192xi32, #tpu.memory_space<hbm>> -> memref<64xi32, #tpu.memory_space<hbm>>
      %dma_wait3A_39 = tpu.memref_slice %arg3[%multiple_of3A_29] : memref<8192xi32, #tpu.memory_space<hbm>> -> memref<64xi32, #tpu.memory_space<hbm>>
      tpu.wait_dma2 semaphore(%run_scoped3A : memref<!tpu.dma_semaphore, #tpu.memory_space<semaphore_mem>>) src(%dma_wait3A_39 : memref<64xi32, #tpu.memory_space<hbm>>) dst(%arg5 : memref<64xi32, #tpu.memory_space<vmem>>)
      tpu.yield
    }) : () -> ()
    %dma_start3A_30 = arith.constant 0 : i32
    %dma_start3A_31 = arith.constant 0 : i32
    %dma_start3A_32 = tpu.memref_slice %arg2[%dma_start3A_30, %dma_start3A_31] : memref<16384x1024xf32, #tpu.memory_space<hbm>> -> memref<16384x1024xf32, #tpu.memory_space<hbm>>
    tpu.enqueue_indirect_dma source(%dma_start3A_32 : memref<16384x1024xf32, #tpu.memory_space<hbm>>) target(%arg6 : memref<64x1024xf32, #tpu.memory_space<vmem>>) offsets(%arg5 : memref<64xi32, #tpu.memory_space<vmem>>) semaphore(%arg7 : memref<!tpu.dma_semaphore, #tpu.memory_space<semaphore_mem>>)
    %dma_wait3A_33 = arith.constant 0 : i32
    %dma_wait3A_34 = arith.constant 0 : i32
    %dma_wait3A_35 = tpu.memref_slice %arg2[%dma_wait3A_33, %dma_wait3A_34] : memref<16384x1024xf32, #tpu.memory_space<hbm>> -> memref<16384x1024xf32, #tpu.memory_space<hbm>>
    tpu.wait_indirect_dma semaphore(%arg7 : memref<!tpu.dma_semaphore, #tpu.memory_space<semaphore_mem>>) src(%dma_wait3A_35 : memref<16384x1024xf32, #tpu.memory_space<hbm>>) dst(%arg6 : memref<64x1024xf32, #tpu.memory_space<vmem>>)
    "tpu.region"() ({
      %run_scoped3A = tpu.sem_alloc : memref<!tpu.dma_semaphore, #tpu.memory_space<semaphore_mem>>
      %dma_start3A_36 = arith.constant 0 : i32
      %dma_start3A_37 = tpu.memref_slice %arg4[%multiple_of3A_29, %dma_start3A_36] : memref<8192x1024xf32, #tpu.memory_space<hbm>> -> memref<64x1024xf32, #tpu.memory_space<hbm>>
      %dma_start3A_38 = arith.constant 0 : i32
      %dma_start3A_39 = tpu.memref_slice %arg4[%multiple_of3A_29, %dma_start3A_38] : memref<8192x1024xf32, #tpu.memory_space<hbm>> -> memref<64x1024xf32, #tpu.memory_space<hbm>>
      tpu.enqueue_dma source(%arg6 : memref<64x1024xf32, #tpu.memory_space<vmem>>) target(%dma_start3A_39 : memref<64x1024xf32, #tpu.memory_space<hbm>>) target_semaphore(%run_scoped3A : memref<!tpu.dma_semaphore, #tpu.memory_space<semaphore_mem>>)
      %dma_wait3A_40 = arith.constant 0 : i32
      %dma_wait3A_41 = tpu.memref_slice %arg4[%multiple_of3A_29, %dma_wait3A_40] : memref<8192x1024xf32, #tpu.memory_space<hbm>> -> memref<64x1024xf32, #tpu.memory_space<hbm>>
      %dma_wait3A_42 = arith.constant 0 : i32
      %dma_wait3A_43 = tpu.memref_slice %arg4[%multiple_of3A_29, %dma_wait3A_42] : memref<8192x1024xf32, #tpu.memory_space<hbm>> -> memref<64x1024xf32, #tpu.memory_space<hbm>>
      tpu.wait_dma2 semaphore(%run_scoped3A : memref<!tpu.dma_semaphore, #tpu.memory_space<semaphore_mem>>) src(%arg6 : memref<64x1024xf32, #tpu.memory_space<vmem>>) dst(%dma_wait3A_43 : memref<64x1024xf32, #tpu.memory_space<hbm>>)
      tpu.yield
    }) : () -> ()
    return
  }
}

module attributes {stable_mosaic.version = 14 : i64} {
  func.func @_ffn_body(%arg0: i32, %arg1: memref<256x1024xf32, #tpu.memory_space<vmem>>, %arg2: memref<1024x4096xf32, #tpu.memory_space<vmem>>, %arg3: memref<1x4096xf32, #tpu.memory_space<vmem>>, %arg4: memref<4096x1024xf32, #tpu.memory_space<vmem>>, %arg5: memref<1x1024xf32, #tpu.memory_space<vmem>>, %arg6: memref<512x1024xf32, #tpu.memory_space<vmem>>, %arg7: memref<256x1024xf32, #tpu.memory_space<vmem>>, %arg8: memref<512x1024xf32, #tpu.memory_space<vmem>>) attributes {dimension_semantics = [#tpu.dimension_semantics<arbitrary>], iteration_bounds = array<i64: 32>, scalar_prefetch = 0 : i64, scratch_operands = 0 : i64, tpu.core_type = #tpu.core_type<tc>, window_params = [{transform_indices = @transform_0, window_bounds = array<i64: 256, 1024>}, {pipeline_mode = #tpu.pipeline_mode<synchronous>, transform_indices = @transform_1, window_bounds = array<i64: 1024, 4096>}, {pipeline_mode = #tpu.pipeline_mode<synchronous>, transform_indices = @transform_2, window_bounds = array<i64: 1, 4096>}, {pipeline_mode = #tpu.pipeline_mode<synchronous>, transform_indices = @transform_3, window_bounds = array<i64: 4096, 1024>}, {pipeline_mode = #tpu.pipeline_mode<synchronous>, transform_indices = @transform_4, window_bounds = array<i64: 1, 1024>}, {transform_indices = @transform_5, window_bounds = array<i64: 512, 1024>}, {transform_indices = @transform_6, window_bounds = array<i64: 256, 1024>}, {transform_indices = @transform_7, window_bounds = array<i64: 512, 1024>}]} {
    %get3A = arith.constant 0 : index
    %get3A_0 = arith.constant 0 : index
    %get3A_1 = vector.load %arg1[%get3A, %get3A_0] : memref<256x1024xf32, #tpu.memory_space<vmem>>, vector<256x1024xf32>
    %get3A_2 = arith.constant 0 : index
    %get3A_3 = arith.constant 0 : index
    %get3A_4 = vector.load %arg2[%get3A_2, %get3A_3] : memref<1024x4096xf32, #tpu.memory_space<vmem>>, vector<1024x4096xf32>
    %dot_general3A = arith.constant dense<0.000000e+00> : vector<256x4096xf32>
    %dot_general3A_5 = tpu.matmul %get3A_1, %get3A_4, %dot_general3A {dimension_numbers = #tpu.dot_dimension_numbers<[1], [0], [0], [1], [0, 0, 1, 1], [], []>, transpose_lhs_hint = false} : vector<256x1024xf32>, vector<1024x4096xf32>, vector<256x4096xf32> -> vector<256x4096xf32>
    %get3A_6 = arith.constant 0 : index
    %get3A_7 = arith.constant 0 : index
    %get3A_8 = vector.load %arg3[%get3A_6, %get3A_7] : memref<1x4096xf32, #tpu.memory_space<vmem>>, vector<1x4096xf32>
    %add3A = vector.broadcast %get3A_8 : vector<1x4096xf32> to vector<256x4096xf32>
    %add3A_9 = arith.addf %dot_general3A_5, %add3A : vector<256x4096xf32>
    %max3A = arith.constant 0.000000e+00 : f32
    %max3A_10 = vector.broadcast %max3A : f32 to vector<256x4096xf32>
    %max3A_11 = arith.maximumf %add3A_9, %max3A_10 : vector<256x4096xf32>
    %get3A_12 = arith.constant 0 : index
    %get3A_13 = arith.constant 0 : index
    %get3A_14 = vector.load %arg4[%get3A_12, %get3A_13] : memref<4096x1024xf32, #tpu.memory_space<vmem>>, vector<4096x1024xf32>
    %dot_general3A_15 = arith.constant dense<0.000000e+00> : vector<256x1024xf32>
    %dot_general3A_16 = tpu.matmul %max3A_11, %get3A_14, %dot_general3A_15 {dimension_numbers = #tpu.dot_dimension_numbers<[1], [0], [0], [1], [0, 0, 1, 1], [], []>, transpose_lhs_hint = false} : vector<256x4096xf32>, vector<4096x1024xf32>, vector<256x1024xf32> -> vector<256x1024xf32>
    %add3A_17 = arith.addf %get3A_1, %dot_general3A_16 : vector<256x1024xf32>
    %get3A_18 = arith.constant 0 : index
    %get3A_19 = arith.constant 0 : index
    %get3A_20 = vector.load %arg5[%get3A_18, %get3A_19] : memref<1x1024xf32, #tpu.memory_space<vmem>>, vector<1x1024xf32>
    %add3A_21 = vector.broadcast %get3A_20 : vector<1x1024xf32> to vector<256x1024xf32>
    %add3A_22 = arith.addf %add3A_17, %add3A_21 : vector<256x1024xf32>
    %swap3A = arith.constant 0 : index
    %swap3A_23 = arith.constant 0 : index
    %swap3A_24 = vector.load %arg7[%swap3A, %swap3A_23] : memref<256x1024xf32, #tpu.memory_space<vmem>>, vector<256x1024xf32>
    tpu.vector_store %arg7[%swap3A, %swap3A_23], %add3A_22 {strides = array<i32>} : memref<256x1024xf32, #tpu.memory_space<vmem>>, vector<256x1024xf32>,
    %get3A_25 = arith.constant 0 : index
    %get3A_26 = arith.constant 0 : index
    %get3A_27 = vector.load %arg6[%get3A_25, %get3A_26] : memref<512x1024xf32, #tpu.memory_space<vmem>>, vector<512x1024xf32>
    %swap3A_28 = arith.constant 0 : index
    %swap3A_29 = arith.constant 0 : index
    %swap3A_30 = vector.load %arg8[%swap3A_28, %swap3A_29] : memref<512x1024xf32, #tpu.memory_space<vmem>>, vector<512x1024xf32>
    tpu.vector_store %arg8[%swap3A_28, %swap3A_29], %get3A_27 {strides = array<i32>} : memref<512x1024xf32, #tpu.memory_space<vmem>>, vector<512x1024xf32>,
    return
  }
  func.func @transform_0(%arg0: i32) -> (i32, i32) {
    %c0_i32 = arith.constant 0 : i32
    %c0_i32_0 = arith.constant 0 : i32
    return %arg0, %c0_i32 : i32, i32
  }
  func.func @transform_1(%arg0: i32) -> (i32, i32) {
    %c0_i32 = arith.constant 0 : i32
    %c0_i32_0 = arith.constant 0 : i32
    %c0_i32_1 = arith.constant 0 : i32
    return %c0_i32, %c0_i32_0 : i32, i32
  }
  func.func @transform_2(%arg0: i32) -> (i32, i32) {
    %c0_i32 = arith.constant 0 : i32
    %c0_i32_0 = arith.constant 0 : i32
    %c0_i32_1 = arith.constant 0 : i32
    return %c0_i32, %c0_i32_0 : i32, i32
  }
  func.func @transform_3(%arg0: i32) -> (i32, i32) {
    %c0_i32 = arith.constant 0 : i32
    %c0_i32_0 = arith.constant 0 : i32
    %c0_i32_1 = arith.constant 0 : i32
    return %c0_i32, %c0_i32_0 : i32, i32
  }
  func.func @transform_4(%arg0: i32) -> (i32, i32) {
    %c0_i32 = arith.constant 0 : i32
    %c0_i32_0 = arith.constant 0 : i32
    %c0_i32_1 = arith.constant 0 : i32
    return %c0_i32, %c0_i32_0 : i32, i32
  }
  func.func @transform_5(%arg0: i32) -> (i32, i32) {
    %c0_i32 = arith.constant 0 : i32
    %c0_i32_0 = arith.constant 0 : i32
    return %arg0, %c0_i32 : i32, i32
  }
  func.func @transform_6(%arg0: i32) -> (i32, i32) {
    %c0_i32 = arith.constant 0 : i32
    %c0_i32_0 = arith.constant 0 : i32
    return %arg0, %c0_i32 : i32, i32
  }
  func.func @transform_7(%arg0: i32) -> (i32, i32) {
    %c0_i32 = arith.constant 0 : i32
    %c0_i32_0 = arith.constant 0 : i32
    return %arg0, %c0_i32 : i32, i32
  }
}

module attributes {stable_mosaic.version = 14 : i64} {
  func.func @_select_body(%arg0: memref<128x128xf32, #tpu.memory_space<vmem>>, %arg1: memref<128x64xi32, #tpu.memory_space<vmem>>) attributes {dimension_semantics = [], scalar_prefetch = 0 : i64, scratch_operands = 0 : i64, tpu.core_type = #tpu.core_type<tc>} {
    %get3A = arith.constant 0 : index
    %get3A_0 = arith.constant 0 : index
    %get3A_1 = vector.load %arg0[%get3A, %get3A_0] : memref<128x128xf32, #tpu.memory_space<vmem>>, vector<128x128xf32>
    %bitcast_convert_type3A = tpu.bitcast %get3A_1 : vector<128x128xf32> -> vector<128x128xi32>
    %lt3A = arith.constant 0 : i32
    %lt3A_2 = vector.broadcast %lt3A : i32 to vector<128x128xi32>
    %lt3A_3 = arith.cmpi slt, %bitcast_convert_type3A, %lt3A_2 : vector<128x128xi32>
    %xor3A = arith.constant 2147483647 : i32
    %xor3A_4 = vector.broadcast %xor3A : i32 to vector<128x128xi32>
    %xor3A_5 = arith.xori %bitcast_convert_type3A, %xor3A_4 : vector<128x128xi32>
    %select_n3A = arith.select %lt3A_3, %xor3A_5, %bitcast_convert_type3A : vector<128x128xi1>, vector<128x128xi32>
    %iota3A = tpu.iota {dimensions = array<i32: 0>} : vector<128x128xi32>
    %iota3A_6 = tpu.iota {dimensions = array<i32: 1>} : vector<128x128xi32>
    %jit3A = arith.constant 32 : i32
    %div3A = vector.broadcast %jit3A : i32 to vector<128x128xi32>
    %div3A_7 = arith.divsi %iota3A, %div3A : vector<128x128xi32>
    %sign3A = arith.constant 0 : i32
    %sign3A_8 = vector.broadcast %sign3A : i32 to vector<128x128xi32>
    %sign3A_9 = arith.cmpi sgt, %iota3A, %sign3A_8 : vector<128x128xi32>
    %sign3A_10 = arith.extui %sign3A_9 : vector<128x128xi1> to vector<128x128xi32>
    %sign3A_11 = arith.constant 0 : i32
    %sign3A_12 = vector.broadcast %sign3A_11 : i32 to vector<128x128xi32>
    %sign3A_13 = arith.cmpi slt, %iota3A, %sign3A_12 : vector<128x128xi32>
    %sign3A_14 = arith.extui %sign3A_13 : vector<128x128xi1> to vector<128x128xi32>
    %sign3A_15 = arith.subi %sign3A_10, %sign3A_14 : vector<128x128xi32>
    %sign3A_16 = arith.constant 0 : i32
    %sign3A_17 = arith.cmpi sgt, %jit3A, %sign3A_16 : i32
    %sign3A_18 = arith.extui %sign3A_17 : i1 to i32
    %sign3A_19 = arith.constant 0 : i32
    %sign3A_20 = arith.cmpi slt, %jit3A, %sign3A_19 : i32
    %sign3A_21 = arith.extui %sign3A_20 : i1 to i32
    %sign3A_22 = arith.subi %sign3A_18, %sign3A_21 : i32
    %ne3A = vector.broadcast %sign3A_22 : i32 to vector<128x128xi32>
    %ne3A_23 = arith.cmpi ne, %sign3A_15, %ne3A : vector<128x128xi32>
    %rem3A = vector.broadcast %jit3A : i32 to vector<128x128xi32>
    %rem3A_24 = arith.remsi %iota3A, %rem3A : vector<128x128xi32>
    %ne3A_25 = arith.constant 0 : i32
    %ne3A_26 = vector.broadcast %ne3A_25 : i32 to vector<128x128xi32>
    %ne3A_27 = arith.cmpi ne, %rem3A_24, %ne3A_26 : vector<128x128xi32>
    %and3A = arith.andi %ne3A_23, %ne3A_27 : vector<128x128xi1>
    %sub3A = arith.constant 1 : i32
    %sub3A_28 = vector.broadcast %sub3A : i32 to vector<128x128xi32>
    %sub3A_29 = arith.subi %div3A_7, %sub3A_28 : vector<128x128xi32>
    %select_n3A_30 = arith.select %and3A, %sub3A_29, %div3A_7 : vector<128x128xi1>, vector<128x128xi32>
    %jit3A_31 = arith.constant 32 : i32
    %div3A_32 = vector.broadcast %jit3A_31 : i32 to vector<128x128xi32>
    %div3A_33 = arith.divsi %iota3A_6, %div3A_32 : vector<128x128xi32>
    %sign3A_34 = arith.constant 0 : i32
    %sign3A_35 = vector.broadcast %sign3A_34 : i32 to vector<128x128xi32>
    %sign3A_36 = arith.cmpi sgt, %iota3A_6, %sign3A_35 : vector<128x128xi32>
    %sign3A_37 = arith.extui %sign3A_36 : vector<128x128xi1> to vector<128x128xi32>
    %sign3A_38 = arith.constant 0 : i32
    %sign3A_39 = vector.broadcast %sign3A_38 : i32 to vector<128x128xi32>
    %sign3A_40 = arith.cmpi slt, %iota3A_6, %sign3A_39 : vector<128x128xi32>
    %sign3A_41 = arith.extui %sign3A_40 : vector<128x128xi1> to vector<128x128xi32>
    %sign3A_42 = arith.subi %sign3A_37, %sign3A_41 : vector<128x128xi32>
    %sign3A_43 = arith.constant 0 : i32
    %sign3A_44 = arith.cmpi sgt, %jit3A_31, %sign3A_43 : i32
    %sign3A_45 = arith.extui %sign3A_44 : i1 to i32
    %sign3A_46 = arith.constant 0 : i32
    %sign3A_47 = arith.cmpi slt, %jit3A_31, %sign3A_46 : i32
    %sign3A_48 = arith.extui %sign3A_47 : i1 to i32
    %sign3A_49 = arith.subi %sign3A_45, %sign3A_48 : i32
    %ne3A_50 = vector.broadcast %sign3A_49 : i32 to vector<128x128xi32>
    %ne3A_51 = arith.cmpi ne, %sign3A_42, %ne3A_50 : vector<128x128xi32>
    %rem3A_52 = vector.broadcast %jit3A_31 : i32 to vector<128x128xi32>
    %rem3A_53 = arith.remsi %iota3A_6, %rem3A_52 : vector<128x128xi32>
    %ne3A_54 = arith.constant 0 : i32
    %ne3A_55 = vector.broadcast %ne3A_54 : i32 to vector<128x128xi32>
    %ne3A_56 = arith.cmpi ne, %rem3A_53, %ne3A_55 : vector<128x128xi32>
    %and3A_57 = arith.andi %ne3A_51, %ne3A_56 : vector<128x128xi1>
    %sub3A_58 = arith.constant 1 : i32
    %sub3A_59 = vector.broadcast %sub3A_58 : i32 to vector<128x128xi32>
    %sub3A_60 = arith.subi %div3A_33, %sub3A_59 : vector<128x128xi32>
    %select_n3A_61 = arith.select %and3A_57, %sub3A_60, %div3A_33 : vector<128x128xi1>, vector<128x128xi32>
    %eq3A = arith.cmpi eq, %select_n3A_30, %select_n3A_61 : vector<128x128xi32>
    %convert_element_type3A = arith.extui %eq3A : vector<128x128xi1> to vector<128x128xi32>
    %convert_element_type3A_62 = arith.sitofp %convert_element_type3A : vector<128x128xi32> to vector<128x128xf32>
    %le3A = arith.cmpi sle, %iota3A, %iota3A_6 : vector<128x128xi32>
    %convert_element_type3A_63 = arith.extui %le3A : vector<128x128xi1> to vector<128x128xi32>
    %convert_element_type3A_64 = arith.sitofp %convert_element_type3A_63 : vector<128x128xi32> to vector<128x128xf32>
    %jit3A_65 = arith.constant 32 : i32
    %div3A_66 = vector.broadcast %jit3A_65 : i32 to vector<128x128xi32>
    %div3A_67 = arith.divsi %iota3A, %div3A_66 : vector<128x128xi32>
    %sign3A_68 = arith.constant 0 : i32
    %sign3A_69 = vector.broadcast %sign3A_68 : i32 to vector<128x128xi32>
    %sign3A_70 = arith.cmpi sgt, %iota3A, %sign3A_69 : vector<128x128xi32>
    %sign3A_71 = arith.extui %sign3A_70 : vector<128x128xi1> to vector<128x128xi32>
    %sign3A_72 = arith.constant 0 : i32
    %sign3A_73 = vector.broadcast %sign3A_72 : i32 to vector<128x128xi32>
    %sign3A_74 = arith.cmpi slt, %iota3A, %sign3A_73 : vector<128x128xi32>
    %sign3A_75 = arith.extui %sign3A_74 : vector<128x128xi1> to vector<128x128xi32>
    %sign3A_76 = arith.subi %sign3A_71, %sign3A_75 : vector<128x128xi32>
    %sign3A_77 = arith.constant 0 : i32
    %sign3A_78 = arith.cmpi sgt, %jit3A_65, %sign3A_77 : i32
    %sign3A_79 = arith.extui %sign3A_78 : i1 to i32
    %sign3A_80 = arith.constant 0 : i32
    %sign3A_81 = arith.cmpi slt, %jit3A_65, %sign3A_80 : i32
    %sign3A_82 = arith.extui %sign3A_81 : i1 to i32
    %sign3A_83 = arith.subi %sign3A_79, %sign3A_82 : i32
    %ne3A_84 = vector.broadcast %sign3A_83 : i32 to vector<128x128xi32>
    %ne3A_85 = arith.cmpi ne, %sign3A_76, %ne3A_84 : vector<128x128xi32>
    %rem3A_86 = vector.broadcast %jit3A_65 : i32 to vector<128x128xi32>
    %rem3A_87 = arith.remsi %iota3A, %rem3A_86 : vector<128x128xi32>
    %ne3A_88 = arith.constant 0 : i32
    %ne3A_89 = vector.broadcast %ne3A_88 : i32 to vector<128x128xi32>
    %ne3A_90 = arith.cmpi ne, %rem3A_87, %ne3A_89 : vector<128x128xi32>
    %and3A_91 = arith.andi %ne3A_85, %ne3A_90 : vector<128x128xi1>
    %sub3A_92 = arith.constant 1 : i32
    %sub3A_93 = vector.broadcast %sub3A_92 : i32 to vector<128x128xi32>
    %sub3A_94 = arith.subi %div3A_67, %sub3A_93 : vector<128x128xi32>
    %select_n3A_95 = arith.select %and3A_91, %sub3A_94, %div3A_67 : vector<128x128xi1>, vector<128x128xi32>
    %jit3A_96 = arith.constant 32 : i32
    %div3A_97 = vector.broadcast %jit3A_96 : i32 to vector<128x128xi32>
    %div3A_98 = arith.divsi %iota3A_6, %div3A_97 : vector<128x128xi32>
    %sign3A_99 = arith.constant 0 : i32
    %sign3A_100 = vector.broadcast %sign3A_99 : i32 to vector<128x128xi32>
    %sign3A_101 = arith.cmpi sgt, %iota3A_6, %sign3A_100 : vector<128x128xi32>
    %sign3A_102 = arith.extui %sign3A_101 : vector<128x128xi1> to vector<128x128xi32>
    %sign3A_103 = arith.constant 0 : i32
    %sign3A_104 = vector.broadcast %sign3A_103 : i32 to vector<128x128xi32>
    %sign3A_105 = arith.cmpi slt, %iota3A_6, %sign3A_104 : vector<128x128xi32>
    %sign3A_106 = arith.extui %sign3A_105 : vector<128x128xi1> to vector<128x128xi32>
    %sign3A_107 = arith.subi %sign3A_102, %sign3A_106 : vector<128x128xi32>
    %sign3A_108 = arith.constant 0 : i32
    %sign3A_109 = arith.cmpi sgt, %jit3A_96, %sign3A_108 : i32
    %sign3A_110 = arith.extui %sign3A_109 : i1 to i32
    %sign3A_111 = arith.constant 0 : i32
    %sign3A_112 = arith.cmpi slt, %jit3A_96, %sign3A_111 : i32
    %sign3A_113 = arith.extui %sign3A_112 : i1 to i32
    %sign3A_114 = arith.subi %sign3A_110, %sign3A_113 : i32
    %ne3A_115 = vector.broadcast %sign3A_114 : i32 to vector<128x128xi32>
    %ne3A_116 = arith.cmpi ne, %sign3A_107, %ne3A_115 : vector<128x128xi32>
    %rem3A_117 = vector.broadcast %jit3A_96 : i32 to vector<128x128xi32>
    %rem3A_118 = arith.remsi %iota3A_6, %rem3A_117 : vector<128x128xi32>
    %ne3A_119 = arith.constant 0 : i32
    %ne3A_120 = vector.broadcast %ne3A_119 : i32 to vector<128x128xi32>
    %ne3A_121 = arith.cmpi ne, %rem3A_118, %ne3A_120 : vector<128x128xi32>
    %and3A_122 = arith.andi %ne3A_116, %ne3A_121 : vector<128x128xi1>
    %sub3A_123 = arith.constant 1 : i32
    %sub3A_124 = vector.broadcast %sub3A_123 : i32 to vector<128x128xi32>
    %sub3A_125 = arith.subi %div3A_98, %sub3A_124 : vector<128x128xi32>
    %select_n3A_126 = arith.select %and3A_122, %sub3A_125, %div3A_98 : vector<128x128xi1>, vector<128x128xi32>
    %eq3A_127 = arith.cmpi eq, %select_n3A_95, %select_n3A_126 : vector<128x128xi32>
    %lt3A_128 = arith.cmpi slt, %iota3A_6, %iota3A : vector<128x128xi32>
    %and3A_129 = arith.andi %eq3A_127, %lt3A_128 : vector<128x128xi1>
    %convert_element_type3A_130 = arith.extui %and3A_129 : vector<128x128xi1> to vector<128x128xi32>
    %convert_element_type3A_131 = arith.sitofp %convert_element_type3A_130 : vector<128x128xi32> to vector<128x128xf32>
    %broadcast_in_dim3A = arith.constant 0 : i32
    %broadcast_in_dim3A_132 = vector.broadcast %broadcast_in_dim3A : i32 to vector<128x1xi32>
    %or3A = arith.constant -2147483648 : i32
    %or3A_133 = vector.broadcast %or3A : i32 to vector<128x1xi32>
    %or3A_134 = arith.ori %broadcast_in_dim3A_132, %or3A_133 : vector<128x1xi32>
    %xor3A_135 = arith.constant -2147483648 : i32
    %xor3A_136 = vector.broadcast %xor3A_135 : i32 to vector<128x1xi32>
    %xor3A_137 = arith.xori %or3A_134, %xor3A_136 : vector<128x1xi32>
    %ge3A = vector.broadcast %xor3A_137 : vector<128x1xi32> to vector<128x128xi32>
    %ge3A_138 = arith.cmpi sge, %select_n3A, %ge3A : vector<128x128xi32>
    %convert_element_type3A_139 = arith.extui %ge3A_138 : vector<128x128xi1> to vector<128x128xi32>
    %convert_element_type3A_140 = arith.sitofp %convert_element_type3A_139 : vector<128x128xi32> to vector<128x128xf32>
    %reduce_sum3A = arith.constant dense<0.000000e+00> : vector<128xf32>
    %reduce_sum3A_141 = vector.multi_reduction <add>, %convert_element_type3A_140, %reduce_sum3A [1] : vector<128x128xf32> to vector<128xf32>
    %broadcast_in_dim3A_142 = vector.shape_cast %reduce_sum3A_141 : vector<128xf32> to vector<128x1xf32>
    %dot_general3A = arith.constant dense<0.000000e+00> : vector<128x1xf32>
    %dot_general3A_143 = tpu.matmul %convert_element_type3A_62, %broadcast_in_dim3A_142, %dot_general3A {dimension_numbers = #tpu.dot_dimension_numbers<[1], [0], [0], [1], [0, 0, 1, 1], [], []>, transpose_lhs_hint = false} : vector<128x128xf32>, vector<128x1xf32>, vector<128x1xf32> -> vector<128x1xf32>
    %ge3A_144 = arith.constant 2.048000e+03 : f32
    %ge3A_145 = vector.broadcast %ge3A_144 : f32 to vector<128x1xf32>
    %ge3A_146 = arith.cmpf oge, %dot_general3A_143, %ge3A_145 : vector<128x1xf32>
    %select_n3A_147 = arith.select %ge3A_146, %or3A_134, %broadcast_in_dim3A_132 : vector<128x1xi1>, vector<128x1xi32>
    %or3A_148 = arith.constant 1073741824 : i32
    %or3A_149 = vector.broadcast %or3A_148 : i32 to vector<128x1xi32>
    %or3A_150 = arith.ori %select_n3A_147, %or3A_149 : vector<128x1xi32>
    %xor3A_151 = arith.constant -2147483648 : i32
    %xor3A_152 = vector.broadcast %xor3A_151 : i32 to vector<128x1xi32>
    %xor3A_153 = arith.xori %or3A_150, %xor3A_152 : vector<128x1xi32>
    %ge3A_154 = vector.broadcast %xor3A_153 : vector<128x1xi32> to vector<128x128xi32>
    %ge3A_155 = arith.cmpi sge, %select_n3A, %ge3A_154 : vector<128x128xi32>
    %convert_element_type3A_156 = arith.extui %ge3A_155 : vector<128x128xi1> to vector<128x128xi32>
    %convert_element_type3A_157 = arith.sitofp %convert_element_type3A_156 : vector<128x128xi32> to vector<128x128xf32>
    %reduce_sum3A_158 = arith.constant dense<0.000000e+00> : vector<128xf32>
    %reduce_sum3A_159 = vector.multi_reduction <add>, %convert_element_type3A_157, %reduce_sum3A_158 [1] : vector<128x128xf32> to vector<128xf32>
    %broadcast_in_dim3A_160 = vector.shape_cast %reduce_sum3A_159 : vector<128xf32> to vector<128x1xf32>
    %dot_general3A_161 = arith.constant dense<0.000000e+00> : vector<128x1xf32>
    %dot_general3A_162 = tpu.matmul %convert_element_type3A_62, %broadcast_in_dim3A_160, %dot_general3A_161 {dimension_numbers = #tpu.dot_dimension_numbers<[1], [0], [0], [1], [0, 0, 1, 1], [], []>, transpose_lhs_hint = false} : vector<128x128xf32>, vector<128x1xf32>, vector<128x1xf32> -> vector<128x1xf32>
    %ge3A_163 = arith.constant 2.048000e+03 : f32
    %ge3A_164 = vector.broadcast %ge3A_163 : f32 to vector<128x1xf32>
    %ge3A_165 = arith.cmpf oge, %dot_general3A_162, %ge3A_164 : vector<128x1xf32>
    %select_n3A_166 = arith.select %ge3A_165, %or3A_150, %select_n3A_147 : vector<128x1xi1>, vector<128x1xi32>
    %or3A_167 = arith.constant 536870912 : i32
    %or3A_168 = vector.broadcast %or3A_167 : i32 to vector<128x1xi32>
    %or3A_169 = arith.ori %select_n3A_166, %or3A_168 : vector<128x1xi32>
    %xor3A_170 = arith.constant -2147483648 : i32
    %xor3A_171 = vector.broadcast %xor3A_170 : i32 to vector<128x1xi32>
    %xor3A_172 = arith.xori %or3A_169, %xor3A_171 : vector<128x1xi32>
    %ge3A_173 = vector.broadcast %xor3A_172 : vector<128x1xi32> to vector<128x128xi32>
    %ge3A_174 = arith.cmpi sge, %select_n3A, %ge3A_173 : vector<128x128xi32>
    %convert_element_type3A_175 = arith.extui %ge3A_174 : vector<128x128xi1> to vector<128x128xi32>
    %convert_element_type3A_176 = arith.sitofp %convert_element_type3A_175 : vector<128x128xi32> to vector<128x128xf32>
    %reduce_sum3A_177 = arith.constant dense<0.000000e+00> : vector<128xf32>
    %reduce_sum3A_178 = vector.multi_reduction <add>, %convert_element_type3A_176, %reduce_sum3A_177 [1] : vector<128x128xf32> to vector<128xf32>
    %broadcast_in_dim3A_179 = vector.shape_cast %reduce_sum3A_178 : vector<128xf32> to vector<128x1xf32>
    %dot_general3A_180 = arith.constant dense<0.000000e+00> : vector<128x1xf32>
    %dot_general3A_181 = tpu.matmul %convert_element_type3A_62, %broadcast_in_dim3A_179, %dot_general3A_180 {dimension_numbers = #tpu.dot_dimension_numbers<[1], [0], [0], [1], [0, 0, 1, 1], [], []>, transpose_lhs_hint = false} : vector<128x128xf32>, vector<128x1xf32>, vector<128x1xf32> -> vector<128x1xf32>
    %ge3A_182 = arith.constant 2.048000e+03 : f32
    %ge3A_183 = vector.broadcast %ge3A_182 : f32 to vector<128x1xf32>
    %ge3A_184 = arith.cmpf oge, %dot_general3A_181, %ge3A_183 : vector<128x1xf32>
    %select_n3A_185 = arith.select %ge3A_184, %or3A_169, %select_n3A_166 : vector<128x1xi1>, vector<128x1xi32>
    %or3A_186 = arith.constant 268435456 : i32
    %or3A_187 = vector.broadcast %or3A_186 : i32 to vector<128x1xi32>
    %or3A_188 = arith.ori %select_n3A_185, %or3A_187 : vector<128x1xi32>
    %xor3A_189 = arith.constant -2147483648 : i32
    %xor3A_190 = vector.broadcast %xor3A_189 : i32 to vector<128x1xi32>
    %xor3A_191 = arith.xori %or3A_188, %xor3A_190 : vector<128x1xi32>
    %ge3A_192 = vector.broadcast %xor3A_191 : vector<128x1xi32> to vector<128x128xi32>
    %ge3A_193 = arith.cmpi sge, %select_n3A, %ge3A_192 : vector<128x128xi32>
    %convert_element_type3A_194 = arith.extui %ge3A_193 : vector<128x128xi1> to vector<128x128xi32>
    %convert_element_type3A_195 = arith.sitofp %convert_element_type3A_194 : vector<128x128xi32> to vector<128x128xf32>
    %reduce_sum3A_196 = arith.constant dense<0.000000e+00> : vector<128xf32>
    %reduce_sum3A_197 = vector.multi_reduction <add>, %convert_element_type3A_195, %reduce_sum3A_196 [1] : vector<128x128xf32> to vector<128xf32>
    %broadcast_in_dim3A_198 = vector.shape_cast %reduce_sum3A_197 : vector<128xf32> to vector<128x1xf32>
    %dot_general3A_199 = arith.constant dense<0.000000e+00> : vector<128x1xf32>
    %dot_general3A_200 = tpu.matmul %convert_element_type3A_62, %broadcast_in_dim3A_198, %dot_general3A_199 {dimension_numbers = #tpu.dot_dimension_numbers<[1], [0], [0], [1], [0, 0, 1, 1], [], []>, transpose_lhs_hint = false} : vector<128x128xf32>, vector<128x1xf32>, vector<128x1xf32> -> vector<128x1xf32>
    %ge3A_201 = arith.constant 2.048000e+03 : f32
    %ge3A_202 = vector.broadcast %ge3A_201 : f32 to vector<128x1xf32>
    %ge3A_203 = arith.cmpf oge, %dot_general3A_200, %ge3A_202 : vector<128x1xf32>
    %select_n3A_204 = arith.select %ge3A_203, %or3A_188, %select_n3A_185 : vector<128x1xi1>, vector<128x1xi32>
    %or3A_205 = arith.constant 134217728 : i32
    %or3A_206 = vector.broadcast %or3A_205 : i32 to vector<128x1xi32>
    %or3A_207 = arith.ori %select_n3A_204, %or3A_206 : vector<128x1xi32>
    %xor3A_208 = arith.constant -2147483648 : i32
    %xor3A_209 = vector.broadcast %xor3A_208 : i32 to vector<128x1xi32>
    %xor3A_210 = arith.xori %or3A_207, %xor3A_209 : vector<128x1xi32>
    %ge3A_211 = vector.broadcast %xor3A_210 : vector<128x1xi32> to vector<128x128xi32>
    %ge3A_212 = arith.cmpi sge, %select_n3A, %ge3A_211 : vector<128x128xi32>
    %convert_element_type3A_213 = arith.extui %ge3A_212 : vector<128x128xi1> to vector<128x128xi32>
    %convert_element_type3A_214 = arith.sitofp %convert_element_type3A_213 : vector<128x128xi32> to vector<128x128xf32>
    %reduce_sum3A_215 = arith.constant dense<0.000000e+00> : vector<128xf32>
    %reduce_sum3A_216 = vector.multi_reduction <add>, %convert_element_type3A_214, %reduce_sum3A_215 [1] : vector<128x128xf32> to vector<128xf32>
    %broadcast_in_dim3A_217 = vector.shape_cast %reduce_sum3A_216 : vector<128xf32> to vector<128x1xf32>
    %dot_general3A_218 = arith.constant dense<0.000000e+00> : vector<128x1xf32>
    %dot_general3A_219 = tpu.matmul %convert_element_type3A_62, %broadcast_in_dim3A_217, %dot_general3A_218 {dimension_numbers = #tpu.dot_dimension_numbers<[1], [0], [0], [1], [0, 0, 1, 1], [], []>, transpose_lhs_hint = false} : vector<128x128xf32>, vector<128x1xf32>, vector<128x1xf32> -> vector<128x1xf32>
    %ge3A_220 = arith.constant 2.048000e+03 : f32
    %ge3A_221 = vector.broadcast %ge3A_220 : f32 to vector<128x1xf32>
    %ge3A_222 = arith.cmpf oge, %dot_general3A_219, %ge3A_221 : vector<128x1xf32>
    %select_n3A_223 = arith.select %ge3A_222, %or3A_207, %select_n3A_204 : vector<128x1xi1>, vector<128x1xi32>
    %or3A_224 = arith.constant 67108864 : i32
    %or3A_225 = vector.broadcast %or3A_224 : i32 to vector<128x1xi32>
    %or3A_226 = arith.ori %select_n3A_223, %or3A_225 : vector<128x1xi32>
    %xor3A_227 = arith.constant -2147483648 : i32
    %xor3A_228 = vector.broadcast %xor3A_227 : i32 to vector<128x1xi32>
    %xor3A_229 = arith.xori %or3A_226, %xor3A_228 : vector<128x1xi32>
    %ge3A_230 = vector.broadcast %xor3A_229 : vector<128x1xi32> to vector<128x128xi32>
    %ge3A_231 = arith.cmpi sge, %select_n3A, %ge3A_230 : vector<128x128xi32>
    %convert_element_type3A_232 = arith.extui %ge3A_231 : vector<128x128xi1> to vector<128x128xi32>
    %convert_element_type3A_233 = arith.sitofp %convert_element_type3A_232 : vector<128x128xi32> to vector<128x128xf32>
    %reduce_sum3A_234 = arith.constant dense<0.000000e+00> : vector<128xf32>
    %reduce_sum3A_235 = vector.multi_reduction <add>, %convert_element_type3A_233, %reduce_sum3A_234 [1] : vector<128x128xf32> to vector<128xf32>
    %broadcast_in_dim3A_236 = vector.shape_cast %reduce_sum3A_235 : vector<128xf32> to vector<128x1xf32>
    %dot_general3A_237 = arith.constant dense<0.000000e+00> : vector<128x1xf32>
    %dot_general3A_238 = tpu.matmul %convert_element_type3A_62, %broadcast_in_dim3A_236, %dot_general3A_237 {dimension_numbers = #tpu.dot_dimension_numbers<[1], [0], [0], [1], [0, 0, 1, 1], [], []>, transpose_lhs_hint = false} : vector<128x128xf32>, vector<128x1xf32>, vector<128x1xf32> -> vector<128x1xf32>
    %ge3A_239 = arith.constant 2.048000e+03 : f32
    %ge3A_240 = vector.broadcast %ge3A_239 : f32 to vector<128x1xf32>
    %ge3A_241 = arith.cmpf oge, %dot_general3A_238, %ge3A_240 : vector<128x1xf32>
    %select_n3A_242 = arith.select %ge3A_241, %or3A_226, %select_n3A_223 : vector<128x1xi1>, vector<128x1xi32>
    %or3A_243 = arith.constant 33554432 : i32
    %or3A_244 = vector.broadcast %or3A_243 : i32 to vector<128x1xi32>
    %or3A_245 = arith.ori %select_n3A_242, %or3A_244 : vector<128x1xi32>
    %xor3A_246 = arith.constant -2147483648 : i32
    %xor3A_247 = vector.broadcast %xor3A_246 : i32 to vector<128x1xi32>
    %xor3A_248 = arith.xori %or3A_245, %xor3A_247 : vector<128x1xi32>
    %ge3A_249 = vector.broadcast %xor3A_248 : vector<128x1xi32> to vector<128x128xi32>
    %ge3A_250 = arith.cmpi sge, %select_n3A, %ge3A_249 : vector<128x128xi32>
    %convert_element_type3A_251 = arith.extui %ge3A_250 : vector<128x128xi1> to vector<128x128xi32>
    %convert_element_type3A_252 = arith.sitofp %convert_element_type3A_251 : vector<128x128xi32> to vector<128x128xf32>
    %reduce_sum3A_253 = arith.constant dense<0.000000e+00> : vector<128xf32>
    %reduce_sum3A_254 = vector.multi_reduction <add>, %convert_element_type3A_252, %reduce_sum3A_253 [1] : vector<128x128xf32> to vector<128xf32>
    %broadcast_in_dim3A_255 = vector.shape_cast %reduce_sum3A_254 : vector<128xf32> to vector<128x1xf32>
    %dot_general3A_256 = arith.constant dense<0.000000e+00> : vector<128x1xf32>
    %dot_general3A_257 = tpu.matmul %convert_element_type3A_62, %broadcast_in_dim3A_255, %dot_general3A_256 {dimension_numbers = #tpu.dot_dimension_numbers<[1], [0], [0], [1], [0, 0, 1, 1], [], []>, transpose_lhs_hint = false} : vector<128x128xf32>, vector<128x1xf32>, vector<128x1xf32> -> vector<128x1xf32>
    %ge3A_258 = arith.constant 2.048000e+03 : f32
    %ge3A_259 = vector.broadcast %ge3A_258 : f32 to vector<128x1xf32>
    %ge3A_260 = arith.cmpf oge, %dot_general3A_257, %ge3A_259 : vector<128x1xf32>
    %select_n3A_261 = arith.select %ge3A_260, %or3A_245, %select_n3A_242 : vector<128x1xi1>, vector<128x1xi32>
    %or3A_262 = arith.constant 16777216 : i32
    %or3A_263 = vector.broadcast %or3A_262 : i32 to vector<128x1xi32>
    %or3A_264 = arith.ori %select_n3A_261, %or3A_263 : vector<128x1xi32>
    %xor3A_265 = arith.constant -2147483648 : i32
    %xor3A_266 = vector.broadcast %xor3A_265 : i32 to vector<128x1xi32>
    %xor3A_267 = arith.xori %or3A_264, %xor3A_266 : vector<128x1xi32>
    %ge3A_268 = vector.broadcast %xor3A_267 : vector<128x1xi32> to vector<128x128xi32>
    %ge3A_269 = arith.cmpi sge, %select_n3A, %ge3A_268 : vector<128x128xi32>
    %convert_element_type3A_270 = arith.extui %ge3A_269 : vector<128x128xi1> to vector<128x128xi32>
    %convert_element_type3A_271 = arith.sitofp %convert_element_type3A_270 : vector<128x128xi32> to vector<128x128xf32>
    %reduce_sum3A_272 = arith.constant dense<0.000000e+00> : vector<128xf32>
    %reduce_sum3A_273 = vector.multi_reduction <add>, %convert_element_type3A_271, %reduce_sum3A_272 [1] : vector<128x128xf32> to vector<128xf32>
    %broadcast_in_dim3A_274 = vector.shape_cast %reduce_sum3A_273 : vector<128xf32> to vector<128x1xf32>
    %dot_general3A_275 = arith.constant dense<0.000000e+00> : vector<128x1xf32>
    %dot_general3A_276 = tpu.matmul %convert_element_type3A_62, %broadcast_in_dim3A_274, %dot_general3A_275 {dimension_numbers = #tpu.dot_dimension_numbers<[1], [0], [0], [1], [0, 0, 1, 1], [], []>, transpose_lhs_hint = false} : vector<128x128xf32>, vector<128x1xf32>, vector<128x1xf32> -> vector<128x1xf32>
    %ge3A_277 = arith.constant 2.048000e+03 : f32
    %ge3A_278 = vector.broadcast %ge3A_277 : f32 to vector<128x1xf32>
    %ge3A_279 = arith.cmpf oge, %dot_general3A_276, %ge3A_278 : vector<128x1xf32>
    %select_n3A_280 = arith.select %ge3A_279, %or3A_264, %select_n3A_261 : vector<128x1xi1>, vector<128x1xi32>
    %or3A_281 = arith.constant 8388608 : i32
    %or3A_282 = vector.broadcast %or3A_281 : i32 to vector<128x1xi32>
    %or3A_283 = arith.ori %select_n3A_280, %or3A_282 : vector<128x1xi32>
    %xor3A_284 = arith.constant -2147483648 : i32
    %xor3A_285 = vector.broadcast %xor3A_284 : i32 to vector<128x1xi32>
    %xor3A_286 = arith.xori %or3A_283, %xor3A_285 : vector<128x1xi32>
    %ge3A_287 = vector.broadcast %xor3A_286 : vector<128x1xi32> to vector<128x128xi32>
    %ge3A_288 = arith.cmpi sge, %select_n3A, %ge3A_287 : vector<128x128xi32>
    %convert_element_type3A_289 = arith.extui %ge3A_288 : vector<128x128xi1> to vector<128x128xi32>
    %convert_element_type3A_290 = arith.sitofp %convert_element_type3A_289 : vector<128x128xi32> to vector<128x128xf32>
    %reduce_sum3A_291 = arith.constant dense<0.000000e+00> : vector<128xf32>
    %reduce_sum3A_292 = vector.multi_reduction <add>, %convert_element_type3A_290, %reduce_sum3A_291 [1] : vector<128x128xf32> to vector<128xf32>
    %broadcast_in_dim3A_293 = vector.shape_cast %reduce_sum3A_292 : vector<128xf32> to vector<128x1xf32>
    %dot_general3A_294 = arith.constant dense<0.000000e+00> : vector<128x1xf32>
    %dot_general3A_295 = tpu.matmul %convert_element_type3A_62, %broadcast_in_dim3A_293, %dot_general3A_294 {dimension_numbers = #tpu.dot_dimension_numbers<[1], [0], [0], [1], [0, 0, 1, 1], [], []>, transpose_lhs_hint = false} : vector<128x128xf32>, vector<128x1xf32>, vector<128x1xf32> -> vector<128x1xf32>
    %ge3A_296 = arith.constant 2.048000e+03 : f32
    %ge3A_297 = vector.broadcast %ge3A_296 : f32 to vector<128x1xf32>
    %ge3A_298 = arith.cmpf oge, %dot_general3A_295, %ge3A_297 : vector<128x1xf32>
    %select_n3A_299 = arith.select %ge3A_298, %or3A_283, %select_n3A_280 : vector<128x1xi1>, vector<128x1xi32>
    %or3A_300 = arith.constant 4194304 : i32
    %or3A_301 = vector.broadcast %or3A_300 : i32 to vector<128x1xi32>
    %or3A_302 = arith.ori %select_n3A_299, %or3A_301 : vector<128x1xi32>
    %xor3A_303 = arith.constant -2147483648 : i32
    %xor3A_304 = vector.broadcast %xor3A_303 : i32 to vector<128x1xi32>
    %xor3A_305 = arith.xori %or3A_302, %xor3A_304 : vector<128x1xi32>
    %ge3A_306 = vector.broadcast %xor3A_305 : vector<128x1xi32> to vector<128x128xi32>
    %ge3A_307 = arith.cmpi sge, %select_n3A, %ge3A_306 : vector<128x128xi32>
    %convert_element_type3A_308 = arith.extui %ge3A_307 : vector<128x128xi1> to vector<128x128xi32>
    %convert_element_type3A_309 = arith.sitofp %convert_element_type3A_308 : vector<128x128xi32> to vector<128x128xf32>
    %reduce_sum3A_310 = arith.constant dense<0.000000e+00> : vector<128xf32>
    %reduce_sum3A_311 = vector.multi_reduction <add>, %convert_element_type3A_309, %reduce_sum3A_310 [1] : vector<128x128xf32> to vector<128xf32>
    %broadcast_in_dim3A_312 = vector.shape_cast %reduce_sum3A_311 : vector<128xf32> to vector<128x1xf32>
    %dot_general3A_313 = arith.constant dense<0.000000e+00> : vector<128x1xf32>
    %dot_general3A_314 = tpu.matmul %convert_element_type3A_62, %broadcast_in_dim3A_312, %dot_general3A_313 {dimension_numbers = #tpu.dot_dimension_numbers<[1], [0], [0], [1], [0, 0, 1, 1], [], []>, transpose_lhs_hint = false} : vector<128x128xf32>, vector<128x1xf32>, vector<128x1xf32> -> vector<128x1xf32>
    %ge3A_315 = arith.constant 2.048000e+03 : f32
    %ge3A_316 = vector.broadcast %ge3A_315 : f32 to vector<128x1xf32>
    %ge3A_317 = arith.cmpf oge, %dot_general3A_314, %ge3A_316 : vector<128x1xf32>
    %select_n3A_318 = arith.select %ge3A_317, %or3A_302, %select_n3A_299 : vector<128x1xi1>, vector<128x1xi32>
    %or3A_319 = arith.constant 2097152 : i32
    %or3A_320 = vector.broadcast %or3A_319 : i32 to vector<128x1xi32>
    %or3A_321 = arith.ori %select_n3A_318, %or3A_320 : vector<128x1xi32>
    %xor3A_322 = arith.constant -2147483648 : i32
    %xor3A_323 = vector.broadcast %xor3A_322 : i32 to vector<128x1xi32>
    %xor3A_324 = arith.xori %or3A_321, %xor3A_323 : vector<128x1xi32>
    %ge3A_325 = vector.broadcast %xor3A_324 : vector<128x1xi32> to vector<128x128xi32>
    %ge3A_326 = arith.cmpi sge, %select_n3A, %ge3A_325 : vector<128x128xi32>
    %convert_element_type3A_327 = arith.extui %ge3A_326 : vector<128x128xi1> to vector<128x128xi32>
    %convert_element_type3A_328 = arith.sitofp %convert_element_type3A_327 : vector<128x128xi32> to vector<128x128xf32>
    %reduce_sum3A_329 = arith.constant dense<0.000000e+00> : vector<128xf32>
    %reduce_sum3A_330 = vector.multi_reduction <add>, %convert_element_type3A_328, %reduce_sum3A_329 [1] : vector<128x128xf32> to vector<128xf32>
    %broadcast_in_dim3A_331 = vector.shape_cast %reduce_sum3A_330 : vector<128xf32> to vector<128x1xf32>
    %dot_general3A_332 = arith.constant dense<0.000000e+00> : vector<128x1xf32>
    %dot_general3A_333 = tpu.matmul %convert_element_type3A_62, %broadcast_in_dim3A_331, %dot_general3A_332 {dimension_numbers = #tpu.dot_dimension_numbers<[1], [0], [0], [1], [0, 0, 1, 1], [], []>, transpose_lhs_hint = false} : vector<128x128xf32>, vector<128x1xf32>, vector<128x1xf32> -> vector<128x1xf32>
    %ge3A_334 = arith.constant 2.048000e+03 : f32
    %ge3A_335 = vector.broadcast %ge3A_334 : f32 to vector<128x1xf32>
    %ge3A_336 = arith.cmpf oge, %dot_general3A_333, %ge3A_335 : vector<128x1xf32>
    %select_n3A_337 = arith.select %ge3A_336, %or3A_321, %select_n3A_318 : vector<128x1xi1>, vector<128x1xi32>
    %or3A_338 = arith.constant 1048576 : i32
    %or3A_339 = vector.broadcast %or3A_338 : i32 to vector<128x1xi32>
    %or3A_340 = arith.ori %select_n3A_337, %or3A_339 : vector<128x1xi32>
    %xor3A_341 = arith.constant -2147483648 : i32
    %xor3A_342 = vector.broadcast %xor3A_341 : i32 to vector<128x1xi32>
    %xor3A_343 = arith.xori %or3A_340, %xor3A_342 : vector<128x1xi32>
    %ge3A_344 = vector.broadcast %xor3A_343 : vector<128x1xi32> to vector<128x128xi32>
    %ge3A_345 = arith.cmpi sge, %select_n3A, %ge3A_344 : vector<128x128xi32>
    %convert_element_type3A_346 = arith.extui %ge3A_345 : vector<128x128xi1> to vector<128x128xi32>
    %convert_element_type3A_347 = arith.sitofp %convert_element_type3A_346 : vector<128x128xi32> to vector<128x128xf32>
    %reduce_sum3A_348 = arith.constant dense<0.000000e+00> : vector<128xf32>
    %reduce_sum3A_349 = vector.multi_reduction <add>, %convert_element_type3A_347, %reduce_sum3A_348 [1] : vector<128x128xf32> to vector<128xf32>
    %broadcast_in_dim3A_350 = vector.shape_cast %reduce_sum3A_349 : vector<128xf32> to vector<128x1xf32>
    %dot_general3A_351 = arith.constant dense<0.000000e+00> : vector<128x1xf32>
    %dot_general3A_352 = tpu.matmul %convert_element_type3A_62, %broadcast_in_dim3A_350, %dot_general3A_351 {dimension_numbers = #tpu.dot_dimension_numbers<[1], [0], [0], [1], [0, 0, 1, 1], [], []>, transpose_lhs_hint = false} : vector<128x128xf32>, vector<128x1xf32>, vector<128x1xf32> -> vector<128x1xf32>
    %ge3A_353 = arith.constant 2.048000e+03 : f32
    %ge3A_354 = vector.broadcast %ge3A_353 : f32 to vector<128x1xf32>
    %ge3A_355 = arith.cmpf oge, %dot_general3A_352, %ge3A_354 : vector<128x1xf32>
    %select_n3A_356 = arith.select %ge3A_355, %or3A_340, %select_n3A_337 : vector<128x1xi1>, vector<128x1xi32>
    %or3A_357 = arith.constant 524288 : i32
    %or3A_358 = vector.broadcast %or3A_357 : i32 to vector<128x1xi32>
    %or3A_359 = arith.ori %select_n3A_356, %or3A_358 : vector<128x1xi32>
    %xor3A_360 = arith.constant -2147483648 : i32
    %xor3A_361 = vector.broadcast %xor3A_360 : i32 to vector<128x1xi32>
    %xor3A_362 = arith.xori %or3A_359, %xor3A_361 : vector<128x1xi32>
    %ge3A_363 = vector.broadcast %xor3A_362 : vector<128x1xi32> to vector<128x128xi32>
    %ge3A_364 = arith.cmpi sge, %select_n3A, %ge3A_363 : vector<128x128xi32>
    %convert_element_type3A_365 = arith.extui %ge3A_364 : vector<128x128xi1> to vector<128x128xi32>
    %convert_element_type3A_366 = arith.sitofp %convert_element_type3A_365 : vector<128x128xi32> to vector<128x128xf32>
    %reduce_sum3A_367 = arith.constant dense<0.000000e+00> : vector<128xf32>
    %reduce_sum3A_368 = vector.multi_reduction <add>, %convert_element_type3A_366, %reduce_sum3A_367 [1] : vector<128x128xf32> to vector<128xf32>
    %broadcast_in_dim3A_369 = vector.shape_cast %reduce_sum3A_368 : vector<128xf32> to vector<128x1xf32>
    %dot_general3A_370 = arith.constant dense<0.000000e+00> : vector<128x1xf32>
    %dot_general3A_371 = tpu.matmul %convert_element_type3A_62, %broadcast_in_dim3A_369, %dot_general3A_370 {dimension_numbers = #tpu.dot_dimension_numbers<[1], [0], [0], [1], [0, 0, 1, 1], [], []>, transpose_lhs_hint = false} : vector<128x128xf32>, vector<128x1xf32>, vector<128x1xf32> -> vector<128x1xf32>
    %ge3A_372 = arith.constant 2.048000e+03 : f32
    %ge3A_373 = vector.broadcast %ge3A_372 : f32 to vector<128x1xf32>
    %ge3A_374 = arith.cmpf oge, %dot_general3A_371, %ge3A_373 : vector<128x1xf32>
    %select_n3A_375 = arith.select %ge3A_374, %or3A_359, %select_n3A_356 : vector<128x1xi1>, vector<128x1xi32>
    %or3A_376 = arith.constant 262144 : i32
    %or3A_377 = vector.broadcast %or3A_376 : i32 to vector<128x1xi32>
    %or3A_378 = arith.ori %select_n3A_375, %or3A_377 : vector<128x1xi32>
    %xor3A_379 = arith.constant -2147483648 : i32
    %xor3A_380 = vector.broadcast %xor3A_379 : i32 to vector<128x1xi32>
    %xor3A_381 = arith.xori %or3A_378, %xor3A_380 : vector<128x1xi32>
    %ge3A_382 = vector.broadcast %xor3A_381 : vector<128x1xi32> to vector<128x128xi32>
    %ge3A_383 = arith.cmpi sge, %select_n3A, %ge3A_382 : vector<128x128xi32>
    %convert_element_type3A_384 = arith.extui %ge3A_383 : vector<128x128xi1> to vector<128x128xi32>
    %convert_element_type3A_385 = arith.sitofp %convert_element_type3A_384 : vector<128x128xi32> to vector<128x128xf32>
    %reduce_sum3A_386 = arith.constant dense<0.000000e+00> : vector<128xf32>
    %reduce_sum3A_387 = vector.multi_reduction <add>, %convert_element_type3A_385, %reduce_sum3A_386 [1] : vector<128x128xf32> to vector<128xf32>
    %broadcast_in_dim3A_388 = vector.shape_cast %reduce_sum3A_387 : vector<128xf32> to vector<128x1xf32>
    %dot_general3A_389 = arith.constant dense<0.000000e+00> : vector<128x1xf32>
    %dot_general3A_390 = tpu.matmul %convert_element_type3A_62, %broadcast_in_dim3A_388, %dot_general3A_389 {dimension_numbers = #tpu.dot_dimension_numbers<[1], [0], [0], [1], [0, 0, 1, 1], [], []>, transpose_lhs_hint = false} : vector<128x128xf32>, vector<128x1xf32>, vector<128x1xf32> -> vector<128x1xf32>
    %ge3A_391 = arith.constant 2.048000e+03 : f32
    %ge3A_392 = vector.broadcast %ge3A_391 : f32 to vector<128x1xf32>
    %ge3A_393 = arith.cmpf oge, %dot_general3A_390, %ge3A_392 : vector<128x1xf32>
    %select_n3A_394 = arith.select %ge3A_393, %or3A_378, %select_n3A_375 : vector<128x1xi1>, vector<128x1xi32>
    %or3A_395 = arith.constant 131072 : i32
    %or3A_396 = vector.broadcast %or3A_395 : i32 to vector<128x1xi32>
    %or3A_397 = arith.ori %select_n3A_394, %or3A_396 : vector<128x1xi32>
    %xor3A_398 = arith.constant -2147483648 : i32
    %xor3A_399 = vector.broadcast %xor3A_398 : i32 to vector<128x1xi32>
    %xor3A_400 = arith.xori %or3A_397, %xor3A_399 : vector<128x1xi32>
    %ge3A_401 = vector.broadcast %xor3A_400 : vector<128x1xi32> to vector<128x128xi32>
    %ge3A_402 = arith.cmpi sge, %select_n3A, %ge3A_401 : vector<128x128xi32>
    %convert_element_type3A_403 = arith.extui %ge3A_402 : vector<128x128xi1> to vector<128x128xi32>
    %convert_element_type3A_404 = arith.sitofp %convert_element_type3A_403 : vector<128x128xi32> to vector<128x128xf32>
    %reduce_sum3A_405 = arith.constant dense<0.000000e+00> : vector<128xf32>
    %reduce_sum3A_406 = vector.multi_reduction <add>, %convert_element_type3A_404, %reduce_sum3A_405 [1] : vector<128x128xf32> to vector<128xf32>
    %broadcast_in_dim3A_407 = vector.shape_cast %reduce_sum3A_406 : vector<128xf32> to vector<128x1xf32>
    %dot_general3A_408 = arith.constant dense<0.000000e+00> : vector<128x1xf32>
    %dot_general3A_409 = tpu.matmul %convert_element_type3A_62, %broadcast_in_dim3A_407, %dot_general3A_408 {dimension_numbers = #tpu.dot_dimension_numbers<[1], [0], [0], [1], [0, 0, 1, 1], [], []>, transpose_lhs_hint = false} : vector<128x128xf32>, vector<128x1xf32>, vector<128x1xf32> -> vector<128x1xf32>
    %ge3A_410 = arith.constant 2.048000e+03 : f32
    %ge3A_411 = vector.broadcast %ge3A_410 : f32 to vector<128x1xf32>
    %ge3A_412 = arith.cmpf oge, %dot_general3A_409, %ge3A_411 : vector<128x1xf32>
    %select_n3A_413 = arith.select %ge3A_412, %or3A_397, %select_n3A_394 : vector<128x1xi1>, vector<128x1xi32>
    %or3A_414 = arith.constant 65536 : i32
    %or3A_415 = vector.broadcast %or3A_414 : i32 to vector<128x1xi32>
    %or3A_416 = arith.ori %select_n3A_413, %or3A_415 : vector<128x1xi32>
    %xor3A_417 = arith.constant -2147483648 : i32
    %xor3A_418 = vector.broadcast %xor3A_417 : i32 to vector<128x1xi32>
    %xor3A_419 = arith.xori %or3A_416, %xor3A_418 : vector<128x1xi32>
    %ge3A_420 = vector.broadcast %xor3A_419 : vector<128x1xi32> to vector<128x128xi32>
    %ge3A_421 = arith.cmpi sge, %select_n3A, %ge3A_420 : vector<128x128xi32>
    %convert_element_type3A_422 = arith.extui %ge3A_421 : vector<128x128xi1> to vector<128x128xi32>
    %convert_element_type3A_423 = arith.sitofp %convert_element_type3A_422 : vector<128x128xi32> to vector<128x128xf32>
    %reduce_sum3A_424 = arith.constant dense<0.000000e+00> : vector<128xf32>
    %reduce_sum3A_425 = vector.multi_reduction <add>, %convert_element_type3A_423, %reduce_sum3A_424 [1] : vector<128x128xf32> to vector<128xf32>
    %broadcast_in_dim3A_426 = vector.shape_cast %reduce_sum3A_425 : vector<128xf32> to vector<128x1xf32>
    %dot_general3A_427 = arith.constant dense<0.000000e+00> : vector<128x1xf32>
    %dot_general3A_428 = tpu.matmul %convert_element_type3A_62, %broadcast_in_dim3A_426, %dot_general3A_427 {dimension_numbers = #tpu.dot_dimension_numbers<[1], [0], [0], [1], [0, 0, 1, 1], [], []>, transpose_lhs_hint = false} : vector<128x128xf32>, vector<128x1xf32>, vector<128x1xf32> -> vector<128x1xf32>
    %ge3A_429 = arith.constant 2.048000e+03 : f32
    %ge3A_430 = vector.broadcast %ge3A_429 : f32 to vector<128x1xf32>
    %ge3A_431 = arith.cmpf oge, %dot_general3A_428, %ge3A_430 : vector<128x1xf32>
    %select_n3A_432 = arith.select %ge3A_431, %or3A_416, %select_n3A_413 : vector<128x1xi1>, vector<128x1xi32>
    %or3A_433 = arith.constant 32768 : i32
    %or3A_434 = vector.broadcast %or3A_433 : i32 to vector<128x1xi32>
    %or3A_435 = arith.ori %select_n3A_432, %or3A_434 : vector<128x1xi32>
    %xor3A_436 = arith.constant -2147483648 : i32
    %xor3A_437 = vector.broadcast %xor3A_436 : i32 to vector<128x1xi32>
    %xor3A_438 = arith.xori %or3A_435, %xor3A_437 : vector<128x1xi32>
    %ge3A_439 = vector.broadcast %xor3A_438 : vector<128x1xi32> to vector<128x128xi32>
    %ge3A_440 = arith.cmpi sge, %select_n3A, %ge3A_439 : vector<128x128xi32>
    %convert_element_type3A_441 = arith.extui %ge3A_440 : vector<128x128xi1> to vector<128x128xi32>
    %convert_element_type3A_442 = arith.sitofp %convert_element_type3A_441 : vector<128x128xi32> to vector<128x128xf32>
    %reduce_sum3A_443 = arith.constant dense<0.000000e+00> : vector<128xf32>
    %reduce_sum3A_444 = vector.multi_reduction <add>, %convert_element_type3A_442, %reduce_sum3A_443 [1] : vector<128x128xf32> to vector<128xf32>
    %broadcast_in_dim3A_445 = vector.shape_cast %reduce_sum3A_444 : vector<128xf32> to vector<128x1xf32>
    %dot_general3A_446 = arith.constant dense<0.000000e+00> : vector<128x1xf32>
    %dot_general3A_447 = tpu.matmul %convert_element_type3A_62, %broadcast_in_dim3A_445, %dot_general3A_446 {dimension_numbers = #tpu.dot_dimension_numbers<[1], [0], [0], [1], [0, 0, 1, 1], [], []>, transpose_lhs_hint = false} : vector<128x128xf32>, vector<128x1xf32>, vector<128x1xf32> -> vector<128x1xf32>
    %ge3A_448 = arith.constant 2.048000e+03 : f32
    %ge3A_449 = vector.broadcast %ge3A_448 : f32 to vector<128x1xf32>
    %ge3A_450 = arith.cmpf oge, %dot_general3A_447, %ge3A_449 : vector<128x1xf32>
    %select_n3A_451 = arith.select %ge3A_450, %or3A_435, %select_n3A_432 : vector<128x1xi1>, vector<128x1xi32>
    %or3A_452 = arith.constant 16384 : i32
    %or3A_453 = vector.broadcast %or3A_452 : i32 to vector<128x1xi32>
    %or3A_454 = arith.ori %select_n3A_451, %or3A_453 : vector<128x1xi32>
    %xor3A_455 = arith.constant -2147483648 : i32
    %xor3A_456 = vector.broadcast %xor3A_455 : i32 to vector<128x1xi32>
    %xor3A_457 = arith.xori %or3A_454, %xor3A_456 : vector<128x1xi32>
    %ge3A_458 = vector.broadcast %xor3A_457 : vector<128x1xi32> to vector<128x128xi32>
    %ge3A_459 = arith.cmpi sge, %select_n3A, %ge3A_458 : vector<128x128xi32>
    %convert_element_type3A_460 = arith.extui %ge3A_459 : vector<128x128xi1> to vector<128x128xi32>
    %convert_element_type3A_461 = arith.sitofp %convert_element_type3A_460 : vector<128x128xi32> to vector<128x128xf32>
    %reduce_sum3A_462 = arith.constant dense<0.000000e+00> : vector<128xf32>
    %reduce_sum3A_463 = vector.multi_reduction <add>, %convert_element_type3A_461, %reduce_sum3A_462 [1] : vector<128x128xf32> to vector<128xf32>
    %broadcast_in_dim3A_464 = vector.shape_cast %reduce_sum3A_463 : vector<128xf32> to vector<128x1xf32>
    %dot_general3A_465 = arith.constant dense<0.000000e+00> : vector<128x1xf32>
    %dot_general3A_466 = tpu.matmul %convert_element_type3A_62, %broadcast_in_dim3A_464, %dot_general3A_465 {dimension_numbers = #tpu.dot_dimension_numbers<[1], [0], [0], [1], [0, 0, 1, 1], [], []>, transpose_lhs_hint = false} : vector<128x128xf32>, vector<128x1xf32>, vector<128x1xf32> -> vector<128x1xf32>
    %ge3A_467 = arith.constant 2.048000e+03 : f32
    %ge3A_468 = vector.broadcast %ge3A_467 : f32 to vector<128x1xf32>
    %ge3A_469 = arith.cmpf oge, %dot_general3A_466, %ge3A_468 : vector<128x1xf32>
    %select_n3A_470 = arith.select %ge3A_469, %or3A_454, %select_n3A_451 : vector<128x1xi1>, vector<128x1xi32>
    %or3A_471 = arith.constant 8192 : i32
    %or3A_472 = vector.broadcast %or3A_471 : i32 to vector<128x1xi32>
    %or3A_473 = arith.ori %select_n3A_470, %or3A_472 : vector<128x1xi32>
    %xor3A_474 = arith.constant -2147483648 : i32
    %xor3A_475 = vector.broadcast %xor3A_474 : i32 to vector<128x1xi32>
    %xor3A_476 = arith.xori %or3A_473, %xor3A_475 : vector<128x1xi32>
    %ge3A_477 = vector.broadcast %xor3A_476 : vector<128x1xi32> to vector<128x128xi32>
    %ge3A_478 = arith.cmpi sge, %select_n3A, %ge3A_477 : vector<128x128xi32>
    %convert_element_type3A_479 = arith.extui %ge3A_478 : vector<128x128xi1> to vector<128x128xi32>
    %convert_element_type3A_480 = arith.sitofp %convert_element_type3A_479 : vector<128x128xi32> to vector<128x128xf32>
    %reduce_sum3A_481 = arith.constant dense<0.000000e+00> : vector<128xf32>
    %reduce_sum3A_482 = vector.multi_reduction <add>, %convert_element_type3A_480, %reduce_sum3A_481 [1] : vector<128x128xf32> to vector<128xf32>
    %broadcast_in_dim3A_483 = vector.shape_cast %reduce_sum3A_482 : vector<128xf32> to vector<128x1xf32>
    %dot_general3A_484 = arith.constant dense<0.000000e+00> : vector<128x1xf32>
    %dot_general3A_485 = tpu.matmul %convert_element_type3A_62, %broadcast_in_dim3A_483, %dot_general3A_484 {dimension_numbers = #tpu.dot_dimension_numbers<[1], [0], [0], [1], [0, 0, 1, 1], [], []>, transpose_lhs_hint = false} : vector<128x128xf32>, vector<128x1xf32>, vector<128x1xf32> -> vector<128x1xf32>
    %ge3A_486 = arith.constant 2.048000e+03 : f32
    %ge3A_487 = vector.broadcast %ge3A_486 : f32 to vector<128x1xf32>
    %ge3A_488 = arith.cmpf oge, %dot_general3A_485, %ge3A_487 : vector<128x1xf32>
    %select_n3A_489 = arith.select %ge3A_488, %or3A_473, %select_n3A_470 : vector<128x1xi1>, vector<128x1xi32>
    %or3A_490 = arith.constant 4096 : i32
    %or3A_491 = vector.broadcast %or3A_490 : i32 to vector<128x1xi32>
    %or3A_492 = arith.ori %select_n3A_489, %or3A_491 : vector<128x1xi32>
    %xor3A_493 = arith.constant -2147483648 : i32
    %xor3A_494 = vector.broadcast %xor3A_493 : i32 to vector<128x1xi32>
    %xor3A_495 = arith.xori %or3A_492, %xor3A_494 : vector<128x1xi32>
    %ge3A_496 = vector.broadcast %xor3A_495 : vector<128x1xi32> to vector<128x128xi32>
    %ge3A_497 = arith.cmpi sge, %select_n3A, %ge3A_496 : vector<128x128xi32>
    %convert_element_type3A_498 = arith.extui %ge3A_497 : vector<128x128xi1> to vector<128x128xi32>
    %convert_element_type3A_499 = arith.sitofp %convert_element_type3A_498 : vector<128x128xi32> to vector<128x128xf32>
    %reduce_sum3A_500 = arith.constant dense<0.000000e+00> : vector<128xf32>
    %reduce_sum3A_501 = vector.multi_reduction <add>, %convert_element_type3A_499, %reduce_sum3A_500 [1] : vector<128x128xf32> to vector<128xf32>
    %broadcast_in_dim3A_502 = vector.shape_cast %reduce_sum3A_501 : vector<128xf32> to vector<128x1xf32>
    %dot_general3A_503 = arith.constant dense<0.000000e+00> : vector<128x1xf32>
    %dot_general3A_504 = tpu.matmul %convert_element_type3A_62, %broadcast_in_dim3A_502, %dot_general3A_503 {dimension_numbers = #tpu.dot_dimension_numbers<[1], [0], [0], [1], [0, 0, 1, 1], [], []>, transpose_lhs_hint = false} : vector<128x128xf32>, vector<128x1xf32>, vector<128x1xf32> -> vector<128x1xf32>
    %ge3A_505 = arith.constant 2.048000e+03 : f32
    %ge3A_506 = vector.broadcast %ge3A_505 : f32 to vector<128x1xf32>
    %ge3A_507 = arith.cmpf oge, %dot_general3A_504, %ge3A_506 : vector<128x1xf32>
    %select_n3A_508 = arith.select %ge3A_507, %or3A_492, %select_n3A_489 : vector<128x1xi1>, vector<128x1xi32>
    %or3A_509 = arith.constant 2048 : i32
    %or3A_510 = vector.broadcast %or3A_509 : i32 to vector<128x1xi32>
    %or3A_511 = arith.ori %select_n3A_508, %or3A_510 : vector<128x1xi32>
    %xor3A_512 = arith.constant -2147483648 : i32
    %xor3A_513 = vector.broadcast %xor3A_512 : i32 to vector<128x1xi32>
    %xor3A_514 = arith.xori %or3A_511, %xor3A_513 : vector<128x1xi32>
    %ge3A_515 = vector.broadcast %xor3A_514 : vector<128x1xi32> to vector<128x128xi32>
    %ge3A_516 = arith.cmpi sge, %select_n3A, %ge3A_515 : vector<128x128xi32>
    %convert_element_type3A_517 = arith.extui %ge3A_516 : vector<128x128xi1> to vector<128x128xi32>
    %convert_element_type3A_518 = arith.sitofp %convert_element_type3A_517 : vector<128x128xi32> to vector<128x128xf32>
    %reduce_sum3A_519 = arith.constant dense<0.000000e+00> : vector<128xf32>
    %reduce_sum3A_520 = vector.multi_reduction <add>, %convert_element_type3A_518, %reduce_sum3A_519 [1] : vector<128x128xf32> to vector<128xf32>
    %broadcast_in_dim3A_521 = vector.shape_cast %reduce_sum3A_520 : vector<128xf32> to vector<128x1xf32>
    %dot_general3A_522 = arith.constant dense<0.000000e+00> : vector<128x1xf32>
    %dot_general3A_523 = tpu.matmul %convert_element_type3A_62, %broadcast_in_dim3A_521, %dot_general3A_522 {dimension_numbers = #tpu.dot_dimension_numbers<[1], [0], [0], [1], [0, 0, 1, 1], [], []>, transpose_lhs_hint = false} : vector<128x128xf32>, vector<128x1xf32>, vector<128x1xf32> -> vector<128x1xf32>
    %ge3A_524 = arith.constant 2.048000e+03 : f32
    %ge3A_525 = vector.broadcast %ge3A_524 : f32 to vector<128x1xf32>
    %ge3A_526 = arith.cmpf oge, %dot_general3A_523, %ge3A_525 : vector<128x1xf32>
    %select_n3A_527 = arith.select %ge3A_526, %or3A_511, %select_n3A_508 : vector<128x1xi1>, vector<128x1xi32>
    %or3A_528 = arith.constant 1024 : i32
    %or3A_529 = vector.broadcast %or3A_528 : i32 to vector<128x1xi32>
    %or3A_530 = arith.ori %select_n3A_527, %or3A_529 : vector<128x1xi32>
    %xor3A_531 = arith.constant -2147483648 : i32
    %xor3A_532 = vector.broadcast %xor3A_531 : i32 to vector<128x1xi32>
    %xor3A_533 = arith.xori %or3A_530, %xor3A_532 : vector<128x1xi32>
    %ge3A_534 = vector.broadcast %xor3A_533 : vector<128x1xi32> to vector<128x128xi32>
    %ge3A_535 = arith.cmpi sge, %select_n3A, %ge3A_534 : vector<128x128xi32>
    %convert_element_type3A_536 = arith.extui %ge3A_535 : vector<128x128xi1> to vector<128x128xi32>
    %convert_element_type3A_537 = arith.sitofp %convert_element_type3A_536 : vector<128x128xi32> to vector<128x128xf32>
    %reduce_sum3A_538 = arith.constant dense<0.000000e+00> : vector<128xf32>
    %reduce_sum3A_539 = vector.multi_reduction <add>, %convert_element_type3A_537, %reduce_sum3A_538 [1] : vector<128x128xf32> to vector<128xf32>
    %broadcast_in_dim3A_540 = vector.shape_cast %reduce_sum3A_539 : vector<128xf32> to vector<128x1xf32>
    %dot_general3A_541 = arith.constant dense<0.000000e+00> : vector<128x1xf32>
    %dot_general3A_542 = tpu.matmul %convert_element_type3A_62, %broadcast_in_dim3A_540, %dot_general3A_541 {dimension_numbers = #tpu.dot_dimension_numbers<[1], [0], [0], [1], [0, 0, 1, 1], [], []>, transpose_lhs_hint = false} : vector<128x128xf32>, vector<128x1xf32>, vector<128x1xf32> -> vector<128x1xf32>
    %ge3A_543 = arith.constant 2.048000e+03 : f32
    %ge3A_544 = vector.broadcast %ge3A_543 : f32 to vector<128x1xf32>
    %ge3A_545 = arith.cmpf oge, %dot_general3A_542, %ge3A_544 : vector<128x1xf32>
    %select_n3A_546 = arith.select %ge3A_545, %or3A_530, %select_n3A_527 : vector<128x1xi1>, vector<128x1xi32>
    %or3A_547 = arith.constant 512 : i32
    %or3A_548 = vector.broadcast %or3A_547 : i32 to vector<128x1xi32>
    %or3A_549 = arith.ori %select_n3A_546, %or3A_548 : vector<128x1xi32>
    %xor3A_550 = arith.constant -2147483648 : i32
    %xor3A_551 = vector.broadcast %xor3A_550 : i32 to vector<128x1xi32>
    %xor3A_552 = arith.xori %or3A_549, %xor3A_551 : vector<128x1xi32>
    %ge3A_553 = vector.broadcast %xor3A_552 : vector<128x1xi32> to vector<128x128xi32>
    %ge3A_554 = arith.cmpi sge, %select_n3A, %ge3A_553 : vector<128x128xi32>
    %convert_element_type3A_555 = arith.extui %ge3A_554 : vector<128x128xi1> to vector<128x128xi32>
    %convert_element_type3A_556 = arith.sitofp %convert_element_type3A_555 : vector<128x128xi32> to vector<128x128xf32>
    %reduce_sum3A_557 = arith.constant dense<0.000000e+00> : vector<128xf32>
    %reduce_sum3A_558 = vector.multi_reduction <add>, %convert_element_type3A_556, %reduce_sum3A_557 [1] : vector<128x128xf32> to vector<128xf32>
    %broadcast_in_dim3A_559 = vector.shape_cast %reduce_sum3A_558 : vector<128xf32> to vector<128x1xf32>
    %dot_general3A_560 = arith.constant dense<0.000000e+00> : vector<128x1xf32>
    %dot_general3A_561 = tpu.matmul %convert_element_type3A_62, %broadcast_in_dim3A_559, %dot_general3A_560 {dimension_numbers = #tpu.dot_dimension_numbers<[1], [0], [0], [1], [0, 0, 1, 1], [], []>, transpose_lhs_hint = false} : vector<128x128xf32>, vector<128x1xf32>, vector<128x1xf32> -> vector<128x1xf32>
    %ge3A_562 = arith.constant 2.048000e+03 : f32
    %ge3A_563 = vector.broadcast %ge3A_562 : f32 to vector<128x1xf32>
    %ge3A_564 = arith.cmpf oge, %dot_general3A_561, %ge3A_563 : vector<128x1xf32>
    %select_n3A_565 = arith.select %ge3A_564, %or3A_549, %select_n3A_546 : vector<128x1xi1>, vector<128x1xi32>
    %or3A_566 = arith.constant 256 : i32
    %or3A_567 = vector.broadcast %or3A_566 : i32 to vector<128x1xi32>
    %or3A_568 = arith.ori %select_n3A_565, %or3A_567 : vector<128x1xi32>
    %xor3A_569 = arith.constant -2147483648 : i32
    %xor3A_570 = vector.broadcast %xor3A_569 : i32 to vector<128x1xi32>
    %xor3A_571 = arith.xori %or3A_568, %xor3A_570 : vector<128x1xi32>
    %ge3A_572 = vector.broadcast %xor3A_571 : vector<128x1xi32> to vector<128x128xi32>
    %ge3A_573 = arith.cmpi sge, %select_n3A, %ge3A_572 : vector<128x128xi32>
    %convert_element_type3A_574 = arith.extui %ge3A_573 : vector<128x128xi1> to vector<128x128xi32>
    %convert_element_type3A_575 = arith.sitofp %convert_element_type3A_574 : vector<128x128xi32> to vector<128x128xf32>
    %reduce_sum3A_576 = arith.constant dense<0.000000e+00> : vector<128xf32>
    %reduce_sum3A_577 = vector.multi_reduction <add>, %convert_element_type3A_575, %reduce_sum3A_576 [1] : vector<128x128xf32> to vector<128xf32>
    %broadcast_in_dim3A_578 = vector.shape_cast %reduce_sum3A_577 : vector<128xf32> to vector<128x1xf32>
    %dot_general3A_579 = arith.constant dense<0.000000e+00> : vector<128x1xf32>
    %dot_general3A_580 = tpu.matmul %convert_element_type3A_62, %broadcast_in_dim3A_578, %dot_general3A_579 {dimension_numbers = #tpu.dot_dimension_numbers<[1], [0], [0], [1], [0, 0, 1, 1], [], []>, transpose_lhs_hint = false} : vector<128x128xf32>, vector<128x1xf32>, vector<128x1xf32> -> vector<128x1xf32>
    %ge3A_581 = arith.constant 2.048000e+03 : f32
    %ge3A_582 = vector.broadcast %ge3A_581 : f32 to vector<128x1xf32>
    %ge3A_583 = arith.cmpf oge, %dot_general3A_580, %ge3A_582 : vector<128x1xf32>
    %select_n3A_584 = arith.select %ge3A_583, %or3A_568, %select_n3A_565 : vector<128x1xi1>, vector<128x1xi32>
    %or3A_585 = arith.constant 128 : i32
    %or3A_586 = vector.broadcast %or3A_585 : i32 to vector<128x1xi32>
    %or3A_587 = arith.ori %select_n3A_584, %or3A_586 : vector<128x1xi32>
    %xor3A_588 = arith.constant -2147483648 : i32
    %xor3A_589 = vector.broadcast %xor3A_588 : i32 to vector<128x1xi32>
    %xor3A_590 = arith.xori %or3A_587, %xor3A_589 : vector<128x1xi32>
    %ge3A_591 = vector.broadcast %xor3A_590 : vector<128x1xi32> to vector<128x128xi32>
    %ge3A_592 = arith.cmpi sge, %select_n3A, %ge3A_591 : vector<128x128xi32>
    %convert_element_type3A_593 = arith.extui %ge3A_592 : vector<128x128xi1> to vector<128x128xi32>
    %convert_element_type3A_594 = arith.sitofp %convert_element_type3A_593 : vector<128x128xi32> to vector<128x128xf32>
    %reduce_sum3A_595 = arith.constant dense<0.000000e+00> : vector<128xf32>
    %reduce_sum3A_596 = vector.multi_reduction <add>, %convert_element_type3A_594, %reduce_sum3A_595 [1] : vector<128x128xf32> to vector<128xf32>
    %broadcast_in_dim3A_597 = vector.shape_cast %reduce_sum3A_596 : vector<128xf32> to vector<128x1xf32>
    %dot_general3A_598 = arith.constant dense<0.000000e+00> : vector<128x1xf32>
    %dot_general3A_599 = tpu.matmul %convert_element_type3A_62, %broadcast_in_dim3A_597, %dot_general3A_598 {dimension_numbers = #tpu.dot_dimension_numbers<[1], [0], [0], [1], [0, 0, 1, 1], [], []>, transpose_lhs_hint = false} : vector<128x128xf32>, vector<128x1xf32>, vector<128x1xf32> -> vector<128x1xf32>
    %ge3A_600 = arith.constant 2.048000e+03 : f32
    %ge3A_601 = vector.broadcast %ge3A_600 : f32 to vector<128x1xf32>
    %ge3A_602 = arith.cmpf oge, %dot_general3A_599, %ge3A_601 : vector<128x1xf32>
    %select_n3A_603 = arith.select %ge3A_602, %or3A_587, %select_n3A_584 : vector<128x1xi1>, vector<128x1xi32>
    %or3A_604 = arith.constant 64 : i32
    %or3A_605 = vector.broadcast %or3A_604 : i32 to vector<128x1xi32>
    %or3A_606 = arith.ori %select_n3A_603, %or3A_605 : vector<128x1xi32>
    %xor3A_607 = arith.constant -2147483648 : i32
    %xor3A_608 = vector.broadcast %xor3A_607 : i32 to vector<128x1xi32>
    %xor3A_609 = arith.xori %or3A_606, %xor3A_608 : vector<128x1xi32>
    %ge3A_610 = vector.broadcast %xor3A_609 : vector<128x1xi32> to vector<128x128xi32>
    %ge3A_611 = arith.cmpi sge, %select_n3A, %ge3A_610 : vector<128x128xi32>
    %convert_element_type3A_612 = arith.extui %ge3A_611 : vector<128x128xi1> to vector<128x128xi32>
    %convert_element_type3A_613 = arith.sitofp %convert_element_type3A_612 : vector<128x128xi32> to vector<128x128xf32>
    %reduce_sum3A_614 = arith.constant dense<0.000000e+00> : vector<128xf32>
    %reduce_sum3A_615 = vector.multi_reduction <add>, %convert_element_type3A_613, %reduce_sum3A_614 [1] : vector<128x128xf32> to vector<128xf32>
    %broadcast_in_dim3A_616 = vector.shape_cast %reduce_sum3A_615 : vector<128xf32> to vector<128x1xf32>
    %dot_general3A_617 = arith.constant dense<0.000000e+00> : vector<128x1xf32>
    %dot_general3A_618 = tpu.matmul %convert_element_type3A_62, %broadcast_in_dim3A_616, %dot_general3A_617 {dimension_numbers = #tpu.dot_dimension_numbers<[1], [0], [0], [1], [0, 0, 1, 1], [], []>, transpose_lhs_hint = false} : vector<128x128xf32>, vector<128x1xf32>, vector<128x1xf32> -> vector<128x1xf32>
    %ge3A_619 = arith.constant 2.048000e+03 : f32
    %ge3A_620 = vector.broadcast %ge3A_619 : f32 to vector<128x1xf32>
    %ge3A_621 = arith.cmpf oge, %dot_general3A_618, %ge3A_620 : vector<128x1xf32>
    %select_n3A_622 = arith.select %ge3A_621, %or3A_606, %select_n3A_603 : vector<128x1xi1>, vector<128x1xi32>
    %or3A_623 = arith.constant 32 : i32
    %or3A_624 = vector.broadcast %or3A_623 : i32 to vector<128x1xi32>
    %or3A_625 = arith.ori %select_n3A_622, %or3A_624 : vector<128x1xi32>
    %xor3A_626 = arith.constant -2147483648 : i32
    %xor3A_627 = vector.broadcast %xor3A_626 : i32 to vector<128x1xi32>
    %xor3A_628 = arith.xori %or3A_625, %xor3A_627 : vector<128x1xi32>
    %ge3A_629 = vector.broadcast %xor3A_628 : vector<128x1xi32> to vector<128x128xi32>
    %ge3A_630 = arith.cmpi sge, %select_n3A, %ge3A_629 : vector<128x128xi32>
    %convert_element_type3A_631 = arith.extui %ge3A_630 : vector<128x128xi1> to vector<128x128xi32>
    %convert_element_type3A_632 = arith.sitofp %convert_element_type3A_631 : vector<128x128xi32> to vector<128x128xf32>
    %reduce_sum3A_633 = arith.constant dense<0.000000e+00> : vector<128xf32>
    %reduce_sum3A_634 = vector.multi_reduction <add>, %convert_element_type3A_632, %reduce_sum3A_633 [1] : vector<128x128xf32> to vector<128xf32>
    %broadcast_in_dim3A_635 = vector.shape_cast %reduce_sum3A_634 : vector<128xf32> to vector<128x1xf32>
    %dot_general3A_636 = arith.constant dense<0.000000e+00> : vector<128x1xf32>
    %dot_general3A_637 = tpu.matmul %convert_element_type3A_62, %broadcast_in_dim3A_635, %dot_general3A_636 {dimension_numbers = #tpu.dot_dimension_numbers<[1], [0], [0], [1], [0, 0, 1, 1], [], []>, transpose_lhs_hint = false} : vector<128x128xf32>, vector<128x1xf32>, vector<128x1xf32> -> vector<128x1xf32>
    %ge3A_638 = arith.constant 2.048000e+03 : f32
    %ge3A_639 = vector.broadcast %ge3A_638 : f32 to vector<128x1xf32>
    %ge3A_640 = arith.cmpf oge, %dot_general3A_637, %ge3A_639 : vector<128x1xf32>
    %select_n3A_641 = arith.select %ge3A_640, %or3A_625, %select_n3A_622 : vector<128x1xi1>, vector<128x1xi32>
    %or3A_642 = arith.constant 16 : i32
    %or3A_643 = vector.broadcast %or3A_642 : i32 to vector<128x1xi32>
    %or3A_644 = arith.ori %select_n3A_641, %or3A_643 : vector<128x1xi32>
    %xor3A_645 = arith.constant -2147483648 : i32
    %xor3A_646 = vector.broadcast %xor3A_645 : i32 to vector<128x1xi32>
    %xor3A_647 = arith.xori %or3A_644, %xor3A_646 : vector<128x1xi32>
    %ge3A_648 = vector.broadcast %xor3A_647 : vector<128x1xi32> to vector<128x128xi32>
    %ge3A_649 = arith.cmpi sge, %select_n3A, %ge3A_648 : vector<128x128xi32>
    %convert_element_type3A_650 = arith.extui %ge3A_649 : vector<128x128xi1> to vector<128x128xi32>
    %convert_element_type3A_651 = arith.sitofp %convert_element_type3A_650 : vector<128x128xi32> to vector<128x128xf32>
    %reduce_sum3A_652 = arith.constant dense<0.000000e+00> : vector<128xf32>
    %reduce_sum3A_653 = vector.multi_reduction <add>, %convert_element_type3A_651, %reduce_sum3A_652 [1] : vector<128x128xf32> to vector<128xf32>
    %broadcast_in_dim3A_654 = vector.shape_cast %reduce_sum3A_653 : vector<128xf32> to vector<128x1xf32>
    %dot_general3A_655 = arith.constant dense<0.000000e+00> : vector<128x1xf32>
    %dot_general3A_656 = tpu.matmul %convert_element_type3A_62, %broadcast_in_dim3A_654, %dot_general3A_655 {dimension_numbers = #tpu.dot_dimension_numbers<[1], [0], [0], [1], [0, 0, 1, 1], [], []>, transpose_lhs_hint = false} : vector<128x128xf32>, vector<128x1xf32>, vector<128x1xf32> -> vector<128x1xf32>
    %ge3A_657 = arith.constant 2.048000e+03 : f32
    %ge3A_658 = vector.broadcast %ge3A_657 : f32 to vector<128x1xf32>
    %ge3A_659 = arith.cmpf oge, %dot_general3A_656, %ge3A_658 : vector<128x1xf32>
    %select_n3A_660 = arith.select %ge3A_659, %or3A_644, %select_n3A_641 : vector<128x1xi1>, vector<128x1xi32>
    %or3A_661 = arith.constant 8 : i32
    %or3A_662 = vector.broadcast %or3A_661 : i32 to vector<128x1xi32>
    %or3A_663 = arith.ori %select_n3A_660, %or3A_662 : vector<128x1xi32>
    %xor3A_664 = arith.constant -2147483648 : i32
    %xor3A_665 = vector.broadcast %xor3A_664 : i32 to vector<128x1xi32>
    %xor3A_666 = arith.xori %or3A_663, %xor3A_665 : vector<128x1xi32>
    %ge3A_667 = vector.broadcast %xor3A_666 : vector<128x1xi32> to vector<128x128xi32>
    %ge3A_668 = arith.cmpi sge, %select_n3A, %ge3A_667 : vector<128x128xi32>
    %convert_element_type3A_669 = arith.extui %ge3A_668 : vector<128x128xi1> to vector<128x128xi32>
    %convert_element_type3A_670 = arith.sitofp %convert_element_type3A_669 : vector<128x128xi32> to vector<128x128xf32>
    %reduce_sum3A_671 = arith.constant dense<0.000000e+00> : vector<128xf32>
    %reduce_sum3A_672 = vector.multi_reduction <add>, %convert_element_type3A_670, %reduce_sum3A_671 [1] : vector<128x128xf32> to vector<128xf32>
    %broadcast_in_dim3A_673 = vector.shape_cast %reduce_sum3A_672 : vector<128xf32> to vector<128x1xf32>
    %dot_general3A_674 = arith.constant dense<0.000000e+00> : vector<128x1xf32>
    %dot_general3A_675 = tpu.matmul %convert_element_type3A_62, %broadcast_in_dim3A_673, %dot_general3A_674 {dimension_numbers = #tpu.dot_dimension_numbers<[1], [0], [0], [1], [0, 0, 1, 1], [], []>, transpose_lhs_hint = false} : vector<128x128xf32>, vector<128x1xf32>, vector<128x1xf32> -> vector<128x1xf32>
    %ge3A_676 = arith.constant 2.048000e+03 : f32
    %ge3A_677 = vector.broadcast %ge3A_676 : f32 to vector<128x1xf32>
    %ge3A_678 = arith.cmpf oge, %dot_general3A_675, %ge3A_677 : vector<128x1xf32>
    %select_n3A_679 = arith.select %ge3A_678, %or3A_663, %select_n3A_660 : vector<128x1xi1>, vector<128x1xi32>
    %or3A_680 = arith.constant 4 : i32
    %or3A_681 = vector.broadcast %or3A_680 : i32 to vector<128x1xi32>
    %or3A_682 = arith.ori %select_n3A_679, %or3A_681 : vector<128x1xi32>
    %xor3A_683 = arith.constant -2147483648 : i32
    %xor3A_684 = vector.broadcast %xor3A_683 : i32 to vector<128x1xi32>
    %xor3A_685 = arith.xori %or3A_682, %xor3A_684 : vector<128x1xi32>
    %ge3A_686 = vector.broadcast %xor3A_685 : vector<128x1xi32> to vector<128x128xi32>
    %ge3A_687 = arith.cmpi sge, %select_n3A, %ge3A_686 : vector<128x128xi32>
    %convert_element_type3A_688 = arith.extui %ge3A_687 : vector<128x128xi1> to vector<128x128xi32>
    %convert_element_type3A_689 = arith.sitofp %convert_element_type3A_688 : vector<128x128xi32> to vector<128x128xf32>
    %reduce_sum3A_690 = arith.constant dense<0.000000e+00> : vector<128xf32>
    %reduce_sum3A_691 = vector.multi_reduction <add>, %convert_element_type3A_689, %reduce_sum3A_690 [1] : vector<128x128xf32> to vector<128xf32>
    %broadcast_in_dim3A_692 = vector.shape_cast %reduce_sum3A_691 : vector<128xf32> to vector<128x1xf32>
    %dot_general3A_693 = arith.constant dense<0.000000e+00> : vector<128x1xf32>
    %dot_general3A_694 = tpu.matmul %convert_element_type3A_62, %broadcast_in_dim3A_692, %dot_general3A_693 {dimension_numbers = #tpu.dot_dimension_numbers<[1], [0], [0], [1], [0, 0, 1, 1], [], []>, transpose_lhs_hint = false} : vector<128x128xf32>, vector<128x1xf32>, vector<128x1xf32> -> vector<128x1xf32>
    %ge3A_695 = arith.constant 2.048000e+03 : f32
    %ge3A_696 = vector.broadcast %ge3A_695 : f32 to vector<128x1xf32>
    %ge3A_697 = arith.cmpf oge, %dot_general3A_694, %ge3A_696 : vector<128x1xf32>
    %select_n3A_698 = arith.select %ge3A_697, %or3A_682, %select_n3A_679 : vector<128x1xi1>, vector<128x1xi32>
    %or3A_699 = arith.constant 2 : i32
    %or3A_700 = vector.broadcast %or3A_699 : i32 to vector<128x1xi32>
    %or3A_701 = arith.ori %select_n3A_698, %or3A_700 : vector<128x1xi32>
    %xor3A_702 = arith.constant -2147483648 : i32
    %xor3A_703 = vector.broadcast %xor3A_702 : i32 to vector<128x1xi32>
    %xor3A_704 = arith.xori %or3A_701, %xor3A_703 : vector<128x1xi32>
    %ge3A_705 = vector.broadcast %xor3A_704 : vector<128x1xi32> to vector<128x128xi32>
    %ge3A_706 = arith.cmpi sge, %select_n3A, %ge3A_705 : vector<128x128xi32>
    %convert_element_type3A_707 = arith.extui %ge3A_706 : vector<128x128xi1> to vector<128x128xi32>
    %convert_element_type3A_708 = arith.sitofp %convert_element_type3A_707 : vector<128x128xi32> to vector<128x128xf32>
    %reduce_sum3A_709 = arith.constant dense<0.000000e+00> : vector<128xf32>
    %reduce_sum3A_710 = vector.multi_reduction <add>, %convert_element_type3A_708, %reduce_sum3A_709 [1] : vector<128x128xf32> to vector<128xf32>
    %broadcast_in_dim3A_711 = vector.shape_cast %reduce_sum3A_710 : vector<128xf32> to vector<128x1xf32>
    %dot_general3A_712 = arith.constant dense<0.000000e+00> : vector<128x1xf32>
    %dot_general3A_713 = tpu.matmul %convert_element_type3A_62, %broadcast_in_dim3A_711, %dot_general3A_712 {dimension_numbers = #tpu.dot_dimension_numbers<[1], [0], [0], [1], [0, 0, 1, 1], [], []>, transpose_lhs_hint = false} : vector<128x128xf32>, vector<128x1xf32>, vector<128x1xf32> -> vector<128x1xf32>
    %ge3A_714 = arith.constant 2.048000e+03 : f32
    %ge3A_715 = vector.broadcast %ge3A_714 : f32 to vector<128x1xf32>
    %ge3A_716 = arith.cmpf oge, %dot_general3A_713, %ge3A_715 : vector<128x1xf32>
    %select_n3A_717 = arith.select %ge3A_716, %or3A_701, %select_n3A_698 : vector<128x1xi1>, vector<128x1xi32>
    %or3A_718 = arith.constant 1 : i32
    %or3A_719 = vector.broadcast %or3A_718 : i32 to vector<128x1xi32>
    %or3A_720 = arith.ori %select_n3A_717, %or3A_719 : vector<128x1xi32>
    %xor3A_721 = arith.constant -2147483648 : i32
    %xor3A_722 = vector.broadcast %xor3A_721 : i32 to vector<128x1xi32>
    %xor3A_723 = arith.xori %or3A_720, %xor3A_722 : vector<128x1xi32>
    %ge3A_724 = vector.broadcast %xor3A_723 : vector<128x1xi32> to vector<128x128xi32>
    %ge3A_725 = arith.cmpi sge, %select_n3A, %ge3A_724 : vector<128x128xi32>
    %convert_element_type3A_726 = arith.extui %ge3A_725 : vector<128x128xi1> to vector<128x128xi32>
    %convert_element_type3A_727 = arith.sitofp %convert_element_type3A_726 : vector<128x128xi32> to vector<128x128xf32>
    %reduce_sum3A_728 = arith.constant dense<0.000000e+00> : vector<128xf32>
    %reduce_sum3A_729 = vector.multi_reduction <add>, %convert_element_type3A_727, %reduce_sum3A_728 [1] : vector<128x128xf32> to vector<128xf32>
    %broadcast_in_dim3A_730 = vector.shape_cast %reduce_sum3A_729 : vector<128xf32> to vector<128x1xf32>
    %dot_general3A_731 = arith.constant dense<0.000000e+00> : vector<128x1xf32>
    %dot_general3A_732 = tpu.matmul %convert_element_type3A_62, %broadcast_in_dim3A_730, %dot_general3A_731 {dimension_numbers = #tpu.dot_dimension_numbers<[1], [0], [0], [1], [0, 0, 1, 1], [], []>, transpose_lhs_hint = false} : vector<128x128xf32>, vector<128x1xf32>, vector<128x1xf32> -> vector<128x1xf32>
    %ge3A_733 = arith.constant 2.048000e+03 : f32
    %ge3A_734 = vector.broadcast %ge3A_733 : f32 to vector<128x1xf32>
    %ge3A_735 = arith.cmpf oge, %dot_general3A_732, %ge3A_734 : vector<128x1xf32>
    %select_n3A_736 = arith.select %ge3A_735, %or3A_720, %select_n3A_717 : vector<128x1xi1>, vector<128x1xi32>
    %xor3A_737 = arith.constant -2147483648 : i32
    %xor3A_738 = vector.broadcast %xor3A_737 : i32 to vector<128x1xi32>
    %xor3A_739 = arith.xori %select_n3A_736, %xor3A_738 : vector<128x1xi32>
    %gt3A = vector.broadcast %xor3A_739 : vector<128x1xi32> to vector<128x128xi32>
    %gt3A_740 = arith.cmpi sgt, %select_n3A, %gt3A : vector<128x128xi32>
    %convert_element_type3A_741 = arith.extui %gt3A_740 : vector<128x128xi1> to vector<128x128xi32>
    %convert_element_type3A_742 = arith.sitofp %convert_element_type3A_741 : vector<128x128xi32> to vector<128x128xf32>
    %eq3A_743 = vector.broadcast %xor3A_739 : vector<128x1xi32> to vector<128x128xi32>
    %eq3A_744 = arith.cmpi eq, %select_n3A, %eq3A_743 : vector<128x128xi32>
    %convert_element_type3A_745 = arith.extui %eq3A_744 : vector<128x128xi1> to vector<128x128xi32>
    %convert_element_type3A_746 = arith.sitofp %convert_element_type3A_745 : vector<128x128xi32> to vector<128x128xf32>
    %reduce_sum3A_747 = arith.constant dense<0.000000e+00> : vector<128xf32>
    %reduce_sum3A_748 = vector.multi_reduction <add>, %convert_element_type3A_742, %reduce_sum3A_747 [1] : vector<128x128xf32> to vector<128xf32>
    %broadcast_in_dim3A_749 = vector.shape_cast %reduce_sum3A_748 : vector<128xf32> to vector<128x1xf32>
    %dot_general3A_750 = arith.constant dense<0.000000e+00> : vector<128x1xf32>
    %dot_general3A_751 = tpu.matmul %convert_element_type3A_62, %broadcast_in_dim3A_749, %dot_general3A_750 {dimension_numbers = #tpu.dot_dimension_numbers<[1], [0], [0], [1], [0, 0, 1, 1], [], []>, transpose_lhs_hint = false} : vector<128x128xf32>, vector<128x1xf32>, vector<128x1xf32> -> vector<128x1xf32>
    %sub3A_752 = arith.constant 2.048000e+03 : f32
    %sub3A_753 = vector.broadcast %sub3A_752 : f32 to vector<128x1xf32>
    %sub3A_754 = arith.subf %sub3A_753, %dot_general3A_751 : vector<128x1xf32>
    %dot_general3A_755 = arith.constant dense<0.000000e+00> : vector<128x128xf32>
    %dot_general3A_756 = tpu.matmul %convert_element_type3A_746, %convert_element_type3A_64, %dot_general3A_755 {dimension_numbers = #tpu.dot_dimension_numbers<[1], [0], [0], [1], [0, 0, 1, 1], [], []>, transpose_lhs_hint = false} : vector<128x128xf32>, vector<128x128xf32>, vector<128x128xf32> -> vector<128x128xf32>
    %reduce_sum3A_757 = arith.constant dense<0.000000e+00> : vector<128xf32>
    %reduce_sum3A_758 = vector.multi_reduction <add>, %convert_element_type3A_746, %reduce_sum3A_757 [1] : vector<128x128xf32> to vector<128xf32>
    %broadcast_in_dim3A_759 = vector.shape_cast %reduce_sum3A_758 : vector<128xf32> to vector<128x1xf32>
    %dot_general3A_760 = arith.constant dense<0.000000e+00> : vector<128x1xf32>
    %dot_general3A_761 = tpu.matmul %convert_element_type3A_131, %broadcast_in_dim3A_759, %dot_general3A_760 {dimension_numbers = #tpu.dot_dimension_numbers<[1], [0], [0], [1], [0, 0, 1, 1], [], []>, transpose_lhs_hint = false} : vector<128x128xf32>, vector<128x1xf32>, vector<128x1xf32> -> vector<128x1xf32>
    %add3A = vector.broadcast %dot_general3A_761 : vector<128x1xf32> to vector<128x128xf32>
    %add3A_762 = arith.addf %dot_general3A_756, %add3A : vector<128x128xf32>
    %le3A_763 = vector.broadcast %sub3A_754 : vector<128x1xf32> to vector<128x128xf32>
    %le3A_764 = arith.cmpf ole, %add3A_762, %le3A_763 : vector<128x128xf32>
    %convert_element_type3A_765 = arith.extui %le3A_764 : vector<128x128xi1> to vector<128x128xi32>
    %convert_element_type3A_766 = arith.sitofp %convert_element_type3A_765 : vector<128x128xi32> to vector<128x128xf32>
    %mul3A = arith.mulf %convert_element_type3A_746, %convert_element_type3A_766 : vector<128x128xf32>
    %max3A = arith.maximumf %convert_element_type3A_742, %mul3A : vector<128x128xf32>
    %dot_general3A_767 = arith.constant dense<0.000000e+00> : vector<128x128xf32>
    %dot_general3A_768 = tpu.matmul %max3A, %convert_element_type3A_64, %dot_general3A_767 {dimension_numbers = #tpu.dot_dimension_numbers<[1], [0], [0], [1], [0, 0, 1, 1], [], []>, transpose_lhs_hint = false} : vector<128x128xf32>, vector<128x128xf32>, vector<128x128xf32> -> vector<128x128xf32>
    %reduce_sum3A_769 = arith.constant dense<0.000000e+00> : vector<128xf32>
    %reduce_sum3A_770 = vector.multi_reduction <add>, %max3A, %reduce_sum3A_769 [1] : vector<128x128xf32> to vector<128xf32>
    %broadcast_in_dim3A_771 = vector.shape_cast %reduce_sum3A_770 : vector<128xf32> to vector<128x1xf32>
    %dot_general3A_772 = arith.constant dense<0.000000e+00> : vector<128x1xf32>
    %dot_general3A_773 = tpu.matmul %convert_element_type3A_131, %broadcast_in_dim3A_771, %dot_general3A_772 {dimension_numbers = #tpu.dot_dimension_numbers<[1], [0], [0], [1], [0, 0, 1, 1], [], []>, transpose_lhs_hint = false} : vector<128x128xf32>, vector<128x1xf32>, vector<128x1xf32> -> vector<128x1xf32>
    %add3A_774 = vector.broadcast %dot_general3A_773 : vector<128x1xf32> to vector<128x128xf32>
    %add3A_775 = arith.addf %dot_general3A_768, %add3A_774 : vector<128x128xf32>
    %iota3A_776 = tpu.iota {dimensions = array<i32: 0>} : vector<128x1xi32>
    %convert_element_type3A_777 = arith.sitofp %iota3A_776 : vector<128x1xi32> to vector<128x1xf32>
    %slice3A = vector.extract_strided_slice %add3A_775 {offsets = [0, 0], sizes = [32, 128], strides = [1, 1]} : vector<128x128xf32> to vector<32x128xf32>
    %reshape3A = vector.shape_cast %slice3A : vector<32x128xf32> to vector<1x4096xf32>
    %add3A_778 = arith.constant 0.000000e+00 : f32
    %add3A_779 = vector.broadcast %add3A_778 : f32 to vector<128x1xf32>
    %add3A_780 = arith.addf %convert_element_type3A_777, %add3A_779 : vector<128x1xf32>
    %le3A_781 = vector.broadcast %reshape3A : vector<1x4096xf32> to vector<128x4096xf32>
    %le3A_782 = vector.broadcast %add3A_780 : vector<128x1xf32> to vector<128x4096xf32>
    %le3A_783 = arith.cmpf ole, %le3A_781, %le3A_782 : vector<128x4096xf32>
    %convert_element_type3A_784 = arith.extui %le3A_783 : vector<128x4096xi1> to vector<128x4096xi32>
    %convert_element_type3A_785 = arith.sitofp %convert_element_type3A_784 : vector<128x4096xi32> to vector<128x4096xf32>
    %reduce_sum3A_786 = arith.constant dense<0.000000e+00> : vector<128xf32>
    %reduce_sum3A_787 = vector.multi_reduction <add>, %convert_element_type3A_785, %reduce_sum3A_786 [1] : vector<128x4096xf32> to vector<128xf32>
    %broadcast_in_dim3A_788 = vector.shape_cast %reduce_sum3A_787 : vector<128xf32> to vector<128x1xf32>
    %convert_element_type3A_789 = arith.fptosi %broadcast_in_dim3A_788 : vector<128x1xf32> to vector<128x1xi32>
    %add3A_790 = arith.constant 0 : i32
    %add3A_791 = vector.broadcast %add3A_790 : i32 to vector<128x1xi32>
    %add3A_792 = arith.addi %convert_element_type3A_789, %add3A_791 : vector<128x1xi32>
    %swap3A = arith.constant 0 : index
    %swap3A_793 = arith.constant 0 : index
    %swap3A_794 = vector.load %arg1[%swap3A, %swap3A_793] : memref<128x64xi32, #tpu.memory_space<vmem>>, vector<128x1xi32>
    tpu.vector_store %arg1[%swap3A, %swap3A_793], %add3A_792 {strides = array<i32>} : memref<128x64xi32, #tpu.memory_space<vmem>>, vector<128x1xi32>,
    %add3A_795 = arith.constant 1.280000e+02 : f32
    %add3A_796 = vector.broadcast %add3A_795 : f32 to vector<128x1xf32>
    %add3A_797 = arith.addf %convert_element_type3A_777, %add3A_796 : vector<128x1xf32>
    %le3A_798 = vector.broadcast %reshape3A : vector<1x4096xf32> to vector<128x4096xf32>
    %le3A_799 = vector.broadcast %add3A_797 : vector<128x1xf32> to vector<128x4096xf32>
    %le3A_800 = arith.cmpf ole, %le3A_798, %le3A_799 : vector<128x4096xf32>
    %convert_element_type3A_801 = arith.extui %le3A_800 : vector<128x4096xi1> to vector<128x4096xi32>
    %convert_element_type3A_802 = arith.sitofp %convert_element_type3A_801 : vector<128x4096xi32> to vector<128x4096xf32>
    %reduce_sum3A_803 = arith.constant dense<0.000000e+00> : vector<128xf32>
    %reduce_sum3A_804 = vector.multi_reduction <add>, %convert_element_type3A_802, %reduce_sum3A_803 [1] : vector<128x4096xf32> to vector<128xf32>
    %broadcast_in_dim3A_805 = vector.shape_cast %reduce_sum3A_804 : vector<128xf32> to vector<128x1xf32>
    %convert_element_type3A_806 = arith.fptosi %broadcast_in_dim3A_805 : vector<128x1xf32> to vector<128x1xi32>
    %add3A_807 = arith.constant 0 : i32
    %add3A_808 = vector.broadcast %add3A_807 : i32 to vector<128x1xi32>
    %add3A_809 = arith.addi %convert_element_type3A_806, %add3A_808 : vector<128x1xi32>
    %swap3A_810 = arith.constant 0 : index
    %swap3A_811 = arith.constant 1 : index
    %swap3A_812 = vector.load %arg1[%swap3A_810, %swap3A_811] : memref<128x64xi32, #tpu.memory_space<vmem>>, vector<128x1xi32>
    tpu.vector_store %arg1[%swap3A_810, %swap3A_811], %add3A_809 {strides = array<i32>} : memref<128x64xi32, #tpu.memory_space<vmem>>, vector<128x1xi32>,
    %add3A_813 = arith.constant 2.560000e+02 : f32
    %add3A_814 = vector.broadcast %add3A_813 : f32 to vector<128x1xf32>
    %add3A_815 = arith.addf %convert_element_type3A_777, %add3A_814 : vector<128x1xf32>
    %le3A_816 = vector.broadcast %reshape3A : vector<1x4096xf32> to vector<128x4096xf32>
    %le3A_817 = vector.broadcast %add3A_815 : vector<128x1xf32> to vector<128x4096xf32>
    %le3A_818 = arith.cmpf ole, %le3A_816, %le3A_817 : vector<128x4096xf32>
    %convert_element_type3A_819 = arith.extui %le3A_818 : vector<128x4096xi1> to vector<128x4096xi32>
    %convert_element_type3A_820 = arith.sitofp %convert_element_type3A_819 : vector<128x4096xi32> to vector<128x4096xf32>
    %reduce_sum3A_821 = arith.constant dense<0.000000e+00> : vector<128xf32>
    %reduce_sum3A_822 = vector.multi_reduction <add>, %convert_element_type3A_820, %reduce_sum3A_821 [1] : vector<128x4096xf32> to vector<128xf32>
    %broadcast_in_dim3A_823 = vector.shape_cast %reduce_sum3A_822 : vector<128xf32> to vector<128x1xf32>
    %convert_element_type3A_824 = arith.fptosi %broadcast_in_dim3A_823 : vector<128x1xf32> to vector<128x1xi32>
    %add3A_825 = arith.constant 0 : i32
    %add3A_826 = vector.broadcast %add3A_825 : i32 to vector<128x1xi32>
    %add3A_827 = arith.addi %convert_element_type3A_824, %add3A_826 : vector<128x1xi32>
    %swap3A_828 = arith.constant 0 : index
    %swap3A_829 = arith.constant 2 : index
    %swap3A_830 = vector.load %arg1[%swap3A_828, %swap3A_829] : memref<128x64xi32, #tpu.memory_space<vmem>>, vector<128x1xi32>
    tpu.vector_store %arg1[%swap3A_828, %swap3A_829], %add3A_827 {strides = array<i32>} : memref<128x64xi32, #tpu.memory_space<vmem>>, vector<128x1xi32>,
    %add3A_831 = arith.constant 3.840000e+02 : f32
    %add3A_832 = vector.broadcast %add3A_831 : f32 to vector<128x1xf32>
    %add3A_833 = arith.addf %convert_element_type3A_777, %add3A_832 : vector<128x1xf32>
    %le3A_834 = vector.broadcast %reshape3A : vector<1x4096xf32> to vector<128x4096xf32>
    %le3A_835 = vector.broadcast %add3A_833 : vector<128x1xf32> to vector<128x4096xf32>
    %le3A_836 = arith.cmpf ole, %le3A_834, %le3A_835 : vector<128x4096xf32>
    %convert_element_type3A_837 = arith.extui %le3A_836 : vector<128x4096xi1> to vector<128x4096xi32>
    %convert_element_type3A_838 = arith.sitofp %convert_element_type3A_837 : vector<128x4096xi32> to vector<128x4096xf32>
    %reduce_sum3A_839 = arith.constant dense<0.000000e+00> : vector<128xf32>
    %reduce_sum3A_840 = vector.multi_reduction <add>, %convert_element_type3A_838, %reduce_sum3A_839 [1] : vector<128x4096xf32> to vector<128xf32>
    %broadcast_in_dim3A_841 = vector.shape_cast %reduce_sum3A_840 : vector<128xf32> to vector<128x1xf32>
    %convert_element_type3A_842 = arith.fptosi %broadcast_in_dim3A_841 : vector<128x1xf32> to vector<128x1xi32>
    %add3A_843 = arith.constant 0 : i32
    %add3A_844 = vector.broadcast %add3A_843 : i32 to vector<128x1xi32>
    %add3A_845 = arith.addi %convert_element_type3A_842, %add3A_844 : vector<128x1xi32>
    %swap3A_846 = arith.constant 0 : index
    %swap3A_847 = arith.constant 3 : index
    %swap3A_848 = vector.load %arg1[%swap3A_846, %swap3A_847] : memref<128x64xi32, #tpu.memory_space<vmem>>, vector<128x1xi32>
    tpu.vector_store %arg1[%swap3A_846, %swap3A_847], %add3A_845 {strides = array<i32>} : memref<128x64xi32, #tpu.memory_space<vmem>>, vector<128x1xi32>,
    %add3A_849 = arith.constant 5.120000e+02 : f32
    %add3A_850 = vector.broadcast %add3A_849 : f32 to vector<128x1xf32>
    %add3A_851 = arith.addf %convert_element_type3A_777, %add3A_850 : vector<128x1xf32>
    %le3A_852 = vector.broadcast %reshape3A : vector<1x4096xf32> to vector<128x4096xf32>
    %le3A_853 = vector.broadcast %add3A_851 : vector<128x1xf32> to vector<128x4096xf32>
    %le3A_854 = arith.cmpf ole, %le3A_852, %le3A_853 : vector<128x4096xf32>
    %convert_element_type3A_855 = arith.extui %le3A_854 : vector<128x4096xi1> to vector<128x4096xi32>
    %convert_element_type3A_856 = arith.sitofp %convert_element_type3A_855 : vector<128x4096xi32> to vector<128x4096xf32>
    %reduce_sum3A_857 = arith.constant dense<0.000000e+00> : vector<128xf32>
    %reduce_sum3A_858 = vector.multi_reduction <add>, %convert_element_type3A_856, %reduce_sum3A_857 [1] : vector<128x4096xf32> to vector<128xf32>
    %broadcast_in_dim3A_859 = vector.shape_cast %reduce_sum3A_858 : vector<128xf32> to vector<128x1xf32>
    %convert_element_type3A_860 = arith.fptosi %broadcast_in_dim3A_859 : vector<128x1xf32> to vector<128x1xi32>
    %add3A_861 = arith.constant 0 : i32
    %add3A_862 = vector.broadcast %add3A_861 : i32 to vector<128x1xi32>
    %add3A_863 = arith.addi %convert_element_type3A_860, %add3A_862 : vector<128x1xi32>
    %swap3A_864 = arith.constant 0 : index
    %swap3A_865 = arith.constant 4 : index
    %swap3A_866 = vector.load %arg1[%swap3A_864, %swap3A_865] : memref<128x64xi32, #tpu.memory_space<vmem>>, vector<128x1xi32>
    tpu.vector_store %arg1[%swap3A_864, %swap3A_865], %add3A_863 {strides = array<i32>} : memref<128x64xi32, #tpu.memory_space<vmem>>, vector<128x1xi32>,
    %add3A_867 = arith.constant 6.400000e+02 : f32
    %add3A_868 = vector.broadcast %add3A_867 : f32 to vector<128x1xf32>
    %add3A_869 = arith.addf %convert_element_type3A_777, %add3A_868 : vector<128x1xf32>
    %le3A_870 = vector.broadcast %reshape3A : vector<1x4096xf32> to vector<128x4096xf32>
    %le3A_871 = vector.broadcast %add3A_869 : vector<128x1xf32> to vector<128x4096xf32>
    %le3A_872 = arith.cmpf ole, %le3A_870, %le3A_871 : vector<128x4096xf32>
    %convert_element_type3A_873 = arith.extui %le3A_872 : vector<128x4096xi1> to vector<128x4096xi32>
    %convert_element_type3A_874 = arith.sitofp %convert_element_type3A_873 : vector<128x4096xi32> to vector<128x4096xf32>
    %reduce_sum3A_875 = arith.constant dense<0.000000e+00> : vector<128xf32>
    %reduce_sum3A_876 = vector.multi_reduction <add>, %convert_element_type3A_874, %reduce_sum3A_875 [1] : vector<128x4096xf32> to vector<128xf32>
    %broadcast_in_dim3A_877 = vector.shape_cast %reduce_sum3A_876 : vector<128xf32> to vector<128x1xf32>
    %convert_element_type3A_878 = arith.fptosi %broadcast_in_dim3A_877 : vector<128x1xf32> to vector<128x1xi32>
    %add3A_879 = arith.constant 0 : i32
    %add3A_880 = vector.broadcast %add3A_879 : i32 to vector<128x1xi32>
    %add3A_881 = arith.addi %convert_element_type3A_878, %add3A_880 : vector<128x1xi32>
    %swap3A_882 = arith.constant 0 : index
    %swap3A_883 = arith.constant 5 : index
    %swap3A_884 = vector.load %arg1[%swap3A_882, %swap3A_883] : memref<128x64xi32, #tpu.memory_space<vmem>>, vector<128x1xi32>
    tpu.vector_store %arg1[%swap3A_882, %swap3A_883], %add3A_881 {strides = array<i32>} : memref<128x64xi32, #tpu.memory_space<vmem>>, vector<128x1xi32>,
    %add3A_885 = arith.constant 7.680000e+02 : f32
    %add3A_886 = vector.broadcast %add3A_885 : f32 to vector<128x1xf32>
    %add3A_887 = arith.addf %convert_element_type3A_777, %add3A_886 : vector<128x1xf32>
    %le3A_888 = vector.broadcast %reshape3A : vector<1x4096xf32> to vector<128x4096xf32>
    %le3A_889 = vector.broadcast %add3A_887 : vector<128x1xf32> to vector<128x4096xf32>
    %le3A_890 = arith.cmpf ole, %le3A_888, %le3A_889 : vector<128x4096xf32>
    %convert_element_type3A_891 = arith.extui %le3A_890 : vector<128x4096xi1> to vector<128x4096xi32>
    %convert_element_type3A_892 = arith.sitofp %convert_element_type3A_891 : vector<128x4096xi32> to vector<128x4096xf32>
    %reduce_sum3A_893 = arith.constant dense<0.000000e+00> : vector<128xf32>
    %reduce_sum3A_894 = vector.multi_reduction <add>, %convert_element_type3A_892, %reduce_sum3A_893 [1] : vector<128x4096xf32> to vector<128xf32>
    %broadcast_in_dim3A_895 = vector.shape_cast %reduce_sum3A_894 : vector<128xf32> to vector<128x1xf32>
    %convert_element_type3A_896 = arith.fptosi %broadcast_in_dim3A_895 : vector<128x1xf32> to vector<128x1xi32>
    %add3A_897 = arith.constant 0 : i32
    %add3A_898 = vector.broadcast %add3A_897 : i32 to vector<128x1xi32>
    %add3A_899 = arith.addi %convert_element_type3A_896, %add3A_898 : vector<128x1xi32>
    %swap3A_900 = arith.constant 0 : index
    %swap3A_901 = arith.constant 6 : index
    %swap3A_902 = vector.load %arg1[%swap3A_900, %swap3A_901] : memref<128x64xi32, #tpu.memory_space<vmem>>, vector<128x1xi32>
    tpu.vector_store %arg1[%swap3A_900, %swap3A_901], %add3A_899 {strides = array<i32>} : memref<128x64xi32, #tpu.memory_space<vmem>>, vector<128x1xi32>,
    %add3A_903 = arith.constant 8.960000e+02 : f32
    %add3A_904 = vector.broadcast %add3A_903 : f32 to vector<128x1xf32>
    %add3A_905 = arith.addf %convert_element_type3A_777, %add3A_904 : vector<128x1xf32>
    %le3A_906 = vector.broadcast %reshape3A : vector<1x4096xf32> to vector<128x4096xf32>
    %le3A_907 = vector.broadcast %add3A_905 : vector<128x1xf32> to vector<128x4096xf32>
    %le3A_908 = arith.cmpf ole, %le3A_906, %le3A_907 : vector<128x4096xf32>
    %convert_element_type3A_909 = arith.extui %le3A_908 : vector<128x4096xi1> to vector<128x4096xi32>
    %convert_element_type3A_910 = arith.sitofp %convert_element_type3A_909 : vector<128x4096xi32> to vector<128x4096xf32>
    %reduce_sum3A_911 = arith.constant dense<0.000000e+00> : vector<128xf32>
    %reduce_sum3A_912 = vector.multi_reduction <add>, %convert_element_type3A_910, %reduce_sum3A_911 [1] : vector<128x4096xf32> to vector<128xf32>
    %broadcast_in_dim3A_913 = vector.shape_cast %reduce_sum3A_912 : vector<128xf32> to vector<128x1xf32>
    %convert_element_type3A_914 = arith.fptosi %broadcast_in_dim3A_913 : vector<128x1xf32> to vector<128x1xi32>
    %add3A_915 = arith.constant 0 : i32
    %add3A_916 = vector.broadcast %add3A_915 : i32 to vector<128x1xi32>
    %add3A_917 = arith.addi %convert_element_type3A_914, %add3A_916 : vector<128x1xi32>
    %swap3A_918 = arith.constant 0 : index
    %swap3A_919 = arith.constant 7 : index
    %swap3A_920 = vector.load %arg1[%swap3A_918, %swap3A_919] : memref<128x64xi32, #tpu.memory_space<vmem>>, vector<128x1xi32>
    tpu.vector_store %arg1[%swap3A_918, %swap3A_919], %add3A_917 {strides = array<i32>} : memref<128x64xi32, #tpu.memory_space<vmem>>, vector<128x1xi32>,
    %add3A_921 = arith.constant 1.024000e+03 : f32
    %add3A_922 = vector.broadcast %add3A_921 : f32 to vector<128x1xf32>
    %add3A_923 = arith.addf %convert_element_type3A_777, %add3A_922 : vector<128x1xf32>
    %le3A_924 = vector.broadcast %reshape3A : vector<1x4096xf32> to vector<128x4096xf32>
    %le3A_925 = vector.broadcast %add3A_923 : vector<128x1xf32> to vector<128x4096xf32>
    %le3A_926 = arith.cmpf ole, %le3A_924, %le3A_925 : vector<128x4096xf32>
    %convert_element_type3A_927 = arith.extui %le3A_926 : vector<128x4096xi1> to vector<128x4096xi32>
    %convert_element_type3A_928 = arith.sitofp %convert_element_type3A_927 : vector<128x4096xi32> to vector<128x4096xf32>
    %reduce_sum3A_929 = arith.constant dense<0.000000e+00> : vector<128xf32>
    %reduce_sum3A_930 = vector.multi_reduction <add>, %convert_element_type3A_928, %reduce_sum3A_929 [1] : vector<128x4096xf32> to vector<128xf32>
    %broadcast_in_dim3A_931 = vector.shape_cast %reduce_sum3A_930 : vector<128xf32> to vector<128x1xf32>
    %convert_element_type3A_932 = arith.fptosi %broadcast_in_dim3A_931 : vector<128x1xf32> to vector<128x1xi32>
    %add3A_933 = arith.constant 0 : i32
    %add3A_934 = vector.broadcast %add3A_933 : i32 to vector<128x1xi32>
    %add3A_935 = arith.addi %convert_element_type3A_932, %add3A_934 : vector<128x1xi32>
    %swap3A_936 = arith.constant 0 : index
    %swap3A_937 = arith.constant 8 : index
    %swap3A_938 = vector.load %arg1[%swap3A_936, %swap3A_937] : memref<128x64xi32, #tpu.memory_space<vmem>>, vector<128x1xi32>
    tpu.vector_store %arg1[%swap3A_936, %swap3A_937], %add3A_935 {strides = array<i32>} : memref<128x64xi32, #tpu.memory_space<vmem>>, vector<128x1xi32>,
    %add3A_939 = arith.constant 1.152000e+03 : f32
    %add3A_940 = vector.broadcast %add3A_939 : f32 to vector<128x1xf32>
    %add3A_941 = arith.addf %convert_element_type3A_777, %add3A_940 : vector<128x1xf32>
    %le3A_942 = vector.broadcast %reshape3A : vector<1x4096xf32> to vector<128x4096xf32>
    %le3A_943 = vector.broadcast %add3A_941 : vector<128x1xf32> to vector<128x4096xf32>
    %le3A_944 = arith.cmpf ole, %le3A_942, %le3A_943 : vector<128x4096xf32>
    %convert_element_type3A_945 = arith.extui %le3A_944 : vector<128x4096xi1> to vector<128x4096xi32>
    %convert_element_type3A_946 = arith.sitofp %convert_element_type3A_945 : vector<128x4096xi32> to vector<128x4096xf32>
    %reduce_sum3A_947 = arith.constant dense<0.000000e+00> : vector<128xf32>
    %reduce_sum3A_948 = vector.multi_reduction <add>, %convert_element_type3A_946, %reduce_sum3A_947 [1] : vector<128x4096xf32> to vector<128xf32>
    %broadcast_in_dim3A_949 = vector.shape_cast %reduce_sum3A_948 : vector<128xf32> to vector<128x1xf32>
    %convert_element_type3A_950 = arith.fptosi %broadcast_in_dim3A_949 : vector<128x1xf32> to vector<128x1xi32>
    %add3A_951 = arith.constant 0 : i32
    %add3A_952 = vector.broadcast %add3A_951 : i32 to vector<128x1xi32>
    %add3A_953 = arith.addi %convert_element_type3A_950, %add3A_952 : vector<128x1xi32>
    %swap3A_954 = arith.constant 0 : index
    %swap3A_955 = arith.constant 9 : index
    %swap3A_956 = vector.load %arg1[%swap3A_954, %swap3A_955] : memref<128x64xi32, #tpu.memory_space<vmem>>, vector<128x1xi32>
    tpu.vector_store %arg1[%swap3A_954, %swap3A_955], %add3A_953 {strides = array<i32>} : memref<128x64xi32, #tpu.memory_space<vmem>>, vector<128x1xi32>,
    %add3A_957 = arith.constant 1.280000e+03 : f32
    %add3A_958 = vector.broadcast %add3A_957 : f32 to vector<128x1xf32>
    %add3A_959 = arith.addf %convert_element_type3A_777, %add3A_958 : vector<128x1xf32>
    %le3A_960 = vector.broadcast %reshape3A : vector<1x4096xf32> to vector<128x4096xf32>
    %le3A_961 = vector.broadcast %add3A_959 : vector<128x1xf32> to vector<128x4096xf32>
    %le3A_962 = arith.cmpf ole, %le3A_960, %le3A_961 : vector<128x4096xf32>
    %convert_element_type3A_963 = arith.extui %le3A_962 : vector<128x4096xi1> to vector<128x4096xi32>
    %convert_element_type3A_964 = arith.sitofp %convert_element_type3A_963 : vector<128x4096xi32> to vector<128x4096xf32>
    %reduce_sum3A_965 = arith.constant dense<0.000000e+00> : vector<128xf32>
    %reduce_sum3A_966 = vector.multi_reduction <add>, %convert_element_type3A_964, %reduce_sum3A_965 [1] : vector<128x4096xf32> to vector<128xf32>
    %broadcast_in_dim3A_967 = vector.shape_cast %reduce_sum3A_966 : vector<128xf32> to vector<128x1xf32>
    %convert_element_type3A_968 = arith.fptosi %broadcast_in_dim3A_967 : vector<128x1xf32> to vector<128x1xi32>
    %add3A_969 = arith.constant 0 : i32
    %add3A_970 = vector.broadcast %add3A_969 : i32 to vector<128x1xi32>
    %add3A_971 = arith.addi %convert_element_type3A_968, %add3A_970 : vector<128x1xi32>
    %swap3A_972 = arith.constant 0 : index
    %swap3A_973 = arith.constant 10 : index
    %swap3A_974 = vector.load %arg1[%swap3A_972, %swap3A_973] : memref<128x64xi32, #tpu.memory_space<vmem>>, vector<128x1xi32>
    tpu.vector_store %arg1[%swap3A_972, %swap3A_973], %add3A_971 {strides = array<i32>} : memref<128x64xi32, #tpu.memory_space<vmem>>, vector<128x1xi32>,
    %add3A_975 = arith.constant 1.408000e+03 : f32
    %add3A_976 = vector.broadcast %add3A_975 : f32 to vector<128x1xf32>
    %add3A_977 = arith.addf %convert_element_type3A_777, %add3A_976 : vector<128x1xf32>
    %le3A_978 = vector.broadcast %reshape3A : vector<1x4096xf32> to vector<128x4096xf32>
    %le3A_979 = vector.broadcast %add3A_977 : vector<128x1xf32> to vector<128x4096xf32>
    %le3A_980 = arith.cmpf ole, %le3A_978, %le3A_979 : vector<128x4096xf32>
    %convert_element_type3A_981 = arith.extui %le3A_980 : vector<128x4096xi1> to vector<128x4096xi32>
    %convert_element_type3A_982 = arith.sitofp %convert_element_type3A_981 : vector<128x4096xi32> to vector<128x4096xf32>
    %reduce_sum3A_983 = arith.constant dense<0.000000e+00> : vector<128xf32>
    %reduce_sum3A_984 = vector.multi_reduction <add>, %convert_element_type3A_982, %reduce_sum3A_983 [1] : vector<128x4096xf32> to vector<128xf32>
    %broadcast_in_dim3A_985 = vector.shape_cast %reduce_sum3A_984 : vector<128xf32> to vector<128x1xf32>
    %convert_element_type3A_986 = arith.fptosi %broadcast_in_dim3A_985 : vector<128x1xf32> to vector<128x1xi32>
    %add3A_987 = arith.constant 0 : i32
    %add3A_988 = vector.broadcast %add3A_987 : i32 to vector<128x1xi32>
    %add3A_989 = arith.addi %convert_element_type3A_986, %add3A_988 : vector<128x1xi32>
    %swap3A_990 = arith.constant 0 : index
    %swap3A_991 = arith.constant 11 : index
    %swap3A_992 = vector.load %arg1[%swap3A_990, %swap3A_991] : memref<128x64xi32, #tpu.memory_space<vmem>>, vector<128x1xi32>
    tpu.vector_store %arg1[%swap3A_990, %swap3A_991], %add3A_989 {strides = array<i32>} : memref<128x64xi32, #tpu.memory_space<vmem>>, vector<128x1xi32>,
    %add3A_993 = arith.constant 1.536000e+03 : f32
    %add3A_994 = vector.broadcast %add3A_993 : f32 to vector<128x1xf32>
    %add3A_995 = arith.addf %convert_element_type3A_777, %add3A_994 : vector<128x1xf32>
    %le3A_996 = vector.broadcast %reshape3A : vector<1x4096xf32> to vector<128x4096xf32>
    %le3A_997 = vector.broadcast %add3A_995 : vector<128x1xf32> to vector<128x4096xf32>
    %le3A_998 = arith.cmpf ole, %le3A_996, %le3A_997 : vector<128x4096xf32>
    %convert_element_type3A_999 = arith.extui %le3A_998 : vector<128x4096xi1> to vector<128x4096xi32>
    %convert_element_type3A_1000 = arith.sitofp %convert_element_type3A_999 : vector<128x4096xi32> to vector<128x4096xf32>
    %reduce_sum3A_1001 = arith.constant dense<0.000000e+00> : vector<128xf32>
    %reduce_sum3A_1002 = vector.multi_reduction <add>, %convert_element_type3A_1000, %reduce_sum3A_1001 [1] : vector<128x4096xf32> to vector<128xf32>
    %broadcast_in_dim3A_1003 = vector.shape_cast %reduce_sum3A_1002 : vector<128xf32> to vector<128x1xf32>
    %convert_element_type3A_1004 = arith.fptosi %broadcast_in_dim3A_1003 : vector<128x1xf32> to vector<128x1xi32>
    %add3A_1005 = arith.constant 0 : i32
    %add3A_1006 = vector.broadcast %add3A_1005 : i32 to vector<128x1xi32>
    %add3A_1007 = arith.addi %convert_element_type3A_1004, %add3A_1006 : vector<128x1xi32>
    %swap3A_1008 = arith.constant 0 : index
    %swap3A_1009 = arith.constant 12 : index
    %swap3A_1010 = vector.load %arg1[%swap3A_1008, %swap3A_1009] : memref<128x64xi32, #tpu.memory_space<vmem>>, vector<128x1xi32>
    tpu.vector_store %arg1[%swap3A_1008, %swap3A_1009], %add3A_1007 {strides = array<i32>} : memref<128x64xi32, #tpu.memory_space<vmem>>, vector<128x1xi32>,
    %add3A_1011 = arith.constant 1.664000e+03 : f32
    %add3A_1012 = vector.broadcast %add3A_1011 : f32 to vector<128x1xf32>
    %add3A_1013 = arith.addf %convert_element_type3A_777, %add3A_1012 : vector<128x1xf32>
    %le3A_1014 = vector.broadcast %reshape3A : vector<1x4096xf32> to vector<128x4096xf32>
    %le3A_1015 = vector.broadcast %add3A_1013 : vector<128x1xf32> to vector<128x4096xf32>
    %le3A_1016 = arith.cmpf ole, %le3A_1014, %le3A_1015 : vector<128x4096xf32>
    %convert_element_type3A_1017 = arith.extui %le3A_1016 : vector<128x4096xi1> to vector<128x4096xi32>
    %convert_element_type3A_1018 = arith.sitofp %convert_element_type3A_1017 : vector<128x4096xi32> to vector<128x4096xf32>
    %reduce_sum3A_1019 = arith.constant dense<0.000000e+00> : vector<128xf32>
    %reduce_sum3A_1020 = vector.multi_reduction <add>, %convert_element_type3A_1018, %reduce_sum3A_1019 [1] : vector<128x4096xf32> to vector<128xf32>
    %broadcast_in_dim3A_1021 = vector.shape_cast %reduce_sum3A_1020 : vector<128xf32> to vector<128x1xf32>
    %convert_element_type3A_1022 = arith.fptosi %broadcast_in_dim3A_1021 : vector<128x1xf32> to vector<128x1xi32>
    %add3A_1023 = arith.constant 0 : i32
    %add3A_1024 = vector.broadcast %add3A_1023 : i32 to vector<128x1xi32>
    %add3A_1025 = arith.addi %convert_element_type3A_1022, %add3A_1024 : vector<128x1xi32>
    %swap3A_1026 = arith.constant 0 : index
    %swap3A_1027 = arith.constant 13 : index
    %swap3A_1028 = vector.load %arg1[%swap3A_1026, %swap3A_1027] : memref<128x64xi32, #tpu.memory_space<vmem>>, vector<128x1xi32>
    tpu.vector_store %arg1[%swap3A_1026, %swap3A_1027], %add3A_1025 {strides = array<i32>} : memref<128x64xi32, #tpu.memory_space<vmem>>, vector<128x1xi32>,
    %add3A_1029 = arith.constant 1.792000e+03 : f32
    %add3A_1030 = vector.broadcast %add3A_1029 : f32 to vector<128x1xf32>
    %add3A_1031 = arith.addf %convert_element_type3A_777, %add3A_1030 : vector<128x1xf32>
    %le3A_1032 = vector.broadcast %reshape3A : vector<1x4096xf32> to vector<128x4096xf32>
    %le3A_1033 = vector.broadcast %add3A_1031 : vector<128x1xf32> to vector<128x4096xf32>
    %le3A_1034 = arith.cmpf ole, %le3A_1032, %le3A_1033 : vector<128x4096xf32>
    %convert_element_type3A_1035 = arith.extui %le3A_1034 : vector<128x4096xi1> to vector<128x4096xi32>
    %convert_element_type3A_1036 = arith.sitofp %convert_element_type3A_1035 : vector<128x4096xi32> to vector<128x4096xf32>
    %reduce_sum3A_1037 = arith.constant dense<0.000000e+00> : vector<128xf32>
    %reduce_sum3A_1038 = vector.multi_reduction <add>, %convert_element_type3A_1036, %reduce_sum3A_1037 [1] : vector<128x4096xf32> to vector<128xf32>
    %broadcast_in_dim3A_1039 = vector.shape_cast %reduce_sum3A_1038 : vector<128xf32> to vector<128x1xf32>
    %convert_element_type3A_1040 = arith.fptosi %broadcast_in_dim3A_1039 : vector<128x1xf32> to vector<128x1xi32>
    %add3A_1041 = arith.constant 0 : i32
    %add3A_1042 = vector.broadcast %add3A_1041 : i32 to vector<128x1xi32>
    %add3A_1043 = arith.addi %convert_element_type3A_1040, %add3A_1042 : vector<128x1xi32>
    %swap3A_1044 = arith.constant 0 : index
    %swap3A_1045 = arith.constant 14 : index
    %swap3A_1046 = vector.load %arg1[%swap3A_1044, %swap3A_1045] : memref<128x64xi32, #tpu.memory_space<vmem>>, vector<128x1xi32>
    tpu.vector_store %arg1[%swap3A_1044, %swap3A_1045], %add3A_1043 {strides = array<i32>} : memref<128x64xi32, #tpu.memory_space<vmem>>, vector<128x1xi32>,
    %add3A_1047 = arith.constant 1.920000e+03 : f32
    %add3A_1048 = vector.broadcast %add3A_1047 : f32 to vector<128x1xf32>
    %add3A_1049 = arith.addf %convert_element_type3A_777, %add3A_1048 : vector<128x1xf32>
    %le3A_1050 = vector.broadcast %reshape3A : vector<1x4096xf32> to vector<128x4096xf32>
    %le3A_1051 = vector.broadcast %add3A_1049 : vector<128x1xf32> to vector<128x4096xf32>
    %le3A_1052 = arith.cmpf ole, %le3A_1050, %le3A_1051 : vector<128x4096xf32>
    %convert_element_type3A_1053 = arith.extui %le3A_1052 : vector<128x4096xi1> to vector<128x4096xi32>
    %convert_element_type3A_1054 = arith.sitofp %convert_element_type3A_1053 : vector<128x4096xi32> to vector<128x4096xf32>
    %reduce_sum3A_1055 = arith.constant dense<0.000000e+00> : vector<128xf32>
    %reduce_sum3A_1056 = vector.multi_reduction <add>, %convert_element_type3A_1054, %reduce_sum3A_1055 [1] : vector<128x4096xf32> to vector<128xf32>
    %broadcast_in_dim3A_1057 = vector.shape_cast %reduce_sum3A_1056 : vector<128xf32> to vector<128x1xf32>
    %convert_element_type3A_1058 = arith.fptosi %broadcast_in_dim3A_1057 : vector<128x1xf32> to vector<128x1xi32>
    %add3A_1059 = arith.constant 0 : i32
    %add3A_1060 = vector.broadcast %add3A_1059 : i32 to vector<128x1xi32>
    %add3A_1061 = arith.addi %convert_element_type3A_1058, %add3A_1060 : vector<128x1xi32>
    %swap3A_1062 = arith.constant 0 : index
    %swap3A_1063 = arith.constant 15 : index
    %swap3A_1064 = vector.load %arg1[%swap3A_1062, %swap3A_1063] : memref<128x64xi32, #tpu.memory_space<vmem>>, vector<128x1xi32>
    tpu.vector_store %arg1[%swap3A_1062, %swap3A_1063], %add3A_1061 {strides = array<i32>} : memref<128x64xi32, #tpu.memory_space<vmem>>, vector<128x1xi32>,
    %slice3A_1065 = vector.extract_strided_slice %add3A_775 {offsets = [32, 0], sizes = [32, 128], strides = [1, 1]} : vector<128x128xf32> to vector<32x128xf32>
    %reshape3A_1066 = vector.shape_cast %slice3A_1065 : vector<32x128xf32> to vector<1x4096xf32>
    %add3A_1067 = arith.constant 0.000000e+00 : f32
    %add3A_1068 = vector.broadcast %add3A_1067 : f32 to vector<128x1xf32>
    %add3A_1069 = arith.addf %convert_element_type3A_777, %add3A_1068 : vector<128x1xf32>
    %le3A_1070 = vector.broadcast %reshape3A_1066 : vector<1x4096xf32> to vector<128x4096xf32>
    %le3A_1071 = vector.broadcast %add3A_1069 : vector<128x1xf32> to vector<128x4096xf32>
    %le3A_1072 = arith.cmpf ole, %le3A_1070, %le3A_1071 : vector<128x4096xf32>
    %convert_element_type3A_1073 = arith.extui %le3A_1072 : vector<128x4096xi1> to vector<128x4096xi32>
    %convert_element_type3A_1074 = arith.sitofp %convert_element_type3A_1073 : vector<128x4096xi32> to vector<128x4096xf32>
    %reduce_sum3A_1075 = arith.constant dense<0.000000e+00> : vector<128xf32>
    %reduce_sum3A_1076 = vector.multi_reduction <add>, %convert_element_type3A_1074, %reduce_sum3A_1075 [1] : vector<128x4096xf32> to vector<128xf32>
    %broadcast_in_dim3A_1077 = vector.shape_cast %reduce_sum3A_1076 : vector<128xf32> to vector<128x1xf32>
    %convert_element_type3A_1078 = arith.fptosi %broadcast_in_dim3A_1077 : vector<128x1xf32> to vector<128x1xi32>
    %add3A_1079 = arith.constant 4096 : i32
    %add3A_1080 = vector.broadcast %add3A_1079 : i32 to vector<128x1xi32>
    %add3A_1081 = arith.addi %convert_element_type3A_1078, %add3A_1080 : vector<128x1xi32>
    %swap3A_1082 = arith.constant 0 : index
    %swap3A_1083 = arith.constant 16 : index
    %swap3A_1084 = vector.load %arg1[%swap3A_1082, %swap3A_1083] : memref<128x64xi32, #tpu.memory_space<vmem>>, vector<128x1xi32>
    tpu.vector_store %arg1[%swap3A_1082, %swap3A_1083], %add3A_1081 {strides = array<i32>} : memref<128x64xi32, #tpu.memory_space<vmem>>, vector<128x1xi32>,
    %add3A_1085 = arith.constant 1.280000e+02 : f32
    %add3A_1086 = vector.broadcast %add3A_1085 : f32 to vector<128x1xf32>
    %add3A_1087 = arith.addf %convert_element_type3A_777, %add3A_1086 : vector<128x1xf32>
    %le3A_1088 = vector.broadcast %reshape3A_1066 : vector<1x4096xf32> to vector<128x4096xf32>
    %le3A_1089 = vector.broadcast %add3A_1087 : vector<128x1xf32> to vector<128x4096xf32>
    %le3A_1090 = arith.cmpf ole, %le3A_1088, %le3A_1089 : vector<128x4096xf32>
    %convert_element_type3A_1091 = arith.extui %le3A_1090 : vector<128x4096xi1> to vector<128x4096xi32>
    %convert_element_type3A_1092 = arith.sitofp %convert_element_type3A_1091 : vector<128x4096xi32> to vector<128x4096xf32>
    %reduce_sum3A_1093 = arith.constant dense<0.000000e+00> : vector<128xf32>
    %reduce_sum3A_1094 = vector.multi_reduction <add>, %convert_element_type3A_1092, %reduce_sum3A_1093 [1] : vector<128x4096xf32> to vector<128xf32>
    %broadcast_in_dim3A_1095 = vector.shape_cast %reduce_sum3A_1094 : vector<128xf32> to vector<128x1xf32>
    %convert_element_type3A_1096 = arith.fptosi %broadcast_in_dim3A_1095 : vector<128x1xf32> to vector<128x1xi32>
    %add3A_1097 = arith.constant 4096 : i32
    %add3A_1098 = vector.broadcast %add3A_1097 : i32 to vector<128x1xi32>
    %add3A_1099 = arith.addi %convert_element_type3A_1096, %add3A_1098 : vector<128x1xi32>
    %swap3A_1100 = arith.constant 0 : index
    %swap3A_1101 = arith.constant 17 : index
    %swap3A_1102 = vector.load %arg1[%swap3A_1100, %swap3A_1101] : memref<128x64xi32, #tpu.memory_space<vmem>>, vector<128x1xi32>
    tpu.vector_store %arg1[%swap3A_1100, %swap3A_1101], %add3A_1099 {strides = array<i32>} : memref<128x64xi32, #tpu.memory_space<vmem>>, vector<128x1xi32>,
    %add3A_1103 = arith.constant 2.560000e+02 : f32
    %add3A_1104 = vector.broadcast %add3A_1103 : f32 to vector<128x1xf32>
    %add3A_1105 = arith.addf %convert_element_type3A_777, %add3A_1104 : vector<128x1xf32>
    %le3A_1106 = vector.broadcast %reshape3A_1066 : vector<1x4096xf32> to vector<128x4096xf32>
    %le3A_1107 = vector.broadcast %add3A_1105 : vector<128x1xf32> to vector<128x4096xf32>
    %le3A_1108 = arith.cmpf ole, %le3A_1106, %le3A_1107 : vector<128x4096xf32>
    %convert_element_type3A_1109 = arith.extui %le3A_1108 : vector<128x4096xi1> to vector<128x4096xi32>
    %convert_element_type3A_1110 = arith.sitofp %convert_element_type3A_1109 : vector<128x4096xi32> to vector<128x4096xf32>
    %reduce_sum3A_1111 = arith.constant dense<0.000000e+00> : vector<128xf32>
    %reduce_sum3A_1112 = vector.multi_reduction <add>, %convert_element_type3A_1110, %reduce_sum3A_1111 [1] : vector<128x4096xf32> to vector<128xf32>
    %broadcast_in_dim3A_1113 = vector.shape_cast %reduce_sum3A_1112 : vector<128xf32> to vector<128x1xf32>
    %convert_element_type3A_1114 = arith.fptosi %broadcast_in_dim3A_1113 : vector<128x1xf32> to vector<128x1xi32>
    %add3A_1115 = arith.constant 4096 : i32
    %add3A_1116 = vector.broadcast %add3A_1115 : i32 to vector<128x1xi32>
    %add3A_1117 = arith.addi %convert_element_type3A_1114, %add3A_1116 : vector<128x1xi32>
    %swap3A_1118 = arith.constant 0 : index
    %swap3A_1119 = arith.constant 18 : index
    %swap3A_1120 = vector.load %arg1[%swap3A_1118, %swap3A_1119] : memref<128x64xi32, #tpu.memory_space<vmem>>, vector<128x1xi32>
    tpu.vector_store %arg1[%swap3A_1118, %swap3A_1119], %add3A_1117 {strides = array<i32>} : memref<128x64xi32, #tpu.memory_space<vmem>>, vector<128x1xi32>,
    %add3A_1121 = arith.constant 3.840000e+02 : f32
    %add3A_1122 = vector.broadcast %add3A_1121 : f32 to vector<128x1xf32>
    %add3A_1123 = arith.addf %convert_element_type3A_777, %add3A_1122 : vector<128x1xf32>
    %le3A_1124 = vector.broadcast %reshape3A_1066 : vector<1x4096xf32> to vector<128x4096xf32>
    %le3A_1125 = vector.broadcast %add3A_1123 : vector<128x1xf32> to vector<128x4096xf32>
    %le3A_1126 = arith.cmpf ole, %le3A_1124, %le3A_1125 : vector<128x4096xf32>
    %convert_element_type3A_1127 = arith.extui %le3A_1126 : vector<128x4096xi1> to vector<128x4096xi32>
    %convert_element_type3A_1128 = arith.sitofp %convert_element_type3A_1127 : vector<128x4096xi32> to vector<128x4096xf32>
    %reduce_sum3A_1129 = arith.constant dense<0.000000e+00> : vector<128xf32>
    %reduce_sum3A_1130 = vector.multi_reduction <add>, %convert_element_type3A_1128, %reduce_sum3A_1129 [1] : vector<128x4096xf32> to vector<128xf32>
    %broadcast_in_dim3A_1131 = vector.shape_cast %reduce_sum3A_1130 : vector<128xf32> to vector<128x1xf32>
    %convert_element_type3A_1132 = arith.fptosi %broadcast_in_dim3A_1131 : vector<128x1xf32> to vector<128x1xi32>
    %add3A_1133 = arith.constant 4096 : i32
    %add3A_1134 = vector.broadcast %add3A_1133 : i32 to vector<128x1xi32>
    %add3A_1135 = arith.addi %convert_element_type3A_1132, %add3A_1134 : vector<128x1xi32>
    %swap3A_1136 = arith.constant 0 : index
    %swap3A_1137 = arith.constant 19 : index
    %swap3A_1138 = vector.load %arg1[%swap3A_1136, %swap3A_1137] : memref<128x64xi32, #tpu.memory_space<vmem>>, vector<128x1xi32>
    tpu.vector_store %arg1[%swap3A_1136, %swap3A_1137], %add3A_1135 {strides = array<i32>} : memref<128x64xi32, #tpu.memory_space<vmem>>, vector<128x1xi32>,
    %add3A_1139 = arith.constant 5.120000e+02 : f32
    %add3A_1140 = vector.broadcast %add3A_1139 : f32 to vector<128x1xf32>
    %add3A_1141 = arith.addf %convert_element_type3A_777, %add3A_1140 : vector<128x1xf32>
    %le3A_1142 = vector.broadcast %reshape3A_1066 : vector<1x4096xf32> to vector<128x4096xf32>
    %le3A_1143 = vector.broadcast %add3A_1141 : vector<128x1xf32> to vector<128x4096xf32>
    %le3A_1144 = arith.cmpf ole, %le3A_1142, %le3A_1143 : vector<128x4096xf32>
    %convert_element_type3A_1145 = arith.extui %le3A_1144 : vector<128x4096xi1> to vector<128x4096xi32>
    %convert_element_type3A_1146 = arith.sitofp %convert_element_type3A_1145 : vector<128x4096xi32> to vector<128x4096xf32>
    %reduce_sum3A_1147 = arith.constant dense<0.000000e+00> : vector<128xf32>
    %reduce_sum3A_1148 = vector.multi_reduction <add>, %convert_element_type3A_1146, %reduce_sum3A_1147 [1] : vector<128x4096xf32> to vector<128xf32>
    %broadcast_in_dim3A_1149 = vector.shape_cast %reduce_sum3A_1148 : vector<128xf32> to vector<128x1xf32>
    %convert_element_type3A_1150 = arith.fptosi %broadcast_in_dim3A_1149 : vector<128x1xf32> to vector<128x1xi32>
    %add3A_1151 = arith.constant 4096 : i32
    %add3A_1152 = vector.broadcast %add3A_1151 : i32 to vector<128x1xi32>
    %add3A_1153 = arith.addi %convert_element_type3A_1150, %add3A_1152 : vector<128x1xi32>
    %swap3A_1154 = arith.constant 0 : index
    %swap3A_1155 = arith.constant 20 : index
    %swap3A_1156 = vector.load %arg1[%swap3A_1154, %swap3A_1155] : memref<128x64xi32, #tpu.memory_space<vmem>>, vector<128x1xi32>
    tpu.vector_store %arg1[%swap3A_1154, %swap3A_1155], %add3A_1153 {strides = array<i32>} : memref<128x64xi32, #tpu.memory_space<vmem>>, vector<128x1xi32>,
    %add3A_1157 = arith.constant 6.400000e+02 : f32
    %add3A_1158 = vector.broadcast %add3A_1157 : f32 to vector<128x1xf32>
    %add3A_1159 = arith.addf %convert_element_type3A_777, %add3A_1158 : vector<128x1xf32>
    %le3A_1160 = vector.broadcast %reshape3A_1066 : vector<1x4096xf32> to vector<128x4096xf32>
    %le3A_1161 = vector.broadcast %add3A_1159 : vector<128x1xf32> to vector<128x4096xf32>
    %le3A_1162 = arith.cmpf ole, %le3A_1160, %le3A_1161 : vector<128x4096xf32>
    %convert_element_type3A_1163 = arith.extui %le3A_1162 : vector<128x4096xi1> to vector<128x4096xi32>
    %convert_element_type3A_1164 = arith.sitofp %convert_element_type3A_1163 : vector<128x4096xi32> to vector<128x4096xf32>
    %reduce_sum3A_1165 = arith.constant dense<0.000000e+00> : vector<128xf32>
    %reduce_sum3A_1166 = vector.multi_reduction <add>, %convert_element_type3A_1164, %reduce_sum3A_1165 [1] : vector<128x4096xf32> to vector<128xf32>
    %broadcast_in_dim3A_1167 = vector.shape_cast %reduce_sum3A_1166 : vector<128xf32> to vector<128x1xf32>
    %convert_element_type3A_1168 = arith.fptosi %broadcast_in_dim3A_1167 : vector<128x1xf32> to vector<128x1xi32>
    %add3A_1169 = arith.constant 4096 : i32
    %add3A_1170 = vector.broadcast %add3A_1169 : i32 to vector<128x1xi32>
    %add3A_1171 = arith.addi %convert_element_type3A_1168, %add3A_1170 : vector<128x1xi32>
    %swap3A_1172 = arith.constant 0 : index
    %swap3A_1173 = arith.constant 21 : index
    %swap3A_1174 = vector.load %arg1[%swap3A_1172, %swap3A_1173] : memref<128x64xi32, #tpu.memory_space<vmem>>, vector<128x1xi32>
    tpu.vector_store %arg1[%swap3A_1172, %swap3A_1173], %add3A_1171 {strides = array<i32>} : memref<128x64xi32, #tpu.memory_space<vmem>>, vector<128x1xi32>,
    %add3A_1175 = arith.constant 7.680000e+02 : f32
    %add3A_1176 = vector.broadcast %add3A_1175 : f32 to vector<128x1xf32>
    %add3A_1177 = arith.addf %convert_element_type3A_777, %add3A_1176 : vector<128x1xf32>
    %le3A_1178 = vector.broadcast %reshape3A_1066 : vector<1x4096xf32> to vector<128x4096xf32>
    %le3A_1179 = vector.broadcast %add3A_1177 : vector<128x1xf32> to vector<128x4096xf32>
    %le3A_1180 = arith.cmpf ole, %le3A_1178, %le3A_1179 : vector<128x4096xf32>
    %convert_element_type3A_1181 = arith.extui %le3A_1180 : vector<128x4096xi1> to vector<128x4096xi32>
    %convert_element_type3A_1182 = arith.sitofp %convert_element_type3A_1181 : vector<128x4096xi32> to vector<128x4096xf32>
    %reduce_sum3A_1183 = arith.constant dense<0.000000e+00> : vector<128xf32>
    %reduce_sum3A_1184 = vector.multi_reduction <add>, %convert_element_type3A_1182, %reduce_sum3A_1183 [1] : vector<128x4096xf32> to vector<128xf32>
    %broadcast_in_dim3A_1185 = vector.shape_cast %reduce_sum3A_1184 : vector<128xf32> to vector<128x1xf32>
    %convert_element_type3A_1186 = arith.fptosi %broadcast_in_dim3A_1185 : vector<128x1xf32> to vector<128x1xi32>
    %add3A_1187 = arith.constant 4096 : i32
    %add3A_1188 = vector.broadcast %add3A_1187 : i32 to vector<128x1xi32>
    %add3A_1189 = arith.addi %convert_element_type3A_1186, %add3A_1188 : vector<128x1xi32>
    %swap3A_1190 = arith.constant 0 : index
    %swap3A_1191 = arith.constant 22 : index
    %swap3A_1192 = vector.load %arg1[%swap3A_1190, %swap3A_1191] : memref<128x64xi32, #tpu.memory_space<vmem>>, vector<128x1xi32>
    tpu.vector_store %arg1[%swap3A_1190, %swap3A_1191], %add3A_1189 {strides = array<i32>} : memref<128x64xi32, #tpu.memory_space<vmem>>, vector<128x1xi32>,
    %add3A_1193 = arith.constant 8.960000e+02 : f32
    %add3A_1194 = vector.broadcast %add3A_1193 : f32 to vector<128x1xf32>
    %add3A_1195 = arith.addf %convert_element_type3A_777, %add3A_1194 : vector<128x1xf32>
    %le3A_1196 = vector.broadcast %reshape3A_1066 : vector<1x4096xf32> to vector<128x4096xf32>
    %le3A_1197 = vector.broadcast %add3A_1195 : vector<128x1xf32> to vector<128x4096xf32>
    %le3A_1198 = arith.cmpf ole, %le3A_1196, %le3A_1197 : vector<128x4096xf32>
    %convert_element_type3A_1199 = arith.extui %le3A_1198 : vector<128x4096xi1> to vector<128x4096xi32>
    %convert_element_type3A_1200 = arith.sitofp %convert_element_type3A_1199 : vector<128x4096xi32> to vector<128x4096xf32>
    %reduce_sum3A_1201 = arith.constant dense<0.000000e+00> : vector<128xf32>
    %reduce_sum3A_1202 = vector.multi_reduction <add>, %convert_element_type3A_1200, %reduce_sum3A_1201 [1] : vector<128x4096xf32> to vector<128xf32>
    %broadcast_in_dim3A_1203 = vector.shape_cast %reduce_sum3A_1202 : vector<128xf32> to vector<128x1xf32>
    %convert_element_type3A_1204 = arith.fptosi %broadcast_in_dim3A_1203 : vector<128x1xf32> to vector<128x1xi32>
    %add3A_1205 = arith.constant 4096 : i32
    %add3A_1206 = vector.broadcast %add3A_1205 : i32 to vector<128x1xi32>
    %add3A_1207 = arith.addi %convert_element_type3A_1204, %add3A_1206 : vector<128x1xi32>
    %swap3A_1208 = arith.constant 0 : index
    %swap3A_1209 = arith.constant 23 : index
    %swap3A_1210 = vector.load %arg1[%swap3A_1208, %swap3A_1209] : memref<128x64xi32, #tpu.memory_space<vmem>>, vector<128x1xi32>
    tpu.vector_store %arg1[%swap3A_1208, %swap3A_1209], %add3A_1207 {strides = array<i32>} : memref<128x64xi32, #tpu.memory_space<vmem>>, vector<128x1xi32>,
    %add3A_1211 = arith.constant 1.024000e+03 : f32
    %add3A_1212 = vector.broadcast %add3A_1211 : f32 to vector<128x1xf32>
    %add3A_1213 = arith.addf %convert_element_type3A_777, %add3A_1212 : vector<128x1xf32>
    %le3A_1214 = vector.broadcast %reshape3A_1066 : vector<1x4096xf32> to vector<128x4096xf32>
    %le3A_1215 = vector.broadcast %add3A_1213 : vector<128x1xf32> to vector<128x4096xf32>
    %le3A_1216 = arith.cmpf ole, %le3A_1214, %le3A_1215 : vector<128x4096xf32>
    %convert_element_type3A_1217 = arith.extui %le3A_1216 : vector<128x4096xi1> to vector<128x4096xi32>
    %convert_element_type3A_1218 = arith.sitofp %convert_element_type3A_1217 : vector<128x4096xi32> to vector<128x4096xf32>
    %reduce_sum3A_1219 = arith.constant dense<0.000000e+00> : vector<128xf32>
    %reduce_sum3A_1220 = vector.multi_reduction <add>, %convert_element_type3A_1218, %reduce_sum3A_1219 [1] : vector<128x4096xf32> to vector<128xf32>
    %broadcast_in_dim3A_1221 = vector.shape_cast %reduce_sum3A_1220 : vector<128xf32> to vector<128x1xf32>
    %convert_element_type3A_1222 = arith.fptosi %broadcast_in_dim3A_1221 : vector<128x1xf32> to vector<128x1xi32>
    %add3A_1223 = arith.constant 4096 : i32
    %add3A_1224 = vector.broadcast %add3A_1223 : i32 to vector<128x1xi32>
    %add3A_1225 = arith.addi %convert_element_type3A_1222, %add3A_1224 : vector<128x1xi32>
    %swap3A_1226 = arith.constant 0 : index
    %swap3A_1227 = arith.constant 24 : index
    %swap3A_1228 = vector.load %arg1[%swap3A_1226, %swap3A_1227] : memref<128x64xi32, #tpu.memory_space<vmem>>, vector<128x1xi32>
    tpu.vector_store %arg1[%swap3A_1226, %swap3A_1227], %add3A_1225 {strides = array<i32>} : memref<128x64xi32, #tpu.memory_space<vmem>>, vector<128x1xi32>,
    %add3A_1229 = arith.constant 1.152000e+03 : f32
    %add3A_1230 = vector.broadcast %add3A_1229 : f32 to vector<128x1xf32>
    %add3A_1231 = arith.addf %convert_element_type3A_777, %add3A_1230 : vector<128x1xf32>
    %le3A_1232 = vector.broadcast %reshape3A_1066 : vector<1x4096xf32> to vector<128x4096xf32>
    %le3A_1233 = vector.broadcast %add3A_1231 : vector<128x1xf32> to vector<128x4096xf32>
    %le3A_1234 = arith.cmpf ole, %le3A_1232, %le3A_1233 : vector<128x4096xf32>
    %convert_element_type3A_1235 = arith.extui %le3A_1234 : vector<128x4096xi1> to vector<128x4096xi32>
    %convert_element_type3A_1236 = arith.sitofp %convert_element_type3A_1235 : vector<128x4096xi32> to vector<128x4096xf32>
    %reduce_sum3A_1237 = arith.constant dense<0.000000e+00> : vector<128xf32>
    %reduce_sum3A_1238 = vector.multi_reduction <add>, %convert_element_type3A_1236, %reduce_sum3A_1237 [1] : vector<128x4096xf32> to vector<128xf32>
    %broadcast_in_dim3A_1239 = vector.shape_cast %reduce_sum3A_1238 : vector<128xf32> to vector<128x1xf32>
    %convert_element_type3A_1240 = arith.fptosi %broadcast_in_dim3A_1239 : vector<128x1xf32> to vector<128x1xi32>
    %add3A_1241 = arith.constant 4096 : i32
    %add3A_1242 = vector.broadcast %add3A_1241 : i32 to vector<128x1xi32>
    %add3A_1243 = arith.addi %convert_element_type3A_1240, %add3A_1242 : vector<128x1xi32>
    %swap3A_1244 = arith.constant 0 : index
    %swap3A_1245 = arith.constant 25 : index
    %swap3A_1246 = vector.load %arg1[%swap3A_1244, %swap3A_1245] : memref<128x64xi32, #tpu.memory_space<vmem>>, vector<128x1xi32>
    tpu.vector_store %arg1[%swap3A_1244, %swap3A_1245], %add3A_1243 {strides = array<i32>} : memref<128x64xi32, #tpu.memory_space<vmem>>, vector<128x1xi32>,
    %add3A_1247 = arith.constant 1.280000e+03 : f32
    %add3A_1248 = vector.broadcast %add3A_1247 : f32 to vector<128x1xf32>
    %add3A_1249 = arith.addf %convert_element_type3A_777, %add3A_1248 : vector<128x1xf32>
    %le3A_1250 = vector.broadcast %reshape3A_1066 : vector<1x4096xf32> to vector<128x4096xf32>
    %le3A_1251 = vector.broadcast %add3A_1249 : vector<128x1xf32> to vector<128x4096xf32>
    %le3A_1252 = arith.cmpf ole, %le3A_1250, %le3A_1251 : vector<128x4096xf32>
    %convert_element_type3A_1253 = arith.extui %le3A_1252 : vector<128x4096xi1> to vector<128x4096xi32>
    %convert_element_type3A_1254 = arith.sitofp %convert_element_type3A_1253 : vector<128x4096xi32> to vector<128x4096xf32>
    %reduce_sum3A_1255 = arith.constant dense<0.000000e+00> : vector<128xf32>
    %reduce_sum3A_1256 = vector.multi_reduction <add>, %convert_element_type3A_1254, %reduce_sum3A_1255 [1] : vector<128x4096xf32> to vector<128xf32>
    %broadcast_in_dim3A_1257 = vector.shape_cast %reduce_sum3A_1256 : vector<128xf32> to vector<128x1xf32>
    %convert_element_type3A_1258 = arith.fptosi %broadcast_in_dim3A_1257 : vector<128x1xf32> to vector<128x1xi32>
    %add3A_1259 = arith.constant 4096 : i32
    %add3A_1260 = vector.broadcast %add3A_1259 : i32 to vector<128x1xi32>
    %add3A_1261 = arith.addi %convert_element_type3A_1258, %add3A_1260 : vector<128x1xi32>
    %swap3A_1262 = arith.constant 0 : index
    %swap3A_1263 = arith.constant 26 : index
    %swap3A_1264 = vector.load %arg1[%swap3A_1262, %swap3A_1263] : memref<128x64xi32, #tpu.memory_space<vmem>>, vector<128x1xi32>
    tpu.vector_store %arg1[%swap3A_1262, %swap3A_1263], %add3A_1261 {strides = array<i32>} : memref<128x64xi32, #tpu.memory_space<vmem>>, vector<128x1xi32>,
    %add3A_1265 = arith.constant 1.408000e+03 : f32
    %add3A_1266 = vector.broadcast %add3A_1265 : f32 to vector<128x1xf32>
    %add3A_1267 = arith.addf %convert_element_type3A_777, %add3A_1266 : vector<128x1xf32>
    %le3A_1268 = vector.broadcast %reshape3A_1066 : vector<1x4096xf32> to vector<128x4096xf32>
    %le3A_1269 = vector.broadcast %add3A_1267 : vector<128x1xf32> to vector<128x4096xf32>
    %le3A_1270 = arith.cmpf ole, %le3A_1268, %le3A_1269 : vector<128x4096xf32>
    %convert_element_type3A_1271 = arith.extui %le3A_1270 : vector<128x4096xi1> to vector<128x4096xi32>
    %convert_element_type3A_1272 = arith.sitofp %convert_element_type3A_1271 : vector<128x4096xi32> to vector<128x4096xf32>
    %reduce_sum3A_1273 = arith.constant dense<0.000000e+00> : vector<128xf32>
    %reduce_sum3A_1274 = vector.multi_reduction <add>, %convert_element_type3A_1272, %reduce_sum3A_1273 [1] : vector<128x4096xf32> to vector<128xf32>
    %broadcast_in_dim3A_1275 = vector.shape_cast %reduce_sum3A_1274 : vector<128xf32> to vector<128x1xf32>
    %convert_element_type3A_1276 = arith.fptosi %broadcast_in_dim3A_1275 : vector<128x1xf32> to vector<128x1xi32>
    %add3A_1277 = arith.constant 4096 : i32
    %add3A_1278 = vector.broadcast %add3A_1277 : i32 to vector<128x1xi32>
    %add3A_1279 = arith.addi %convert_element_type3A_1276, %add3A_1278 : vector<128x1xi32>
    %swap3A_1280 = arith.constant 0 : index
    %swap3A_1281 = arith.constant 27 : index
    %swap3A_1282 = vector.load %arg1[%swap3A_1280, %swap3A_1281] : memref<128x64xi32, #tpu.memory_space<vmem>>, vector<128x1xi32>
    tpu.vector_store %arg1[%swap3A_1280, %swap3A_1281], %add3A_1279 {strides = array<i32>} : memref<128x64xi32, #tpu.memory_space<vmem>>, vector<128x1xi32>,
    %add3A_1283 = arith.constant 1.536000e+03 : f32
    %add3A_1284 = vector.broadcast %add3A_1283 : f32 to vector<128x1xf32>
    %add3A_1285 = arith.addf %convert_element_type3A_777, %add3A_1284 : vector<128x1xf32>
    %le3A_1286 = vector.broadcast %reshape3A_1066 : vector<1x4096xf32> to vector<128x4096xf32>
    %le3A_1287 = vector.broadcast %add3A_1285 : vector<128x1xf32> to vector<128x4096xf32>
    %le3A_1288 = arith.cmpf ole, %le3A_1286, %le3A_1287 : vector<128x4096xf32>
    %convert_element_type3A_1289 = arith.extui %le3A_1288 : vector<128x4096xi1> to vector<128x4096xi32>
    %convert_element_type3A_1290 = arith.sitofp %convert_element_type3A_1289 : vector<128x4096xi32> to vector<128x4096xf32>
    %reduce_sum3A_1291 = arith.constant dense<0.000000e+00> : vector<128xf32>
    %reduce_sum3A_1292 = vector.multi_reduction <add>, %convert_element_type3A_1290, %reduce_sum3A_1291 [1] : vector<128x4096xf32> to vector<128xf32>
    %broadcast_in_dim3A_1293 = vector.shape_cast %reduce_sum3A_1292 : vector<128xf32> to vector<128x1xf32>
    %convert_element_type3A_1294 = arith.fptosi %broadcast_in_dim3A_1293 : vector<128x1xf32> to vector<128x1xi32>
    %add3A_1295 = arith.constant 4096 : i32
    %add3A_1296 = vector.broadcast %add3A_1295 : i32 to vector<128x1xi32>
    %add3A_1297 = arith.addi %convert_element_type3A_1294, %add3A_1296 : vector<128x1xi32>
    %swap3A_1298 = arith.constant 0 : index
    %swap3A_1299 = arith.constant 28 : index
    %swap3A_1300 = vector.load %arg1[%swap3A_1298, %swap3A_1299] : memref<128x64xi32, #tpu.memory_space<vmem>>, vector<128x1xi32>
    tpu.vector_store %arg1[%swap3A_1298, %swap3A_1299], %add3A_1297 {strides = array<i32>} : memref<128x64xi32, #tpu.memory_space<vmem>>, vector<128x1xi32>,
    %add3A_1301 = arith.constant 1.664000e+03 : f32
    %add3A_1302 = vector.broadcast %add3A_1301 : f32 to vector<128x1xf32>
    %add3A_1303 = arith.addf %convert_element_type3A_777, %add3A_1302 : vector<128x1xf32>
    %le3A_1304 = vector.broadcast %reshape3A_1066 : vector<1x4096xf32> to vector<128x4096xf32>
    %le3A_1305 = vector.broadcast %add3A_1303 : vector<128x1xf32> to vector<128x4096xf32>
    %le3A_1306 = arith.cmpf ole, %le3A_1304, %le3A_1305 : vector<128x4096xf32>
    %convert_element_type3A_1307 = arith.extui %le3A_1306 : vector<128x4096xi1> to vector<128x4096xi32>
    %convert_element_type3A_1308 = arith.sitofp %convert_element_type3A_1307 : vector<128x4096xi32> to vector<128x4096xf32>
    %reduce_sum3A_1309 = arith.constant dense<0.000000e+00> : vector<128xf32>
    %reduce_sum3A_1310 = vector.multi_reduction <add>, %convert_element_type3A_1308, %reduce_sum3A_1309 [1] : vector<128x4096xf32> to vector<128xf32>
    %broadcast_in_dim3A_1311 = vector.shape_cast %reduce_sum3A_1310 : vector<128xf32> to vector<128x1xf32>
    %convert_element_type3A_1312 = arith.fptosi %broadcast_in_dim3A_1311 : vector<128x1xf32> to vector<128x1xi32>
    %add3A_1313 = arith.constant 4096 : i32
    %add3A_1314 = vector.broadcast %add3A_1313 : i32 to vector<128x1xi32>
    %add3A_1315 = arith.addi %convert_element_type3A_1312, %add3A_1314 : vector<128x1xi32>
    %swap3A_1316 = arith.constant 0 : index
    %swap3A_1317 = arith.constant 29 : index
    %swap3A_1318 = vector.load %arg1[%swap3A_1316, %swap3A_1317] : memref<128x64xi32, #tpu.memory_space<vmem>>, vector<128x1xi32>
    tpu.vector_store %arg1[%swap3A_1316, %swap3A_1317], %add3A_1315 {strides = array<i32>} : memref<128x64xi32, #tpu.memory_space<vmem>>, vector<128x1xi32>,
    %add3A_1319 = arith.constant 1.792000e+03 : f32
    %add3A_1320 = vector.broadcast %add3A_1319 : f32 to vector<128x1xf32>
    %add3A_1321 = arith.addf %convert_element_type3A_777, %add3A_1320 : vector<128x1xf32>
    %le3A_1322 = vector.broadcast %reshape3A_1066 : vector<1x4096xf32> to vector<128x4096xf32>
    %le3A_1323 = vector.broadcast %add3A_1321 : vector<128x1xf32> to vector<128x4096xf32>
    %le3A_1324 = arith.cmpf ole, %le3A_1322, %le3A_1323 : vector<128x4096xf32>
    %convert_element_type3A_1325 = arith.extui %le3A_1324 : vector<128x4096xi1> to vector<128x4096xi32>
    %convert_element_type3A_1326 = arith.sitofp %convert_element_type3A_1325 : vector<128x4096xi32> to vector<128x4096xf32>
    %reduce_sum3A_1327 = arith.constant dense<0.000000e+00> : vector<128xf32>
    %reduce_sum3A_1328 = vector.multi_reduction <add>, %convert_element_type3A_1326, %reduce_sum3A_1327 [1] : vector<128x4096xf32> to vector<128xf32>
    %broadcast_in_dim3A_1329 = vector.shape_cast %reduce_sum3A_1328 : vector<128xf32> to vector<128x1xf32>
    %convert_element_type3A_1330 = arith.fptosi %broadcast_in_dim3A_1329 : vector<128x1xf32> to vector<128x1xi32>
    %add3A_1331 = arith.constant 4096 : i32
    %add3A_1332 = vector.broadcast %add3A_1331 : i32 to vector<128x1xi32>
    %add3A_1333 = arith.addi %convert_element_type3A_1330, %add3A_1332 : vector<128x1xi32>
    %swap3A_1334 = arith.constant 0 : index
    %swap3A_1335 = arith.constant 30 : index
    %swap3A_1336 = vector.load %arg1[%swap3A_1334, %swap3A_1335] : memref<128x64xi32, #tpu.memory_space<vmem>>, vector<128x1xi32>
    tpu.vector_store %arg1[%swap3A_1334, %swap3A_1335], %add3A_1333 {strides = array<i32>} : memref<128x64xi32, #tpu.memory_space<vmem>>, vector<128x1xi32>,
    %add3A_1337 = arith.constant 1.920000e+03 : f32
    %add3A_1338 = vector.broadcast %add3A_1337 : f32 to vector<128x1xf32>
    %add3A_1339 = arith.addf %convert_element_type3A_777, %add3A_1338 : vector<128x1xf32>
    %le3A_1340 = vector.broadcast %reshape3A_1066 : vector<1x4096xf32> to vector<128x4096xf32>
    %le3A_1341 = vector.broadcast %add3A_1339 : vector<128x1xf32> to vector<128x4096xf32>
    %le3A_1342 = arith.cmpf ole, %le3A_1340, %le3A_1341 : vector<128x4096xf32>
    %convert_element_type3A_1343 = arith.extui %le3A_1342 : vector<128x4096xi1> to vector<128x4096xi32>
    %convert_element_type3A_1344 = arith.sitofp %convert_element_type3A_1343 : vector<128x4096xi32> to vector<128x4096xf32>
    %reduce_sum3A_1345 = arith.constant dense<0.000000e+00> : vector<128xf32>
    %reduce_sum3A_1346 = vector.multi_reduction <add>, %convert_element_type3A_1344, %reduce_sum3A_1345 [1] : vector<128x4096xf32> to vector<128xf32>
    %broadcast_in_dim3A_1347 = vector.shape_cast %reduce_sum3A_1346 : vector<128xf32> to vector<128x1xf32>
    %convert_element_type3A_1348 = arith.fptosi %broadcast_in_dim3A_1347 : vector<128x1xf32> to vector<128x1xi32>
    %add3A_1349 = arith.constant 4096 : i32
    %add3A_1350 = vector.broadcast %add3A_1349 : i32 to vector<128x1xi32>
    %add3A_1351 = arith.addi %convert_element_type3A_1348, %add3A_1350 : vector<128x1xi32>
    %swap3A_1352 = arith.constant 0 : index
    %swap3A_1353 = arith.constant 31 : index
    %swap3A_1354 = vector.load %arg1[%swap3A_1352, %swap3A_1353] : memref<128x64xi32, #tpu.memory_space<vmem>>, vector<128x1xi32>
    tpu.vector_store %arg1[%swap3A_1352, %swap3A_1353], %add3A_1351 {strides = array<i32>} : memref<128x64xi32, #tpu.memory_space<vmem>>, vector<128x1xi32>,
    %slice3A_1355 = vector.extract_strided_slice %add3A_775 {offsets = [64, 0], sizes = [32, 128], strides = [1, 1]} : vector<128x128xf32> to vector<32x128xf32>
    %reshape3A_1356 = vector.shape_cast %slice3A_1355 : vector<32x128xf32> to vector<1x4096xf32>
    %add3A_1357 = arith.constant 0.000000e+00 : f32
    %add3A_1358 = vector.broadcast %add3A_1357 : f32 to vector<128x1xf32>
    %add3A_1359 = arith.addf %convert_element_type3A_777, %add3A_1358 : vector<128x1xf32>
    %le3A_1360 = vector.broadcast %reshape3A_1356 : vector<1x4096xf32> to vector<128x4096xf32>
    %le3A_1361 = vector.broadcast %add3A_1359 : vector<128x1xf32> to vector<128x4096xf32>
    %le3A_1362 = arith.cmpf ole, %le3A_1360, %le3A_1361 : vector<128x4096xf32>
    %convert_element_type3A_1363 = arith.extui %le3A_1362 : vector<128x4096xi1> to vector<128x4096xi32>
    %convert_element_type3A_1364 = arith.sitofp %convert_element_type3A_1363 : vector<128x4096xi32> to vector<128x4096xf32>
    %reduce_sum3A_1365 = arith.constant dense<0.000000e+00> : vector<128xf32>
    %reduce_sum3A_1366 = vector.multi_reduction <add>, %convert_element_type3A_1364, %reduce_sum3A_1365 [1] : vector<128x4096xf32> to vector<128xf32>
    %broadcast_in_dim3A_1367 = vector.shape_cast %reduce_sum3A_1366 : vector<128xf32> to vector<128x1xf32>
    %convert_element_type3A_1368 = arith.fptosi %broadcast_in_dim3A_1367 : vector<128x1xf32> to vector<128x1xi32>
    %add3A_1369 = arith.constant 8192 : i32
    %add3A_1370 = vector.broadcast %add3A_1369 : i32 to vector<128x1xi32>
    %add3A_1371 = arith.addi %convert_element_type3A_1368, %add3A_1370 : vector<128x1xi32>
    %swap3A_1372 = arith.constant 0 : index
    %swap3A_1373 = arith.constant 32 : index
    %swap3A_1374 = vector.load %arg1[%swap3A_1372, %swap3A_1373] : memref<128x64xi32, #tpu.memory_space<vmem>>, vector<128x1xi32>
    tpu.vector_store %arg1[%swap3A_1372, %swap3A_1373], %add3A_1371 {strides = array<i32>} : memref<128x64xi32, #tpu.memory_space<vmem>>, vector<128x1xi32>,
    %add3A_1375 = arith.constant 1.280000e+02 : f32
    %add3A_1376 = vector.broadcast %add3A_1375 : f32 to vector<128x1xf32>
    %add3A_1377 = arith.addf %convert_element_type3A_777, %add3A_1376 : vector<128x1xf32>
    %le3A_1378 = vector.broadcast %reshape3A_1356 : vector<1x4096xf32> to vector<128x4096xf32>
    %le3A_1379 = vector.broadcast %add3A_1377 : vector<128x1xf32> to vector<128x4096xf32>
    %le3A_1380 = arith.cmpf ole, %le3A_1378, %le3A_1379 : vector<128x4096xf32>
    %convert_element_type3A_1381 = arith.extui %le3A_1380 : vector<128x4096xi1> to vector<128x4096xi32>
    %convert_element_type3A_1382 = arith.sitofp %convert_element_type3A_1381 : vector<128x4096xi32> to vector<128x4096xf32>
    %reduce_sum3A_1383 = arith.constant dense<0.000000e+00> : vector<128xf32>
    %reduce_sum3A_1384 = vector.multi_reduction <add>, %convert_element_type3A_1382, %reduce_sum3A_1383 [1] : vector<128x4096xf32> to vector<128xf32>
    %broadcast_in_dim3A_1385 = vector.shape_cast %reduce_sum3A_1384 : vector<128xf32> to vector<128x1xf32>
    %convert_element_type3A_1386 = arith.fptosi %broadcast_in_dim3A_1385 : vector<128x1xf32> to vector<128x1xi32>
    %add3A_1387 = arith.constant 8192 : i32
    %add3A_1388 = vector.broadcast %add3A_1387 : i32 to vector<128x1xi32>
    %add3A_1389 = arith.addi %convert_element_type3A_1386, %add3A_1388 : vector<128x1xi32>
    %swap3A_1390 = arith.constant 0 : index
    %swap3A_1391 = arith.constant 33 : index
    %swap3A_1392 = vector.load %arg1[%swap3A_1390, %swap3A_1391] : memref<128x64xi32, #tpu.memory_space<vmem>>, vector<128x1xi32>
    tpu.vector_store %arg1[%swap3A_1390, %swap3A_1391], %add3A_1389 {strides = array<i32>} : memref<128x64xi32, #tpu.memory_space<vmem>>, vector<128x1xi32>,
    %add3A_1393 = arith.constant 2.560000e+02 : f32
    %add3A_1394 = vector.broadcast %add3A_1393 : f32 to vector<128x1xf32>
    %add3A_1395 = arith.addf %convert_element_type3A_777, %add3A_1394 : vector<128x1xf32>
    %le3A_1396 = vector.broadcast %reshape3A_1356 : vector<1x4096xf32> to vector<128x4096xf32>
    %le3A_1397 = vector.broadcast %add3A_1395 : vector<128x1xf32> to vector<128x4096xf32>
    %le3A_1398 = arith.cmpf ole, %le3A_1396, %le3A_1397 : vector<128x4096xf32>
    %convert_element_type3A_1399 = arith.extui %le3A_1398 : vector<128x4096xi1> to vector<128x4096xi32>
    %convert_element_type3A_1400 = arith.sitofp %convert_element_type3A_1399 : vector<128x4096xi32> to vector<128x4096xf32>
    %reduce_sum3A_1401 = arith.constant dense<0.000000e+00> : vector<128xf32>
    %reduce_sum3A_1402 = vector.multi_reduction <add>, %convert_element_type3A_1400, %reduce_sum3A_1401 [1] : vector<128x4096xf32> to vector<128xf32>
    %broadcast_in_dim3A_1403 = vector.shape_cast %reduce_sum3A_1402 : vector<128xf32> to vector<128x1xf32>
    %convert_element_type3A_1404 = arith.fptosi %broadcast_in_dim3A_1403 : vector<128x1xf32> to vector<128x1xi32>
    %add3A_1405 = arith.constant 8192 : i32
    %add3A_1406 = vector.broadcast %add3A_1405 : i32 to vector<128x1xi32>
    %add3A_1407 = arith.addi %convert_element_type3A_1404, %add3A_1406 : vector<128x1xi32>
    %swap3A_1408 = arith.constant 0 : index
    %swap3A_1409 = arith.constant 34 : index
    %swap3A_1410 = vector.load %arg1[%swap3A_1408, %swap3A_1409] : memref<128x64xi32, #tpu.memory_space<vmem>>, vector<128x1xi32>
    tpu.vector_store %arg1[%swap3A_1408, %swap3A_1409], %add3A_1407 {strides = array<i32>} : memref<128x64xi32, #tpu.memory_space<vmem>>, vector<128x1xi32>,
    %add3A_1411 = arith.constant 3.840000e+02 : f32
    %add3A_1412 = vector.broadcast %add3A_1411 : f32 to vector<128x1xf32>
    %add3A_1413 = arith.addf %convert_element_type3A_777, %add3A_1412 : vector<128x1xf32>
    %le3A_1414 = vector.broadcast %reshape3A_1356 : vector<1x4096xf32> to vector<128x4096xf32>
    %le3A_1415 = vector.broadcast %add3A_1413 : vector<128x1xf32> to vector<128x4096xf32>
    %le3A_1416 = arith.cmpf ole, %le3A_1414, %le3A_1415 : vector<128x4096xf32>
    %convert_element_type3A_1417 = arith.extui %le3A_1416 : vector<128x4096xi1> to vector<128x4096xi32>
    %convert_element_type3A_1418 = arith.sitofp %convert_element_type3A_1417 : vector<128x4096xi32> to vector<128x4096xf32>
    %reduce_sum3A_1419 = arith.constant dense<0.000000e+00> : vector<128xf32>
    %reduce_sum3A_1420 = vector.multi_reduction <add>, %convert_element_type3A_1418, %reduce_sum3A_1419 [1] : vector<128x4096xf32> to vector<128xf32>
    %broadcast_in_dim3A_1421 = vector.shape_cast %reduce_sum3A_1420 : vector<128xf32> to vector<128x1xf32>
    %convert_element_type3A_1422 = arith.fptosi %broadcast_in_dim3A_1421 : vector<128x1xf32> to vector<128x1xi32>
    %add3A_1423 = arith.constant 8192 : i32
    %add3A_1424 = vector.broadcast %add3A_1423 : i32 to vector<128x1xi32>
    %add3A_1425 = arith.addi %convert_element_type3A_1422, %add3A_1424 : vector<128x1xi32>
    %swap3A_1426 = arith.constant 0 : index
    %swap3A_1427 = arith.constant 35 : index
    %swap3A_1428 = vector.load %arg1[%swap3A_1426, %swap3A_1427] : memref<128x64xi32, #tpu.memory_space<vmem>>, vector<128x1xi32>
    tpu.vector_store %arg1[%swap3A_1426, %swap3A_1427], %add3A_1425 {strides = array<i32>} : memref<128x64xi32, #tpu.memory_space<vmem>>, vector<128x1xi32>,
    %add3A_1429 = arith.constant 5.120000e+02 : f32
    %add3A_1430 = vector.broadcast %add3A_1429 : f32 to vector<128x1xf32>
    %add3A_1431 = arith.addf %convert_element_type3A_777, %add3A_1430 : vector<128x1xf32>
    %le3A_1432 = vector.broadcast %reshape3A_1356 : vector<1x4096xf32> to vector<128x4096xf32>
    %le3A_1433 = vector.broadcast %add3A_1431 : vector<128x1xf32> to vector<128x4096xf32>
    %le3A_1434 = arith.cmpf ole, %le3A_1432, %le3A_1433 : vector<128x4096xf32>
    %convert_element_type3A_1435 = arith.extui %le3A_1434 : vector<128x4096xi1> to vector<128x4096xi32>
    %convert_element_type3A_1436 = arith.sitofp %convert_element_type3A_1435 : vector<128x4096xi32> to vector<128x4096xf32>
    %reduce_sum3A_1437 = arith.constant dense<0.000000e+00> : vector<128xf32>
    %reduce_sum3A_1438 = vector.multi_reduction <add>, %convert_element_type3A_1436, %reduce_sum3A_1437 [1] : vector<128x4096xf32> to vector<128xf32>
    %broadcast_in_dim3A_1439 = vector.shape_cast %reduce_sum3A_1438 : vector<128xf32> to vector<128x1xf32>
    %convert_element_type3A_1440 = arith.fptosi %broadcast_in_dim3A_1439 : vector<128x1xf32> to vector<128x1xi32>
    %add3A_1441 = arith.constant 8192 : i32
    %add3A_1442 = vector.broadcast %add3A_1441 : i32 to vector<128x1xi32>
    %add3A_1443 = arith.addi %convert_element_type3A_1440, %add3A_1442 : vector<128x1xi32>
    %swap3A_1444 = arith.constant 0 : index
    %swap3A_1445 = arith.constant 36 : index
    %swap3A_1446 = vector.load %arg1[%swap3A_1444, %swap3A_1445] : memref<128x64xi32, #tpu.memory_space<vmem>>, vector<128x1xi32>
    tpu.vector_store %arg1[%swap3A_1444, %swap3A_1445], %add3A_1443 {strides = array<i32>} : memref<128x64xi32, #tpu.memory_space<vmem>>, vector<128x1xi32>,
    %add3A_1447 = arith.constant 6.400000e+02 : f32
    %add3A_1448 = vector.broadcast %add3A_1447 : f32 to vector<128x1xf32>
    %add3A_1449 = arith.addf %convert_element_type3A_777, %add3A_1448 : vector<128x1xf32>
    %le3A_1450 = vector.broadcast %reshape3A_1356 : vector<1x4096xf32> to vector<128x4096xf32>
    %le3A_1451 = vector.broadcast %add3A_1449 : vector<128x1xf32> to vector<128x4096xf32>
    %le3A_1452 = arith.cmpf ole, %le3A_1450, %le3A_1451 : vector<128x4096xf32>
    %convert_element_type3A_1453 = arith.extui %le3A_1452 : vector<128x4096xi1> to vector<128x4096xi32>
    %convert_element_type3A_1454 = arith.sitofp %convert_element_type3A_1453 : vector<128x4096xi32> to vector<128x4096xf32>
    %reduce_sum3A_1455 = arith.constant dense<0.000000e+00> : vector<128xf32>
    %reduce_sum3A_1456 = vector.multi_reduction <add>, %convert_element_type3A_1454, %reduce_sum3A_1455 [1] : vector<128x4096xf32> to vector<128xf32>
    %broadcast_in_dim3A_1457 = vector.shape_cast %reduce_sum3A_1456 : vector<128xf32> to vector<128x1xf32>
    %convert_element_type3A_1458 = arith.fptosi %broadcast_in_dim3A_1457 : vector<128x1xf32> to vector<128x1xi32>
    %add3A_1459 = arith.constant 8192 : i32
    %add3A_1460 = vector.broadcast %add3A_1459 : i32 to vector<128x1xi32>
    %add3A_1461 = arith.addi %convert_element_type3A_1458, %add3A_1460 : vector<128x1xi32>
    %swap3A_1462 = arith.constant 0 : index
    %swap3A_1463 = arith.constant 37 : index
    %swap3A_1464 = vector.load %arg1[%swap3A_1462, %swap3A_1463] : memref<128x64xi32, #tpu.memory_space<vmem>>, vector<128x1xi32>
    tpu.vector_store %arg1[%swap3A_1462, %swap3A_1463], %add3A_1461 {strides = array<i32>} : memref<128x64xi32, #tpu.memory_space<vmem>>, vector<128x1xi32>,
    %add3A_1465 = arith.constant 7.680000e+02 : f32
    %add3A_1466 = vector.broadcast %add3A_1465 : f32 to vector<128x1xf32>
    %add3A_1467 = arith.addf %convert_element_type3A_777, %add3A_1466 : vector<128x1xf32>
    %le3A_1468 = vector.broadcast %reshape3A_1356 : vector<1x4096xf32> to vector<128x4096xf32>
    %le3A_1469 = vector.broadcast %add3A_1467 : vector<128x1xf32> to vector<128x4096xf32>
    %le3A_1470 = arith.cmpf ole, %le3A_1468, %le3A_1469 : vector<128x4096xf32>
    %convert_element_type3A_1471 = arith.extui %le3A_1470 : vector<128x4096xi1> to vector<128x4096xi32>
    %convert_element_type3A_1472 = arith.sitofp %convert_element_type3A_1471 : vector<128x4096xi32> to vector<128x4096xf32>
    %reduce_sum3A_1473 = arith.constant dense<0.000000e+00> : vector<128xf32>
    %reduce_sum3A_1474 = vector.multi_reduction <add>, %convert_element_type3A_1472, %reduce_sum3A_1473 [1] : vector<128x4096xf32> to vector<128xf32>
    %broadcast_in_dim3A_1475 = vector.shape_cast %reduce_sum3A_1474 : vector<128xf32> to vector<128x1xf32>
    %convert_element_type3A_1476 = arith.fptosi %broadcast_in_dim3A_1475 : vector<128x1xf32> to vector<128x1xi32>
    %add3A_1477 = arith.constant 8192 : i32
    %add3A_1478 = vector.broadcast %add3A_1477 : i32 to vector<128x1xi32>
    %add3A_1479 = arith.addi %convert_element_type3A_1476, %add3A_1478 : vector<128x1xi32>
    %swap3A_1480 = arith.constant 0 : index
    %swap3A_1481 = arith.constant 38 : index
    %swap3A_1482 = vector.load %arg1[%swap3A_1480, %swap3A_1481] : memref<128x64xi32, #tpu.memory_space<vmem>>, vector<128x1xi32>
    tpu.vector_store %arg1[%swap3A_1480, %swap3A_1481], %add3A_1479 {strides = array<i32>} : memref<128x64xi32, #tpu.memory_space<vmem>>, vector<128x1xi32>,
    %add3A_1483 = arith.constant 8.960000e+02 : f32
    %add3A_1484 = vector.broadcast %add3A_1483 : f32 to vector<128x1xf32>
    %add3A_1485 = arith.addf %convert_element_type3A_777, %add3A_1484 : vector<128x1xf32>
    %le3A_1486 = vector.broadcast %reshape3A_1356 : vector<1x4096xf32> to vector<128x4096xf32>
    %le3A_1487 = vector.broadcast %add3A_1485 : vector<128x1xf32> to vector<128x4096xf32>
    %le3A_1488 = arith.cmpf ole, %le3A_1486, %le3A_1487 : vector<128x4096xf32>
    %convert_element_type3A_1489 = arith.extui %le3A_1488 : vector<128x4096xi1> to vector<128x4096xi32>
    %convert_element_type3A_1490 = arith.sitofp %convert_element_type3A_1489 : vector<128x4096xi32> to vector<128x4096xf32>
    %reduce_sum3A_1491 = arith.constant dense<0.000000e+00> : vector<128xf32>
    %reduce_sum3A_1492 = vector.multi_reduction <add>, %convert_element_type3A_1490, %reduce_sum3A_1491 [1] : vector<128x4096xf32> to vector<128xf32>
    %broadcast_in_dim3A_1493 = vector.shape_cast %reduce_sum3A_1492 : vector<128xf32> to vector<128x1xf32>
    %convert_element_type3A_1494 = arith.fptosi %broadcast_in_dim3A_1493 : vector<128x1xf32> to vector<128x1xi32>
    %add3A_1495 = arith.constant 8192 : i32
    %add3A_1496 = vector.broadcast %add3A_1495 : i32 to vector<128x1xi32>
    %add3A_1497 = arith.addi %convert_element_type3A_1494, %add3A_1496 : vector<128x1xi32>
    %swap3A_1498 = arith.constant 0 : index
    %swap3A_1499 = arith.constant 39 : index
    %swap3A_1500 = vector.load %arg1[%swap3A_1498, %swap3A_1499] : memref<128x64xi32, #tpu.memory_space<vmem>>, vector<128x1xi32>
    tpu.vector_store %arg1[%swap3A_1498, %swap3A_1499], %add3A_1497 {strides = array<i32>} : memref<128x64xi32, #tpu.memory_space<vmem>>, vector<128x1xi32>,
    %add3A_1501 = arith.constant 1.024000e+03 : f32
    %add3A_1502 = vector.broadcast %add3A_1501 : f32 to vector<128x1xf32>
    %add3A_1503 = arith.addf %convert_element_type3A_777, %add3A_1502 : vector<128x1xf32>
    %le3A_1504 = vector.broadcast %reshape3A_1356 : vector<1x4096xf32> to vector<128x4096xf32>
    %le3A_1505 = vector.broadcast %add3A_1503 : vector<128x1xf32> to vector<128x4096xf32>
    %le3A_1506 = arith.cmpf ole, %le3A_1504, %le3A_1505 : vector<128x4096xf32>
    %convert_element_type3A_1507 = arith.extui %le3A_1506 : vector<128x4096xi1> to vector<128x4096xi32>
    %convert_element_type3A_1508 = arith.sitofp %convert_element_type3A_1507 : vector<128x4096xi32> to vector<128x4096xf32>
    %reduce_sum3A_1509 = arith.constant dense<0.000000e+00> : vector<128xf32>
    %reduce_sum3A_1510 = vector.multi_reduction <add>, %convert_element_type3A_1508, %reduce_sum3A_1509 [1] : vector<128x4096xf32> to vector<128xf32>
    %broadcast_in_dim3A_1511 = vector.shape_cast %reduce_sum3A_1510 : vector<128xf32> to vector<128x1xf32>
    %convert_element_type3A_1512 = arith.fptosi %broadcast_in_dim3A_1511 : vector<128x1xf32> to vector<128x1xi32>
    %add3A_1513 = arith.constant 8192 : i32
    %add3A_1514 = vector.broadcast %add3A_1513 : i32 to vector<128x1xi32>
    %add3A_1515 = arith.addi %convert_element_type3A_1512, %add3A_1514 : vector<128x1xi32>
    %swap3A_1516 = arith.constant 0 : index
    %swap3A_1517 = arith.constant 40 : index
    %swap3A_1518 = vector.load %arg1[%swap3A_1516, %swap3A_1517] : memref<128x64xi32, #tpu.memory_space<vmem>>, vector<128x1xi32>
    tpu.vector_store %arg1[%swap3A_1516, %swap3A_1517], %add3A_1515 {strides = array<i32>} : memref<128x64xi32, #tpu.memory_space<vmem>>, vector<128x1xi32>,
    %add3A_1519 = arith.constant 1.152000e+03 : f32
    %add3A_1520 = vector.broadcast %add3A_1519 : f32 to vector<128x1xf32>
    %add3A_1521 = arith.addf %convert_element_type3A_777, %add3A_1520 : vector<128x1xf32>
    %le3A_1522 = vector.broadcast %reshape3A_1356 : vector<1x4096xf32> to vector<128x4096xf32>
    %le3A_1523 = vector.broadcast %add3A_1521 : vector<128x1xf32> to vector<128x4096xf32>
    %le3A_1524 = arith.cmpf ole, %le3A_1522, %le3A_1523 : vector<128x4096xf32>
    %convert_element_type3A_1525 = arith.extui %le3A_1524 : vector<128x4096xi1> to vector<128x4096xi32>
    %convert_element_type3A_1526 = arith.sitofp %convert_element_type3A_1525 : vector<128x4096xi32> to vector<128x4096xf32>
    %reduce_sum3A_1527 = arith.constant dense<0.000000e+00> : vector<128xf32>
    %reduce_sum3A_1528 = vector.multi_reduction <add>, %convert_element_type3A_1526, %reduce_sum3A_1527 [1] : vector<128x4096xf32> to vector<128xf32>
    %broadcast_in_dim3A_1529 = vector.shape_cast %reduce_sum3A_1528 : vector<128xf32> to vector<128x1xf32>
    %convert_element_type3A_1530 = arith.fptosi %broadcast_in_dim3A_1529 : vector<128x1xf32> to vector<128x1xi32>
    %add3A_1531 = arith.constant 8192 : i32
    %add3A_1532 = vector.broadcast %add3A_1531 : i32 to vector<128x1xi32>
    %add3A_1533 = arith.addi %convert_element_type3A_1530, %add3A_1532 : vector<128x1xi32>
    %swap3A_1534 = arith.constant 0 : index
    %swap3A_1535 = arith.constant 41 : index
    %swap3A_1536 = vector.load %arg1[%swap3A_1534, %swap3A_1535] : memref<128x64xi32, #tpu.memory_space<vmem>>, vector<128x1xi32>
    tpu.vector_store %arg1[%swap3A_1534, %swap3A_1535], %add3A_1533 {strides = array<i32>} : memref<128x64xi32, #tpu.memory_space<vmem>>, vector<128x1xi32>,
    %add3A_1537 = arith.constant 1.280000e+03 : f32
    %add3A_1538 = vector.broadcast %add3A_1537 : f32 to vector<128x1xf32>
    %add3A_1539 = arith.addf %convert_element_type3A_777, %add3A_1538 : vector<128x1xf32>
    %le3A_1540 = vector.broadcast %reshape3A_1356 : vector<1x4096xf32> to vector<128x4096xf32>
    %le3A_1541 = vector.broadcast %add3A_1539 : vector<128x1xf32> to vector<128x4096xf32>
    %le3A_1542 = arith.cmpf ole, %le3A_1540, %le3A_1541 : vector<128x4096xf32>
    %convert_element_type3A_1543 = arith.extui %le3A_1542 : vector<128x4096xi1> to vector<128x4096xi32>
    %convert_element_type3A_1544 = arith.sitofp %convert_element_type3A_1543 : vector<128x4096xi32> to vector<128x4096xf32>
    %reduce_sum3A_1545 = arith.constant dense<0.000000e+00> : vector<128xf32>
    %reduce_sum3A_1546 = vector.multi_reduction <add>, %convert_element_type3A_1544, %reduce_sum3A_1545 [1] : vector<128x4096xf32> to vector<128xf32>
    %broadcast_in_dim3A_1547 = vector.shape_cast %reduce_sum3A_1546 : vector<128xf32> to vector<128x1xf32>
    %convert_element_type3A_1548 = arith.fptosi %broadcast_in_dim3A_1547 : vector<128x1xf32> to vector<128x1xi32>
    %add3A_1549 = arith.constant 8192 : i32
    %add3A_1550 = vector.broadcast %add3A_1549 : i32 to vector<128x1xi32>
    %add3A_1551 = arith.addi %convert_element_type3A_1548, %add3A_1550 : vector<128x1xi32>
    %swap3A_1552 = arith.constant 0 : index
    %swap3A_1553 = arith.constant 42 : index
    %swap3A_1554 = vector.load %arg1[%swap3A_1552, %swap3A_1553] : memref<128x64xi32, #tpu.memory_space<vmem>>, vector<128x1xi32>
    tpu.vector_store %arg1[%swap3A_1552, %swap3A_1553], %add3A_1551 {strides = array<i32>} : memref<128x64xi32, #tpu.memory_space<vmem>>, vector<128x1xi32>,
    %add3A_1555 = arith.constant 1.408000e+03 : f32
    %add3A_1556 = vector.broadcast %add3A_1555 : f32 to vector<128x1xf32>
    %add3A_1557 = arith.addf %convert_element_type3A_777, %add3A_1556 : vector<128x1xf32>
    %le3A_1558 = vector.broadcast %reshape3A_1356 : vector<1x4096xf32> to vector<128x4096xf32>
    %le3A_1559 = vector.broadcast %add3A_1557 : vector<128x1xf32> to vector<128x4096xf32>
    %le3A_1560 = arith.cmpf ole, %le3A_1558, %le3A_1559 : vector<128x4096xf32>
    %convert_element_type3A_1561 = arith.extui %le3A_1560 : vector<128x4096xi1> to vector<128x4096xi32>
    %convert_element_type3A_1562 = arith.sitofp %convert_element_type3A_1561 : vector<128x4096xi32> to vector<128x4096xf32>
    %reduce_sum3A_1563 = arith.constant dense<0.000000e+00> : vector<128xf32>
    %reduce_sum3A_1564 = vector.multi_reduction <add>, %convert_element_type3A_1562, %reduce_sum3A_1563 [1] : vector<128x4096xf32> to vector<128xf32>
    %broadcast_in_dim3A_1565 = vector.shape_cast %reduce_sum3A_1564 : vector<128xf32> to vector<128x1xf32>
    %convert_element_type3A_1566 = arith.fptosi %broadcast_in_dim3A_1565 : vector<128x1xf32> to vector<128x1xi32>
    %add3A_1567 = arith.constant 8192 : i32
    %add3A_1568 = vector.broadcast %add3A_1567 : i32 to vector<128x1xi32>
    %add3A_1569 = arith.addi %convert_element_type3A_1566, %add3A_1568 : vector<128x1xi32>
    %swap3A_1570 = arith.constant 0 : index
    %swap3A_1571 = arith.constant 43 : index
    %swap3A_1572 = vector.load %arg1[%swap3A_1570, %swap3A_1571] : memref<128x64xi32, #tpu.memory_space<vmem>>, vector<128x1xi32>
    tpu.vector_store %arg1[%swap3A_1570, %swap3A_1571], %add3A_1569 {strides = array<i32>} : memref<128x64xi32, #tpu.memory_space<vmem>>, vector<128x1xi32>,
    %add3A_1573 = arith.constant 1.536000e+03 : f32
    %add3A_1574 = vector.broadcast %add3A_1573 : f32 to vector<128x1xf32>
    %add3A_1575 = arith.addf %convert_element_type3A_777, %add3A_1574 : vector<128x1xf32>
    %le3A_1576 = vector.broadcast %reshape3A_1356 : vector<1x4096xf32> to vector<128x4096xf32>
    %le3A_1577 = vector.broadcast %add3A_1575 : vector<128x1xf32> to vector<128x4096xf32>
    %le3A_1578 = arith.cmpf ole, %le3A_1576, %le3A_1577 : vector<128x4096xf32>
    %convert_element_type3A_1579 = arith.extui %le3A_1578 : vector<128x4096xi1> to vector<128x4096xi32>
    %convert_element_type3A_1580 = arith.sitofp %convert_element_type3A_1579 : vector<128x4096xi32> to vector<128x4096xf32>
    %reduce_sum3A_1581 = arith.constant dense<0.000000e+00> : vector<128xf32>
    %reduce_sum3A_1582 = vector.multi_reduction <add>, %convert_element_type3A_1580, %reduce_sum3A_1581 [1] : vector<128x4096xf32> to vector<128xf32>
    %broadcast_in_dim3A_1583 = vector.shape_cast %reduce_sum3A_1582 : vector<128xf32> to vector<128x1xf32>
    %convert_element_type3A_1584 = arith.fptosi %broadcast_in_dim3A_1583 : vector<128x1xf32> to vector<128x1xi32>
    %add3A_1585 = arith.constant 8192 : i32
    %add3A_1586 = vector.broadcast %add3A_1585 : i32 to vector<128x1xi32>
    %add3A_1587 = arith.addi %convert_element_type3A_1584, %add3A_1586 : vector<128x1xi32>
    %swap3A_1588 = arith.constant 0 : index
    %swap3A_1589 = arith.constant 44 : index
    %swap3A_1590 = vector.load %arg1[%swap3A_1588, %swap3A_1589] : memref<128x64xi32, #tpu.memory_space<vmem>>, vector<128x1xi32>
    tpu.vector_store %arg1[%swap3A_1588, %swap3A_1589], %add3A_1587 {strides = array<i32>} : memref<128x64xi32, #tpu.memory_space<vmem>>, vector<128x1xi32>,
    %add3A_1591 = arith.constant 1.664000e+03 : f32
    %add3A_1592 = vector.broadcast %add3A_1591 : f32 to vector<128x1xf32>
    %add3A_1593 = arith.addf %convert_element_type3A_777, %add3A_1592 : vector<128x1xf32>
    %le3A_1594 = vector.broadcast %reshape3A_1356 : vector<1x4096xf32> to vector<128x4096xf32>
    %le3A_1595 = vector.broadcast %add3A_1593 : vector<128x1xf32> to vector<128x4096xf32>
    %le3A_1596 = arith.cmpf ole, %le3A_1594, %le3A_1595 : vector<128x4096xf32>
    %convert_element_type3A_1597 = arith.extui %le3A_1596 : vector<128x4096xi1> to vector<128x4096xi32>
    %convert_element_type3A_1598 = arith.sitofp %convert_element_type3A_1597 : vector<128x4096xi32> to vector<128x4096xf32>
    %reduce_sum3A_1599 = arith.constant dense<0.000000e+00> : vector<128xf32>
    %reduce_sum3A_1600 = vector.multi_reduction <add>, %convert_element_type3A_1598, %reduce_sum3A_1599 [1] : vector<128x4096xf32> to vector<128xf32>
    %broadcast_in_dim3A_1601 = vector.shape_cast %reduce_sum3A_1600 : vector<128xf32> to vector<128x1xf32>
    %convert_element_type3A_1602 = arith.fptosi %broadcast_in_dim3A_1601 : vector<128x1xf32> to vector<128x1xi32>
    %add3A_1603 = arith.constant 8192 : i32
    %add3A_1604 = vector.broadcast %add3A_1603 : i32 to vector<128x1xi32>
    %add3A_1605 = arith.addi %convert_element_type3A_1602, %add3A_1604 : vector<128x1xi32>
    %swap3A_1606 = arith.constant 0 : index
    %swap3A_1607 = arith.constant 45 : index
    %swap3A_1608 = vector.load %arg1[%swap3A_1606, %swap3A_1607] : memref<128x64xi32, #tpu.memory_space<vmem>>, vector<128x1xi32>
    tpu.vector_store %arg1[%swap3A_1606, %swap3A_1607], %add3A_1605 {strides = array<i32>} : memref<128x64xi32, #tpu.memory_space<vmem>>, vector<128x1xi32>,
    %add3A_1609 = arith.constant 1.792000e+03 : f32
    %add3A_1610 = vector.broadcast %add3A_1609 : f32 to vector<128x1xf32>
    %add3A_1611 = arith.addf %convert_element_type3A_777, %add3A_1610 : vector<128x1xf32>
    %le3A_1612 = vector.broadcast %reshape3A_1356 : vector<1x4096xf32> to vector<128x4096xf32>
    %le3A_1613 = vector.broadcast %add3A_1611 : vector<128x1xf32> to vector<128x4096xf32>
    %le3A_1614 = arith.cmpf ole, %le3A_1612, %le3A_1613 : vector<128x4096xf32>
    %convert_element_type3A_1615 = arith.extui %le3A_1614 : vector<128x4096xi1> to vector<128x4096xi32>
    %convert_element_type3A_1616 = arith.sitofp %convert_element_type3A_1615 : vector<128x4096xi32> to vector<128x4096xf32>
    %reduce_sum3A_1617 = arith.constant dense<0.000000e+00> : vector<128xf32>
    %reduce_sum3A_1618 = vector.multi_reduction <add>, %convert_element_type3A_1616, %reduce_sum3A_1617 [1] : vector<128x4096xf32> to vector<128xf32>
    %broadcast_in_dim3A_1619 = vector.shape_cast %reduce_sum3A_1618 : vector<128xf32> to vector<128x1xf32>
    %convert_element_type3A_1620 = arith.fptosi %broadcast_in_dim3A_1619 : vector<128x1xf32> to vector<128x1xi32>
    %add3A_1621 = arith.constant 8192 : i32
    %add3A_1622 = vector.broadcast %add3A_1621 : i32 to vector<128x1xi32>
    %add3A_1623 = arith.addi %convert_element_type3A_1620, %add3A_1622 : vector<128x1xi32>
    %swap3A_1624 = arith.constant 0 : index
    %swap3A_1625 = arith.constant 46 : index
    %swap3A_1626 = vector.load %arg1[%swap3A_1624, %swap3A_1625] : memref<128x64xi32, #tpu.memory_space<vmem>>, vector<128x1xi32>
    tpu.vector_store %arg1[%swap3A_1624, %swap3A_1625], %add3A_1623 {strides = array<i32>} : memref<128x64xi32, #tpu.memory_space<vmem>>, vector<128x1xi32>,
    %add3A_1627 = arith.constant 1.920000e+03 : f32
    %add3A_1628 = vector.broadcast %add3A_1627 : f32 to vector<128x1xf32>
    %add3A_1629 = arith.addf %convert_element_type3A_777, %add3A_1628 : vector<128x1xf32>
    %le3A_1630 = vector.broadcast %reshape3A_1356 : vector<1x4096xf32> to vector<128x4096xf32>
    %le3A_1631 = vector.broadcast %add3A_1629 : vector<128x1xf32> to vector<128x4096xf32>
    %le3A_1632 = arith.cmpf ole, %le3A_1630, %le3A_1631 : vector<128x4096xf32>
    %convert_element_type3A_1633 = arith.extui %le3A_1632 : vector<128x4096xi1> to vector<128x4096xi32>
    %convert_element_type3A_1634 = arith.sitofp %convert_element_type3A_1633 : vector<128x4096xi32> to vector<128x4096xf32>
    %reduce_sum3A_1635 = arith.constant dense<0.000000e+00> : vector<128xf32>
    %reduce_sum3A_1636 = vector.multi_reduction <add>, %convert_element_type3A_1634, %reduce_sum3A_1635 [1] : vector<128x4096xf32> to vector<128xf32>
    %broadcast_in_dim3A_1637 = vector.shape_cast %reduce_sum3A_1636 : vector<128xf32> to vector<128x1xf32>
    %convert_element_type3A_1638 = arith.fptosi %broadcast_in_dim3A_1637 : vector<128x1xf32> to vector<128x1xi32>
    %add3A_1639 = arith.constant 8192 : i32
    %add3A_1640 = vector.broadcast %add3A_1639 : i32 to vector<128x1xi32>
    %add3A_1641 = arith.addi %convert_element_type3A_1638, %add3A_1640 : vector<128x1xi32>
    %swap3A_1642 = arith.constant 0 : index
    %swap3A_1643 = arith.constant 47 : index
    %swap3A_1644 = vector.load %arg1[%swap3A_1642, %swap3A_1643] : memref<128x64xi32, #tpu.memory_space<vmem>>, vector<128x1xi32>
    tpu.vector_store %arg1[%swap3A_1642, %swap3A_1643], %add3A_1641 {strides = array<i32>} : memref<128x64xi32, #tpu.memory_space<vmem>>, vector<128x1xi32>,
    %slice3A_1645 = vector.extract_strided_slice %add3A_775 {offsets = [96, 0], sizes = [32, 128], strides = [1, 1]} : vector<128x128xf32> to vector<32x128xf32>
    %reshape3A_1646 = vector.shape_cast %slice3A_1645 : vector<32x128xf32> to vector<1x4096xf32>
    %add3A_1647 = arith.constant 0.000000e+00 : f32
    %add3A_1648 = vector.broadcast %add3A_1647 : f32 to vector<128x1xf32>
    %add3A_1649 = arith.addf %convert_element_type3A_777, %add3A_1648 : vector<128x1xf32>
    %le3A_1650 = vector.broadcast %reshape3A_1646 : vector<1x4096xf32> to vector<128x4096xf32>
    %le3A_1651 = vector.broadcast %add3A_1649 : vector<128x1xf32> to vector<128x4096xf32>
    %le3A_1652 = arith.cmpf ole, %le3A_1650, %le3A_1651 : vector<128x4096xf32>
    %convert_element_type3A_1653 = arith.extui %le3A_1652 : vector<128x4096xi1> to vector<128x4096xi32>
    %convert_element_type3A_1654 = arith.sitofp %convert_element_type3A_1653 : vector<128x4096xi32> to vector<128x4096xf32>
    %reduce_sum3A_1655 = arith.constant dense<0.000000e+00> : vector<128xf32>
    %reduce_sum3A_1656 = vector.multi_reduction <add>, %convert_element_type3A_1654, %reduce_sum3A_1655 [1] : vector<128x4096xf32> to vector<128xf32>
    %broadcast_in_dim3A_1657 = vector.shape_cast %reduce_sum3A_1656 : vector<128xf32> to vector<128x1xf32>
    %convert_element_type3A_1658 = arith.fptosi %broadcast_in_dim3A_1657 : vector<128x1xf32> to vector<128x1xi32>
    %add3A_1659 = arith.constant 12288 : i32
    %add3A_1660 = vector.broadcast %add3A_1659 : i32 to vector<128x1xi32>
    %add3A_1661 = arith.addi %convert_element_type3A_1658, %add3A_1660 : vector<128x1xi32>
    %swap3A_1662 = arith.constant 0 : index
    %swap3A_1663 = arith.constant 48 : index
    %swap3A_1664 = vector.load %arg1[%swap3A_1662, %swap3A_1663] : memref<128x64xi32, #tpu.memory_space<vmem>>, vector<128x1xi32>
    tpu.vector_store %arg1[%swap3A_1662, %swap3A_1663], %add3A_1661 {strides = array<i32>} : memref<128x64xi32, #tpu.memory_space<vmem>>, vector<128x1xi32>,
    %add3A_1665 = arith.constant 1.280000e+02 : f32
    %add3A_1666 = vector.broadcast %add3A_1665 : f32 to vector<128x1xf32>
    %add3A_1667 = arith.addf %convert_element_type3A_777, %add3A_1666 : vector<128x1xf32>
    %le3A_1668 = vector.broadcast %reshape3A_1646 : vector<1x4096xf32> to vector<128x4096xf32>
    %le3A_1669 = vector.broadcast %add3A_1667 : vector<128x1xf32> to vector<128x4096xf32>
    %le3A_1670 = arith.cmpf ole, %le3A_1668, %le3A_1669 : vector<128x4096xf32>
    %convert_element_type3A_1671 = arith.extui %le3A_1670 : vector<128x4096xi1> to vector<128x4096xi32>
    %convert_element_type3A_1672 = arith.sitofp %convert_element_type3A_1671 : vector<128x4096xi32> to vector<128x4096xf32>
    %reduce_sum3A_1673 = arith.constant dense<0.000000e+00> : vector<128xf32>
    %reduce_sum3A_1674 = vector.multi_reduction <add>, %convert_element_type3A_1672, %reduce_sum3A_1673 [1] : vector<128x4096xf32> to vector<128xf32>
    %broadcast_in_dim3A_1675 = vector.shape_cast %reduce_sum3A_1674 : vector<128xf32> to vector<128x1xf32>
    %convert_element_type3A_1676 = arith.fptosi %broadcast_in_dim3A_1675 : vector<128x1xf32> to vector<128x1xi32>
    %add3A_1677 = arith.constant 12288 : i32
    %add3A_1678 = vector.broadcast %add3A_1677 : i32 to vector<128x1xi32>
    %add3A_1679 = arith.addi %convert_element_type3A_1676, %add3A_1678 : vector<128x1xi32>
    %swap3A_1680 = arith.constant 0 : index
    %swap3A_1681 = arith.constant 49 : index
    %swap3A_1682 = vector.load %arg1[%swap3A_1680, %swap3A_1681] : memref<128x64xi32, #tpu.memory_space<vmem>>, vector<128x1xi32>
    tpu.vector_store %arg1[%swap3A_1680, %swap3A_1681], %add3A_1679 {strides = array<i32>} : memref<128x64xi32, #tpu.memory_space<vmem>>, vector<128x1xi32>,
    %add3A_1683 = arith.constant 2.560000e+02 : f32
    %add3A_1684 = vector.broadcast %add3A_1683 : f32 to vector<128x1xf32>
    %add3A_1685 = arith.addf %convert_element_type3A_777, %add3A_1684 : vector<128x1xf32>
    %le3A_1686 = vector.broadcast %reshape3A_1646 : vector<1x4096xf32> to vector<128x4096xf32>
    %le3A_1687 = vector.broadcast %add3A_1685 : vector<128x1xf32> to vector<128x4096xf32>
    %le3A_1688 = arith.cmpf ole, %le3A_1686, %le3A_1687 : vector<128x4096xf32>
    %convert_element_type3A_1689 = arith.extui %le3A_1688 : vector<128x4096xi1> to vector<128x4096xi32>
    %convert_element_type3A_1690 = arith.sitofp %convert_element_type3A_1689 : vector<128x4096xi32> to vector<128x4096xf32>
    %reduce_sum3A_1691 = arith.constant dense<0.000000e+00> : vector<128xf32>
    %reduce_sum3A_1692 = vector.multi_reduction <add>, %convert_element_type3A_1690, %reduce_sum3A_1691 [1] : vector<128x4096xf32> to vector<128xf32>
    %broadcast_in_dim3A_1693 = vector.shape_cast %reduce_sum3A_1692 : vector<128xf32> to vector<128x1xf32>
    %convert_element_type3A_1694 = arith.fptosi %broadcast_in_dim3A_1693 : vector<128x1xf32> to vector<128x1xi32>
    %add3A_1695 = arith.constant 12288 : i32
    %add3A_1696 = vector.broadcast %add3A_1695 : i32 to vector<128x1xi32>
    %add3A_1697 = arith.addi %convert_element_type3A_1694, %add3A_1696 : vector<128x1xi32>
    %swap3A_1698 = arith.constant 0 : index
    %swap3A_1699 = arith.constant 50 : index
    %swap3A_1700 = vector.load %arg1[%swap3A_1698, %swap3A_1699] : memref<128x64xi32, #tpu.memory_space<vmem>>, vector<128x1xi32>
    tpu.vector_store %arg1[%swap3A_1698, %swap3A_1699], %add3A_1697 {strides = array<i32>} : memref<128x64xi32, #tpu.memory_space<vmem>>, vector<128x1xi32>,
    %add3A_1701 = arith.constant 3.840000e+02 : f32
    %add3A_1702 = vector.broadcast %add3A_1701 : f32 to vector<128x1xf32>
    %add3A_1703 = arith.addf %convert_element_type3A_777, %add3A_1702 : vector<128x1xf32>
    %le3A_1704 = vector.broadcast %reshape3A_1646 : vector<1x4096xf32> to vector<128x4096xf32>
    %le3A_1705 = vector.broadcast %add3A_1703 : vector<128x1xf32> to vector<128x4096xf32>
    %le3A_1706 = arith.cmpf ole, %le3A_1704, %le3A_1705 : vector<128x4096xf32>
    %convert_element_type3A_1707 = arith.extui %le3A_1706 : vector<128x4096xi1> to vector<128x4096xi32>
    %convert_element_type3A_1708 = arith.sitofp %convert_element_type3A_1707 : vector<128x4096xi32> to vector<128x4096xf32>
    %reduce_sum3A_1709 = arith.constant dense<0.000000e+00> : vector<128xf32>
    %reduce_sum3A_1710 = vector.multi_reduction <add>, %convert_element_type3A_1708, %reduce_sum3A_1709 [1] : vector<128x4096xf32> to vector<128xf32>
    %broadcast_in_dim3A_1711 = vector.shape_cast %reduce_sum3A_1710 : vector<128xf32> to vector<128x1xf32>
    %convert_element_type3A_1712 = arith.fptosi %broadcast_in_dim3A_1711 : vector<128x1xf32> to vector<128x1xi32>
    %add3A_1713 = arith.constant 12288 : i32
    %add3A_1714 = vector.broadcast %add3A_1713 : i32 to vector<128x1xi32>
    %add3A_1715 = arith.addi %convert_element_type3A_1712, %add3A_1714 : vector<128x1xi32>
    %swap3A_1716 = arith.constant 0 : index
    %swap3A_1717 = arith.constant 51 : index
    %swap3A_1718 = vector.load %arg1[%swap3A_1716, %swap3A_1717] : memref<128x64xi32, #tpu.memory_space<vmem>>, vector<128x1xi32>
    tpu.vector_store %arg1[%swap3A_1716, %swap3A_1717], %add3A_1715 {strides = array<i32>} : memref<128x64xi32, #tpu.memory_space<vmem>>, vector<128x1xi32>,
    %add3A_1719 = arith.constant 5.120000e+02 : f32
    %add3A_1720 = vector.broadcast %add3A_1719 : f32 to vector<128x1xf32>
    %add3A_1721 = arith.addf %convert_element_type3A_777, %add3A_1720 : vector<128x1xf32>
    %le3A_1722 = vector.broadcast %reshape3A_1646 : vector<1x4096xf32> to vector<128x4096xf32>
    %le3A_1723 = vector.broadcast %add3A_1721 : vector<128x1xf32> to vector<128x4096xf32>
    %le3A_1724 = arith.cmpf ole, %le3A_1722, %le3A_1723 : vector<128x4096xf32>
    %convert_element_type3A_1725 = arith.extui %le3A_1724 : vector<128x4096xi1> to vector<128x4096xi32>
    %convert_element_type3A_1726 = arith.sitofp %convert_element_type3A_1725 : vector<128x4096xi32> to vector<128x4096xf32>
    %reduce_sum3A_1727 = arith.constant dense<0.000000e+00> : vector<128xf32>
    %reduce_sum3A_1728 = vector.multi_reduction <add>, %convert_element_type3A_1726, %reduce_sum3A_1727 [1] : vector<128x4096xf32> to vector<128xf32>
    %broadcast_in_dim3A_1729 = vector.shape_cast %reduce_sum3A_1728 : vector<128xf32> to vector<128x1xf32>
    %convert_element_type3A_1730 = arith.fptosi %broadcast_in_dim3A_1729 : vector<128x1xf32> to vector<128x1xi32>
    %add3A_1731 = arith.constant 12288 : i32
    %add3A_1732 = vector.broadcast %add3A_1731 : i32 to vector<128x1xi32>
    %add3A_1733 = arith.addi %convert_element_type3A_1730, %add3A_1732 : vector<128x1xi32>
    %swap3A_1734 = arith.constant 0 : index
    %swap3A_1735 = arith.constant 52 : index
    %swap3A_1736 = vector.load %arg1[%swap3A_1734, %swap3A_1735] : memref<128x64xi32, #tpu.memory_space<vmem>>, vector<128x1xi32>
    tpu.vector_store %arg1[%swap3A_1734, %swap3A_1735], %add3A_1733 {strides = array<i32>} : memref<128x64xi32, #tpu.memory_space<vmem>>, vector<128x1xi32>,
    %add3A_1737 = arith.constant 6.400000e+02 : f32
    %add3A_1738 = vector.broadcast %add3A_1737 : f32 to vector<128x1xf32>
    %add3A_1739 = arith.addf %convert_element_type3A_777, %add3A_1738 : vector<128x1xf32>
    %le3A_1740 = vector.broadcast %reshape3A_1646 : vector<1x4096xf32> to vector<128x4096xf32>
    %le3A_1741 = vector.broadcast %add3A_1739 : vector<128x1xf32> to vector<128x4096xf32>
    %le3A_1742 = arith.cmpf ole, %le3A_1740, %le3A_1741 : vector<128x4096xf32>
    %convert_element_type3A_1743 = arith.extui %le3A_1742 : vector<128x4096xi1> to vector<128x4096xi32>
    %convert_element_type3A_1744 = arith.sitofp %convert_element_type3A_1743 : vector<128x4096xi32> to vector<128x4096xf32>
    %reduce_sum3A_1745 = arith.constant dense<0.000000e+00> : vector<128xf32>
    %reduce_sum3A_1746 = vector.multi_reduction <add>, %convert_element_type3A_1744, %reduce_sum3A_1745 [1] : vector<128x4096xf32> to vector<128xf32>
    %broadcast_in_dim3A_1747 = vector.shape_cast %reduce_sum3A_1746 : vector<128xf32> to vector<128x1xf32>
    %convert_element_type3A_1748 = arith.fptosi %broadcast_in_dim3A_1747 : vector<128x1xf32> to vector<128x1xi32>
    %add3A_1749 = arith.constant 12288 : i32
    %add3A_1750 = vector.broadcast %add3A_1749 : i32 to vector<128x1xi32>
    %add3A_1751 = arith.addi %convert_element_type3A_1748, %add3A_1750 : vector<128x1xi32>
    %swap3A_1752 = arith.constant 0 : index
    %swap3A_1753 = arith.constant 53 : index
    %swap3A_1754 = vector.load %arg1[%swap3A_1752, %swap3A_1753] : memref<128x64xi32, #tpu.memory_space<vmem>>, vector<128x1xi32>
    tpu.vector_store %arg1[%swap3A_1752, %swap3A_1753], %add3A_1751 {strides = array<i32>} : memref<128x64xi32, #tpu.memory_space<vmem>>, vector<128x1xi32>,
    %add3A_1755 = arith.constant 7.680000e+02 : f32
    %add3A_1756 = vector.broadcast %add3A_1755 : f32 to vector<128x1xf32>
    %add3A_1757 = arith.addf %convert_element_type3A_777, %add3A_1756 : vector<128x1xf32>
    %le3A_1758 = vector.broadcast %reshape3A_1646 : vector<1x4096xf32> to vector<128x4096xf32>
    %le3A_1759 = vector.broadcast %add3A_1757 : vector<128x1xf32> to vector<128x4096xf32>
    %le3A_1760 = arith.cmpf ole, %le3A_1758, %le3A_1759 : vector<128x4096xf32>
    %convert_element_type3A_1761 = arith.extui %le3A_1760 : vector<128x4096xi1> to vector<128x4096xi32>
    %convert_element_type3A_1762 = arith.sitofp %convert_element_type3A_1761 : vector<128x4096xi32> to vector<128x4096xf32>
    %reduce_sum3A_1763 = arith.constant dense<0.000000e+00> : vector<128xf32>
    %reduce_sum3A_1764 = vector.multi_reduction <add>, %convert_element_type3A_1762, %reduce_sum3A_1763 [1] : vector<128x4096xf32> to vector<128xf32>
    %broadcast_in_dim3A_1765 = vector.shape_cast %reduce_sum3A_1764 : vector<128xf32> to vector<128x1xf32>
    %convert_element_type3A_1766 = arith.fptosi %broadcast_in_dim3A_1765 : vector<128x1xf32> to vector<128x1xi32>
    %add3A_1767 = arith.constant 12288 : i32
    %add3A_1768 = vector.broadcast %add3A_1767 : i32 to vector<128x1xi32>
    %add3A_1769 = arith.addi %convert_element_type3A_1766, %add3A_1768 : vector<128x1xi32>
    %swap3A_1770 = arith.constant 0 : index
    %swap3A_1771 = arith.constant 54 : index
    %swap3A_1772 = vector.load %arg1[%swap3A_1770, %swap3A_1771] : memref<128x64xi32, #tpu.memory_space<vmem>>, vector<128x1xi32>
    tpu.vector_store %arg1[%swap3A_1770, %swap3A_1771], %add3A_1769 {strides = array<i32>} : memref<128x64xi32, #tpu.memory_space<vmem>>, vector<128x1xi32>,
    %add3A_1773 = arith.constant 8.960000e+02 : f32
    %add3A_1774 = vector.broadcast %add3A_1773 : f32 to vector<128x1xf32>
    %add3A_1775 = arith.addf %convert_element_type3A_777, %add3A_1774 : vector<128x1xf32>
    %le3A_1776 = vector.broadcast %reshape3A_1646 : vector<1x4096xf32> to vector<128x4096xf32>
    %le3A_1777 = vector.broadcast %add3A_1775 : vector<128x1xf32> to vector<128x4096xf32>
    %le3A_1778 = arith.cmpf ole, %le3A_1776, %le3A_1777 : vector<128x4096xf32>
    %convert_element_type3A_1779 = arith.extui %le3A_1778 : vector<128x4096xi1> to vector<128x4096xi32>
    %convert_element_type3A_1780 = arith.sitofp %convert_element_type3A_1779 : vector<128x4096xi32> to vector<128x4096xf32>
    %reduce_sum3A_1781 = arith.constant dense<0.000000e+00> : vector<128xf32>
    %reduce_sum3A_1782 = vector.multi_reduction <add>, %convert_element_type3A_1780, %reduce_sum3A_1781 [1] : vector<128x4096xf32> to vector<128xf32>
    %broadcast_in_dim3A_1783 = vector.shape_cast %reduce_sum3A_1782 : vector<128xf32> to vector<128x1xf32>
    %convert_element_type3A_1784 = arith.fptosi %broadcast_in_dim3A_1783 : vector<128x1xf32> to vector<128x1xi32>
    %add3A_1785 = arith.constant 12288 : i32
    %add3A_1786 = vector.broadcast %add3A_1785 : i32 to vector<128x1xi32>
    %add3A_1787 = arith.addi %convert_element_type3A_1784, %add3A_1786 : vector<128x1xi32>
    %swap3A_1788 = arith.constant 0 : index
    %swap3A_1789 = arith.constant 55 : index
    %swap3A_1790 = vector.load %arg1[%swap3A_1788, %swap3A_1789] : memref<128x64xi32, #tpu.memory_space<vmem>>, vector<128x1xi32>
    tpu.vector_store %arg1[%swap3A_1788, %swap3A_1789], %add3A_1787 {strides = array<i32>} : memref<128x64xi32, #tpu.memory_space<vmem>>, vector<128x1xi32>,
    %add3A_1791 = arith.constant 1.024000e+03 : f32
    %add3A_1792 = vector.broadcast %add3A_1791 : f32 to vector<128x1xf32>
    %add3A_1793 = arith.addf %convert_element_type3A_777, %add3A_1792 : vector<128x1xf32>
    %le3A_1794 = vector.broadcast %reshape3A_1646 : vector<1x4096xf32> to vector<128x4096xf32>
    %le3A_1795 = vector.broadcast %add3A_1793 : vector<128x1xf32> to vector<128x4096xf32>
    %le3A_1796 = arith.cmpf ole, %le3A_1794, %le3A_1795 : vector<128x4096xf32>
    %convert_element_type3A_1797 = arith.extui %le3A_1796 : vector<128x4096xi1> to vector<128x4096xi32>
    %convert_element_type3A_1798 = arith.sitofp %convert_element_type3A_1797 : vector<128x4096xi32> to vector<128x4096xf32>
    %reduce_sum3A_1799 = arith.constant dense<0.000000e+00> : vector<128xf32>
    %reduce_sum3A_1800 = vector.multi_reduction <add>, %convert_element_type3A_1798, %reduce_sum3A_1799 [1] : vector<128x4096xf32> to vector<128xf32>
    %broadcast_in_dim3A_1801 = vector.shape_cast %reduce_sum3A_1800 : vector<128xf32> to vector<128x1xf32>
    %convert_element_type3A_1802 = arith.fptosi %broadcast_in_dim3A_1801 : vector<128x1xf32> to vector<128x1xi32>
    %add3A_1803 = arith.constant 12288 : i32
    %add3A_1804 = vector.broadcast %add3A_1803 : i32 to vector<128x1xi32>
    %add3A_1805 = arith.addi %convert_element_type3A_1802, %add3A_1804 : vector<128x1xi32>
    %swap3A_1806 = arith.constant 0 : index
    %swap3A_1807 = arith.constant 56 : index
    %swap3A_1808 = vector.load %arg1[%swap3A_1806, %swap3A_1807] : memref<128x64xi32, #tpu.memory_space<vmem>>, vector<128x1xi32>
    tpu.vector_store %arg1[%swap3A_1806, %swap3A_1807], %add3A_1805 {strides = array<i32>} : memref<128x64xi32, #tpu.memory_space<vmem>>, vector<128x1xi32>,
    %add3A_1809 = arith.constant 1.152000e+03 : f32
    %add3A_1810 = vector.broadcast %add3A_1809 : f32 to vector<128x1xf32>
    %add3A_1811 = arith.addf %convert_element_type3A_777, %add3A_1810 : vector<128x1xf32>
    %le3A_1812 = vector.broadcast %reshape3A_1646 : vector<1x4096xf32> to vector<128x4096xf32>
    %le3A_1813 = vector.broadcast %add3A_1811 : vector<128x1xf32> to vector<128x4096xf32>
    %le3A_1814 = arith.cmpf ole, %le3A_1812, %le3A_1813 : vector<128x4096xf32>
    %convert_element_type3A_1815 = arith.extui %le3A_1814 : vector<128x4096xi1> to vector<128x4096xi32>
    %convert_element_type3A_1816 = arith.sitofp %convert_element_type3A_1815 : vector<128x4096xi32> to vector<128x4096xf32>
    %reduce_sum3A_1817 = arith.constant dense<0.000000e+00> : vector<128xf32>
    %reduce_sum3A_1818 = vector.multi_reduction <add>, %convert_element_type3A_1816, %reduce_sum3A_1817 [1] : vector<128x4096xf32> to vector<128xf32>
    %broadcast_in_dim3A_1819 = vector.shape_cast %reduce_sum3A_1818 : vector<128xf32> to vector<128x1xf32>
    %convert_element_type3A_1820 = arith.fptosi %broadcast_in_dim3A_1819 : vector<128x1xf32> to vector<128x1xi32>
    %add3A_1821 = arith.constant 12288 : i32
    %add3A_1822 = vector.broadcast %add3A_1821 : i32 to vector<128x1xi32>
    %add3A_1823 = arith.addi %convert_element_type3A_1820, %add3A_1822 : vector<128x1xi32>
    %swap3A_1824 = arith.constant 0 : index
    %swap3A_1825 = arith.constant 57 : index
    %swap3A_1826 = vector.load %arg1[%swap3A_1824, %swap3A_1825] : memref<128x64xi32, #tpu.memory_space<vmem>>, vector<128x1xi32>
    tpu.vector_store %arg1[%swap3A_1824, %swap3A_1825], %add3A_1823 {strides = array<i32>} : memref<128x64xi32, #tpu.memory_space<vmem>>, vector<128x1xi32>,
    %add3A_1827 = arith.constant 1.280000e+03 : f32
    %add3A_1828 = vector.broadcast %add3A_1827 : f32 to vector<128x1xf32>
    %add3A_1829 = arith.addf %convert_element_type3A_777, %add3A_1828 : vector<128x1xf32>
    %le3A_1830 = vector.broadcast %reshape3A_1646 : vector<1x4096xf32> to vector<128x4096xf32>
    %le3A_1831 = vector.broadcast %add3A_1829 : vector<128x1xf32> to vector<128x4096xf32>
    %le3A_1832 = arith.cmpf ole, %le3A_1830, %le3A_1831 : vector<128x4096xf32>
    %convert_element_type3A_1833 = arith.extui %le3A_1832 : vector<128x4096xi1> to vector<128x4096xi32>
    %convert_element_type3A_1834 = arith.sitofp %convert_element_type3A_1833 : vector<128x4096xi32> to vector<128x4096xf32>
    %reduce_sum3A_1835 = arith.constant dense<0.000000e+00> : vector<128xf32>
    %reduce_sum3A_1836 = vector.multi_reduction <add>, %convert_element_type3A_1834, %reduce_sum3A_1835 [1] : vector<128x4096xf32> to vector<128xf32>
    %broadcast_in_dim3A_1837 = vector.shape_cast %reduce_sum3A_1836 : vector<128xf32> to vector<128x1xf32>
    %convert_element_type3A_1838 = arith.fptosi %broadcast_in_dim3A_1837 : vector<128x1xf32> to vector<128x1xi32>
    %add3A_1839 = arith.constant 12288 : i32
    %add3A_1840 = vector.broadcast %add3A_1839 : i32 to vector<128x1xi32>
    %add3A_1841 = arith.addi %convert_element_type3A_1838, %add3A_1840 : vector<128x1xi32>
    %swap3A_1842 = arith.constant 0 : index
    %swap3A_1843 = arith.constant 58 : index
    %swap3A_1844 = vector.load %arg1[%swap3A_1842, %swap3A_1843] : memref<128x64xi32, #tpu.memory_space<vmem>>, vector<128x1xi32>
    tpu.vector_store %arg1[%swap3A_1842, %swap3A_1843], %add3A_1841 {strides = array<i32>} : memref<128x64xi32, #tpu.memory_space<vmem>>, vector<128x1xi32>,
    %add3A_1845 = arith.constant 1.408000e+03 : f32
    %add3A_1846 = vector.broadcast %add3A_1845 : f32 to vector<128x1xf32>
    %add3A_1847 = arith.addf %convert_element_type3A_777, %add3A_1846 : vector<128x1xf32>
    %le3A_1848 = vector.broadcast %reshape3A_1646 : vector<1x4096xf32> to vector<128x4096xf32>
    %le3A_1849 = vector.broadcast %add3A_1847 : vector<128x1xf32> to vector<128x4096xf32>
    %le3A_1850 = arith.cmpf ole, %le3A_1848, %le3A_1849 : vector<128x4096xf32>
    %convert_element_type3A_1851 = arith.extui %le3A_1850 : vector<128x4096xi1> to vector<128x4096xi32>
    %convert_element_type3A_1852 = arith.sitofp %convert_element_type3A_1851 : vector<128x4096xi32> to vector<128x4096xf32>
    %reduce_sum3A_1853 = arith.constant dense<0.000000e+00> : vector<128xf32>
    %reduce_sum3A_1854 = vector.multi_reduction <add>, %convert_element_type3A_1852, %reduce_sum3A_1853 [1] : vector<128x4096xf32> to vector<128xf32>
    %broadcast_in_dim3A_1855 = vector.shape_cast %reduce_sum3A_1854 : vector<128xf32> to vector<128x1xf32>
    %convert_element_type3A_1856 = arith.fptosi %broadcast_in_dim3A_1855 : vector<128x1xf32> to vector<128x1xi32>
    %add3A_1857 = arith.constant 12288 : i32
    %add3A_1858 = vector.broadcast %add3A_1857 : i32 to vector<128x1xi32>
    %add3A_1859 = arith.addi %convert_element_type3A_1856, %add3A_1858 : vector<128x1xi32>
    %swap3A_1860 = arith.constant 0 : index
    %swap3A_1861 = arith.constant 59 : index
    %swap3A_1862 = vector.load %arg1[%swap3A_1860, %swap3A_1861] : memref<128x64xi32, #tpu.memory_space<vmem>>, vector<128x1xi32>
    tpu.vector_store %arg1[%swap3A_1860, %swap3A_1861], %add3A_1859 {strides = array<i32>} : memref<128x64xi32, #tpu.memory_space<vmem>>, vector<128x1xi32>,
    %add3A_1863 = arith.constant 1.536000e+03 : f32
    %add3A_1864 = vector.broadcast %add3A_1863 : f32 to vector<128x1xf32>
    %add3A_1865 = arith.addf %convert_element_type3A_777, %add3A_1864 : vector<128x1xf32>
    %le3A_1866 = vector.broadcast %reshape3A_1646 : vector<1x4096xf32> to vector<128x4096xf32>
    %le3A_1867 = vector.broadcast %add3A_1865 : vector<128x1xf32> to vector<128x4096xf32>
    %le3A_1868 = arith.cmpf ole, %le3A_1866, %le3A_1867 : vector<128x4096xf32>
    %convert_element_type3A_1869 = arith.extui %le3A_1868 : vector<128x4096xi1> to vector<128x4096xi32>
    %convert_element_type3A_1870 = arith.sitofp %convert_element_type3A_1869 : vector<128x4096xi32> to vector<128x4096xf32>
    %reduce_sum3A_1871 = arith.constant dense<0.000000e+00> : vector<128xf32>
    %reduce_sum3A_1872 = vector.multi_reduction <add>, %convert_element_type3A_1870, %reduce_sum3A_1871 [1] : vector<128x4096xf32> to vector<128xf32>
    %broadcast_in_dim3A_1873 = vector.shape_cast %reduce_sum3A_1872 : vector<128xf32> to vector<128x1xf32>
    %convert_element_type3A_1874 = arith.fptosi %broadcast_in_dim3A_1873 : vector<128x1xf32> to vector<128x1xi32>
    %add3A_1875 = arith.constant 12288 : i32
    %add3A_1876 = vector.broadcast %add3A_1875 : i32 to vector<128x1xi32>
    %add3A_1877 = arith.addi %convert_element_type3A_1874, %add3A_1876 : vector<128x1xi32>
    %swap3A_1878 = arith.constant 0 : index
    %swap3A_1879 = arith.constant 60 : index
    %swap3A_1880 = vector.load %arg1[%swap3A_1878, %swap3A_1879] : memref<128x64xi32, #tpu.memory_space<vmem>>, vector<128x1xi32>
    tpu.vector_store %arg1[%swap3A_1878, %swap3A_1879], %add3A_1877 {strides = array<i32>} : memref<128x64xi32, #tpu.memory_space<vmem>>, vector<128x1xi32>,
    %add3A_1881 = arith.constant 1.664000e+03 : f32
    %add3A_1882 = vector.broadcast %add3A_1881 : f32 to vector<128x1xf32>
    %add3A_1883 = arith.addf %convert_element_type3A_777, %add3A_1882 : vector<128x1xf32>
    %le3A_1884 = vector.broadcast %reshape3A_1646 : vector<1x4096xf32> to vector<128x4096xf32>
    %le3A_1885 = vector.broadcast %add3A_1883 : vector<128x1xf32> to vector<128x4096xf32>
    %le3A_1886 = arith.cmpf ole, %le3A_1884, %le3A_1885 : vector<128x4096xf32>
    %convert_element_type3A_1887 = arith.extui %le3A_1886 : vector<128x4096xi1> to vector<128x4096xi32>
    %convert_element_type3A_1888 = arith.sitofp %convert_element_type3A_1887 : vector<128x4096xi32> to vector<128x4096xf32>
    %reduce_sum3A_1889 = arith.constant dense<0.000000e+00> : vector<128xf32>
    %reduce_sum3A_1890 = vector.multi_reduction <add>, %convert_element_type3A_1888, %reduce_sum3A_1889 [1] : vector<128x4096xf32> to vector<128xf32>
    %broadcast_in_dim3A_1891 = vector.shape_cast %reduce_sum3A_1890 : vector<128xf32> to vector<128x1xf32>
    %convert_element_type3A_1892 = arith.fptosi %broadcast_in_dim3A_1891 : vector<128x1xf32> to vector<128x1xi32>
    %add3A_1893 = arith.constant 12288 : i32
    %add3A_1894 = vector.broadcast %add3A_1893 : i32 to vector<128x1xi32>
    %add3A_1895 = arith.addi %convert_element_type3A_1892, %add3A_1894 : vector<128x1xi32>
    %swap3A_1896 = arith.constant 0 : index
    %swap3A_1897 = arith.constant 61 : index
    %swap3A_1898 = vector.load %arg1[%swap3A_1896, %swap3A_1897] : memref<128x64xi32, #tpu.memory_space<vmem>>, vector<128x1xi32>
    tpu.vector_store %arg1[%swap3A_1896, %swap3A_1897], %add3A_1895 {strides = array<i32>} : memref<128x64xi32, #tpu.memory_space<vmem>>, vector<128x1xi32>,
    %add3A_1899 = arith.constant 1.792000e+03 : f32
    %add3A_1900 = vector.broadcast %add3A_1899 : f32 to vector<128x1xf32>
    %add3A_1901 = arith.addf %convert_element_type3A_777, %add3A_1900 : vector<128x1xf32>
    %le3A_1902 = vector.broadcast %reshape3A_1646 : vector<1x4096xf32> to vector<128x4096xf32>
    %le3A_1903 = vector.broadcast %add3A_1901 : vector<128x1xf32> to vector<128x4096xf32>
    %le3A_1904 = arith.cmpf ole, %le3A_1902, %le3A_1903 : vector<128x4096xf32>
    %convert_element_type3A_1905 = arith.extui %le3A_1904 : vector<128x4096xi1> to vector<128x4096xi32>
    %convert_element_type3A_1906 = arith.sitofp %convert_element_type3A_1905 : vector<128x4096xi32> to vector<128x4096xf32>
    %reduce_sum3A_1907 = arith.constant dense<0.000000e+00> : vector<128xf32>
    %reduce_sum3A_1908 = vector.multi_reduction <add>, %convert_element_type3A_1906, %reduce_sum3A_1907 [1] : vector<128x4096xf32> to vector<128xf32>
    %broadcast_in_dim3A_1909 = vector.shape_cast %reduce_sum3A_1908 : vector<128xf32> to vector<128x1xf32>
    %convert_element_type3A_1910 = arith.fptosi %broadcast_in_dim3A_1909 : vector<128x1xf32> to vector<128x1xi32>
    %add3A_1911 = arith.constant 12288 : i32
    %add3A_1912 = vector.broadcast %add3A_1911 : i32 to vector<128x1xi32>
    %add3A_1913 = arith.addi %convert_element_type3A_1910, %add3A_1912 : vector<128x1xi32>
    %swap3A_1914 = arith.constant 0 : index
    %swap3A_1915 = arith.constant 62 : index
    %swap3A_1916 = vector.load %arg1[%swap3A_1914, %swap3A_1915] : memref<128x64xi32, #tpu.memory_space<vmem>>, vector<128x1xi32>
    tpu.vector_store %arg1[%swap3A_1914, %swap3A_1915], %add3A_1913 {strides = array<i32>} : memref<128x64xi32, #tpu.memory_space<vmem>>, vector<128x1xi32>,
    %add3A_1917 = arith.constant 1.920000e+03 : f32
    %add3A_1918 = vector.broadcast %add3A_1917 : f32 to vector<128x1xf32>
    %add3A_1919 = arith.addf %convert_element_type3A_777, %add3A_1918 : vector<128x1xf32>
    %le3A_1920 = vector.broadcast %reshape3A_1646 : vector<1x4096xf32> to vector<128x4096xf32>
    %le3A_1921 = vector.broadcast %add3A_1919 : vector<128x1xf32> to vector<128x4096xf32>
    %le3A_1922 = arith.cmpf ole, %le3A_1920, %le3A_1921 : vector<128x4096xf32>
    %convert_element_type3A_1923 = arith.extui %le3A_1922 : vector<128x4096xi1> to vector<128x4096xi32>
    %convert_element_type3A_1924 = arith.sitofp %convert_element_type3A_1923 : vector<128x4096xi32> to vector<128x4096xf32>
    %reduce_sum3A_1925 = arith.constant dense<0.000000e+00> : vector<128xf32>
    %reduce_sum3A_1926 = vector.multi_reduction <add>, %convert_element_type3A_1924, %reduce_sum3A_1925 [1] : vector<128x4096xf32> to vector<128xf32>
    %broadcast_in_dim3A_1927 = vector.shape_cast %reduce_sum3A_1926 : vector<128xf32> to vector<128x1xf32>
    %convert_element_type3A_1928 = arith.fptosi %broadcast_in_dim3A_1927 : vector<128x1xf32> to vector<128x1xi32>
    %add3A_1929 = arith.constant 12288 : i32
    %add3A_1930 = vector.broadcast %add3A_1929 : i32 to vector<128x1xi32>
    %add3A_1931 = arith.addi %convert_element_type3A_1928, %add3A_1930 : vector<128x1xi32>
    %swap3A_1932 = arith.constant 0 : index
    %swap3A_1933 = arith.constant 63 : index
    %swap3A_1934 = vector.load %arg1[%swap3A_1932, %swap3A_1933] : memref<128x64xi32, #tpu.memory_space<vmem>>, vector<128x1xi32>
    tpu.vector_store %arg1[%swap3A_1932, %swap3A_1933], %add3A_1931 {strides = array<i32>} : memref<128x64xi32, #tpu.memory_space<vmem>>, vector<128x1xi32>,
    return
  }
}

</mosaic_0001>

<sc_bundles>
// kernel: kernel.6.cloned.1.call-start
scs
__scs_entry_jumppad:
0x0: {  	(pc) =	sbr.rel $0x88, $3  }
0x1: {  	(tag) =	ssettag $0x0;
	lr =	simm.s32 $0x1  }
0x2: {  	[smem:$0x3F9B] =	sst lr;
	_ =	strace $0xD0000000  }
0x3: {  	_ = 	snop  }
0x4: {  	_ = 	snop  }
0x5: {  	_ = 	snop  }
0x6: {  	_ = 	snop  }
0x7: {  	_ = 	snop  }
__scs_overlays_trampoline_lowered:
0x8: {  	[smem:$0x3FAA] =	sst s0  }
0x9: {  	[smem:$0x3FAB] =	sst s1  }
0xa: {  	[smem:$0x3FAC] =	sst s2  }
0xb: {  	[smem:$0x3FAD] =	sst s3  }
0xc: {  	[smem:$0x3FAE] =	sst s4  }
0xd: {  	[smem:$0x3FAF] =	sst s5  }
0xe: {  	[smem:$0x3FB0] =	sst s6  }
0xf: {  	[smem:$0x3FB1] =	sst s7  }
0x10: {  	[smem:$0x3FB2] =	sst s8  }
0x11: {  	[smem:$0x3FB3] =	sst s9;
	s0 =	simm.s32 @!p0 $0x0  }
0x12: {  	s1 =	sld [smem:$0x3F99];
	s0 =	simm.s32 @p0 $0x1  }
0x13: {  	[smem:$0x3FB4] =	sst s0;
	s0 =	simm.s32 @!p1 $0x0  }
0x14: {  	s2 =	sld [smem:$0x3F98];
	s0 =	simm.s32 @p1 $0x1  }
0x15: {  	[smem:$0x3FB5] =	sst s0;
	s0 =	simm.s32 @!p2 $0x0  }
0x16: {  	s3 =	sld [smem:$0x3FDB];
	s0 =	simm.s32 @p2 $0x1  }
0x17: {  	s4 =	simm.s32 $0x1BF5;
	[smem:$0x3FB7] =	sst s0  }
0x18: {  	s0 =	sld [smem:$0x3F9A];
	_ =	swait.ge [sflag:s4], $0x0  }
0x19: {  	s7 =	sld [smem:$0x3F9B]  }
0x1a: {  	s8 =	sadd.s32 $0xFFFFE003, lr  }
0x1b: {  	s9 =	sadd.s32 $0xFFFFFEF7, lr;
	s5 =	simm.s32 $0xFFFFFFFF;
	p2 =	slt.u32 s8, $0xFFFFF086  }
0x1c: {  	p1 =	slt.u32 s9, $0xF7A;
	s5 =	simm.s32 @!p2 $0x0  }
0x1d: {  	s5 =	simm.s32 @p1 $0x1;
	p0 =	seq.s32 s7, s2  }
0x1e: {  	s7 =	smul.u32 @!p0 $0xF7A, s2;
	p2 =	seq.s32 @!p0 s5, $0x0  }
0x1f: {  	s9 =	smul.u32 $0xF7A, s1;
	s8 =	simm.s32 @!p0 $0x1BF5;
	p2 =	por !p2, p0  }
0x20: {  	[sflag:s8] =	ssyncset.s32 @!p0 $0xFFFFF086;
	s6 =	sadd.s32 @!p0 s3, s7;
	s7 =	simm.s32 @!p0 $0x108  }
0x21: {  	s3 =	sadd.s32 s3, s9;
	s6 =	sadd.s32 @!p0 $0x88, s6;
	s7 =	simm.s32 @p2 $0x1082  }
0x22: {  	[simem:s7], [sflag:s8] =	dma.local @!p0 [hbm:s6], $0xF7A  }
0x23: {  	s9 =	sor.u32 $0xD0000000, s2;
	s6 =	simm.s32 $0x108;
	_ =	swait.ge @!p0 [sflag:s8], $0x0  }
0x24: {  	s3 =	sadd.s32 $0x88, s3;
	s6 =	simm.s32 @!p1 $0x1082;
	[sflag:s4] =	ssyncset.s32 $0xFFFFF086  }
0x25: {  	[simem:s6], [sflag:s4] =	dma.local [hbm:s3], $0xF7A  }
0x26: {  	[smem:$0x3F9B] =	sst s1;
	(tag) =	ssettag s2;
	_ =	strace s9  }
0x27: {  	s1 =	sld [smem:$0x3FAB]  }
0x28: {  	s2 =	sld [smem:$0x3FAC]  }
0x29: {  	s4 =	sld [smem:$0x3FAE]  }
0x2a: {  	p0 =	seq.s32 s5, $0x0;
	s5 =	sld [smem:$0x3FAF]  }
0x2b: {  	s6 =	sld [smem:$0x3FB0]  }
0x2c: {  	s7 =	sld [smem:$0x3FB1]  }
0x2d: {  	s3 =	simm.s32 $0x108;
	s8 =	sld [smem:$0x3FB2]  }
0x2e: {  	s3 =	simm.s32 @!p0 $0x1082;
	s9 =	sld [smem:$0x3FB3]  }
0x2f: {  	lr =	sadd.s32 s0, s3;
	s0 =	sld [smem:$0x3FAA]  }
0x30: {  	s3 =	sld [smem:$0x3FAD]  }
0x31: {  	[smem:$0x3FB6] =	sst s10  }
0x32: {  	s10 =	sld [smem:$0x3FB4];
	_ =	sdelay $0x3  }
0x33: {  	p0 =	seq.s32 s10, $0x1;
	s10 =	sld [smem:$0x3FB6];
	_ =	sdelay $0x3  }
0x34: {  	[smem:$0x3FB6] =	sst s10  }
0x35: {  	s10 =	sld [smem:$0x3FB5];
	_ =	sdelay $0x3  }
0x36: {  	p1 =	seq.s32 s10, $0x1;
	s10 =	sld [smem:$0x3FB6];
	_ =	sdelay $0x3  }
0x37: {  	[smem:$0x3FB6] =	sst s10  }
0x38: {  	s10 =	sld [smem:$0x3FB7]  }
0x39: {  	_ = 	snop;
	(pc) =	sbr.ind lr, $3  }
0x3a: {  	_ = 	snop  }
0x3b: {  	_ = 	snop  }
0x3c: {  	p2 =	seq.s32 s10, $0x1;
	s10 =	sld [smem:$0x3FB6]  }
0x3d: {  	_ =	shalt  }
0x3e: {  	_ =	shalt  }
0x3f: {  	_ =	shalt  }
0x40: {  	_ =	shalt  }
0x41: {  	_ =	shalt  }
0x42: {  	_ =	shalt  }
0x43: {  	_ =	shalt  }
0x44: {  	_ =	shalt  }
0x45: {  	_ =	shalt  }
0x46: {  	_ =	shalt  }
0x47: {  	_ =	shalt  }
0x48: {  	_ =	shalt  }
0x49: {  	_ =	shalt  }
0x4a: {  	_ =	shalt  }
0x4b: {  	_ =	shalt  }
0x4c: {  	_ =	shalt  }
0x4d: {  	_ =	shalt  }
0x4e: {  	_ =	shalt  }
0x4f: {  	_ =	shalt  }
0x50: {  	_ =	shalt  }
0x51: {  	_ =	shalt  }
0x52: {  	_ =	shalt  }
0x53: {  	_ =	shalt  }
0x54: {  	_ =	shalt  }
0x55: {  	_ =	shalt  }
0x56: {  	_ =	shalt  }
0x57: {  	_ =	shalt  }
0x58: {  	_ =	shalt  }
0x59: {  	_ =	shalt  }
0x5a: {  	_ =	shalt  }
0x5b: {  	_ =	shalt  }
0x5c: {  	_ =	shalt  }
0x5d: {  	_ =	shalt  }
0x5e: {  	_ =	shalt  }
0x5f: {  	_ =	shalt  }
0x60: {  	_ =	shalt  }
0x61: {  	_ =	shalt  }
0x62: {  	_ =	shalt  }
0x63: {  	_ =	shalt  }
0x64: {  	_ =	shalt  }
0x65: {  	_ =	shalt  }
0x66: {  	_ =	shalt  }
0x67: {  	_ =	shalt  }
0x68: {  	_ =	shalt  }
0x69: {  	_ =	shalt  }
0x6a: {  	_ =	shalt  }
0x6b: {  	_ =	shalt  }
0x6c: {  	_ =	shalt  }
0x6d: {  	_ =	shalt  }
0x6e: {  	_ =	shalt  }
0x6f: {  	_ =	shalt  }
0x70: {  	_ =	shalt  }
0x71: {  	_ =	shalt  }
0x72: {  	_ =	shalt  }
0x73: {  	_ =	shalt  }
0x74: {  	_ =	shalt  }
0x75: {  	_ =	shalt  }
0x76: {  	_ =	shalt  }
0x77: {  	_ =	shalt  }
0x78: {  	_ =	shalt  }
0x79: {  	_ =	shalt  }
0x7a: {  	_ =	shalt  }
0x7b: {  	_ =	shalt  }
0x7c: {  	_ =	shalt  }
0x7d: {  	_ =	shalt  }
0x7e: {  	_ =	shalt  }
0x7f: {  	_ =	shalt  }
0x80: {  	_ =	shalt  }
0x81: {  	_ =	shalt  }
0x82: {  	_ =	shalt  }
0x83: {  	_ =	shalt  }
0x84: {  	_ =	shalt  }
0x85: {  	_ =	shalt  }
0x86: {  	_ =	shalt  }
0x87: {  	_ =	shalt  }
.Lfunc_end0:
.L_simem_size_0:
called_computation_lowered:
.L_overlay_start_0:
0x88: {  	s2 =	sld [smem:$0x3FD9]  }
0x89: {  	s3 =	sld [smem:$0x3FFE];
	_ =	sdelay $0x1  }
0x8a: {  	s1 =	srdreg.scid  }
0x8b: {  	s0 =	sand.u32 $0x1, s1  }
0x8c: {  	s17 =	sshll.u32 s0, $0xA;
	s2 =	sadd.s32 s3, s2  }
0x8d: {  	s2 =	sadd.s32 s2, s17  }
0x8e: {  	[smem:$0x3FC2] =	sst s2  }
0x8f: {  	_ = 	snop  }
0x90: {  	s2 =	sld [smem:$0x3FC9];
	(tm) =	ssettm $0x1  }
0x91: {  	s18 =	sld [smem:$0x3FFB];
	_ =	sdelay $0x3  }
0x92: {  	_ =	strace s18  }
0x93: {  	s3 =	sld [smem:$0x3FFC];
	_ =	sdelay $0x3  }
0x94: {  	_ =	strace s3  }
0x95: {  	s3 =	sld [smem:$0x3FFD];
	_ =	sdelay $0x3  }
0x96: {  	_ =	strace s3  }
0x97: {  	_ =	strace $0x8FFFFFFF  }
0x98: {  	s19 =	sld [smem:$0x3FDB];
	_ =	sdelay $0x1  }
0x99: {  	s4 =	simm.s32 $_scs_section_size  }
0x9a: {  	s5 =	simm.s32 $_size__tile_overlayer_lowered;
	s6 =	simm.s32 $_tile_overlayer_lowered  }
0x9b: {  	s22 =	simm.s32 $0x1BFF;
	s21 =	sshll.u32 s6, $0x1;
	s3 =	sadd.s32 s4, s19  }
0x9c: {  	s7 =	simm.s32 $0x0;
	s20 =	sshll.u32 s5, $0x1;
	s5 =	sadd.s32 s21, s3  }
0x9d: {  	[timem:s7], [sflag:s22] =	dma.local [hbm:s5], s20  }
0x9e: {  	_ =	swait.ge [sflag:s22], s20  }
0x9f: {  	s4 =	ssub.s32 $0x0, s20;
	[sflag:s22] =	ssyncset.done $0x0  }
0xa0: {  	[sflag:s22] =	ssyncadd.s32 s4;
	_ =	sdelay $0x1  }
0xa1: {  	s23 =	simm.s32 $0x1B8B  }
0xa2: {  	_ =	swait.ge [sflag:s23], $0x1  }
0xa3: {  	[sflag:s23] =	ssyncset.done $0x0  }
0xa4: {  	s25 =	simm.s32 $0x1B8E;
	s24 =	sld [smem:$0x3FFE];
	[sflag:s23] =	ssyncadd.s32 $0xFFFFFFFF  }
0xa5: {  	s26 =	simm.s32 $execute0_lowered;
	[smem:$0x3FD2] =	sst s25  }
0xa6: {  	s5 =	sshll.u32 s26, $0x1;
	_ =	strace $0x80000046;
	[dreg:$0x1] =	wrdreg $0xFFFFFFFF  }
0xa7: {  	s28 =	simm.s32 $_size_execute0_lowered;
	s3 =	sadd.s32 s3, s5;
	[dreg:$0x0] =	wrdreg $0x0  }
0xa8: {  	s5 =	sshll.u32 s28, $0x1;
	[dreg:$0x2] =	wrdreg s3  }
0xa9: {  	[dreg:$0x3] =	wrdreg s5  }
0xaa: {  	[dreg:$0x4] =	wrdreg $0xC0  }
0xab: {  	_ =	task [dreg:s7], $0x5FFFF  }
0xac: {  	[dreg:$0x1] =	wrdreg $0xFFFFFFFF  }
0xad: {  	[dreg:$0x0] =	wrdreg $0x60  }
0xae: {  	[dreg:$0x2] =	wrdreg s2  }
0xaf: {  	[dreg:$0x3] =	wrdreg s24  }
0xb0: {  	[dreg:$0x4] =	wrdreg $0x9  }
0xb1: {  	_ =	task.clear_ibuf [dreg:s7], $0x5FFFF;
	_ =	strace $0x90000046  }
0xb2: {  	s29 =	simm.s32 $0x9;
	_ =	strace $0x80000048  }
0xb3: {  	_ =	swait.ge [sflag:s29], $0x1  }
0xb4: {  	[sflag:s29] =	ssyncadd.s32 $0xFFFFFFFF  }
0xb5: {  	_ =	strace $0x90000048  }
0xb6: {  	_ =	sfence  }
0xb7: {  	s30 =	sld [smem:$0x0];
	_ =	sdelay $0x2  }
0xb8: {  	s31 =	sshll.u32 s1, $0xD;
	s1 =	sshrl.u32 s1, $0x2  }
0xb9: {  	s3 =	sand.u32 $0x4000, s31;
	s1 =	sadd.s32 s1, s30  }
0xba: {  	s0 =	sor.u32 s3, s0;
	s1 =	sshll.u32 s1, $0x11  }
0xbb: {  	s0 =	sor.u32 s1, s0  }
0xbc: {  	s0 =	sadd.s32 $0x8F2B, s0  }
0xbd: {  	[sflag:s0] =	ssyncadd.remote.s32 $0x1  }
0xbe: {  	_ =	sfence.sel $0xFFFF  }
0xbf: {  	[dreg:$0x0] =	wrdreg $0xFFFFFFFF;
	(pc) =	sbr.abs _section_cstart, $3  }
0xc0: {  	[dreg:$0x1] =	wrdreg $0xFFFFFFFF  }
0xc1: {  	_ =	task.clear_ibuf [dreg:s7], $0x2FFFF;
	_ =	strace $0x9FFFFFFF  }
0xc2: {  	(tm) =	ssettm $0x7FFFFFFF  }
0xc3: {  	_ =	shalt  }
tec
execute0_lowered:
.L_overlay_start_1:
0x0: {  	(tag) =	ssettag $0x1  }
0x1: {  	s1 =	rddreg [dreg:$0x0]  }
0x2: {  	s0 =	rddreg [dreg:$0x1]  }
0x3: {  	s2 =	srdreg.scid;
	s3 =	simm.s32 $0x0;
	s4 =	stileid.u32  }
0x4: {  	s18 =	simm.s32 $0x1;
	s2 =	sand.u32 $0x1, s2;
	[smem:$0x7FF] =	sst s3  }
0x5: {  	s4 =	sshll.u32 s4, $0x9;
	s7 =	sadd.s32 $0x2200, s0;
	s0 =	sadd.s32 $0x2600, s0  }
0x6: {  	s5 =	sshll.u32 s2, $0x8;
	_ =	strace $0x80000047;
	s2 =	ssub.s32 $0x2, s2  }
0x7: {  	s6 =	sor.u32 s5, s4;
	s22 =	sshrl.u32 s2, $0x1;
	s4 =	sadd.s32 $0x100, s1  }
0x8: {  	s5 =	sshrl.u32 s6, $0x3;
	s2 =	ssub.s32 s2, s22;
	s24 =	sshll.u32 s6, $0x7  }
0x9: {  	s8 =	sor.u32 $0x40, s6;
	s26 =	sor.u32 $0x80, s6;
	s6 =	sor.u32 $0xC0, s6  }
0xa: {  	s23 =	sadd.s32 s7, s5;
	s5 =	sadd.s32 s0, s24;
	s9 =	sshrl.u32 s8, $0x3  }
0xb: {  	s8 =	sshll.u32 s8, $0x7;
	s28 =	sshrl.u32 s26, $0x3;
	[dreg:$0x3] =	wrdreg s23  }
0xc: {  	s30 =	sshrl.u32 s6, $0x3;
	[dreg:$0x4] =	wrdreg s5;
	s25 =	sadd.s32 s7, s9  }
0xd: {  	s31 =	sshll.u32 s6, $0x7;
	s8 =	sadd.s32 s0, s8;
	[dreg:$0x5] =	wrdreg s25  }
0xe: {  	s9 =	sshll.u32 s26, $0x7;
	[dreg:$0x6] =	wrdreg s8;
	s8 =	sadd.s32 s7, s28  }
0xf: {  	s6 =	sadd.s32 $0x300, s1;
	s29 =	sadd.s32 s0, s9;
	[dreg:$0x7] =	wrdreg s8  }
0x10: {  	v2 =	vlaneseq.u32;
	s5 =	sadd.s32 $0x200, s1;
	s7 =	sadd.s32 s7, s30;
	[dreg:$0x8] =	wrdreg s29  }
0x11: {  	vm0 =	vmmov $0xffff;
	v1 =	vshrl.u32 v2, $0x3;
	s23 =	simm.s32 $0x80;
	s0 =	sadd.s32 s0, s31;
	[dreg:$0x9] =	wrdreg s7  }
0x12: {  	v0 =	vand.u32 $0x7, v2;
	v2 =	vor.u32 $0x8, v2;
	v1 =	vmul.u32 $0x8, v1;
	[dreg:$0xa] =	wrdreg s0;
	s7 =	smax.u32 s2, $0x1;
	s8 =	simm.s32 $0x2  }
.LBB2_1:
0x13: {  	s19 =	rddreg [dreg:$0x3]  }
0x14: {  	[tilespmem:s3], [sflag:$0x2] =	stream.linear.gather [hbm4b:s19+s3], $0x40, $0x38;
	[tilespmem:$0x10080] =	vst v63  }
0x15: {  	_ =	swait.ge [sflag:s8], $0x40  }
0x16: {  	[sflag:s8] =	ssyncset.done $0x0  }
0x17: {  	[sflag:s8] =	ssyncadd.s32 $0xFFFFFFC0  }
0x18: {  	v3 =	vld [tilespmem:$0x0];
	_ =	sdelay $0x4  }
0x19: {  	v4 =	vshll.u32 v3, $0x3  }
0x1a: {  	v3 =	vand.u32 $0x7, v3;
	v4 =	vand.u32 $0xFFFFFFC0, v4  }
0x1b: {  	v3 =	vor.u32 v3, v4  }
0x1c: {  	v4 =	vperm.xlane v3, v0;
	_ =	sdelay $0x1  }
0x1d: {  	v4 =	vadd.s32 v1, v4;
	_ =	sdelay $0x4  }
0x1e: {  	[tilespmem:s23], [sflag:$0x1] =	stream.indirect_vreg.gather [hbm4b:s1+s3], $0x80, v4, vm0, $0xb8;
	[tilespmem:$0x10080] =	vst v63  }
0x1f: {  	s0 =	simm.s32 $0x880;
	v3 =	vperm.xlane v3, v2  }
0x20: {  	[tilespmem:s0], [sflag:$0x1] =	stream.indirect_vreg.gather [hbm4b:s4+s3], $0x80, v4, vm0, $0xb8;
	[tilespmem:$0x10080] =	vst v63  }
0x21: {  	s12 =	simm.s32 $0x1080;
	v3 =	vadd.s32 v1, v3  }
0x22: {  	[tilespmem:s12], [sflag:$0x1] =	stream.indirect_vreg.gather [hbm4b:s5+s3], $0x80, v4, vm0, $0xb8;
	[tilespmem:$0x10080] =	vst v63  }
0x23: {  	s13 =	simm.s32 $0x1880  }
0x24: {  	[tilespmem:s13], [sflag:$0x1] =	stream.indirect_vreg.gather [hbm4b:s6+s3], $0x80, v4, vm0, $0xb8;
	[tilespmem:$0x10080] =	vst v63  }
0x25: {  	s15 =	simm.s32 $0x2080  }
0x26: {  	[tilespmem:s15], [sflag:$0x1] =	stream.indirect_vreg.gather [hbm4b:s1+s3], $0x80, v3, vm0, $0xb8;
	[tilespmem:$0x10080] =	vst v63  }
0x27: {  	s16 =	simm.s32 $0x2880  }
0x28: {  	[tilespmem:s16], [sflag:$0x1] =	stream.indirect_vreg.gather [hbm4b:s4+s3], $0x80, v3, vm0, $0xb8;
	[tilespmem:$0x10080] =	vst v63  }
0x29: {  	s17 =	simm.s32 $0x3080  }
0x2a: {  	[tilespmem:s17], [sflag:$0x1] =	stream.indirect_vreg.gather [hbm4b:s5+s3], $0x80, v3, vm0, $0xb8;
	[tilespmem:$0x10080] =	vst v63  }
0x2b: {  	s19 =	simm.s32 $0x3880  }
0x2c: {  	[tilespmem:s19], [sflag:$0x1] =	stream.indirect_vreg.gather [hbm4b:s6+s3], $0x80, v3, vm0, $0xb8;
	[tilespmem:$0x10080] =	vst v63  }
0x2d: {  	v3 =	vld [tilespmem:$0x10];
	_ =	sdelay $0x4  }
0x2e: {  	v49 =	vshll.u32 v3, $0x3  }
0x2f: {  	v3 =	vand.u32 $0x7, v3;
	v4 =	vand.u32 $0xFFFFFFC0, v49  }
0x30: {  	v3 =	vor.u32 v3, v4  }
0x31: {  	v4 =	vperm.xlane v3, v0;
	_ =	sdelay $0x1  }
0x32: {  	v4 =	vadd.s32 v1, v4;
	_ =	sdelay $0x3  }
0x33: {  	s20 =	simm.s32 $0x4080  }
0x34: {  	[tilespmem:s20], [sflag:$0x1] =	stream.indirect_vreg.gather [hbm4b:s1+s3], $0x80, v4, vm0, $0xb8;
	[tilespmem:$0x10080] =	vst v63  }
0x35: {  	s21 =	simm.s32 $0x4880;
	v3 =	vperm.xlane v3, v2  }
0x36: {  	[tilespmem:s21], [sflag:$0x1] =	stream.indirect_vreg.gather [hbm4b:s4+s3], $0x80, v4, vm0, $0xb8;
	[tilespmem:$0x10080] =	vst v63  }
0x37: {  	s22 =	simm.s32 $0x5080;
	v3 =	vadd.s32 v1, v3  }
0x38: {  	[tilespmem:s22], [sflag:$0x1] =	stream.indirect_vreg.gather [hbm4b:s5+s3], $0x80, v4, vm0, $0xb8;
	[tilespmem:$0x10080] =	vst v63  }
0x39: {  	s24 =	simm.s32 $0x5880  }
0x3a: {  	[tilespmem:s24], [sflag:$0x1] =	stream.indirect_vreg.gather [hbm4b:s6+s3], $0x80, v4, vm0, $0xb8;
	[tilespmem:$0x10080] =	vst v63  }
0x3b: {  	s25 =	simm.s32 $0x6080  }
0x3c: {  	[tilespmem:s25], [sflag:$0x1] =	stream.indirect_vreg.gather [hbm4b:s1+s3], $0x80, v3, vm0, $0xb8;
	[tilespmem:$0x10080] =	vst v63  }
0x3d: {  	s26 =	simm.s32 $0x6880  }
0x3e: {  	[tilespmem:s26], [sflag:$0x1] =	stream.indirect_vreg.gather [hbm4b:s4+s3], $0x80, v3, vm0, $0xb8;
	[tilespmem:$0x10080] =	vst v63  }
0x3f: {  	s28 =	simm.s32 $0x7080  }
0x40: {  	[tilespmem:s28], [sflag:$0x1] =	stream.indirect_vreg.gather [hbm4b:s5+s3], $0x80, v3, vm0, $0xb8;
	[tilespmem:$0x10080] =	vst v63  }
0x41: {  	s29 =	simm.s32 $0x7880  }
0x42: {  	[tilespmem:s29], [sflag:$0x1] =	stream.indirect_vreg.gather [hbm4b:s6+s3], $0x80, v3, vm0, $0xb8;
	[tilespmem:$0x10080] =	vst v63  }
0x43: {  	v3 =	vld [tilespmem:$0x20];
	_ =	sdelay $0x4  }
0x44: {  	v50 =	vshll.u32 v3, $0x3  }
0x45: {  	v3 =	vand.u32 $0x7, v3;
	v4 =	vand.u32 $0xFFFFFFC0, v50  }
0x46: {  	v3 =	vor.u32 v3, v4  }
0x47: {  	v4 =	vperm.xlane v3, v0;
	_ =	sdelay $0x1  }
0x48: {  	v4 =	vadd.s32 v1, v4;
	_ =	sdelay $0x3  }
0x49: {  	s30 =	simm.s32 $0x8080  }
0x4a: {  	[tilespmem:s30], [sflag:$0x1] =	stream.indirect_vreg.gather [hbm4b:s1+s3], $0x80, v4, vm0, $0xb8;
	[tilespmem:$0x10080] =	vst v63  }
0x4b: {  	s16 =	simm.s32 $0x8880;
	v3 =	vperm.xlane v3, v2  }
0x4c: {  	[tilespmem:s16], [sflag:$0x1] =	stream.indirect_vreg.gather [hbm4b:s4+s3], $0x80, v4, vm0, $0xb8;
	[tilespmem:$0x10080] =	vst v63  }
0x4d: {  	s17 =	simm.s32 $0x9080;
	v3 =	vadd.s32 v1, v3  }
0x4e: {  	[tilespmem:s17], [sflag:$0x1] =	stream.indirect_vreg.gather [hbm4b:s5+s3], $0x80, v4, vm0, $0xb8;
	[tilespmem:$0x10080] =	vst v63  }
0x4f: {  	s19 =	simm.s32 $0x9880  }
0x50: {  	[tilespmem:s19], [sflag:$0x1] =	stream.indirect_vreg.gather [hbm4b:s6+s3], $0x80, v4, vm0, $0xb8;
	[tilespmem:$0x10080] =	vst v63  }
0x51: {  	s20 =	simm.s32 $0xA080  }
0x52: {  	[tilespmem:s20], [sflag:$0x1] =	stream.indirect_vreg.gather [hbm4b:s1+s3], $0x80, v3, vm0, $0xb8;
	[tilespmem:$0x10080] =	vst v63  }
0x53: {  	s21 =	simm.s32 $0xA880  }
0x54: {  	[tilespmem:s21], [sflag:$0x1] =	stream.indirect_vreg.gather [hbm4b:s4+s3], $0x80, v3, vm0, $0xb8;
	[tilespmem:$0x10080] =	vst v63  }
0x55: {  	s22 =	simm.s32 $0xB080  }
0x56: {  	[tilespmem:s22], [sflag:$0x1] =	stream.indirect_vreg.gather [hbm4b:s5+s3], $0x80, v3, vm0, $0xb8;
	[tilespmem:$0x10080] =	vst v63  }
0x57: {  	s24 =	simm.s32 $0xB880  }
0x58: {  	[tilespmem:s24], [sflag:$0x1] =	stream.indirect_vreg.gather [hbm4b:s6+s3], $0x80, v3, vm0, $0xb8;
	[tilespmem:$0x10080] =	vst v63  }
0x59: {  	v3 =	vld [tilespmem:$0x30];
	_ =	sdelay $0x4  }
0x5a: {  	v51 =	vshll.u32 v3, $0x3  }
0x5b: {  	v3 =	vand.u32 $0x7, v3;
	v4 =	vand.u32 $0xFFFFFFC0, v51  }
0x5c: {  	v3 =	vor.u32 v3, v4  }
0x5d: {  	v4 =	vperm.xlane v3, v0;
	_ =	sdelay $0x1  }
0x5e: {  	v4 =	vadd.s32 v1, v4;
	_ =	sdelay $0x3  }
0x5f: {  	s25 =	simm.s32 $0xC080  }
0x60: {  	[tilespmem:s25], [sflag:$0x1] =	stream.indirect_vreg.gather [hbm4b:s1+s3], $0x80, v4, vm0, $0xb8;
	[tilespmem:$0x10080] =	vst v63  }
0x61: {  	s26 =	simm.s32 $0xC880;
	v3 =	vperm.xlane v3, v2  }
0x62: {  	[tilespmem:s26], [sflag:$0x1] =	stream.indirect_vreg.gather [hbm4b:s4+s3], $0x80, v4, vm0, $0xb8;
	[tilespmem:$0x10080] =	vst v63  }
0x63: {  	s29 =	simm.s32 $0xD080;
	v3 =	vadd.s32 v1, v3  }
0x64: {  	[tilespmem:s29], [sflag:$0x1] =	stream.indirect_vreg.gather [hbm4b:s5+s3], $0x80, v4, vm0, $0xb8;
	[tilespmem:$0x10080] =	vst v63  }
0x65: {  	s0 =	simm.s32 $0xD880  }
0x66: {  	[tilespmem:s0], [sflag:$0x1] =	stream.indirect_vreg.gather [hbm4b:s6+s3], $0x80, v4, vm0, $0xb8;
	[tilespmem:$0x10080] =	vst v63  }
0x67: {  	s16 =	simm.s32 $0xE080  }
0x68: {  	[tilespmem:s16], [sflag:$0x1] =	stream.indirect_vreg.gather [hbm4b:s1+s3], $0x80, v3, vm0, $0xb8;
	[tilespmem:$0x10080] =	vst v63  }
0x69: {  	s17 =	simm.s32 $0xE880  }
0x6a: {  	[tilespmem:s17], [sflag:$0x1] =	stream.indirect_vreg.gather [hbm4b:s4+s3], $0x80, v3, vm0, $0xb8;
	[tilespmem:$0x10080] =	vst v63  }
0x6b: {  	s24 =	simm.s32 $0xF080  }
0x6c: {  	[tilespmem:s24], [sflag:$0x1] =	stream.indirect_vreg.gather [hbm4b:s5+s3], $0x80, v3, vm0, $0xb8;
	[tilespmem:$0x10080] =	vst v63  }
0x6d: {  	s25 =	simm.s32 $0xF880  }
0x6e: {  	[tilespmem:s25], [sflag:$0x1] =	stream.indirect_vreg.gather [hbm4b:s6+s3], $0x80, v3, vm0, $0xb8;
	[tilespmem:$0x10080] =	vst v63  }
0x6f: {  	_ =	swait.ge [sflag:s18], $0x10000  }
0x70: {  	[sflag:s18] =	ssyncset.done $0x0  }
0x71: {  	s0 =	rddreg [dreg:$0x4];
	[sflag:s18] =	ssyncadd.s32 $0xFFFF0000  }
0x72: {  	[hbm4b:s0+s3] =	stream.linear.scatter [tilespmem:s23], [sflag:$0x2], $0x10000, $0x38;
	[tilespmem:$0x10080] =	vst v63  }
0x73: {  	_ =	swait.ge [sflag:s8], $0x10000  }
0x74: {  	[sflag:s8] =	ssyncset.done $0x0  }
0x75: {  	s16 =	rddreg [dreg:$0x5];
	[sflag:s8] =	ssyncadd.s32 $0xFFFF0000  }
0x76: {  	[tilespmem:s3], [sflag:$0x2] =	stream.linear.gather [hbm4b:s16+s3], $0x40, $0x38;
	[tilespmem:$0x10080] =	vst v63  }
0x77: {  	_ =	swait.ge [sflag:s8], $0x40  }
0x78: {  	[sflag:s8] =	ssyncset.done $0x0  }
0x79: {  	[sflag:s8] =	ssyncadd.s32 $0xFFFFFFC0  }
0x7a: {  	v3 =	vld [tilespmem:$0x0];
	_ =	sdelay $0x4  }
0x7b: {  	v52 =	vshll.u32 v3, $0x3  }
0x7c: {  	v3 =	vand.u32 $0x7, v3;
	v4 =	vand.u32 $0xFFFFFFC0, v52  }
0x7d: {  	v3 =	vor.u32 v3, v4  }
0x7e: {  	v4 =	vperm.xlane v3, v0;
	_ =	sdelay $0x1  }
0x7f: {  	v4 =	vadd.s32 v1, v4;
	_ =	sdelay $0x4  }
0x80: {  	[tilespmem:s23], [sflag:$0x1] =	stream.indirect_vreg.gather [hbm4b:s1+s3], $0x80, v4, vm0, $0xb8;
	[tilespmem:$0x10080] =	vst v63  }
0x81: {  	s14 =	simm.s32 $0x880;
	v3 =	vperm.xlane v3, v2  }
0x82: {  	[tilespmem:s14], [sflag:$0x1] =	stream.indirect_vreg.gather [hbm4b:s4+s3], $0x80, v4, vm0, $0xb8;
	[tilespmem:$0x10080] =	vst v63  }
0x83: {  	s2 =	simm.s32 $0x1080;
	v3 =	vadd.s32 v1, v3  }
0x84: {  	[tilespmem:s2], [sflag:$0x1] =	stream.indirect_vreg.gather [hbm4b:s5+s3], $0x80, v4, vm0, $0xb8;
	[tilespmem:$0x10080] =	vst v63  }
0x85: {  	s9 =	simm.s32 $0x1880  }
0x86: {  	[tilespmem:s9], [sflag:$0x1] =	stream.indirect_vreg.gather [hbm4b:s6+s3], $0x80, v4, vm0, $0xb8;
	[tilespmem:$0x10080] =	vst v63  }
0x87: {  	s10 =	simm.s32 $0x2080  }
0x88: {  	[tilespmem:s10], [sflag:$0x1] =	stream.indirect_vreg.gather [hbm4b:s1+s3], $0x80, v3, vm0, $0xb8;
	[tilespmem:$0x10080] =	vst v63  }
0x89: {  	s11 =	simm.s32 $0x2880  }
0x8a: {  	[tilespmem:s11], [sflag:$0x1] =	stream.indirect_vreg.gather [hbm4b:s4+s3], $0x80, v3, vm0, $0xb8;
	[tilespmem:$0x10080] =	vst v63  }
0x8b: {  	s12 =	simm.s32 $0x3080  }
0x8c: {  	[tilespmem:s12], [sflag:$0x1] =	stream.indirect_vreg.gather [hbm4b:s5+s3], $0x80, v3, vm0, $0xb8;
	[tilespmem:$0x10080] =	vst v63  }
0x8d: {  	s15 =	simm.s32 $0x3880  }
0x8e: {  	[tilespmem:s15], [sflag:$0x1] =	stream.indirect_vreg.gather [hbm4b:s6+s3], $0x80, v3, vm0, $0xb8;
	[tilespmem:$0x10080] =	vst v63  }
0x8f: {  	v3 =	vld [tilespmem:$0x10];
	_ =	sdelay $0x4  }
0x90: {  	v53 =	vshll.u32 v3, $0x3  }
0x91: {  	v3 =	vand.u32 $0x7, v3;
	v4 =	vand.u32 $0xFFFFFFC0, v53  }
0x92: {  	v3 =	vor.u32 v3, v4  }
0x93: {  	v4 =	vperm.xlane v3, v0;
	_ =	sdelay $0x1  }
0x94: {  	v4 =	vadd.s32 v1, v4;
	_ =	sdelay $0x3  }
0x95: {  	s16 =	simm.s32 $0x4080  }
0x96: {  	[tilespmem:s16], [sflag:$0x1] =	stream.indirect_vreg.gather [hbm4b:s1+s3], $0x80, v4, vm0, $0xb8;
	[tilespmem:$0x10080] =	vst v63  }
0x97: {  	s31 =	simm.s32 $0x4880;
	v3 =	vperm.xlane v3, v2  }
0x98: {  	[tilespmem:s31], [sflag:$0x1] =	stream.indirect_vreg.gather [hbm4b:s4+s3], $0x80, v4, vm0, $0xb8;
	[tilespmem:$0x10080] =	vst v63  }
0x99: {  	s13 =	simm.s32 $0x5080;
	v3 =	vadd.s32 v1, v3  }
0x9a: {  	[tilespmem:s13], [sflag:$0x1] =	stream.indirect_vreg.gather [hbm4b:s5+s3], $0x80, v4, vm0, $0xb8;
	[tilespmem:$0x10080] =	vst v63  }
0x9b: {  	s31 =	simm.s32 $0x5880  }
0x9c: {  	[tilespmem:s31], [sflag:$0x1] =	stream.indirect_vreg.gather [hbm4b:s6+s3], $0x80, v4, vm0, $0xb8;
	[tilespmem:$0x10080] =	vst v63  }
0x9d: {  	s0 =	simm.s32 $0x6080  }
0x9e: {  	[tilespmem:s0], [sflag:$0x1] =	stream.indirect_vreg.gather [hbm4b:s1+s3], $0x80, v3, vm0, $0xb8;
	[tilespmem:$0x10080] =	vst v63  }
0x9f: {  	s2 =	simm.s32 $0x6880  }
0xa0: {  	[tilespmem:s2], [sflag:$0x1] =	stream.indirect_vreg.gather [hbm4b:s4+s3], $0x80, v3, vm0, $0xb8;
	[tilespmem:$0x10080] =	vst v63  }
0xa1: {  	s9 =	simm.s32 $0x7080  }
0xa2: {  	[tilespmem:s9], [sflag:$0x1] =	stream.indirect_vreg.gather [hbm4b:s5+s3], $0x80, v3, vm0, $0xb8;
	[tilespmem:$0x10080] =	vst v63  }
0xa3: {  	s13 =	simm.s32 $0x7880  }
0xa4: {  	[tilespmem:s13], [sflag:$0x1] =	stream.indirect_vreg.gather [hbm4b:s6+s3], $0x80, v3, vm0, $0xb8;
	[tilespmem:$0x10080] =	vst v63  }
0xa5: {  	v3 =	vld [tilespmem:$0x20];
	_ =	sdelay $0x4  }
0xa6: {  	v54 =	vshll.u32 v3, $0x3  }
0xa7: {  	v3 =	vand.u32 $0x7, v3;
	v4 =	vand.u32 $0xFFFFFFC0, v54  }
0xa8: {  	v3 =	vor.u32 v3, v4  }
0xa9: {  	v4 =	vperm.xlane v3, v0;
	_ =	sdelay $0x1  }
0xaa: {  	v4 =	vadd.s32 v1, v4;
	_ =	sdelay $0x3  }
0xab: {  	s14 =	simm.s32 $0x8080  }
0xac: {  	[tilespmem:s14], [sflag:$0x1] =	stream.indirect_vreg.gather [hbm4b:s1+s3], $0x80, v4, vm0, $0xb8;
	[tilespmem:$0x10080] =	vst v63  }
0xad: {  	s15 =	simm.s32 $0x8880;
	v3 =	vperm.xlane v3, v2  }
0xae: {  	[tilespmem:s15], [sflag:$0x1] =	stream.indirect_vreg.gather [hbm4b:s4+s3], $0x80, v4, vm0, $0xb8;
	[tilespmem:$0x10080] =	vst v63  }
0xaf: {  	s10 =	simm.s32 $0x9080;
	v3 =	vadd.s32 v1, v3  }
0xb0: {  	[tilespmem:s10], [sflag:$0x1] =	stream.indirect_vreg.gather [hbm4b:s5+s3], $0x80, v4, vm0, $0xb8;
	[tilespmem:$0x10080] =	vst v63  }
0xb1: {  	s11 =	simm.s32 $0x9880  }
0xb2: {  	[tilespmem:s11], [sflag:$0x1] =	stream.indirect_vreg.gather [hbm4b:s6+s3], $0x80, v4, vm0, $0xb8;
	[tilespmem:$0x10080] =	vst v63  }
0xb3: {  	s12 =	simm.s32 $0xA080  }
0xb4: {  	[tilespmem:s12], [sflag:$0x1] =	stream.indirect_vreg.gather [hbm4b:s1+s3], $0x80, v3, vm0, $0xb8;
	[tilespmem:$0x10080] =	vst v63  }
0xb5: {  	s30 =	simm.s32 $0xA880  }
0xb6: {  	[tilespmem:s30], [sflag:$0x1] =	stream.indirect_vreg.gather [hbm4b:s4+s3], $0x80, v3, vm0, $0xb8;
	[tilespmem:$0x10080] =	vst v63  }
0xb7: {  	s28 =	simm.s32 $0xB080  }
0xb8: {  	[tilespmem:s28], [sflag:$0x1] =	stream.indirect_vreg.gather [hbm4b:s5+s3], $0x80, v3, vm0, $0xb8;
	[tilespmem:$0x10080] =	vst v63  }
0xb9: {  	s20 =	simm.s32 $0xB880  }
0xba: {  	[tilespmem:s20], [sflag:$0x1] =	stream.indirect_vreg.gather [hbm4b:s6+s3], $0x80, v3, vm0, $0xb8;
	[tilespmem:$0x10080] =	vst v63  }
0xbb: {  	v3 =	vld [tilespmem:$0x30];
	_ =	sdelay $0x4  }
0xbc: {  	v55 =	vshll.u32 v3, $0x3  }
0xbd: {  	v3 =	vand.u32 $0x7, v3;
	v4 =	vand.u32 $0xFFFFFFC0, v55  }
0xbe: {  	v3 =	vor.u32 v3, v4  }
0xbf: {  	v4 =	vperm.xlane v3, v0;
	_ =	sdelay $0x1  }
0xc0: {  	v4 =	vadd.s32 v1, v4;
	_ =	sdelay $0x3  }
0xc1: {  	s21 =	simm.s32 $0xC080  }
0xc2: {  	[tilespmem:s21], [sflag:$0x1] =	stream.indirect_vreg.gather [hbm4b:s1+s3], $0x80, v4, vm0, $0xb8;
	[tilespmem:$0x10080] =	vst v63  }
0xc3: {  	s22 =	simm.s32 $0xC880;
	v3 =	vperm.xlane v3, v2  }
0xc4: {  	[tilespmem:s22], [sflag:$0x1] =	stream.indirect_vreg.gather [hbm4b:s4+s3], $0x80, v4, vm0, $0xb8;
	[tilespmem:$0x10080] =	vst v63  }
0xc5: {  	v3 =	vadd.s32 v1, v3;
	s22 =	simm.s32 $0xD080  }
0xc6: {  	[tilespmem:s22], [sflag:$0x1] =	stream.indirect_vreg.gather [hbm4b:s5+s3], $0x80, v4, vm0, $0xb8;
	[tilespmem:$0x10080] =	vst v63  }
0xc7: {  	s26 =	simm.s32 $0xD880  }
0xc8: {  	[tilespmem:s26], [sflag:$0x1] =	stream.indirect_vreg.gather [hbm4b:s6+s3], $0x80, v4, vm0, $0xb8;
	[tilespmem:$0x10080] =	vst v63  }
0xc9: {  	s29 =	simm.s32 $0xE080  }
0xca: {  	[tilespmem:s29], [sflag:$0x1] =	stream.indirect_vreg.gather [hbm4b:s1+s3], $0x80, v3, vm0, $0xb8;
	[tilespmem:$0x10080] =	vst v63  }
0xcb: {  	s26 =	simm.s32 $0xE880  }
0xcc: {  	[tilespmem:s26], [sflag:$0x1] =	stream.indirect_vreg.gather [hbm4b:s4+s3], $0x80, v3, vm0, $0xb8;
	[tilespmem:$0x10080] =	vst v63  }
0xcd: {  	s30 =	simm.s32 $0xF080  }
0xce: {  	[tilespmem:s30], [sflag:$0x1] =	stream.indirect_vreg.gather [hbm4b:s5+s3], $0x80, v3, vm0, $0xb8;
	[tilespmem:$0x10080] =	vst v63  }
0xcf: {  	s17 =	simm.s32 $0xF880  }
0xd0: {  	[tilespmem:s17], [sflag:$0x1] =	stream.indirect_vreg.gather [hbm4b:s6+s3], $0x80, v3, vm0, $0xb8;
	[tilespmem:$0x10080] =	vst v63  }
0xd1: {  	_ =	swait.ge [sflag:s18], $0x10000  }
0xd2: {  	[sflag:s18] =	ssyncset.done $0x0  }
0xd3: {  	s21 =	rddreg [dreg:$0x6];
	[sflag:s18] =	ssyncadd.s32 $0xFFFF0000  }
0xd4: {  	[hbm4b:s21+s3] =	stream.linear.scatter [tilespmem:s23], [sflag:$0x2], $0x10000, $0x38;
	[tilespmem:$0x10080] =	vst v63  }
0xd5: {  	_ =	swait.ge [sflag:s8], $0x10000  }
0xd6: {  	[sflag:s8] =	ssyncset.done $0x0  }
0xd7: {  	s17 =	rddreg [dreg:$0x7];
	[sflag:s8] =	ssyncadd.s32 $0xFFFF0000  }
0xd8: {  	[tilespmem:s3], [sflag:$0x2] =	stream.linear.gather [hbm4b:s17+s3], $0x40, $0x38;
	[tilespmem:$0x10080] =	vst v63  }
0xd9: {  	_ =	swait.ge [sflag:s8], $0x40  }
0xda: {  	[sflag:s8] =	ssyncset.done $0x0  }
0xdb: {  	[sflag:s8] =	ssyncadd.s32 $0xFFFFFFC0  }
0xdc: {  	v3 =	vld [tilespmem:$0x0];
	_ =	sdelay $0x4  }
0xdd: {  	v56 =	vshll.u32 v3, $0x3  }
0xde: {  	v3 =	vand.u32 $0x7, v3;
	v4 =	vand.u32 $0xFFFFFFC0, v56  }
0xdf: {  	v3 =	vor.u32 v3, v4  }
0xe0: {  	v4 =	vperm.xlane v3, v0;
	_ =	sdelay $0x1  }
0xe1: {  	v4 =	vadd.s32 v1, v4;
	_ =	sdelay $0x4  }
0xe2: {  	[tilespmem:s23], [sflag:$0x1] =	stream.indirect_vreg.gather [hbm4b:s1+s3], $0x80, v4, vm0, $0xb8;
	[tilespmem:$0x10080] =	vst v63  }
0xe3: {  	s21 =	simm.s32 $0x880;
	v3 =	vperm.xlane v3, v2  }
0xe4: {  	[tilespmem:s21], [sflag:$0x1] =	stream.indirect_vreg.gather [hbm4b:s4+s3], $0x80, v4, vm0, $0xb8;
	[tilespmem:$0x10080] =	vst v63  }
0xe5: {  	s25 =	simm.s32 $0x1080;
	v3 =	vadd.s32 v1, v3  }
0xe6: {  	[tilespmem:s25], [sflag:$0x1] =	stream.indirect_vreg.gather [hbm4b:s5+s3], $0x80, v4, vm0, $0xb8;
	[tilespmem:$0x10080] =	vst v63  }
0xe7: {  	s25 =	simm.s32 $0x1880  }
0xe8: {  	[tilespmem:s25], [sflag:$0x1] =	stream.indirect_vreg.gather [hbm4b:s6+s3], $0x80, v4, vm0, $0xb8;
	[tilespmem:$0x10080] =	vst v63  }
0xe9: {  	s19 =	simm.s32 $0x2080  }
0xea: {  	[tilespmem:s19], [sflag:$0x1] =	stream.indirect_vreg.gather [hbm4b:s1+s3], $0x80, v3, vm0, $0xb8;
	[tilespmem:$0x10080] =	vst v63  }
0xeb: {  	s25 =	simm.s32 $0x2880  }
0xec: {  	[tilespmem:s25], [sflag:$0x1] =	stream.indirect_vreg.gather [hbm4b:s4+s3], $0x80, v3, vm0, $0xb8;
	[tilespmem:$0x10080] =	vst v63  }
0xed: {  	s19 =	simm.s32 $0x3080  }
0xee: {  	[tilespmem:s19], [sflag:$0x1] =	stream.indirect_vreg.gather [hbm4b:s5+s3], $0x80, v3, vm0, $0xb8;
	[tilespmem:$0x10080] =	vst v63  }
0xef: {  	s25 =	simm.s32 $0x3880  }
0xf0: {  	[tilespmem:s25], [sflag:$0x1] =	stream.indirect_vreg.gather [hbm4b:s6+s3], $0x80, v3, vm0, $0xb8;
	[tilespmem:$0x10080] =	vst v63  }
0xf1: {  	v3 =	vld [tilespmem:$0x10];
	_ =	sdelay $0x4  }
0xf2: {  	v57 =	vshll.u32 v3, $0x3  }
0xf3: {  	v3 =	vand.u32 $0x7, v3;
	v4 =	vand.u32 $0xFFFFFFC0, v57  }
0xf4: {  	v3 =	vor.u32 v3, v4  }
0xf5: {  	v4 =	vperm.xlane v3, v0;
	_ =	sdelay $0x1  }
0xf6: {  	v4 =	vadd.s32 v1, v4;
	_ =	sdelay $0x4  }
0xf7: {  	[tilespmem:s16], [sflag:$0x1] =	stream.indirect_vreg.gather [hbm4b:s1+s3], $0x80, v4, vm0, $0xb8;
	[tilespmem:$0x10080] =	vst v63  }
0xf8: {  	s19 =	simm.s32 $0x4880;
	v3 =	vperm.xlane v3, v2  }
0xf9: {  	[tilespmem:s19], [sflag:$0x1] =	stream.indirect_vreg.gather [hbm4b:s4+s3], $0x80, v4, vm0, $0xb8;
	[tilespmem:$0x10080] =	vst v63  }
0xfa: {  	s25 =	simm.s32 $0x5080;
	v3 =	vadd.s32 v1, v3  }
0xfb: {  	[tilespmem:s25], [sflag:$0x1] =	stream.indirect_vreg.gather [hbm4b:s5+s3], $0x80, v4, vm0, $0xb8;
	[tilespmem:$0x10080] =	vst v63  }
0xfc: {  	_ = 	snop  }
0xfd: {  	[tilespmem:s31], [sflag:$0x1] =	stream.indirect_vreg.gather [hbm4b:s6+s3], $0x80, v4, vm0, $0xb8;
	[tilespmem:$0x10080] =	vst v63  }
0xfe: {  	_ = 	snop  }
0xff: {  	[tilespmem:s0], [sflag:$0x1] =	stream.indirect_vreg.gather [hbm4b:s1+s3], $0x80, v3, vm0, $0xb8;
	[tilespmem:$0x10080] =	vst v63  }
0x100: {  	_ = 	snop  }
0x101: {  	[tilespmem:s2], [sflag:$0x1] =	stream.indirect_vreg.gather [hbm4b:s4+s3], $0x80, v3, vm0, $0xb8;
	[tilespmem:$0x10080] =	vst v63  }
0x102: {  	_ = 	snop  }
0x103: {  	[tilespmem:s9], [sflag:$0x1] =	stream.indirect_vreg.gather [hbm4b:s5+s3], $0x80, v3, vm0, $0xb8;
	[tilespmem:$0x10080] =	vst v63  }
0x104: {  	_ = 	snop  }
0x105: {  	[tilespmem:s13], [sflag:$0x1] =	stream.indirect_vreg.gather [hbm4b:s6+s3], $0x80, v3, vm0, $0xb8;
	[tilespmem:$0x10080] =	vst v63  }
0x106: {  	v3 =	vld [tilespmem:$0x20];
	_ =	sdelay $0x4  }
0x107: {  	v58 =	vshll.u32 v3, $0x3  }
0x108: {  	v3 =	vand.u32 $0x7, v3;
	v4 =	vand.u32 $0xFFFFFFC0, v58  }
0x109: {  	v3 =	vor.u32 v3, v4  }
0x10a: {  	v4 =	vperm.xlane v3, v0;
	_ =	sdelay $0x1  }
0x10b: {  	v4 =	vadd.s32 v1, v4;
	_ =	sdelay $0x4  }
0x10c: {  	[tilespmem:s14], [sflag:$0x1] =	stream.indirect_vreg.gather [hbm4b:s1+s3], $0x80, v4, vm0, $0xb8;
	[tilespmem:$0x10080] =	vst v63  }
0x10d: {  	v3 =	vperm.xlane v3, v2  }
0x10e: {  	[tilespmem:s15], [sflag:$0x1] =	stream.indirect_vreg.gather [hbm4b:s4+s3], $0x80, v4, vm0, $0xb8;
	[tilespmem:$0x10080] =	vst v63  }
0x10f: {  	v3 =	vadd.s32 v1, v3  }
0x110: {  	[tilespmem:s10], [sflag:$0x1] =	stream.indirect_vreg.gather [hbm4b:s5+s3], $0x80, v4, vm0, $0xb8;
	[tilespmem:$0x10080] =	vst v63  }
0x111: {  	_ = 	snop  }
0x112: {  	[tilespmem:s11], [sflag:$0x1] =	stream.indirect_vreg.gather [hbm4b:s6+s3], $0x80, v4, vm0, $0xb8;
	[tilespmem:$0x10080] =	vst v63  }
0x113: {  	_ = 	snop  }
0x114: {  	[tilespmem:s12], [sflag:$0x1] =	stream.indirect_vreg.gather [hbm4b:s1+s3], $0x80, v3, vm0, $0xb8;
	[tilespmem:$0x10080] =	vst v63  }
0x115: {  	s24 =	simm.s32 $0xA880  }
0x116: {  	[tilespmem:s24], [sflag:$0x1] =	stream.indirect_vreg.gather [hbm4b:s4+s3], $0x80, v3, vm0, $0xb8;
	[tilespmem:$0x10080] =	vst v63  }
0x117: {  	s28 =	simm.s32 $0xB080  }
0x118: {  	[tilespmem:s28], [sflag:$0x1] =	stream.indirect_vreg.gather [hbm4b:s5+s3], $0x80, v3, vm0, $0xb8;
	[tilespmem:$0x10080] =	vst v63  }
0x119: {  	s28 =	simm.s32 $0xB880  }
0x11a: {  	[tilespmem:s28], [sflag:$0x1] =	stream.indirect_vreg.gather [hbm4b:s6+s3], $0x80, v3, vm0, $0xb8;
	[tilespmem:$0x10080] =	vst v63  }
0x11b: {  	v3 =	vld [tilespmem:$0x30];
	_ =	sdelay $0x4  }
0x11c: {  	v59 =	vshll.u32 v3, $0x3  }
0x11d: {  	v3 =	vand.u32 $0x7, v3;
	v4 =	vand.u32 $0xFFFFFFC0, v59  }
0x11e: {  	v3 =	vor.u32 v3, v4  }
0x11f: {  	v4 =	vperm.xlane v3, v0;
	_ =	sdelay $0x1  }
0x120: {  	v4 =	vadd.s32 v1, v4;
	_ =	sdelay $0x3  }
0x121: {  	s24 =	simm.s32 $0xC080  }
0x122: {  	[tilespmem:s24], [sflag:$0x1] =	stream.indirect_vreg.gather [hbm4b:s1+s3], $0x80, v4, vm0, $0xb8;
	[tilespmem:$0x10080] =	vst v63  }
0x123: {  	s25 =	simm.s32 $0xC880;
	v3 =	vperm.xlane v3, v2  }
0x124: {  	[tilespmem:s25], [sflag:$0x1] =	stream.indirect_vreg.gather [hbm4b:s4+s3], $0x80, v4, vm0, $0xb8;
	[tilespmem:$0x10080] =	vst v63  }
0x125: {  	s20 =	simm.s32 $0xD080;
	v3 =	vadd.s32 v1, v3  }
0x126: {  	[tilespmem:s20], [sflag:$0x1] =	stream.indirect_vreg.gather [hbm4b:s5+s3], $0x80, v4, vm0, $0xb8;
	[tilespmem:$0x10080] =	vst v63  }
0x127: {  	s22 =	simm.s32 $0xD880  }
0x128: {  	[tilespmem:s22], [sflag:$0x1] =	stream.indirect_vreg.gather [hbm4b:s6+s3], $0x80, v4, vm0, $0xb8;
	[tilespmem:$0x10080] =	vst v63  }
0x129: {  	s29 =	simm.s32 $0xE080  }
0x12a: {  	[tilespmem:s29], [sflag:$0x1] =	stream.indirect_vreg.gather [hbm4b:s1+s3], $0x80, v3, vm0, $0xb8;
	[tilespmem:$0x10080] =	vst v63  }
0x12b: {  	s26 =	simm.s32 $0xE880  }
0x12c: {  	[tilespmem:s26], [sflag:$0x1] =	stream.indirect_vreg.gather [hbm4b:s4+s3], $0x80, v3, vm0, $0xb8;
	[tilespmem:$0x10080] =	vst v63  }
0x12d: {  	s30 =	simm.s32 $0xF080  }
0x12e: {  	[tilespmem:s30], [sflag:$0x1] =	stream.indirect_vreg.gather [hbm4b:s5+s3], $0x80, v3, vm0, $0xb8;
	[tilespmem:$0x10080] =	vst v63  }
0x12f: {  	s26 =	simm.s32 $0xF880  }
0x130: {  	[tilespmem:s26], [sflag:$0x1] =	stream.indirect_vreg.gather [hbm4b:s6+s3], $0x80, v3, vm0, $0xb8;
	[tilespmem:$0x10080] =	vst v63  }
0x131: {  	_ =	swait.ge [sflag:s18], $0x10000  }
0x132: {  	[sflag:s18] =	ssyncset.done $0x0  }
0x133: {  	s29 =	rddreg [dreg:$0x8];
	[sflag:s18] =	ssyncadd.s32 $0xFFFF0000  }
0x134: {  	[hbm4b:s29+s3] =	stream.linear.scatter [tilespmem:s23], [sflag:$0x2], $0x10000, $0x38;
	[tilespmem:$0x10080] =	vst v63  }
0x135: {  	_ =	swait.ge [sflag:s8], $0x10000  }
0x136: {  	[sflag:s8] =	ssyncset.done $0x0  }
0x137: {  	s30 =	rddreg [dreg:$0x9];
	[sflag:s8] =	ssyncadd.s32 $0xFFFF0000  }
0x138: {  	[tilespmem:s3], [sflag:$0x2] =	stream.linear.gather [hbm4b:s30+s3], $0x40, $0x38;
	[tilespmem:$0x10080] =	vst v63  }
0x139: {  	_ =	swait.ge [sflag:s8], $0x40  }
0x13a: {  	[sflag:s8] =	ssyncset.done $0x0  }
0x13b: {  	[sflag:s8] =	ssyncadd.s32 $0xFFFFFFC0  }
0x13c: {  	v3 =	vld [tilespmem:$0x0];
	_ =	sdelay $0x4  }
0x13d: {  	v60 =	vshll.u32 v3, $0x3  }
0x13e: {  	v3 =	vand.u32 $0x7, v3;
	v4 =	vand.u32 $0xFFFFFFC0, v60  }
0x13f: {  	v3 =	vor.u32 v3, v4  }
0x140: {  	v4 =	vperm.xlane v3, v0;
	_ =	sdelay $0x1  }
0x141: {  	v4 =	vadd.s32 v1, v4;
	_ =	sdelay $0x4  }
0x142: {  	[tilespmem:s23], [sflag:$0x1] =	stream.indirect_vreg.gather [hbm4b:s1+s3], $0x80, v4, vm0, $0xb8;
	[tilespmem:$0x10080] =	vst v63  }
0x143: {  	s29 =	simm.s32 $0x880;
	v3 =	vperm.xlane v3, v2  }
0x144: {  	[tilespmem:s29], [sflag:$0x1] =	stream.indirect_vreg.gather [hbm4b:s4+s3], $0x80, v4, vm0, $0xb8;
	[tilespmem:$0x10080] =	vst v63  }
0x145: {  	s21 =	simm.s32 $0x1080;
	v3 =	vadd.s32 v1, v3  }
0x146: {  	[tilespmem:s21], [sflag:$0x1] =	stream.indirect_vreg.gather [hbm4b:s5+s3], $0x80, v4, vm0, $0xb8;
	[tilespmem:$0x10080] =	vst v63  }
0x147: {  	s30 =	simm.s32 $0x1880  }
0x148: {  	[tilespmem:s30], [sflag:$0x1] =	stream.indirect_vreg.gather [hbm4b:s6+s3], $0x80, v4, vm0, $0xb8;
	[tilespmem:$0x10080] =	vst v63  }
0x149: {  	s21 =	simm.s32 $0x2080  }
0x14a: {  	[tilespmem:s21], [sflag:$0x1] =	stream.indirect_vreg.gather [hbm4b:s1+s3], $0x80, v3, vm0, $0xb8;
	[tilespmem:$0x10080] =	vst v63  }
0x14b: {  	s29 =	simm.s32 $0x2880  }
0x14c: {  	[tilespmem:s29], [sflag:$0x1] =	stream.indirect_vreg.gather [hbm4b:s4+s3], $0x80, v3, vm0, $0xb8;
	[tilespmem:$0x10080] =	vst v63  }
0x14d: {  	s30 =	simm.s32 $0x3080  }
0x14e: {  	[tilespmem:s30], [sflag:$0x1] =	stream.indirect_vreg.gather [hbm4b:s5+s3], $0x80, v3, vm0, $0xb8;
	[tilespmem:$0x10080] =	vst v63  }
0x14f: {  	s21 =	simm.s32 $0x3880  }
0x150: {  	[tilespmem:s21], [sflag:$0x1] =	stream.indirect_vreg.gather [hbm4b:s6+s3], $0x80, v3, vm0, $0xb8;
	[tilespmem:$0x10080] =	vst v63  }
0x151: {  	v3 =	vld [tilespmem:$0x10];
	_ =	sdelay $0x4  }
0x152: {  	v61 =	vshll.u32 v3, $0x3  }
0x153: {  	v3 =	vand.u32 $0x7, v3;
	v4 =	vand.u32 $0xFFFFFFC0, v61  }
0x154: {  	v3 =	vor.u32 v3, v4  }
0x155: {  	v4 =	vperm.xlane v3, v0;
	_ =	sdelay $0x1  }
0x156: {  	v4 =	vadd.s32 v1, v4;
	_ =	sdelay $0x3  }
0x157: {  	s16 =	simm.s32 $0x4080  }
0x158: {  	[tilespmem:s16], [sflag:$0x1] =	stream.indirect_vreg.gather [hbm4b:s1+s3], $0x80, v4, vm0, $0xb8;
	[tilespmem:$0x10080] =	vst v63  }
0x159: {  	s29 =	simm.s32 $0x4880;
	v3 =	vperm.xlane v3, v2  }
0x15a: {  	[tilespmem:s29], [sflag:$0x1] =	stream.indirect_vreg.gather [hbm4b:s4+s3], $0x80, v4, vm0, $0xb8;
	[tilespmem:$0x10080] =	vst v63  }
0x15b: {  	s30 =	simm.s32 $0x5080;
	v3 =	vadd.s32 v1, v3  }
0x15c: {  	[tilespmem:s30], [sflag:$0x1] =	stream.indirect_vreg.gather [hbm4b:s5+s3], $0x80, v4, vm0, $0xb8;
	[tilespmem:$0x10080] =	vst v63  }
0x15d: {  	s17 =	simm.s32 $0x5880  }
0x15e: {  	[tilespmem:s17], [sflag:$0x1] =	stream.indirect_vreg.gather [hbm4b:s6+s3], $0x80, v4, vm0, $0xb8;
	[tilespmem:$0x10080] =	vst v63  }
0x15f: {  	s0 =	simm.s32 $0x6080  }
0x160: {  	[tilespmem:s0], [sflag:$0x1] =	stream.indirect_vreg.gather [hbm4b:s1+s3], $0x80, v3, vm0, $0xb8;
	[tilespmem:$0x10080] =	vst v63  }
0x161: {  	s2 =	simm.s32 $0x6880  }
0x162: {  	[tilespmem:s2], [sflag:$0x1] =	stream.indirect_vreg.gather [hbm4b:s4+s3], $0x80, v3, vm0, $0xb8;
	[tilespmem:$0x10080] =	vst v63  }
0x163: {  	s9 =	simm.s32 $0x7080  }
0x164: {  	[tilespmem:s9], [sflag:$0x1] =	stream.indirect_vreg.gather [hbm4b:s5+s3], $0x80, v3, vm0, $0xb8;
	[tilespmem:$0x10080] =	vst v63  }
0x165: {  	s13 =	simm.s32 $0x7880  }
0x166: {  	[tilespmem:s13], [sflag:$0x1] =	stream.indirect_vreg.gather [hbm4b:s6+s3], $0x80, v3, vm0, $0xb8;
	[tilespmem:$0x10080] =	vst v63  }
0x167: {  	v3 =	vld [tilespmem:$0x20];
	_ =	sdelay $0x4  }
0x168: {  	v62 =	vshll.u32 v3, $0x3  }
0x169: {  	v3 =	vand.u32 $0x7, v3;
	v4 =	vand.u32 $0xFFFFFFC0, v62  }
0x16a: {  	v3 =	vor.u32 v3, v4  }
0x16b: {  	v4 =	vperm.xlane v3, v0;
	_ =	sdelay $0x1  }
0x16c: {  	v4 =	vadd.s32 v1, v4;
	_ =	sdelay $0x3  }
0x16d: {  	s14 =	simm.s32 $0x8080  }
0x16e: {  	[tilespmem:s14], [sflag:$0x1] =	stream.indirect_vreg.gather [hbm4b:s1+s3], $0x80, v4, vm0, $0xb8;
	[tilespmem:$0x10080] =	vst v63  }
0x16f: {  	s15 =	simm.s32 $0x8880;
	v3 =	vperm.xlane v3, v2  }
0x170: {  	[tilespmem:s15], [sflag:$0x1] =	stream.indirect_vreg.gather [hbm4b:s4+s3], $0x80, v4, vm0, $0xb8;
	[tilespmem:$0x10080] =	vst v63  }
0x171: {  	s10 =	simm.s32 $0x9080;
	v3 =	vadd.s32 v1, v3  }
0x172: {  	[tilespmem:s10], [sflag:$0x1] =	stream.indirect_vreg.gather [hbm4b:s5+s3], $0x80, v4, vm0, $0xb8;
	[tilespmem:$0x10080] =	vst v63  }
0x173: {  	s11 =	simm.s32 $0x9880  }
0x174: {  	[tilespmem:s11], [sflag:$0x1] =	stream.indirect_vreg.gather [hbm4b:s6+s3], $0x80, v4, vm0, $0xb8;
	[tilespmem:$0x10080] =	vst v63  }
0x175: {  	s12 =	simm.s32 $0xA080  }
0x176: {  	[tilespmem:s12], [sflag:$0x1] =	stream.indirect_vreg.gather [hbm4b:s1+s3], $0x80, v3, vm0, $0xb8;
	[tilespmem:$0x10080] =	vst v63  }
0x177: {  	s31 =	simm.s32 $0xA880  }
0x178: {  	[tilespmem:s31], [sflag:$0x1] =	stream.indirect_vreg.gather [hbm4b:s4+s3], $0x80, v3, vm0, $0xb8;
	[tilespmem:$0x10080] =	vst v63  }
0x179: {  	s19 =	simm.s32 $0xB080  }
0x17a: {  	[tilespmem:s19], [sflag:$0x1] =	stream.indirect_vreg.gather [hbm4b:s5+s3], $0x80, v3, vm0, $0xb8;
	[tilespmem:$0x10080] =	vst v63  }
0x17b: {  	s21 =	simm.s32 $0xB880  }
0x17c: {  	[tilespmem:s21], [sflag:$0x1] =	stream.indirect_vreg.gather [hbm4b:s6+s3], $0x80, v3, vm0, $0xb8;
	[tilespmem:$0x10080] =	vst v63  }
0x17d: {  	v3 =	vld [tilespmem:$0x30];
	_ =	sdelay $0x4  }
0x17e: {  	v63 =	vshll.u32 v3, $0x3  }
0x17f: {  	v3 =	vand.u32 $0x7, v3;
	v4 =	vand.u32 $0xFFFFFFC0, v63  }
0x180: {  	v3 =	vor.u32 v3, v4  }
0x181: {  	v4 =	vperm.xlane v3, v0;
	_ =	sdelay $0x1  }
0x182: {  	v4 =	vadd.s32 v1, v4;
	_ =	sdelay $0x3  }
0x183: {  	s29 =	simm.s32 $0xC080  }
0x184: {  	[tilespmem:s29], [sflag:$0x1] =	stream.indirect_vreg.gather [hbm4b:s1+s3], $0x80, v4, vm0, $0xb8;
	[tilespmem:$0x10080] =	vst v63  }
0x185: {  	s30 =	simm.s32 $0xC880;
	v3 =	vperm.xlane v3, v2  }
0x186: {  	[tilespmem:s30], [sflag:$0x1] =	stream.indirect_vreg.gather [hbm4b:s4+s3], $0x80, v4, vm0, $0xb8;
	[tilespmem:$0x10080] =	vst v63  }
0x187: {  	s28 =	simm.s32 $0xD080;
	v3 =	vadd.s32 v1, v3  }
0x188: {  	[tilespmem:s28], [sflag:$0x1] =	stream.indirect_vreg.gather [hbm4b:s5+s3], $0x80, v4, vm0, $0xb8;
	[tilespmem:$0x10080] =	vst v63  }
0x189: {  	s20 =	simm.s32 $0xD880  }
0x18a: {  	[tilespmem:s20], [sflag:$0x1] =	stream.indirect_vreg.gather [hbm4b:s6+s3], $0x80, v4, vm0, $0xb8;
	[tilespmem:$0x10080] =	vst v63  }
0x18b: {  	s24 =	simm.s32 $0xE080  }
0x18c: {  	[tilespmem:s24], [sflag:$0x1] =	stream.indirect_vreg.gather [hbm4b:s1+s3], $0x80, v3, vm0, $0xb8;
	[tilespmem:$0x10080] =	vst v63  }
0x18d: {  	s22 =	simm.s32 $0xE880  }
0x18e: {  	[tilespmem:s22], [sflag:$0x1] =	stream.indirect_vreg.gather [hbm4b:s4+s3], $0x80, v3, vm0, $0xb8;
	[tilespmem:$0x10080] =	vst v63  }
0x18f: {  	s25 =	simm.s32 $0xF080  }
0x190: {  	[tilespmem:s25], [sflag:$0x1] =	stream.indirect_vreg.gather [hbm4b:s5+s3], $0x80, v3, vm0, $0xb8;
	[tilespmem:$0x10080] =	vst v63  }
0x191: {  	s26 =	simm.s32 $0xF880  }
0x192: {  	[tilespmem:s26], [sflag:$0x1] =	stream.indirect_vreg.gather [hbm4b:s6+s3], $0x80, v3, vm0, $0xb8;
	[tilespmem:$0x10080] =	vst v63  }
0x193: {  	_ =	swait.ge [sflag:s18], $0x10000  }
0x194: {  	p0 =	sne.s32 s7, $0x1;
	[sflag:s18] =	ssyncset.done $0x0  }
.Ltmp0:
0x195: {  	s31 =	rddreg [dreg:$0xa];
	[sflag:s18] =	ssyncadd.s32 $0xFFFF0000;
	(pc) =	sbr.rel @p0 .LBB2_1-.Ltmp0, $4  }
0x196: {  	[hbm4b:s31+s3] =	stream.linear.scatter [tilespmem:s23], [sflag:$0x2], $0x10000, $0x38;
	[tilespmem:$0x10080] =	vst v63  }
0x197: {  	_ =	swait.ge [sflag:s8], $0x10000  }
0x198: {  	[sflag:s8] =	ssyncset.done $0x0  }
0x199: {  	s7 =	sadd.s32 $0xFFFFFFFF, s7;
	[sflag:s8] =	ssyncadd.s32 $0xFFFF0000  }
0x19a: {  	_ =	sfence.sel $0x180000  }
0x19b: {  	[bflag:$0x0] =	sbarrier.arrive $0xFFFF  }
0x19c: {  	_ =	strace $0x90000047  }
0x19d: {  	s0 =	stileid.u32;
	[bflag:$0x2] =	sbarrier.arrive $0xFFFF  }
0x19e: {  	p0 =	sne.s32 s0, $0x0;
	s0 =	rddreg [dreg:$0x2]  }
0x19f: {  	s0 =	sadd.s32 @!p0 $0x100000, s0  }
0x1a0: {  	[sflag:s0] =	ssyncadd.tile.s32 @!p0 $0x1;
	_ =	shalt  }
.Lfunc_end2:
_tile_overlayer_lowered:
.L_overlay_start_2:
0x1a1: {  	(tag) =	ssettag $0x2  }
0x1a2: {  	s0 =	rddreg [dreg:$0x0];
	s2 =	stileid.u32  }
0x1a3: {  	s1 =	rddreg [dreg:$0x1];
	p0 =	sne.s32 s2, $0x0  }
0x1a4: {  	s3 =	rddreg [dreg:$0x2];
	[bflag:$0x3] =	sbarrier.arrive $0xFFFF;
	s2 =	simm.s32 @!p0 $0x1C02  }
0x1a5: {  	[timem:s3], [sflag:s2] =	dma.local @!p0 [hbm:s0], s1  }
0x1a6: {  	s0 =	simm.s32 @!p0 $0x2  }
0x1a7: {  	_ =	swait.ge @!p0 [sflag:s0], s1  }
0x1a8: {  	s1 =	ssub.s32 @!p0 $0x0, s1;
	[sflag:s0] =	ssyncset.done @!p0 $0x0  }
0x1a9: {  	[sflag:s0] =	ssyncadd.s32 @!p0 s1  }
0x1aa: {  	[bflag:$0x3] =	sbarrier.arrive $0xFFFF  }
0x1ab: {  	_ =	shalt  }

// kernel: kernel.9.cloned.1.call-start
scs
__scs_entry_jumppad:
0x0: {  	(pc) =	sbr.rel $0x88, $3  }
0x1: {  	(tag) =	ssettag $0x0;
	lr =	simm.s32 $0x1  }
0x2: {  	[smem:$0x3F9B] =	sst lr;
	_ =	strace $0xD0000000  }
0x3: {  	_ = 	snop  }
0x4: {  	_ = 	snop  }
0x5: {  	_ = 	snop  }
0x6: {  	_ = 	snop  }
0x7: {  	_ = 	snop  }
__scs_overlays_trampoline_lowered:
0x8: {  	[smem:$0x3FAA] =	sst s0  }
0x9: {  	[smem:$0x3FAB] =	sst s1  }
0xa: {  	[smem:$0x3FAC] =	sst s2  }
0xb: {  	[smem:$0x3FAD] =	sst s3  }
0xc: {  	[smem:$0x3FAE] =	sst s4  }
0xd: {  	[smem:$0x3FAF] =	sst s5  }
0xe: {  	[smem:$0x3FB0] =	sst s6  }
0xf: {  	[smem:$0x3FB1] =	sst s7  }
0x10: {  	[smem:$0x3FB2] =	sst s8  }
0x11: {  	[smem:$0x3FB3] =	sst s9;
	s0 =	simm.s32 @!p0 $0x0  }
0x12: {  	s1 =	sld [smem:$0x3F99];
	s0 =	simm.s32 @p0 $0x1  }
0x13: {  	[smem:$0x3FB4] =	sst s0;
	s0 =	simm.s32 @!p1 $0x0  }
0x14: {  	s2 =	sld [smem:$0x3F98];
	s0 =	simm.s32 @p1 $0x1  }
0x15: {  	[smem:$0x3FB5] =	sst s0;
	s0 =	simm.s32 @!p2 $0x0  }
0x16: {  	s3 =	sld [smem:$0x3FDB];
	s0 =	simm.s32 @p2 $0x1  }
0x17: {  	s4 =	simm.s32 $0x1BF5;
	[smem:$0x3FB7] =	sst s0  }
0x18: {  	s0 =	sld [smem:$0x3F9A];
	_ =	swait.ge [sflag:s4], $0x0  }
0x19: {  	s7 =	sld [smem:$0x3F9B]  }
0x1a: {  	s8 =	sadd.s32 $0xFFFFE003, lr  }
0x1b: {  	s9 =	sadd.s32 $0xFFFFFEF7, lr;
	s5 =	simm.s32 $0xFFFFFFFF;
	p2 =	slt.u32 s8, $0xFFFFF086  }
0x1c: {  	p1 =	slt.u32 s9, $0xF7A;
	s5 =	simm.s32 @!p2 $0x0  }
0x1d: {  	s5 =	simm.s32 @p1 $0x1;
	p0 =	seq.s32 s7, s2  }
0x1e: {  	s7 =	smul.u32 @!p0 $0xF7A, s2;
	p2 =	seq.s32 @!p0 s5, $0x0  }
0x1f: {  	s9 =	smul.u32 $0xF7A, s1;
	s8 =	simm.s32 @!p0 $0x1BF5;
	p2 =	por !p2, p0  }
0x20: {  	[sflag:s8] =	ssyncset.s32 @!p0 $0xFFFFF086;
	s6 =	sadd.s32 @!p0 s3, s7;
	s7 =	simm.s32 @!p0 $0x108  }
0x21: {  	s3 =	sadd.s32 s3, s9;
	s6 =	sadd.s32 @!p0 $0x88, s6;
	s7 =	simm.s32 @p2 $0x1082  }
0x22: {  	[simem:s7], [sflag:s8] =	dma.local @!p0 [hbm:s6], $0xF7A  }
0x23: {  	s9 =	sor.u32 $0xD0000000, s2;
	s6 =	simm.s32 $0x108;
	_ =	swait.ge @!p0 [sflag:s8], $0x0  }
0x24: {  	s3 =	sadd.s32 $0x88, s3;
	s6 =	simm.s32 @!p1 $0x1082;
	[sflag:s4] =	ssyncset.s32 $0xFFFFF086  }
0x25: {  	[simem:s6], [sflag:s4] =	dma.local [hbm:s3], $0xF7A  }
0x26: {  	[smem:$0x3F9B] =	sst s1;
	(tag) =	ssettag s2;
	_ =	strace s9  }
0x27: {  	s1 =	sld [smem:$0x3FAB]  }
0x28: {  	s2 =	sld [smem:$0x3FAC]  }
0x29: {  	s4 =	sld [smem:$0x3FAE]  }
0x2a: {  	p0 =	seq.s32 s5, $0x0;
	s5 =	sld [smem:$0x3FAF]  }
0x2b: {  	s6 =	sld [smem:$0x3FB0]  }
0x2c: {  	s7 =	sld [smem:$0x3FB1]  }
0x2d: {  	s3 =	simm.s32 $0x108;
	s8 =	sld [smem:$0x3FB2]  }
0x2e: {  	s3 =	simm.s32 @!p0 $0x1082;
	s9 =	sld [smem:$0x3FB3]  }
0x2f: {  	lr =	sadd.s32 s0, s3;
	s0 =	sld [smem:$0x3FAA]  }
0x30: {  	s3 =	sld [smem:$0x3FAD]  }
0x31: {  	[smem:$0x3FB6] =	sst s10  }
0x32: {  	s10 =	sld [smem:$0x3FB4];
	_ =	sdelay $0x3  }
0x33: {  	p0 =	seq.s32 s10, $0x1;
	s10 =	sld [smem:$0x3FB6];
	_ =	sdelay $0x3  }
0x34: {  	[smem:$0x3FB6] =	sst s10  }
0x35: {  	s10 =	sld [smem:$0x3FB5];
	_ =	sdelay $0x3  }
0x36: {  	p1 =	seq.s32 s10, $0x1;
	s10 =	sld [smem:$0x3FB6];
	_ =	sdelay $0x3  }
0x37: {  	[smem:$0x3FB6] =	sst s10  }
0x38: {  	s10 =	sld [smem:$0x3FB7]  }
0x39: {  	_ = 	snop;
	(pc) =	sbr.ind lr, $3  }
0x3a: {  	_ = 	snop  }
0x3b: {  	_ = 	snop  }
0x3c: {  	p2 =	seq.s32 s10, $0x1;
	s10 =	sld [smem:$0x3FB6]  }
0x3d: {  	_ =	shalt  }
0x3e: {  	_ =	shalt  }
0x3f: {  	_ =	shalt  }
0x40: {  	_ =	shalt  }
0x41: {  	_ =	shalt  }
0x42: {  	_ =	shalt  }
0x43: {  	_ =	shalt  }
0x44: {  	_ =	shalt  }
0x45: {  	_ =	shalt  }
0x46: {  	_ =	shalt  }
0x47: {  	_ =	shalt  }
0x48: {  	_ =	shalt  }
0x49: {  	_ =	shalt  }
0x4a: {  	_ =	shalt  }
0x4b: {  	_ =	shalt  }
0x4c: {  	_ =	shalt  }
0x4d: {  	_ =	shalt  }
0x4e: {  	_ =	shalt  }
0x4f: {  	_ =	shalt  }
0x50: {  	_ =	shalt  }
0x51: {  	_ =	shalt  }
0x52: {  	_ =	shalt  }
0x53: {  	_ =	shalt  }
0x54: {  	_ =	shalt  }
0x55: {  	_ =	shalt  }
0x56: {  	_ =	shalt  }
0x57: {  	_ =	shalt  }
0x58: {  	_ =	shalt  }
0x59: {  	_ =	shalt  }
0x5a: {  	_ =	shalt  }
0x5b: {  	_ =	shalt  }
0x5c: {  	_ =	shalt  }
0x5d: {  	_ =	shalt  }
0x5e: {  	_ =	shalt  }
0x5f: {  	_ =	shalt  }
0x60: {  	_ =	shalt  }
0x61: {  	_ =	shalt  }
0x62: {  	_ =	shalt  }
0x63: {  	_ =	shalt  }
0x64: {  	_ =	shalt  }
0x65: {  	_ =	shalt  }
0x66: {  	_ =	shalt  }
0x67: {  	_ =	shalt  }
0x68: {  	_ =	shalt  }
0x69: {  	_ =	shalt  }
0x6a: {  	_ =	shalt  }
0x6b: {  	_ =	shalt  }
0x6c: {  	_ =	shalt  }
0x6d: {  	_ =	shalt  }
0x6e: {  	_ =	shalt  }
0x6f: {  	_ =	shalt  }
0x70: {  	_ =	shalt  }
0x71: {  	_ =	shalt  }
0x72: {  	_ =	shalt  }
0x73: {  	_ =	shalt  }
0x74: {  	_ =	shalt  }
0x75: {  	_ =	shalt  }
0x76: {  	_ =	shalt  }
0x77: {  	_ =	shalt  }
0x78: {  	_ =	shalt  }
0x79: {  	_ =	shalt  }
0x7a: {  	_ =	shalt  }
0x7b: {  	_ =	shalt  }
0x7c: {  	_ =	shalt  }
0x7d: {  	_ =	shalt  }
0x7e: {  	_ =	shalt  }
0x7f: {  	_ =	shalt  }
0x80: {  	_ =	shalt  }
0x81: {  	_ =	shalt  }
0x82: {  	_ =	shalt  }
0x83: {  	_ =	shalt  }
0x84: {  	_ =	shalt  }
0x85: {  	_ =	shalt  }
0x86: {  	_ =	shalt  }
0x87: {  	_ =	shalt  }
.Lfunc_end0:
.L_simem_size_0:
called_computation.1_lowered:
.L_overlay_start_0:
0x88: {  	s2 =	sld [smem:$0x3FD9]  }
0x89: {  	s3 =	sld [smem:$0x3FFE];
	_ =	sdelay $0x1  }
0x8a: {  	s1 =	srdreg.scid  }
0x8b: {  	s0 =	sand.u32 $0x1, s1  }
0x8c: {  	s17 =	sshll.u32 s0, $0xA;
	s2 =	sadd.s32 s3, s2  }
0x8d: {  	s2 =	sadd.s32 s2, s17  }
0x8e: {  	[smem:$0x3FC2] =	sst s2  }
0x8f: {  	_ = 	snop  }
0x90: {  	s2 =	sld [smem:$0x3FD0];
	(tm) =	ssettm $0x1  }
0x91: {  	s18 =	sld [smem:$0x3FFB];
	_ =	sdelay $0x3  }
0x92: {  	_ =	strace s18  }
0x93: {  	s3 =	sld [smem:$0x3FFC];
	_ =	sdelay $0x3  }
0x94: {  	_ =	strace s3  }
0x95: {  	s3 =	sld [smem:$0x3FFD];
	_ =	sdelay $0x3  }
0x96: {  	_ =	strace s3  }
0x97: {  	_ =	strace $0x8FFFFFFF  }
0x98: {  	s19 =	sld [smem:$0x3FDB];
	_ =	sdelay $0x1  }
0x99: {  	s4 =	simm.s32 $_scs_section_size  }
0x9a: {  	s5 =	simm.s32 $_size__tile_overlayer_lowered;
	s6 =	simm.s32 $_tile_overlayer_lowered  }
0x9b: {  	s22 =	simm.s32 $0x1BFF;
	s21 =	sshll.u32 s6, $0x1;
	s3 =	sadd.s32 s4, s19  }
0x9c: {  	s7 =	simm.s32 $0x0;
	s20 =	sshll.u32 s5, $0x1;
	s5 =	sadd.s32 s21, s3  }
0x9d: {  	[timem:s7], [sflag:s22] =	dma.local [hbm:s5], s20  }
0x9e: {  	_ =	swait.ge [sflag:s22], s20  }
0x9f: {  	s4 =	ssub.s32 $0x0, s20;
	[sflag:s22] =	ssyncset.done $0x0  }
0xa0: {  	[sflag:s22] =	ssyncadd.s32 s4;
	_ =	sdelay $0x1  }
0xa1: {  	s23 =	simm.s32 $0x1B8B  }
0xa2: {  	_ =	swait.ge [sflag:s23], $0x1  }
0xa3: {  	[sflag:s23] =	ssyncset.done $0x0  }
0xa4: {  	s25 =	simm.s32 $0x1B8E;
	s24 =	sld [smem:$0x3FFE];
	[sflag:s23] =	ssyncadd.s32 $0xFFFFFFFF  }
0xa5: {  	s26 =	simm.s32 $execute0_lowered;
	[smem:$0x3FD2] =	sst s25  }
0xa6: {  	s5 =	sshll.u32 s26, $0x1;
	_ =	strace $0x80000049;
	[dreg:$0x1] =	wrdreg $0xFFFFFFFF  }
0xa7: {  	s28 =	simm.s32 $_size_execute0_lowered;
	s3 =	sadd.s32 s3, s5;
	[dreg:$0x0] =	wrdreg $0x0  }
0xa8: {  	s5 =	sshll.u32 s28, $0x1;
	[dreg:$0x2] =	wrdreg s3  }
0xa9: {  	[dreg:$0x3] =	wrdreg s5  }
0xaa: {  	[dreg:$0x4] =	wrdreg $0xC0  }
0xab: {  	_ =	task [dreg:s7], $0x5FFFF  }
0xac: {  	[dreg:$0x1] =	wrdreg $0xFFFFFFFF  }
0xad: {  	[dreg:$0x0] =	wrdreg $0x60  }
0xae: {  	[dreg:$0x2] =	wrdreg s24  }
0xaf: {  	[dreg:$0x3] =	wrdreg s2  }
0xb0: {  	[dreg:$0x4] =	wrdreg $0x9  }
0xb1: {  	_ =	task.clear_ibuf [dreg:s7], $0x5FFFF;
	_ =	strace $0x90000049  }
0xb2: {  	s29 =	simm.s32 $0x9;
	_ =	strace $0x8000004B  }
0xb3: {  	_ =	swait.ge [sflag:s29], $0x1  }
0xb4: {  	[sflag:s29] =	ssyncadd.s32 $0xFFFFFFFF  }
0xb5: {  	_ =	strace $0x9000004B  }
0xb6: {  	_ =	sfence  }
0xb7: {  	s30 =	sld [smem:$0x0];
	_ =	sdelay $0x2  }
0xb8: {  	s31 =	sshll.u32 s1, $0xD;
	s1 =	sshrl.u32 s1, $0x2  }
0xb9: {  	s3 =	sand.u32 $0x4000, s31;
	s1 =	sadd.s32 s1, s30  }
0xba: {  	s0 =	sor.u32 s3, s0;
	s1 =	sshll.u32 s1, $0x11  }
0xbb: {  	s0 =	sor.u32 s1, s0  }
0xbc: {  	s0 =	sadd.s32 $0x8F2B, s0  }
0xbd: {  	[sflag:s0] =	ssyncadd.remote.s32 $0x1  }
0xbe: {  	_ =	sfence.sel $0xFFFF  }
0xbf: {  	[dreg:$0x0] =	wrdreg $0xFFFFFFFF;
	(pc) =	sbr.abs _section_cstart, $3  }
0xc0: {  	[dreg:$0x1] =	wrdreg $0xFFFFFFFF  }
0xc1: {  	_ =	task.clear_ibuf [dreg:s7], $0x2FFFF;
	_ =	strace $0x9FFFFFFF  }
0xc2: {  	(tm) =	ssettm $0x7FFFFFFF  }
0xc3: {  	_ =	shalt  }
tec
execute0_lowered:
.L_overlay_start_1:
0x0: {  	(tag) =	ssettag $0x1  }
0x1: {  	s0 =	rddreg [dreg:$0x0]  }
0x2: {  	s2 =	rddreg [dreg:$0x1]  }
0x3: {  	s1 =	srdreg.scid;
	s3 =	simm.s32 $0x0;
	s4 =	stileid.u32  }
0x4: {  	s18 =	simm.s32 $0x1;
	s1 =	sand.u32 $0x1, s1;
	[smem:$0x7FF] =	sst s3  }
0x5: {  	s4 =	sshll.u32 s4, $0x9;
	s6 =	sadd.s32 $0x2200, s0;
	s5 =	sshll.u32 s1, $0x8  }
0x6: {  	s0 =	sadd.s32 $0x102600, s0;
	s1 =	ssub.s32 $0x2, s1;
	s7 =	sor.u32 s5, s4  }
0x7: {  	_ =	strace $0x8000004A;
	s23 =	sshrl.u32 s1, $0x1;
	s4 =	sshrl.u32 s7, $0x3  }
0x8: {  	s8 =	sshll.u32 s7, $0x7;
	s25 =	sor.u32 $0x40, s7;
	s1 =	ssub.s32 s1, s23  }
0x9: {  	s9 =	sor.u32 $0x80, s7;
	s7 =	sor.u32 $0xC0, s7;
	s23 =	simm.s32 $0x80  }
0xa: {  	s4 =	sadd.s32 s6, s4;
	s24 =	sadd.s32 s0, s8;
	s26 =	sshrl.u32 s25, $0x3  }
0xb: {  	s8 =	sshll.u32 s25, $0x7;
	s28 =	sshrl.u32 s9, $0x3;
	[dreg:$0x3] =	wrdreg s4  }
0xc: {  	s9 =	sshll.u32 s9, $0x7;
	[dreg:$0x4] =	wrdreg s24;
	s5 =	sadd.s32 s6, s26  }
0xd: {  	s30 =	sshrl.u32 s7, $0x3;
	s8 =	sadd.s32 s0, s8;
	[dreg:$0x5] =	wrdreg s5  }
0xe: {  	s7 =	sshll.u32 s7, $0x7;
	s29 =	sadd.s32 s0, s9;
	[dreg:$0x6] =	wrdreg s8  }
0xf: {  	s4 =	sadd.s32 $0x100, s2;
	s31 =	sadd.s32 s6, s30;
	[dreg:$0x8] =	wrdreg s29  }
0x10: {  	v2 =	vlaneseq.u32;
	s0 =	sadd.s32 s0, s7;
	s7 =	smax.u32 s1, $0x1;
	[dreg:$0x9] =	wrdreg s31  }
0x11: {  	vm0 =	vmmov $0xffff;
	v1 =	vshrl.u32 v2, $0x3;
	s5 =	sadd.s32 $0x200, s2;
	s8 =	sadd.s32 s6, s28;
	[dreg:$0xa] =	wrdreg s0  }
0x12: {  	v0 =	vand.u32 $0x7, v2;
	v2 =	vor.u32 $0x8, v2;
	v1 =	vmul.u32 $0x8, v1;
	s6 =	sadd.s32 $0x300, s2;
	[dreg:$0x7] =	wrdreg s8;
	s8 =	simm.s32 $0x2  }
.LBB2_1:
0x13: {  	s19 =	rddreg [dreg:$0x3]  }
0x14: {  	[tilespmem:s3], [sflag:$0x2] =	stream.linear.gather [hbm4b:s19+s3], $0x40, $0x38;
	[tilespmem:$0x10080] =	vst v63  }
0x15: {  	_ =	swait.ge [sflag:s8], $0x40  }
0x16: {  	[sflag:s8] =	ssyncset.done $0x0  }
0x17: {  	s11 =	rddreg [dreg:$0x4];
	[sflag:s8] =	ssyncadd.s32 $0xFFFFFFC0  }
0x18: {  	[tilespmem:s23], [sflag:$0x2] =	stream.linear.gather [hbm4b:s11+s3], $0x10000, $0x38;
	[tilespmem:$0x10080] =	vst v63  }
0x19: {  	_ =	swait.ge [sflag:s8], $0x10000  }
0x1a: {  	[sflag:s8] =	ssyncset.done $0x0  }
0x1b: {  	[sflag:s8] =	ssyncadd.s32 $0xFFFF0000  }
0x1c: {  	v3 =	vld [tilespmem:$0x0];
	_ =	sdelay $0x4  }
0x1d: {  	v4 =	vshll.u32 v3, $0x3  }
0x1e: {  	v3 =	vand.u32 $0x7, v3;
	v4 =	vand.u32 $0xFFFFFFC0, v4  }
0x1f: {  	v3 =	vor.u32 v3, v4  }
0x20: {  	v4 =	vperm.xlane v3, v0;
	_ =	sdelay $0x1  }
0x21: {  	v4 =	vadd.s32 v1, v4;
	_ =	sdelay $0x4  }
0x22: {  	[hbm4b:s2+s3] =	stream.indirect_vreg.scatter [tilespmem:s23], [sflag:$0x1], $0x80, v4, vm0, $0xb8;
	[tilespmem:$0x10080] =	vst v63  }
0x23: {  	s0 =	simm.s32 $0x880;
	v3 =	vperm.xlane v3, v2  }
0x24: {  	[hbm4b:s4+s3] =	stream.indirect_vreg.scatter [tilespmem:s0], [sflag:$0x1], $0x80, v4, vm0, $0xb8;
	[tilespmem:$0x10080] =	vst v63  }
0x25: {  	s12 =	simm.s32 $0x1080;
	v3 =	vadd.s32 v1, v3  }
0x26: {  	[hbm4b:s5+s3] =	stream.indirect_vreg.scatter [tilespmem:s12], [sflag:$0x1], $0x80, v4, vm0, $0xb8;
	[tilespmem:$0x10080] =	vst v63  }
0x27: {  	s13 =	simm.s32 $0x1880  }
0x28: {  	[hbm4b:s6+s3] =	stream.indirect_vreg.scatter [tilespmem:s13], [sflag:$0x1], $0x80, v4, vm0, $0xb8;
	[tilespmem:$0x10080] =	vst v63  }
0x29: {  	s15 =	simm.s32 $0x2080  }
0x2a: {  	[hbm4b:s2+s3] =	stream.indirect_vreg.scatter [tilespmem:s15], [sflag:$0x1], $0x80, v3, vm0, $0xb8;
	[tilespmem:$0x10080] =	vst v63  }
0x2b: {  	s16 =	simm.s32 $0x2880  }
0x2c: {  	[hbm4b:s4+s3] =	stream.indirect_vreg.scatter [tilespmem:s16], [sflag:$0x1], $0x80, v3, vm0, $0xb8;
	[tilespmem:$0x10080] =	vst v63  }
0x2d: {  	s17 =	simm.s32 $0x3080  }
0x2e: {  	[hbm4b:s5+s3] =	stream.indirect_vreg.scatter [tilespmem:s17], [sflag:$0x1], $0x80, v3, vm0, $0xb8;
	[tilespmem:$0x10080] =	vst v63  }
0x2f: {  	s19 =	simm.s32 $0x3880  }
0x30: {  	[hbm4b:s6+s3] =	stream.indirect_vreg.scatter [tilespmem:s19], [sflag:$0x1], $0x80, v3, vm0, $0xb8;
	[tilespmem:$0x10080] =	vst v63  }
0x31: {  	v3 =	vld [tilespmem:$0x10];
	_ =	sdelay $0x4  }
0x32: {  	v49 =	vshll.u32 v3, $0x3  }
0x33: {  	v3 =	vand.u32 $0x7, v3;
	v4 =	vand.u32 $0xFFFFFFC0, v49  }
0x34: {  	v3 =	vor.u32 v3, v4  }
0x35: {  	v4 =	vperm.xlane v3, v0;
	_ =	sdelay $0x1  }
0x36: {  	v4 =	vadd.s32 v1, v4;
	_ =	sdelay $0x3  }
0x37: {  	s20 =	simm.s32 $0x4080  }
0x38: {  	[hbm4b:s2+s3] =	stream.indirect_vreg.scatter [tilespmem:s20], [sflag:$0x1], $0x80, v4, vm0, $0xb8;
	[tilespmem:$0x10080] =	vst v63  }
0x39: {  	s21 =	simm.s32 $0x4880;
	v3 =	vperm.xlane v3, v2  }
0x3a: {  	[hbm4b:s4+s3] =	stream.indirect_vreg.scatter [tilespmem:s21], [sflag:$0x1], $0x80, v4, vm0, $0xb8;
	[tilespmem:$0x10080] =	vst v63  }
0x3b: {  	s22 =	simm.s32 $0x5080;
	v3 =	vadd.s32 v1, v3  }
0x3c: {  	[hbm4b:s5+s3] =	stream.indirect_vreg.scatter [tilespmem:s22], [sflag:$0x1], $0x80, v4, vm0, $0xb8;
	[tilespmem:$0x10080] =	vst v63  }
0x3d: {  	s24 =	simm.s32 $0x5880  }
0x3e: {  	[hbm4b:s6+s3] =	stream.indirect_vreg.scatter [tilespmem:s24], [sflag:$0x1], $0x80, v4, vm0, $0xb8;
	[tilespmem:$0x10080] =	vst v63  }
0x3f: {  	s25 =	simm.s32 $0x6080  }
0x40: {  	[hbm4b:s2+s3] =	stream.indirect_vreg.scatter [tilespmem:s25], [sflag:$0x1], $0x80, v3, vm0, $0xb8;
	[tilespmem:$0x10080] =	vst v63  }
0x41: {  	s26 =	simm.s32 $0x6880  }
0x42: {  	[hbm4b:s4+s3] =	stream.indirect_vreg.scatter [tilespmem:s26], [sflag:$0x1], $0x80, v3, vm0, $0xb8;
	[tilespmem:$0x10080] =	vst v63  }
0x43: {  	s28 =	simm.s32 $0x7080  }
0x44: {  	[hbm4b:s5+s3] =	stream.indirect_vreg.scatter [tilespmem:s28], [sflag:$0x1], $0x80, v3, vm0, $0xb8;
	[tilespmem:$0x10080] =	vst v63  }
0x45: {  	s29 =	simm.s32 $0x7880  }
0x46: {  	[hbm4b:s6+s3] =	stream.indirect_vreg.scatter [tilespmem:s29], [sflag:$0x1], $0x80, v3, vm0, $0xb8;
	[tilespmem:$0x10080] =	vst v63  }
0x47: {  	v3 =	vld [tilespmem:$0x20];
	_ =	sdelay $0x4  }
0x48: {  	v50 =	vshll.u32 v3, $0x3  }
0x49: {  	v3 =	vand.u32 $0x7, v3;
	v4 =	vand.u32 $0xFFFFFFC0, v50  }
0x4a: {  	v3 =	vor.u32 v3, v4  }
0x4b: {  	v4 =	vperm.xlane v3, v0;
	_ =	sdelay $0x1  }
0x4c: {  	v4 =	vadd.s32 v1, v4;
	_ =	sdelay $0x3  }
0x4d: {  	s30 =	simm.s32 $0x8080  }
0x4e: {  	[hbm4b:s2+s3] =	stream.indirect_vreg.scatter [tilespmem:s30], [sflag:$0x1], $0x80, v4, vm0, $0xb8;
	[tilespmem:$0x10080] =	vst v63  }
0x4f: {  	s16 =	simm.s32 $0x8880;
	v3 =	vperm.xlane v3, v2  }
0x50: {  	[hbm4b:s4+s3] =	stream.indirect_vreg.scatter [tilespmem:s16], [sflag:$0x1], $0x80, v4, vm0, $0xb8;
	[tilespmem:$0x10080] =	vst v63  }
0x51: {  	s17 =	simm.s32 $0x9080;
	v3 =	vadd.s32 v1, v3  }
0x52: {  	[hbm4b:s5+s3] =	stream.indirect_vreg.scatter [tilespmem:s17], [sflag:$0x1], $0x80, v4, vm0, $0xb8;
	[tilespmem:$0x10080] =	vst v63  }
0x53: {  	s19 =	simm.s32 $0x9880  }
0x54: {  	[hbm4b:s6+s3] =	stream.indirect_vreg.scatter [tilespmem:s19], [sflag:$0x1], $0x80, v4, vm0, $0xb8;
	[tilespmem:$0x10080] =	vst v63  }
0x55: {  	s20 =	simm.s32 $0xA080  }
0x56: {  	[hbm4b:s2+s3] =	stream.indirect_vreg.scatter [tilespmem:s20], [sflag:$0x1], $0x80, v3, vm0, $0xb8;
	[tilespmem:$0x10080] =	vst v63  }
0x57: {  	s21 =	simm.s32 $0xA880  }
0x58: {  	[hbm4b:s4+s3] =	stream.indirect_vreg.scatter [tilespmem:s21], [sflag:$0x1], $0x80, v3, vm0, $0xb8;
	[tilespmem:$0x10080] =	vst v63  }
0x59: {  	s22 =	simm.s32 $0xB080  }
0x5a: {  	[hbm4b:s5+s3] =	stream.indirect_vreg.scatter [tilespmem:s22], [sflag:$0x1], $0x80, v3, vm0, $0xb8;
	[tilespmem:$0x10080] =	vst v63  }
0x5b: {  	s24 =	simm.s32 $0xB880  }
0x5c: {  	[hbm4b:s6+s3] =	stream.indirect_vreg.scatter [tilespmem:s24], [sflag:$0x1], $0x80, v3, vm0, $0xb8;
	[tilespmem:$0x10080] =	vst v63  }
0x5d: {  	v3 =	vld [tilespmem:$0x30];
	_ =	sdelay $0x4  }
0x5e: {  	v51 =	vshll.u32 v3, $0x3  }
0x5f: {  	v3 =	vand.u32 $0x7, v3;
	v4 =	vand.u32 $0xFFFFFFC0, v51  }
0x60: {  	v3 =	vor.u32 v3, v4  }
0x61: {  	v4 =	vperm.xlane v3, v0;
	_ =	sdelay $0x1  }
0x62: {  	v4 =	vadd.s32 v1, v4;
	_ =	sdelay $0x3  }
0x63: {  	s25 =	simm.s32 $0xC080  }
0x64: {  	[hbm4b:s2+s3] =	stream.indirect_vreg.scatter [tilespmem:s25], [sflag:$0x1], $0x80, v4, vm0, $0xb8;
	[tilespmem:$0x10080] =	vst v63  }
0x65: {  	s26 =	simm.s32 $0xC880;
	v3 =	vperm.xlane v3, v2  }
0x66: {  	[hbm4b:s4+s3] =	stream.indirect_vreg.scatter [tilespmem:s26], [sflag:$0x1], $0x80, v4, vm0, $0xb8;
	[tilespmem:$0x10080] =	vst v63  }
0x67: {  	s29 =	simm.s32 $0xD080;
	v3 =	vadd.s32 v1, v3  }
0x68: {  	[hbm4b:s5+s3] =	stream.indirect_vreg.scatter [tilespmem:s29], [sflag:$0x1], $0x80, v4, vm0, $0xb8;
	[tilespmem:$0x10080] =	vst v63  }
0x69: {  	s0 =	simm.s32 $0xD880  }
0x6a: {  	[hbm4b:s6+s3] =	stream.indirect_vreg.scatter [tilespmem:s0], [sflag:$0x1], $0x80, v4, vm0, $0xb8;
	[tilespmem:$0x10080] =	vst v63  }
0x6b: {  	s16 =	simm.s32 $0xE080  }
0x6c: {  	[hbm4b:s2+s3] =	stream.indirect_vreg.scatter [tilespmem:s16], [sflag:$0x1], $0x80, v3, vm0, $0xb8;
	[tilespmem:$0x10080] =	vst v63  }
0x6d: {  	s17 =	simm.s32 $0xE880  }
0x6e: {  	[hbm4b:s4+s3] =	stream.indirect_vreg.scatter [tilespmem:s17], [sflag:$0x1], $0x80, v3, vm0, $0xb8;
	[tilespmem:$0x10080] =	vst v63  }
0x6f: {  	s24 =	simm.s32 $0xF080  }
0x70: {  	[hbm4b:s5+s3] =	stream.indirect_vreg.scatter [tilespmem:s24], [sflag:$0x1], $0x80, v3, vm0, $0xb8;
	[tilespmem:$0x10080] =	vst v63  }
0x71: {  	s25 =	simm.s32 $0xF880  }
0x72: {  	[hbm4b:s6+s3] =	stream.indirect_vreg.scatter [tilespmem:s25], [sflag:$0x1], $0x80, v3, vm0, $0xb8;
	[tilespmem:$0x10080] =	vst v63  }
0x73: {  	_ =	swait.ge [sflag:s18], $0x10000  }
0x74: {  	[sflag:s18] =	ssyncset.done $0x0  }
0x75: {  	s0 =	rddreg [dreg:$0x5];
	[sflag:s18] =	ssyncadd.s32 $0xFFFF0000  }
0x76: {  	[tilespmem:s3], [sflag:$0x2] =	stream.linear.gather [hbm4b:s0+s3], $0x40, $0x38;
	[tilespmem:$0x10080] =	vst v63  }
0x77: {  	_ =	swait.ge [sflag:s8], $0x40  }
0x78: {  	[sflag:s8] =	ssyncset.done $0x0  }
0x79: {  	s16 =	rddreg [dreg:$0x6];
	[sflag:s8] =	ssyncadd.s32 $0xFFFFFFC0  }
0x7a: {  	[tilespmem:s23], [sflag:$0x2] =	stream.linear.gather [hbm4b:s16+s3], $0x10000, $0x38;
	[tilespmem:$0x10080] =	vst v63  }
0x7b: {  	_ =	swait.ge [sflag:s8], $0x10000  }
0x7c: {  	[sflag:s8] =	ssyncset.done $0x0  }
0x7d: {  	[sflag:s8] =	ssyncadd.s32 $0xFFFF0000  }
0x7e: {  	v3 =	vld [tilespmem:$0x0];
	_ =	sdelay $0x4  }
0x7f: {  	v52 =	vshll.u32 v3, $0x3  }
0x80: {  	v3 =	vand.u32 $0x7, v3;
	v4 =	vand.u32 $0xFFFFFFC0, v52  }
0x81: {  	v3 =	vor.u32 v3, v4  }
0x82: {  	v4 =	vperm.xlane v3, v0;
	_ =	sdelay $0x1  }
0x83: {  	v4 =	vadd.s32 v1, v4;
	_ =	sdelay $0x4  }
0x84: {  	[hbm4b:s2+s3] =	stream.indirect_vreg.scatter [tilespmem:s23], [sflag:$0x1], $0x80, v4, vm0, $0xb8;
	[tilespmem:$0x10080] =	vst v63  }
0x85: {  	s14 =	simm.s32 $0x880;
	v3 =	vperm.xlane v3, v2  }
0x86: {  	[hbm4b:s4+s3] =	stream.indirect_vreg.scatter [tilespmem:s14], [sflag:$0x1], $0x80, v4, vm0, $0xb8;
	[tilespmem:$0x10080] =	vst v63  }
0x87: {  	s1 =	simm.s32 $0x1080;
	v3 =	vadd.s32 v1, v3  }
0x88: {  	[hbm4b:s5+s3] =	stream.indirect_vreg.scatter [tilespmem:s1], [sflag:$0x1], $0x80, v4, vm0, $0xb8;
	[tilespmem:$0x10080] =	vst v63  }
0x89: {  	s9 =	simm.s32 $0x1880  }
0x8a: {  	[hbm4b:s6+s3] =	stream.indirect_vreg.scatter [tilespmem:s9], [sflag:$0x1], $0x80, v4, vm0, $0xb8;
	[tilespmem:$0x10080] =	vst v63  }
0x8b: {  	s10 =	simm.s32 $0x2080  }
0x8c: {  	[hbm4b:s2+s3] =	stream.indirect_vreg.scatter [tilespmem:s10], [sflag:$0x1], $0x80, v3, vm0, $0xb8;
	[tilespmem:$0x10080] =	vst v63  }
0x8d: {  	s11 =	simm.s32 $0x2880  }
0x8e: {  	[hbm4b:s4+s3] =	stream.indirect_vreg.scatter [tilespmem:s11], [sflag:$0x1], $0x80, v3, vm0, $0xb8;
	[tilespmem:$0x10080] =	vst v63  }
0x8f: {  	s12 =	simm.s32 $0x3080  }
0x90: {  	[hbm4b:s5+s3] =	stream.indirect_vreg.scatter [tilespmem:s12], [sflag:$0x1], $0x80, v3, vm0, $0xb8;
	[tilespmem:$0x10080] =	vst v63  }
0x91: {  	s15 =	simm.s32 $0x3880  }
0x92: {  	[hbm4b:s6+s3] =	stream.indirect_vreg.scatter [tilespmem:s15], [sflag:$0x1], $0x80, v3, vm0, $0xb8;
	[tilespmem:$0x10080] =	vst v63  }
0x93: {  	v3 =	vld [tilespmem:$0x10];
	_ =	sdelay $0x4  }
0x94: {  	v53 =	vshll.u32 v3, $0x3  }
0x95: {  	v3 =	vand.u32 $0x7, v3;
	v4 =	vand.u32 $0xFFFFFFC0, v53  }
0x96: {  	v3 =	vor.u32 v3, v4  }
0x97: {  	v4 =	vperm.xlane v3, v0;
	_ =	sdelay $0x1  }
0x98: {  	v4 =	vadd.s32 v1, v4;
	_ =	sdelay $0x3  }
0x99: {  	s16 =	simm.s32 $0x4080  }
0x9a: {  	[hbm4b:s2+s3] =	stream.indirect_vreg.scatter [tilespmem:s16], [sflag:$0x1], $0x80, v4, vm0, $0xb8;
	[tilespmem:$0x10080] =	vst v63  }
0x9b: {  	s31 =	simm.s32 $0x4880;
	v3 =	vperm.xlane v3, v2  }
0x9c: {  	[hbm4b:s4+s3] =	stream.indirect_vreg.scatter [tilespmem:s31], [sflag:$0x1], $0x80, v4, vm0, $0xb8;
	[tilespmem:$0x10080] =	vst v63  }
0x9d: {  	s13 =	simm.s32 $0x5080;
	v3 =	vadd.s32 v1, v3  }
0x9e: {  	[hbm4b:s5+s3] =	stream.indirect_vreg.scatter [tilespmem:s13], [sflag:$0x1], $0x80, v4, vm0, $0xb8;
	[tilespmem:$0x10080] =	vst v63  }
0x9f: {  	s31 =	simm.s32 $0x5880  }
0xa0: {  	[hbm4b:s6+s3] =	stream.indirect_vreg.scatter [tilespmem:s31], [sflag:$0x1], $0x80, v4, vm0, $0xb8;
	[tilespmem:$0x10080] =	vst v63  }
0xa1: {  	s0 =	simm.s32 $0x6080  }
0xa2: {  	[hbm4b:s2+s3] =	stream.indirect_vreg.scatter [tilespmem:s0], [sflag:$0x1], $0x80, v3, vm0, $0xb8;
	[tilespmem:$0x10080] =	vst v63  }
0xa3: {  	s1 =	simm.s32 $0x6880  }
0xa4: {  	[hbm4b:s4+s3] =	stream.indirect_vreg.scatter [tilespmem:s1], [sflag:$0x1], $0x80, v3, vm0, $0xb8;
	[tilespmem:$0x10080] =	vst v63  }
0xa5: {  	s9 =	simm.s32 $0x7080  }
0xa6: {  	[hbm4b:s5+s3] =	stream.indirect_vreg.scatter [tilespmem:s9], [sflag:$0x1], $0x80, v3, vm0, $0xb8;
	[tilespmem:$0x10080] =	vst v63  }
0xa7: {  	s13 =	simm.s32 $0x7880  }
0xa8: {  	[hbm4b:s6+s3] =	stream.indirect_vreg.scatter [tilespmem:s13], [sflag:$0x1], $0x80, v3, vm0, $0xb8;
	[tilespmem:$0x10080] =	vst v63  }
0xa9: {  	v3 =	vld [tilespmem:$0x20];
	_ =	sdelay $0x4  }
0xaa: {  	v54 =	vshll.u32 v3, $0x3  }
0xab: {  	v3 =	vand.u32 $0x7, v3;
	v4 =	vand.u32 $0xFFFFFFC0, v54  }
0xac: {  	v3 =	vor.u32 v3, v4  }
0xad: {  	v4 =	vperm.xlane v3, v0;
	_ =	sdelay $0x1  }
0xae: {  	v4 =	vadd.s32 v1, v4;
	_ =	sdelay $0x3  }
0xaf: {  	s14 =	simm.s32 $0x8080  }
0xb0: {  	[hbm4b:s2+s3] =	stream.indirect_vreg.scatter [tilespmem:s14], [sflag:$0x1], $0x80, v4, vm0, $0xb8;
	[tilespmem:$0x10080] =	vst v63  }
0xb1: {  	s15 =	simm.s32 $0x8880;
	v3 =	vperm.xlane v3, v2  }
0xb2: {  	[hbm4b:s4+s3] =	stream.indirect_vreg.scatter [tilespmem:s15], [sflag:$0x1], $0x80, v4, vm0, $0xb8;
	[tilespmem:$0x10080] =	vst v63  }
0xb3: {  	s10 =	simm.s32 $0x9080;
	v3 =	vadd.s32 v1, v3  }
0xb4: {  	[hbm4b:s5+s3] =	stream.indirect_vreg.scatter [tilespmem:s10], [sflag:$0x1], $0x80, v4, vm0, $0xb8;
	[tilespmem:$0x10080] =	vst v63  }
0xb5: {  	s11 =	simm.s32 $0x9880  }
0xb6: {  	[hbm4b:s6+s3] =	stream.indirect_vreg.scatter [tilespmem:s11], [sflag:$0x1], $0x80, v4, vm0, $0xb8;
	[tilespmem:$0x10080] =	vst v63  }
0xb7: {  	s12 =	simm.s32 $0xA080  }
0xb8: {  	[hbm4b:s2+s3] =	stream.indirect_vreg.scatter [tilespmem:s12], [sflag:$0x1], $0x80, v3, vm0, $0xb8;
	[tilespmem:$0x10080] =	vst v63  }
0xb9: {  	s30 =	simm.s32 $0xA880  }
0xba: {  	[hbm4b:s4+s3] =	stream.indirect_vreg.scatter [tilespmem:s30], [sflag:$0x1], $0x80, v3, vm0, $0xb8;
	[tilespmem:$0x10080] =	vst v63  }
0xbb: {  	s28 =	simm.s32 $0xB080  }
0xbc: {  	[hbm4b:s5+s3] =	stream.indirect_vreg.scatter [tilespmem:s28], [sflag:$0x1], $0x80, v3, vm0, $0xb8;
	[tilespmem:$0x10080] =	vst v63  }
0xbd: {  	s20 =	simm.s32 $0xB880  }
0xbe: {  	[hbm4b:s6+s3] =	stream.indirect_vreg.scatter [tilespmem:s20], [sflag:$0x1], $0x80, v3, vm0, $0xb8;
	[tilespmem:$0x10080] =	vst v63  }
0xbf: {  	v3 =	vld [tilespmem:$0x30];
	_ =	sdelay $0x4  }
0xc0: {  	v55 =	vshll.u32 v3, $0x3  }
0xc1: {  	v3 =	vand.u32 $0x7, v3;
	v4 =	vand.u32 $0xFFFFFFC0, v55  }
0xc2: {  	v3 =	vor.u32 v3, v4  }
0xc3: {  	v4 =	vperm.xlane v3, v0;
	_ =	sdelay $0x1  }
0xc4: {  	v4 =	vadd.s32 v1, v4;
	_ =	sdelay $0x3  }
0xc5: {  	s21 =	simm.s32 $0xC080  }
0xc6: {  	[hbm4b:s2+s3] =	stream.indirect_vreg.scatter [tilespmem:s21], [sflag:$0x1], $0x80, v4, vm0, $0xb8;
	[tilespmem:$0x10080] =	vst v63  }
0xc7: {  	s22 =	simm.s32 $0xC880;
	v3 =	vperm.xlane v3, v2  }
0xc8: {  	[hbm4b:s4+s3] =	stream.indirect_vreg.scatter [tilespmem:s22], [sflag:$0x1], $0x80, v4, vm0, $0xb8;
	[tilespmem:$0x10080] =	vst v63  }
0xc9: {  	v3 =	vadd.s32 v1, v3;
	s22 =	simm.s32 $0xD080  }
0xca: {  	[hbm4b:s5+s3] =	stream.indirect_vreg.scatter [tilespmem:s22], [sflag:$0x1], $0x80, v4, vm0, $0xb8;
	[tilespmem:$0x10080] =	vst v63  }
0xcb: {  	s26 =	simm.s32 $0xD880  }
0xcc: {  	[hbm4b:s6+s3] =	stream.indirect_vreg.scatter [tilespmem:s26], [sflag:$0x1], $0x80, v4, vm0, $0xb8;
	[tilespmem:$0x10080] =	vst v63  }
0xcd: {  	s29 =	simm.s32 $0xE080  }
0xce: {  	[hbm4b:s2+s3] =	stream.indirect_vreg.scatter [tilespmem:s29], [sflag:$0x1], $0x80, v3, vm0, $0xb8;
	[tilespmem:$0x10080] =	vst v63  }
0xcf: {  	s26 =	simm.s32 $0xE880  }
0xd0: {  	[hbm4b:s4+s3] =	stream.indirect_vreg.scatter [tilespmem:s26], [sflag:$0x1], $0x80, v3, vm0, $0xb8;
	[tilespmem:$0x10080] =	vst v63  }
0xd1: {  	s30 =	simm.s32 $0xF080  }
0xd2: {  	[hbm4b:s5+s3] =	stream.indirect_vreg.scatter [tilespmem:s30], [sflag:$0x1], $0x80, v3, vm0, $0xb8;
	[tilespmem:$0x10080] =	vst v63  }
0xd3: {  	s17 =	simm.s32 $0xF880  }
0xd4: {  	[hbm4b:s6+s3] =	stream.indirect_vreg.scatter [tilespmem:s17], [sflag:$0x1], $0x80, v3, vm0, $0xb8;
	[tilespmem:$0x10080] =	vst v63  }
0xd5: {  	_ =	swait.ge [sflag:s18], $0x10000  }
0xd6: {  	[sflag:s18] =	ssyncset.done $0x0  }
0xd7: {  	s21 =	rddreg [dreg:$0x7];
	[sflag:s18] =	ssyncadd.s32 $0xFFFF0000  }
0xd8: {  	[tilespmem:s3], [sflag:$0x2] =	stream.linear.gather [hbm4b:s21+s3], $0x40, $0x38;
	[tilespmem:$0x10080] =	vst v63  }
0xd9: {  	_ =	swait.ge [sflag:s8], $0x40  }
0xda: {  	[sflag:s8] =	ssyncset.done $0x0  }
0xdb: {  	s17 =	rddreg [dreg:$0x8];
	[sflag:s8] =	ssyncadd.s32 $0xFFFFFFC0  }
0xdc: {  	[tilespmem:s23], [sflag:$0x2] =	stream.linear.gather [hbm4b:s17+s3], $0x10000, $0x38;
	[tilespmem:$0x10080] =	vst v63  }
0xdd: {  	_ =	swait.ge [sflag:s8], $0x10000  }
0xde: {  	[sflag:s8] =	ssyncset.done $0x0  }
0xdf: {  	[sflag:s8] =	ssyncadd.s32 $0xFFFF0000  }
0xe0: {  	v3 =	vld [tilespmem:$0x0];
	_ =	sdelay $0x4  }
0xe1: {  	v56 =	vshll.u32 v3, $0x3  }
0xe2: {  	v3 =	vand.u32 $0x7, v3;
	v4 =	vand.u32 $0xFFFFFFC0, v56  }
0xe3: {  	v3 =	vor.u32 v3, v4  }
0xe4: {  	v4 =	vperm.xlane v3, v0;
	_ =	sdelay $0x1  }
0xe5: {  	v4 =	vadd.s32 v1, v4;
	_ =	sdelay $0x4  }
0xe6: {  	[hbm4b:s2+s3] =	stream.indirect_vreg.scatter [tilespmem:s23], [sflag:$0x1], $0x80, v4, vm0, $0xb8;
	[tilespmem:$0x10080] =	vst v63  }
0xe7: {  	s21 =	simm.s32 $0x880;
	v3 =	vperm.xlane v3, v2  }
0xe8: {  	[hbm4b:s4+s3] =	stream.indirect_vreg.scatter [tilespmem:s21], [sflag:$0x1], $0x80, v4, vm0, $0xb8;
	[tilespmem:$0x10080] =	vst v63  }
0xe9: {  	s25 =	simm.s32 $0x1080;
	v3 =	vadd.s32 v1, v3  }
0xea: {  	[hbm4b:s5+s3] =	stream.indirect_vreg.scatter [tilespmem:s25], [sflag:$0x1], $0x80, v4, vm0, $0xb8;
	[tilespmem:$0x10080] =	vst v63  }
0xeb: {  	s19 =	simm.s32 $0x1880  }
0xec: {  	[hbm4b:s6+s3] =	stream.indirect_vreg.scatter [tilespmem:s19], [sflag:$0x1], $0x80, v4, vm0, $0xb8;
	[tilespmem:$0x10080] =	vst v63  }
0xed: {  	s25 =	simm.s32 $0x2080  }
0xee: {  	[hbm4b:s2+s3] =	stream.indirect_vreg.scatter [tilespmem:s25], [sflag:$0x1], $0x80, v3, vm0, $0xb8;
	[tilespmem:$0x10080] =	vst v63  }
0xef: {  	s19 =	simm.s32 $0x2880  }
0xf0: {  	[hbm4b:s4+s3] =	stream.indirect_vreg.scatter [tilespmem:s19], [sflag:$0x1], $0x80, v3, vm0, $0xb8;
	[tilespmem:$0x10080] =	vst v63  }
0xf1: {  	s25 =	simm.s32 $0x3080  }
0xf2: {  	[hbm4b:s5+s3] =	stream.indirect_vreg.scatter [tilespmem:s25], [sflag:$0x1], $0x80, v3, vm0, $0xb8;
	[tilespmem:$0x10080] =	vst v63  }
0xf3: {  	s19 =	simm.s32 $0x3880  }
0xf4: {  	[hbm4b:s6+s3] =	stream.indirect_vreg.scatter [tilespmem:s19], [sflag:$0x1], $0x80, v3, vm0, $0xb8;
	[tilespmem:$0x10080] =	vst v63  }
0xf5: {  	v3 =	vld [tilespmem:$0x10];
	_ =	sdelay $0x4  }
0xf6: {  	v57 =	vshll.u32 v3, $0x3  }
0xf7: {  	v3 =	vand.u32 $0x7, v3;
	v4 =	vand.u32 $0xFFFFFFC0, v57  }
0xf8: {  	v3 =	vor.u32 v3, v4  }
0xf9: {  	v4 =	vperm.xlane v3, v0;
	_ =	sdelay $0x1  }
0xfa: {  	v4 =	vadd.s32 v1, v4;
	_ =	sdelay $0x4  }
0xfb: {  	[hbm4b:s2+s3] =	stream.indirect_vreg.scatter [tilespmem:s16], [sflag:$0x1], $0x80, v4, vm0, $0xb8;
	[tilespmem:$0x10080] =	vst v63  }
0xfc: {  	s25 =	simm.s32 $0x4880;
	v3 =	vperm.xlane v3, v2  }
0xfd: {  	[hbm4b:s4+s3] =	stream.indirect_vreg.scatter [tilespmem:s25], [sflag:$0x1], $0x80, v4, vm0, $0xb8;
	[tilespmem:$0x10080] =	vst v63  }
0xfe: {  	s19 =	simm.s32 $0x5080;
	v3 =	vadd.s32 v1, v3  }
0xff: {  	[hbm4b:s5+s3] =	stream.indirect_vreg.scatter [tilespmem:s19], [sflag:$0x1], $0x80, v4, vm0, $0xb8;
	[tilespmem:$0x10080] =	vst v63  }
0x100: {  	_ = 	snop  }
0x101: {  	[hbm4b:s6+s3] =	stream.indirect_vreg.scatter [tilespmem:s31], [sflag:$0x1], $0x80, v4, vm0, $0xb8;
	[tilespmem:$0x10080] =	vst v63  }
0x102: {  	_ = 	snop  }
0x103: {  	[hbm4b:s2+s3] =	stream.indirect_vreg.scatter [tilespmem:s0], [sflag:$0x1], $0x80, v3, vm0, $0xb8;
	[tilespmem:$0x10080] =	vst v63  }
0x104: {  	_ = 	snop  }
0x105: {  	[hbm4b:s4+s3] =	stream.indirect_vreg.scatter [tilespmem:s1], [sflag:$0x1], $0x80, v3, vm0, $0xb8;
	[tilespmem:$0x10080] =	vst v63  }
0x106: {  	_ = 	snop  }
0x107: {  	[hbm4b:s5+s3] =	stream.indirect_vreg.scatter [tilespmem:s9], [sflag:$0x1], $0x80, v3, vm0, $0xb8;
	[tilespmem:$0x10080] =	vst v63  }
0x108: {  	_ = 	snop  }
0x109: {  	[hbm4b:s6+s3] =	stream.indirect_vreg.scatter [tilespmem:s13], [sflag:$0x1], $0x80, v3, vm0, $0xb8;
	[tilespmem:$0x10080] =	vst v63  }
0x10a: {  	v3 =	vld [tilespmem:$0x20];
	_ =	sdelay $0x4  }
0x10b: {  	v58 =	vshll.u32 v3, $0x3  }
0x10c: {  	v3 =	vand.u32 $0x7, v3;
	v4 =	vand.u32 $0xFFFFFFC0, v58  }
0x10d: {  	v3 =	vor.u32 v3, v4  }
0x10e: {  	v4 =	vperm.xlane v3, v0;
	_ =	sdelay $0x1  }
0x10f: {  	v4 =	vadd.s32 v1, v4;
	_ =	sdelay $0x4  }
0x110: {  	[hbm4b:s2+s3] =	stream.indirect_vreg.scatter [tilespmem:s14], [sflag:$0x1], $0x80, v4, vm0, $0xb8;
	[tilespmem:$0x10080] =	vst v63  }
0x111: {  	v3 =	vperm.xlane v3, v2  }
0x112: {  	[hbm4b:s4+s3] =	stream.indirect_vreg.scatter [tilespmem:s15], [sflag:$0x1], $0x80, v4, vm0, $0xb8;
	[tilespmem:$0x10080] =	vst v63  }
0x113: {  	v3 =	vadd.s32 v1, v3  }
0x114: {  	[hbm4b:s5+s3] =	stream.indirect_vreg.scatter [tilespmem:s10], [sflag:$0x1], $0x80, v4, vm0, $0xb8;
	[tilespmem:$0x10080] =	vst v63  }
0x115: {  	_ = 	snop  }
0x116: {  	[hbm4b:s6+s3] =	stream.indirect_vreg.scatter [tilespmem:s11], [sflag:$0x1], $0x80, v4, vm0, $0xb8;
	[tilespmem:$0x10080] =	vst v63  }
0x117: {  	_ = 	snop  }
0x118: {  	[hbm4b:s2+s3] =	stream.indirect_vreg.scatter [tilespmem:s12], [sflag:$0x1], $0x80, v3, vm0, $0xb8;
	[tilespmem:$0x10080] =	vst v63  }
0x119: {  	s24 =	simm.s32 $0xA880  }
0x11a: {  	[hbm4b:s4+s3] =	stream.indirect_vreg.scatter [tilespmem:s24], [sflag:$0x1], $0x80, v3, vm0, $0xb8;
	[tilespmem:$0x10080] =	vst v63  }
0x11b: {  	s28 =	simm.s32 $0xB080  }
0x11c: {  	[hbm4b:s5+s3] =	stream.indirect_vreg.scatter [tilespmem:s28], [sflag:$0x1], $0x80, v3, vm0, $0xb8;
	[tilespmem:$0x10080] =	vst v63  }
0x11d: {  	s24 =	simm.s32 $0xB880  }
0x11e: {  	[hbm4b:s6+s3] =	stream.indirect_vreg.scatter [tilespmem:s24], [sflag:$0x1], $0x80, v3, vm0, $0xb8;
	[tilespmem:$0x10080] =	vst v63  }
0x11f: {  	v3 =	vld [tilespmem:$0x30];
	_ =	sdelay $0x4  }
0x120: {  	v59 =	vshll.u32 v3, $0x3  }
0x121: {  	v3 =	vand.u32 $0x7, v3;
	v4 =	vand.u32 $0xFFFFFFC0, v59  }
0x122: {  	v3 =	vor.u32 v3, v4  }
0x123: {  	v4 =	vperm.xlane v3, v0;
	_ =	sdelay $0x1  }
0x124: {  	v4 =	vadd.s32 v1, v4;
	_ =	sdelay $0x3  }
0x125: {  	s25 =	simm.s32 $0xC080  }
0x126: {  	[hbm4b:s2+s3] =	stream.indirect_vreg.scatter [tilespmem:s25], [sflag:$0x1], $0x80, v4, vm0, $0xb8;
	[tilespmem:$0x10080] =	vst v63  }
0x127: {  	s28 =	simm.s32 $0xC880;
	v3 =	vperm.xlane v3, v2  }
0x128: {  	[hbm4b:s4+s3] =	stream.indirect_vreg.scatter [tilespmem:s28], [sflag:$0x1], $0x80, v4, vm0, $0xb8;
	[tilespmem:$0x10080] =	vst v63  }
0x129: {  	s20 =	simm.s32 $0xD080;
	v3 =	vadd.s32 v1, v3  }
0x12a: {  	[hbm4b:s5+s3] =	stream.indirect_vreg.scatter [tilespmem:s20], [sflag:$0x1], $0x80, v4, vm0, $0xb8;
	[tilespmem:$0x10080] =	vst v63  }
0x12b: {  	s22 =	simm.s32 $0xD880  }
0x12c: {  	[hbm4b:s6+s3] =	stream.indirect_vreg.scatter [tilespmem:s22], [sflag:$0x1], $0x80, v4, vm0, $0xb8;
	[tilespmem:$0x10080] =	vst v63  }
0x12d: {  	s29 =	simm.s32 $0xE080  }
0x12e: {  	[hbm4b:s2+s3] =	stream.indirect_vreg.scatter [tilespmem:s29], [sflag:$0x1], $0x80, v3, vm0, $0xb8;
	[tilespmem:$0x10080] =	vst v63  }
0x12f: {  	s26 =	simm.s32 $0xE880  }
0x130: {  	[hbm4b:s4+s3] =	stream.indirect_vreg.scatter [tilespmem:s26], [sflag:$0x1], $0x80, v3, vm0, $0xb8;
	[tilespmem:$0x10080] =	vst v63  }
0x131: {  	s30 =	simm.s32 $0xF080  }
0x132: {  	[hbm4b:s5+s3] =	stream.indirect_vreg.scatter [tilespmem:s30], [sflag:$0x1], $0x80, v3, vm0, $0xb8;
	[tilespmem:$0x10080] =	vst v63  }
0x133: {  	s29 =	simm.s32 $0xF880  }
0x134: {  	[hbm4b:s6+s3] =	stream.indirect_vreg.scatter [tilespmem:s29], [sflag:$0x1], $0x80, v3, vm0, $0xb8;
	[tilespmem:$0x10080] =	vst v63  }
0x135: {  	_ =	swait.ge [sflag:s18], $0x10000  }
0x136: {  	[sflag:s18] =	ssyncset.done $0x0  }
0x137: {  	s30 =	rddreg [dreg:$0x9];
	[sflag:s18] =	ssyncadd.s32 $0xFFFF0000  }
0x138: {  	[tilespmem:s3], [sflag:$0x2] =	stream.linear.gather [hbm4b:s30+s3], $0x40, $0x38;
	[tilespmem:$0x10080] =	vst v63  }
0x139: {  	_ =	swait.ge [sflag:s8], $0x40  }
0x13a: {  	[sflag:s8] =	ssyncset.done $0x0  }
0x13b: {  	s29 =	rddreg [dreg:$0xa];
	[sflag:s8] =	ssyncadd.s32 $0xFFFFFFC0  }
0x13c: {  	[tilespmem:s23], [sflag:$0x2] =	stream.linear.gather [hbm4b:s29+s3], $0x10000, $0x38;
	[tilespmem:$0x10080] =	vst v63  }
0x13d: {  	_ =	swait.ge [sflag:s8], $0x10000  }
0x13e: {  	[sflag:s8] =	ssyncset.done $0x0  }
0x13f: {  	[sflag:s8] =	ssyncadd.s32 $0xFFFF0000  }
0x140: {  	v3 =	vld [tilespmem:$0x0];
	_ =	sdelay $0x4  }
0x141: {  	v60 =	vshll.u32 v3, $0x3  }
0x142: {  	v3 =	vand.u32 $0x7, v3;
	v4 =	vand.u32 $0xFFFFFFC0, v60  }
0x143: {  	v3 =	vor.u32 v3, v4  }
0x144: {  	v4 =	vperm.xlane v3, v0;
	_ =	sdelay $0x1  }
0x145: {  	v4 =	vadd.s32 v1, v4;
	_ =	sdelay $0x4  }
0x146: {  	[hbm4b:s2+s3] =	stream.indirect_vreg.scatter [tilespmem:s23], [sflag:$0x1], $0x80, v4, vm0, $0xb8;
	[tilespmem:$0x10080] =	vst v63  }
0x147: {  	s30 =	simm.s32 $0x880;
	v3 =	vperm.xlane v3, v2  }
0x148: {  	[hbm4b:s4+s3] =	stream.indirect_vreg.scatter [tilespmem:s30], [sflag:$0x1], $0x80, v4, vm0, $0xb8;
	[tilespmem:$0x10080] =	vst v63  }
0x149: {  	s21 =	simm.s32 $0x1080;
	v3 =	vadd.s32 v1, v3  }
0x14a: {  	[hbm4b:s5+s3] =	stream.indirect_vreg.scatter [tilespmem:s21], [sflag:$0x1], $0x80, v4, vm0, $0xb8;
	[tilespmem:$0x10080] =	vst v63  }
0x14b: {  	s21 =	simm.s32 $0x1880  }
0x14c: {  	[hbm4b:s6+s3] =	stream.indirect_vreg.scatter [tilespmem:s21], [sflag:$0x1], $0x80, v4, vm0, $0xb8;
	[tilespmem:$0x10080] =	vst v63  }
0x14d: {  	s29 =	simm.s32 $0x2080  }
0x14e: {  	[hbm4b:s2+s3] =	stream.indirect_vreg.scatter [tilespmem:s29], [sflag:$0x1], $0x80, v3, vm0, $0xb8;
	[tilespmem:$0x10080] =	vst v63  }
0x14f: {  	s30 =	simm.s32 $0x2880  }
0x150: {  	[hbm4b:s4+s3] =	stream.indirect_vreg.scatter [tilespmem:s30], [sflag:$0x1], $0x80, v3, vm0, $0xb8;
	[tilespmem:$0x10080] =	vst v63  }
0x151: {  	s21 =	simm.s32 $0x3080  }
0x152: {  	[hbm4b:s5+s3] =	stream.indirect_vreg.scatter [tilespmem:s21], [sflag:$0x1], $0x80, v3, vm0, $0xb8;
	[tilespmem:$0x10080] =	vst v63  }
0x153: {  	s29 =	simm.s32 $0x3880  }
0x154: {  	[hbm4b:s6+s3] =	stream.indirect_vreg.scatter [tilespmem:s29], [sflag:$0x1], $0x80, v3, vm0, $0xb8;
	[tilespmem:$0x10080] =	vst v63  }
0x155: {  	v3 =	vld [tilespmem:$0x10];
	_ =	sdelay $0x4  }
0x156: {  	v61 =	vshll.u32 v3, $0x3  }
0x157: {  	v3 =	vand.u32 $0x7, v3;
	v4 =	vand.u32 $0xFFFFFFC0, v61  }
0x158: {  	v3 =	vor.u32 v3, v4  }
0x159: {  	v4 =	vperm.xlane v3, v0;
	_ =	sdelay $0x1  }
0x15a: {  	v4 =	vadd.s32 v1, v4;
	_ =	sdelay $0x3  }
0x15b: {  	s16 =	simm.s32 $0x4080  }
0x15c: {  	[hbm4b:s2+s3] =	stream.indirect_vreg.scatter [tilespmem:s16], [sflag:$0x1], $0x80, v4, vm0, $0xb8;
	[tilespmem:$0x10080] =	vst v63  }
0x15d: {  	s30 =	simm.s32 $0x4880;
	v3 =	vperm.xlane v3, v2  }
0x15e: {  	[hbm4b:s4+s3] =	stream.indirect_vreg.scatter [tilespmem:s30], [sflag:$0x1], $0x80, v4, vm0, $0xb8;
	[tilespmem:$0x10080] =	vst v63  }
0x15f: {  	s19 =	simm.s32 $0x5080;
	v3 =	vadd.s32 v1, v3  }
0x160: {  	[hbm4b:s5+s3] =	stream.indirect_vreg.scatter [tilespmem:s19], [sflag:$0x1], $0x80, v4, vm0, $0xb8;
	[tilespmem:$0x10080] =	vst v63  }
0x161: {  	s17 =	simm.s32 $0x5880  }
0x162: {  	[hbm4b:s6+s3] =	stream.indirect_vreg.scatter [tilespmem:s17], [sflag:$0x1], $0x80, v4, vm0, $0xb8;
	[tilespmem:$0x10080] =	vst v63  }
0x163: {  	s0 =	simm.s32 $0x6080  }
0x164: {  	[hbm4b:s2+s3] =	stream.indirect_vreg.scatter [tilespmem:s0], [sflag:$0x1], $0x80, v3, vm0, $0xb8;
	[tilespmem:$0x10080] =	vst v63  }
0x165: {  	s1 =	simm.s32 $0x6880  }
0x166: {  	[hbm4b:s4+s3] =	stream.indirect_vreg.scatter [tilespmem:s1], [sflag:$0x1], $0x80, v3, vm0, $0xb8;
	[tilespmem:$0x10080] =	vst v63  }
0x167: {  	s9 =	simm.s32 $0x7080  }
0x168: {  	[hbm4b:s5+s3] =	stream.indirect_vreg.scatter [tilespmem:s9], [sflag:$0x1], $0x80, v3, vm0, $0xb8;
	[tilespmem:$0x10080] =	vst v63  }
0x169: {  	s13 =	simm.s32 $0x7880  }
0x16a: {  	[hbm4b:s6+s3] =	stream.indirect_vreg.scatter [tilespmem:s13], [sflag:$0x1], $0x80, v3, vm0, $0xb8;
	[tilespmem:$0x10080] =	vst v63  }
0x16b: {  	v3 =	vld [tilespmem:$0x20];
	_ =	sdelay $0x4  }
0x16c: {  	v62 =	vshll.u32 v3, $0x3  }
0x16d: {  	v3 =	vand.u32 $0x7, v3;
	v4 =	vand.u32 $0xFFFFFFC0, v62  }
0x16e: {  	v3 =	vor.u32 v3, v4  }
0x16f: {  	v4 =	vperm.xlane v3, v0;
	_ =	sdelay $0x1  }
0x170: {  	v4 =	vadd.s32 v1, v4;
	_ =	sdelay $0x3  }
0x171: {  	s14 =	simm.s32 $0x8080  }
0x172: {  	[hbm4b:s2+s3] =	stream.indirect_vreg.scatter [tilespmem:s14], [sflag:$0x1], $0x80, v4, vm0, $0xb8;
	[tilespmem:$0x10080] =	vst v63  }
0x173: {  	s15 =	simm.s32 $0x8880;
	v3 =	vperm.xlane v3, v2  }
0x174: {  	[hbm4b:s4+s3] =	stream.indirect_vreg.scatter [tilespmem:s15], [sflag:$0x1], $0x80, v4, vm0, $0xb8;
	[tilespmem:$0x10080] =	vst v63  }
0x175: {  	s10 =	simm.s32 $0x9080;
	v3 =	vadd.s32 v1, v3  }
0x176: {  	[hbm4b:s5+s3] =	stream.indirect_vreg.scatter [tilespmem:s10], [sflag:$0x1], $0x80, v4, vm0, $0xb8;
	[tilespmem:$0x10080] =	vst v63  }
0x177: {  	s11 =	simm.s32 $0x9880  }
0x178: {  	[hbm4b:s6+s3] =	stream.indirect_vreg.scatter [tilespmem:s11], [sflag:$0x1], $0x80, v4, vm0, $0xb8;
	[tilespmem:$0x10080] =	vst v63  }
0x179: {  	s12 =	simm.s32 $0xA080  }
0x17a: {  	[hbm4b:s2+s3] =	stream.indirect_vreg.scatter [tilespmem:s12], [sflag:$0x1], $0x80, v3, vm0, $0xb8;
	[tilespmem:$0x10080] =	vst v63  }
0x17b: {  	s31 =	simm.s32 $0xA880  }
0x17c: {  	[hbm4b:s4+s3] =	stream.indirect_vreg.scatter [tilespmem:s31], [sflag:$0x1], $0x80, v3, vm0, $0xb8;
	[tilespmem:$0x10080] =	vst v63  }
0x17d: {  	s21 =	simm.s32 $0xB080  }
0x17e: {  	[hbm4b:s5+s3] =	stream.indirect_vreg.scatter [tilespmem:s21], [sflag:$0x1], $0x80, v3, vm0, $0xb8;
	[tilespmem:$0x10080] =	vst v63  }
0x17f: {  	s29 =	simm.s32 $0xB880  }
0x180: {  	[hbm4b:s6+s3] =	stream.indirect_vreg.scatter [tilespmem:s29], [sflag:$0x1], $0x80, v3, vm0, $0xb8;
	[tilespmem:$0x10080] =	vst v63  }
0x181: {  	v3 =	vld [tilespmem:$0x30];
	_ =	sdelay $0x4  }
0x182: {  	v63 =	vshll.u32 v3, $0x3  }
0x183: {  	v3 =	vand.u32 $0x7, v3;
	v4 =	vand.u32 $0xFFFFFFC0, v63  }
0x184: {  	v3 =	vor.u32 v3, v4  }
0x185: {  	v4 =	vperm.xlane v3, v0;
	_ =	sdelay $0x1  }
0x186: {  	v4 =	vadd.s32 v1, v4;
	_ =	sdelay $0x3  }
0x187: {  	s30 =	simm.s32 $0xC080  }
0x188: {  	[hbm4b:s2+s3] =	stream.indirect_vreg.scatter [tilespmem:s30], [sflag:$0x1], $0x80, v4, vm0, $0xb8;
	[tilespmem:$0x10080] =	vst v63  }
0x189: {  	s31 =	simm.s32 $0xC880;
	v3 =	vperm.xlane v3, v2  }
0x18a: {  	[hbm4b:s4+s3] =	stream.indirect_vreg.scatter [tilespmem:s31], [sflag:$0x1], $0x80, v4, vm0, $0xb8;
	[tilespmem:$0x10080] =	vst v63  }
0x18b: {  	s28 =	simm.s32 $0xD080;
	v3 =	vadd.s32 v1, v3  }
0x18c: {  	[hbm4b:s5+s3] =	stream.indirect_vreg.scatter [tilespmem:s28], [sflag:$0x1], $0x80, v4, vm0, $0xb8;
	[tilespmem:$0x10080] =	vst v63  }
0x18d: {  	s20 =	simm.s32 $0xD880  }
0x18e: {  	[hbm4b:s6+s3] =	stream.indirect_vreg.scatter [tilespmem:s20], [sflag:$0x1], $0x80, v4, vm0, $0xb8;
	[tilespmem:$0x10080] =	vst v63  }
0x18f: {  	s24 =	simm.s32 $0xE080  }
0x190: {  	[hbm4b:s2+s3] =	stream.indirect_vreg.scatter [tilespmem:s24], [sflag:$0x1], $0x80, v3, vm0, $0xb8;
	[tilespmem:$0x10080] =	vst v63  }
0x191: {  	s22 =	simm.s32 $0xE880  }
0x192: {  	[hbm4b:s4+s3] =	stream.indirect_vreg.scatter [tilespmem:s22], [sflag:$0x1], $0x80, v3, vm0, $0xb8;
	[tilespmem:$0x10080] =	vst v63  }
0x193: {  	p0 =	sne.s32 s7, $0x1;
	s25 =	simm.s32 $0xF080  }
0x194: {  	[hbm4b:s5+s3] =	stream.indirect_vreg.scatter [tilespmem:s25], [sflag:$0x1], $0x80, v3, vm0, $0xb8;
	[tilespmem:$0x10080] =	vst v63  }
.Ltmp0:
0x195: {  	s26 =	simm.s32 $0xF880;
	(pc) =	sbr.rel @p0 .LBB2_1-.Ltmp0, $4  }
0x196: {  	[hbm4b:s6+s3] =	stream.indirect_vreg.scatter [tilespmem:s26], [sflag:$0x1], $0x80, v3, vm0, $0xb8;
	[tilespmem:$0x10080] =	vst v63  }
0x197: {  	_ =	swait.ge [sflag:s18], $0x10000  }
0x198: {  	[sflag:s18] =	ssyncset.done $0x0  }
0x199: {  	s7 =	sadd.s32 $0xFFFFFFFF, s7;
	[sflag:s18] =	ssyncadd.s32 $0xFFFF0000  }
0x19a: {  	_ =	sfence.sel $0x180000  }
0x19b: {  	[bflag:$0x0] =	sbarrier.arrive $0xFFFF  }
0x19c: {  	_ =	strace $0x9000004A  }
0x19d: {  	s0 =	stileid.u32;
	[bflag:$0x2] =	sbarrier.arrive $0xFFFF  }
0x19e: {  	p0 =	sne.s32 s0, $0x0;
	s0 =	rddreg [dreg:$0x2]  }
0x19f: {  	s0 =	sadd.s32 @!p0 $0x100000, s0  }
0x1a0: {  	[sflag:s0] =	ssyncadd.tile.s32 @!p0 $0x1;
	_ =	shalt  }
.Lfunc_end2:
_tile_overlayer_lowered:
.L_overlay_start_2:
0x1a1: {  	(tag) =	ssettag $0x2  }
0x1a2: {  	s0 =	rddreg [dreg:$0x0];
	s2 =	stileid.u32  }
0x1a3: {  	s1 =	rddreg [dreg:$0x1];
	p0 =	sne.s32 s2, $0x0  }
0x1a4: {  	s3 =	rddreg [dreg:$0x2];
	[bflag:$0x3] =	sbarrier.arrive $0xFFFF;
	s2 =	simm.s32 @!p0 $0x1C02  }
0x1a5: {  	[timem:s3], [sflag:s2] =	dma.local @!p0 [hbm:s0], s1  }
0x1a6: {  	s0 =	simm.s32 @!p0 $0x2  }
0x1a7: {  	_ =	swait.ge @!p0 [sflag:s0], s1  }
0x1a8: {  	s1 =	ssub.s32 @!p0 $0x0, s1;
	[sflag:s0] =	ssyncset.done @!p0 $0x0  }
0x1a9: {  	[sflag:s0] =	ssyncadd.s32 @!p0 s1  }
0x1aa: {  	[bflag:$0x3] =	sbarrier.arrive $0xFFFF  }
0x1ab: {  	_ =	shalt  }

</sc_bundles>
